<compile_context>
chip_gen: v7x
topology: tpu7x:2x2x1
jax: 0.10.2.dev20260603
libtpu: 0.0.44.dev20260713+nightly
codegen_flags: <defaults>
</compile_context>

<pallas_src>
import functools

import jax
import jax.numpy as jnp
from jax import lax
from jax.experimental import pallas as pl
from jax.experimental.pallas import tpu as pltpu
from jax.experimental.pallas import tpu_sc as plsc

B, T, D, S = 16, 2048, 768, 8
V = 100
R = V + T
CHUNK = 64
NV = D // 16

MAIN_ROWS = (R // CHUNK) * CHUNK
TAIL_START = R - CHUNK
NCHUNK0 = 17
NCHUNK1 = 16


def _make_sc_kernel():
  mesh = plsc.VectorSubcoreMesh(core_axis_name="c", subcore_axis_name="s")

  @functools.partial(
      pl.kernel,
      out_type=(jax.ShapeDtypeStruct((2, B * S, D), jnp.float32),
                jax.ShapeDtypeStruct((2, B, 8, D), jnp.float32),
                jax.ShapeDtypeStruct((B * S, 128), jnp.float32)),
      mesh=mesh,
      scratch_types=[
          pltpu.VMEM((CHUNK, D), jnp.float32),
          pltpu.VMEM((CHUNK, D), jnp.float32),
          pltpu.VMEM((16, 128), jnp.int32),
          pltpu.VMEM((16, D), jnp.float32),
          pltpu.VMEM((8, 128), jnp.float32),
          pltpu.SemaphoreType.DMA,
          pltpu.SemaphoreType.DMA,
          pltpu.SemaphoreType.DMA,
      ],
      compiler_params=pltpu.CompilerParams(needs_layout_passes=False),
  )
  def sc_kernel(feat_hbm, tail_hbm, mask_hbm, zeros_hbm,
                out_hbm, vis_hbm, rcp_hbm,
                data0, data1, mbuf, acc, vbuf,
                semd0, semd1, semm):
    c = lax.axis_index("c")
    s = lax.axis_index("s")
    data = (data0, data1)
    semd = (semd0, semd1)
    coff = pl.multiple_of(c * (NCHUNK0 * CHUNK), CHUNK)

    mwait = pltpu.async_copy(mask_hbm.at[s], mbuf, semm)
    pltpu.sync_copy(zeros_hbm, acc)
    mwait.wait()

    lane16 = lax.iota(jnp.int32, 16)
    zero_f = jnp.zeros((16,), jnp.float32)
    zero16 = jnp.zeros((16,), jnp.int32)

    def cbody(r, carry):
      cc = list(carry)
      for v in range(8):
        mv = mbuf[r, pl.ds(v * 16, 16)]
        for g in range(S + 1):
          cc[g] = cc[g] + plsc.all_reduce_population_count(mv == g)
      return tuple(cc)

    cnt = plsc.parallel_loop(
        0, 16, 1, carry=tuple(zero16 for _ in range(S + 1)))(cbody)

    run = jnp.full((16,), V, jnp.int32)
    bvec = zero16
    for g in range(S + 1):
      bvec = jnp.where(lane16 == g, run, bvec)
      run = run + cnt[g]
    bvec = jnp.where(lane16 == (S + 1), run, bvec)

    def vext(i):
      return jnp.max(jnp.where(lane16 == i, bvec, 0))

    def accum_ranges(bsel, cstart, clo, chi):
      db = data[bsel]

      def seg_body(q, carry):
        lo = jnp.where(q == 0, 0, vext(q))
        hi = jnp.where(q == 0, V, vext(q + 1))
        row = jnp.where(q == 0, S, q - 1)
        l = jnp.maximum(lo, clo)
        h = jnp.minimum(hi, chi)

        def rowbody(gr, regs):
          lr = gr - cstart
          return tuple(
              regs[i] + db[lr, pl.ds(i * 16, 16)] for i in range(NV))

        regs = lax.fori_loop(l, h, rowbody, tuple(zero_f for _ in range(NV)))

        @pl.when(h > l)
        def _():
          for i in range(NV):
            plsc.addupdate(acc.at[row, pl.ds(i * 16, 16)], regs[i])
        return carry

      lax.fori_loop(0, S + 1, seg_body, 0)

    def fill_main(k, bsel):
      off = pl.multiple_of(coff + k * CHUNK, CHUNK)
      return pltpu.async_copy(feat_hbm.at[s, pl.ds(off, CHUNK), :],
                              data[bsel], semd[bsel])

    def fill_last(bsel):
      @pl.when(c == 0)
      def _():
        fill_main(NCHUNK1, bsel)
      @pl.when(c != 0)
      def _():
        pltpu.async_copy(tail_hbm.at[s], data[bsel], semd[bsel])

    def wait_fill(bsel):
      pltpu.make_async_copy(tail_hbm.at[s], data[bsel], semd[bsel]).wait()

    fill_main(0, 0)

    def pair(t, carry):
      k0 = t * 2
      cs0 = coff + k0 * CHUNK
      wait_fill(0)
      fill_main(k0 + 1, 1)
      accum_ranges(0, cs0, cs0, cs0 + CHUNK)
      wait_fill(1)

      @pl.when(k0 + 2 < NCHUNK1)
      def _():
        fill_main(k0 + 2, 0)
      @pl.when(k0 + 2 == NCHUNK1)
      def _():
        fill_last(0)
      accum_ranges(1, cs0 + CHUNK, cs0 + CHUNK, cs0 + 2 * CHUNK)
      return carry

    lax.fori_loop(0, NCHUNK1 // 2, pair, 0)

    wait_fill(0)

    @pl.when(c == 0)
    def _():
      c16 = coff + NCHUNK1 * CHUNK
      accum_ranges(0, c16, c16, c16 + CHUNK)
    @pl.when(c != 0)
    def _():
      accum_ranges(0, TAIL_START, MAIN_ROWS, R)

    @pl.when(c == 0)
    def _():
      for g in range(S):
        rv = 1.0 / jnp.maximum(cnt[g + 1].astype(jnp.float32), 1.0)
        for v in range(8):
          vbuf[g, pl.ds(v * 16, 16)] = rv
      pltpu.sync_copy(vbuf, rcp_hbm.at[pl.ds(s * S, S), :])

    pltpu.sync_copy(acc.at[pl.ds(0, S)],
                    out_hbm.at[c, pl.ds(s * S, S), :])
    pltpu.sync_copy(acc.at[pl.ds(8, 8)], vis_hbm.at[c, s])

  return sc_kernel


_sc_kernel = _make_sc_kernel()


def _tc_body(part_ref, vis_ref, rcp_ref, w_ref, b_ref, out_ref):
  p = part_ref[0] + part_ref[1]
  rcol = rcp_ref[:, 0:1]
  means = p * rcol
  vis = vis_ref[0, :, 0, :] + vis_ref[1, :, 0, :]
  ii = lax.broadcasted_iota(jnp.int32, (B * S, B), 0) >> 3
  jj = lax.broadcasted_iota(jnp.int32, (B * S, B), 1)
  rmat = jnp.where(ii == jj, 1.0 / V, 0.0)
  w1 = w_ref[0:D, :]
  w2 = w_ref[D:2 * D, :]
  visw = jnp.dot(vis, w2, preferred_element_type=jnp.float32,
                 precision=lax.Precision.HIGHEST)
  vism = jnp.dot(rmat, visw, preferred_element_type=jnp.float32,
                 precision=lax.Precision.HIGHEST)
  out = jnp.dot(means, w1, preferred_element_type=jnp.float32,
                precision=lax.Precision.HIGHEST)
  out_ref[...] = out + vism + b_ref[...]


def _tc_finish(partials, vis, rcp, W, b):
  b2 = b.reshape(1, D)
  return pl.pallas_call(
      _tc_body,
      out_shape=jax.ShapeDtypeStruct((B * S, D), jnp.float32),
  )(partials, vis, rcp, W, b2)


@jax.jit
def kernel(vision_trace_feat, vision_trace_mask, W, b):
  zeros = jnp.zeros((16, D), jnp.float32)
  mask_i = vision_trace_mask.astype(jnp.int32)
  mask4sc = mask_i.reshape(B, 16, 128)
  tail = vision_trace_feat[:, TAIL_START:, :]
  partials, vis, rcp = _sc_kernel(vision_trace_feat, tail, mask4sc, zeros)
  return _tc_finish(partials, vis, rcp, W, b)

# --- scband reference (transcript-rebuilt; emitter-appended) ---
"""Pipeline reference for scband-vision-trace-aggregator-13520557048022 (READ-ONLY COPY).

The authoritative reference and input builder live on the scoring server;
editing this copy changes nothing except your own understanding.
"""

import jax, jax.numpy as jnp
import numpy as np

B, T, D, S = 16, 2048, 768, 8  # S = max segment id (ids 1..8, 0 = padding)

def setup_inputs(seed: int = 0) -> dict:
    key = jax.random.key(seed)
    k1, k2, k3 = jax.random.split(key, 3)
    vision_trace_feat = jax.random.normal(k1, (B, 100 + T, D), dtype=jnp.float32)
    vision_trace_mask = jnp.sort(jax.random.randint(k2, (B, T), 0, S + 1), axis=-1)
    # vt_merge: Linear(2*D -> D)
    W = jax.random.normal(k3, (2 * D, D), dtype=jnp.float32) * 0.02
    b = jnp.zeros((D,), dtype=jnp.float32)
    return {"vision_trace_feat": vision_trace_feat, "vision_trace_mask": vision_trace_mask, "W": W, "b": b}

def reference(vision_trace_feat, vision_trace_mask, W, b):
    # vision part: mean over first 100 tokens
    vision_feat = jnp.mean(vision_trace_feat[:, :100], axis=1)  # [B, D]
    trace_feat = vision_trace_feat[:, 100:]                      # [B, T, D]
    seg = vision_trace_mask                                      # [B, T], values 0..S, sorted per row
    # global segment id per token: batch b, seg s -> b*(S+1)+s
    global_seg = (jnp.arange(B, dtype=seg.dtype)[:, None] * (S + 1) + seg).reshape(-1)
    flat = trace_feat.reshape(B * T, D)
    sums = jax.ops.segment_sum(flat, global_seg, num_segments=B * (S + 1))
    counts = jax.ops.segment_sum(jnp.ones((B * T,), jnp.float32), global_seg, num_segments=B * (S + 1))
    sums = sums.reshape(B, S + 1, D)[:, 1:]      # drop seg 0 (padding)
    counts = counts.reshape(B, S + 1)[:, 1:]
    # meanpool aggregator: per-segment mean over tokens (dim 0 of each ragged chunk)
    feat_aggs = (sums / jnp.maximum(counts, 1.0)[..., None]).reshape(B * S, D)
    # vision feature repeated once per segment of that batch element
    vision_feat_expand = jnp.repeat(vision_feat, S, axis=0)      # [B*S, D]
    vt = jnp.concatenate([feat_aggs, vision_feat_expand], axis=1)  # [B*S, 2D]
    out = vt @ W + b                                              # [B*S, D]
    # torch returns this split into per-batch tuples; we return the concatenation
    return out

if __name__ == "__main__":
    import jax
    _d = setup_inputs()
    print(jax.jit(kernel)(*tuple(_d.values())))

</pallas_src>

<mosaic_0001>
#map = affine_map<(d0, d1) -> (0, 0, 0)>
#map1 = affine_map<(d0, d1) -> (0, 0)>
#map2 = affine_map<(d0, d1) -> (0, 0, 0, 0)>
module attributes {stable_mosaic.version = 14 : i64} {
  func.func @sc_kernel(%arg0: i32, %arg1: i32, %arg2: memref<16x2148x768xf32, #tpu.memory_space<hbm>>, %arg3: memref<16x64x768xf32, #tpu.memory_space<hbm>>, %arg4: memref<16x16x128xi32, #tpu.memory_space<hbm>>, %arg5: memref<16x768xf32, #tpu.memory_space<hbm>>, %arg6: memref<2x128x768xf32, #tpu.memory_space<hbm>>, %arg7: memref<2x16x8x768xf32, #tpu.memory_space<hbm>>, %arg8: memref<128x128xf32, #tpu.memory_space<hbm>>, %arg9: memref<64x768xf32, #tpu.memory_space<vmem>>, %arg10: memref<64x768xf32, #tpu.memory_space<vmem>>, %arg11: memref<16x128xi32, #tpu.memory_space<vmem>>, %arg12: memref<16x768xf32, #tpu.memory_space<vmem>>, %arg13: memref<8x128xf32, #tpu.memory_space<vmem>>, %arg14: memref<!tpu.dma_semaphore, #tpu.memory_space<semaphore_mem>>, %arg15: memref<!tpu.dma_semaphore, #tpu.memory_space<semaphore_mem>>, %arg16: memref<!tpu.dma_semaphore, #tpu.memory_space<semaphore_mem>>) attributes {dimension_semantics = [#tpu.dimension_semantics<core_parallel>, #tpu.dimension_semantics<subcore_parallel>], iteration_bounds = array<i64: 2, 16>, scalar_prefetch = 0 : i64, scratch_operands = 8 : i64, tpu.core_type = #tpu.core_type<sc_vector_subcore>, window_params = [{transform_indices = #map}, {transform_indices = #map}, {transform_indices = #map}, {transform_indices = #map1}, {transform_indices = #map}, {transform_indices = #map2}, {transform_indices = #map1}]} {
    %mul3A = arith.constant 1088 : i32
    %mul3A_0 = arith.muli %arg0, %mul3A : i32
    %multiple_of3A = tpu.assume_multiple %mul3A_0, 64 : i32
    %dma_start3A = arith.constant 0 : i32
    %dma_start3A_1 = arith.constant 0 : i32
    %dma_start3A_2 = tpu.memref_slice %arg4[%arg1, %dma_start3A, %dma_start3A_1] : memref<16x16x128xi32, #tpu.memory_space<hbm>> -> memref<1x16x128xi32, #tpu.memory_space<hbm>>
    %dma_start3A_3 = tpu.memref_squeeze %dma_start3A_2 : memref<1x16x128xi32, #tpu.memory_space<hbm>> -> memref<16x128xi32, #tpu.memory_space<hbm>>
    %dma_start3A_4 = arith.constant 0 : i32
    %dma_start3A_5 = arith.constant 0 : i32
    %dma_start3A_6 = tpu.memref_slice %arg4[%arg1, %dma_start3A_4, %dma_start3A_5] : memref<16x16x128xi32, #tpu.memory_space<hbm>> -> memref<1x16x128xi32, #tpu.memory_space<hbm>>
    %dma_start3A_7 = tpu.memref_squeeze %dma_start3A_6 : memref<1x16x128xi32, #tpu.memory_space<hbm>> -> memref<16x128xi32, #tpu.memory_space<hbm>>
    tpu.enqueue_dma source(%dma_start3A_7 : memref<16x128xi32, #tpu.memory_space<hbm>>) target(%arg11 : memref<16x128xi32, #tpu.memory_space<vmem>>) target_semaphore(%arg16 : memref<!tpu.dma_semaphore, #tpu.memory_space<semaphore_mem>>)
    "tpu.region"() ({
      %run_scoped3A = tpu.sem_alloc : memref<!tpu.dma_semaphore, #tpu.memory_space<semaphore_mem>>
      tpu.enqueue_dma source(%arg5 : memref<16x768xf32, #tpu.memory_space<hbm>>) target(%arg12 : memref<16x768xf32, #tpu.memory_space<vmem>>) target_semaphore(%run_scoped3A : memref<!tpu.dma_semaphore, #tpu.memory_space<semaphore_mem>>)
      tpu.wait_dma2 semaphore(%run_scoped3A : memref<!tpu.dma_semaphore, #tpu.memory_space<semaphore_mem>>) src(%arg5 : memref<16x768xf32, #tpu.memory_space<hbm>>) dst(%arg12 : memref<16x768xf32, #tpu.memory_space<vmem>>)
      tpu.yield
    }) : () -> ()
    %dma_wait3A = arith.constant 0 : i32
    %dma_wait3A_8 = arith.constant 0 : i32
    %dma_wait3A_9 = tpu.memref_slice %arg4[%arg1, %dma_wait3A, %dma_wait3A_8] : memref<16x16x128xi32, #tpu.memory_space<hbm>> -> memref<1x16x128xi32, #tpu.memory_space<hbm>>
    %dma_wait3A_10 = tpu.memref_squeeze %dma_wait3A_9 : memref<1x16x128xi32, #tpu.memory_space<hbm>> -> memref<16x128xi32, #tpu.memory_space<hbm>>
    %dma_wait3A_11 = arith.constant 0 : i32
    %dma_wait3A_12 = arith.constant 0 : i32
    %dma_wait3A_13 = tpu.memref_slice %arg4[%arg1, %dma_wait3A_11, %dma_wait3A_12] : memref<16x16x128xi32, #tpu.memory_space<hbm>> -> memref<1x16x128xi32, #tpu.memory_space<hbm>>
    %dma_wait3A_14 = tpu.memref_squeeze %dma_wait3A_13 : memref<1x16x128xi32, #tpu.memory_space<hbm>> -> memref<16x128xi32, #tpu.memory_space<hbm>>
    tpu.wait_dma2 semaphore(%arg16 : memref<!tpu.dma_semaphore, #tpu.memory_space<semaphore_mem>>) src(%dma_wait3A_14 : memref<16x128xi32, #tpu.memory_space<hbm>>) dst(%arg11 : memref<16x128xi32, #tpu.memory_space<vmem>>)
    %iota3A = tpu.iota {dimensions = array<i32: 0>} : vector<16xi32>
    %broadcast_in_dim3A = arith.constant 0.000000e+00 : f32
    %broadcast_in_dim3A_15 = vector.broadcast %broadcast_in_dim3A : f32 to vector<16xf32>
    %broadcast_in_dim3A_16 = arith.constant 0 : i32
    %broadcast_in_dim3A_17 = vector.broadcast %broadcast_in_dim3A_16 : i32 to vector<16xi32>
    %parallel_loop3A = arith.constant 0 : i32
    %parallel_loop3A_18 = arith.constant 16 : i32
    %parallel_loop3A_19 = arith.constant 1 : i32
    %parallel_loop3A_20:9 = scf.for %parallel_loop3A_105 = %parallel_loop3A to %parallel_loop3A_18 step %parallel_loop3A_19 iter_args(%parallel_loop3A_106 = %broadcast_in_dim3A_17, %parallel_loop3A_107 = %broadcast_in_dim3A_17, %parallel_loop3A_108 = %broadcast_in_dim3A_17, %parallel_loop3A_109 = %broadcast_in_dim3A_17, %parallel_loop3A_110 = %broadcast_in_dim3A_17, %parallel_loop3A_111 = %broadcast_in_dim3A_17, %parallel_loop3A_112 = %broadcast_in_dim3A_17, %parallel_loop3A_113 = %broadcast_in_dim3A_17, %parallel_loop3A_114 = %broadcast_in_dim3A_17) -> (vector<16xi32>, vector<16xi32>, vector<16xi32>, vector<16xi32>, vector<16xi32>, vector<16xi32>, vector<16xi32>, vector<16xi32>, vector<16xi32>)  : i32 {
      %parallel_loop3A_115 = arith.index_cast %parallel_loop3A_105 : i32 to index
      %parallel_loop3A_116 = arith.constant 0 : index
      %parallel_loop3A_117 = tpu.vector_load %arg11[%parallel_loop3A_115, %parallel_loop3A_116] {strides = array<i32>} : memref<16x128xi32, #tpu.memory_space<vmem>>, vector<16xi32>,
      %parallel_loop3A_118 = arith.constant 0 : i32
      %parallel_loop3A_119 = vector.broadcast %parallel_loop3A_118 : i32 to vector<16xi32>
      %parallel_loop3A_120 = arith.cmpi eq, %parallel_loop3A_117, %parallel_loop3A_119 : vector<16xi32>
      %parallel_loop3A_121 = tpu.all_reduce %parallel_loop3A_120 {dim = 0 : i64, kind = #tpu.reduction_kind<sum>} : vector<16xi1> -> vector<16xi32>
      %parallel_loop3A_122 = arith.addi %parallel_loop3A_106, %parallel_loop3A_121 : vector<16xi32>
      %parallel_loop3A_123 = arith.constant 1 : i32
      %parallel_loop3A_124 = vector.broadcast %parallel_loop3A_123 : i32 to vector<16xi32>
      %parallel_loop3A_125 = arith.cmpi eq, %parallel_loop3A_117, %parallel_loop3A_124 : vector<16xi32>
      %parallel_loop3A_126 = tpu.all_reduce %parallel_loop3A_125 {dim = 0 : i64, kind = #tpu.reduction_kind<sum>} : vector<16xi1> -> vector<16xi32>
      %parallel_loop3A_127 = arith.addi %parallel_loop3A_107, %parallel_loop3A_126 : vector<16xi32>
      %parallel_loop3A_128 = arith.constant 2 : i32
      %parallel_loop3A_129 = vector.broadcast %parallel_loop3A_128 : i32 to vector<16xi32>
      %parallel_loop3A_130 = arith.cmpi eq, %parallel_loop3A_117, %parallel_loop3A_129 : vector<16xi32>
      %parallel_loop3A_131 = tpu.all_reduce %parallel_loop3A_130 {dim = 0 : i64, kind = #tpu.reduction_kind<sum>} : vector<16xi1> -> vector<16xi32>
      %parallel_loop3A_132 = arith.addi %parallel_loop3A_108, %parallel_loop3A_131 : vector<16xi32>
      %parallel_loop3A_133 = arith.constant 3 : i32
      %parallel_loop3A_134 = vector.broadcast %parallel_loop3A_133 : i32 to vector<16xi32>
      %parallel_loop3A_135 = arith.cmpi eq, %parallel_loop3A_117, %parallel_loop3A_134 : vector<16xi32>
      %parallel_loop3A_136 = tpu.all_reduce %parallel_loop3A_135 {dim = 0 : i64, kind = #tpu.reduction_kind<sum>} : vector<16xi1> -> vector<16xi32>
      %parallel_loop3A_137 = arith.addi %parallel_loop3A_109, %parallel_loop3A_136 : vector<16xi32>
      %parallel_loop3A_138 = arith.constant 4 : i32
      %parallel_loop3A_139 = vector.broadcast %parallel_loop3A_138 : i32 to vector<16xi32>
      %parallel_loop3A_140 = arith.cmpi eq, %parallel_loop3A_117, %parallel_loop3A_139 : vector<16xi32>
      %parallel_loop3A_141 = tpu.all_reduce %parallel_loop3A_140 {dim = 0 : i64, kind = #tpu.reduction_kind<sum>} : vector<16xi1> -> vector<16xi32>
      %parallel_loop3A_142 = arith.addi %parallel_loop3A_110, %parallel_loop3A_141 : vector<16xi32>
      %parallel_loop3A_143 = arith.constant 5 : i32
      %parallel_loop3A_144 = vector.broadcast %parallel_loop3A_143 : i32 to vector<16xi32>
      %parallel_loop3A_145 = arith.cmpi eq, %parallel_loop3A_117, %parallel_loop3A_144 : vector<16xi32>
      %parallel_loop3A_146 = tpu.all_reduce %parallel_loop3A_145 {dim = 0 : i64, kind = #tpu.reduction_kind<sum>} : vector<16xi1> -> vector<16xi32>
      %parallel_loop3A_147 = arith.addi %parallel_loop3A_111, %parallel_loop3A_146 : vector<16xi32>
      %parallel_loop3A_148 = arith.constant 6 : i32
      %parallel_loop3A_149 = vector.broadcast %parallel_loop3A_148 : i32 to vector<16xi32>
      %parallel_loop3A_150 = arith.cmpi eq, %parallel_loop3A_117, %parallel_loop3A_149 : vector<16xi32>
      %parallel_loop3A_151 = tpu.all_reduce %parallel_loop3A_150 {dim = 0 : i64, kind = #tpu.reduction_kind<sum>} : vector<16xi1> -> vector<16xi32>
      %parallel_loop3A_152 = arith.addi %parallel_loop3A_112, %parallel_loop3A_151 : vector<16xi32>
      %parallel_loop3A_153 = arith.constant 7 : i32
      %parallel_loop3A_154 = vector.broadcast %parallel_loop3A_153 : i32 to vector<16xi32>
      %parallel_loop3A_155 = arith.cmpi eq, %parallel_loop3A_117, %parallel_loop3A_154 : vector<16xi32>
      %parallel_loop3A_156 = tpu.all_reduce %parallel_loop3A_155 {dim = 0 : i64, kind = #tpu.reduction_kind<sum>} : vector<16xi1> -> vector<16xi32>
      %parallel_loop3A_157 = arith.addi %parallel_loop3A_113, %parallel_loop3A_156 : vector<16xi32>
      %parallel_loop3A_158 = arith.constant 8 : i32
      %parallel_loop3A_159 = vector.broadcast %parallel_loop3A_158 : i32 to vector<16xi32>
      %parallel_loop3A_160 = arith.cmpi eq, %parallel_loop3A_117, %parallel_loop3A_159 : vector<16xi32>
      %parallel_loop3A_161 = tpu.all_reduce %parallel_loop3A_160 {dim = 0 : i64, kind = #tpu.reduction_kind<sum>} : vector<16xi1> -> vector<16xi32>
      %parallel_loop3A_162 = arith.addi %parallel_loop3A_114, %parallel_loop3A_161 : vector<16xi32>
      %parallel_loop3A_163 = arith.index_cast %parallel_loop3A_105 : i32 to index
      %parallel_loop3A_164 = arith.constant 16 : index
      %parallel_loop3A_165 = tpu.vector_load %arg11[%parallel_loop3A_163, %parallel_loop3A_164] {strides = array<i32>} : memref<16x128xi32, #tpu.memory_space<vmem>>, vector<16xi32>,
      %parallel_loop3A_166 = arith.constant 0 : i32
      %parallel_loop3A_167 = vector.broadcast %parallel_loop3A_166 : i32 to vector<16xi32>
      %parallel_loop3A_168 = arith.cmpi eq, %parallel_loop3A_165, %parallel_loop3A_167 : vector<16xi32>
      %parallel_loop3A_169 = tpu.all_reduce %parallel_loop3A_168 {dim = 0 : i64, kind = #tpu.reduction_kind<sum>} : vector<16xi1> -> vector<16xi32>
      %parallel_loop3A_170 = arith.addi %parallel_loop3A_122, %parallel_loop3A_169 : vector<16xi32>
      %parallel_loop3A_171 = arith.constant 1 : i32
      %parallel_loop3A_172 = vector.broadcast %parallel_loop3A_171 : i32 to vector<16xi32>
      %parallel_loop3A_173 = arith.cmpi eq, %parallel_loop3A_165, %parallel_loop3A_172 : vector<16xi32>
      %parallel_loop3A_174 = tpu.all_reduce %parallel_loop3A_173 {dim = 0 : i64, kind = #tpu.reduction_kind<sum>} : vector<16xi1> -> vector<16xi32>
      %parallel_loop3A_175 = arith.addi %parallel_loop3A_127, %parallel_loop3A_174 : vector<16xi32>
      %parallel_loop3A_176 = arith.constant 2 : i32
      %parallel_loop3A_177 = vector.broadcast %parallel_loop3A_176 : i32 to vector<16xi32>
      %parallel_loop3A_178 = arith.cmpi eq, %parallel_loop3A_165, %parallel_loop3A_177 : vector<16xi32>
      %parallel_loop3A_179 = tpu.all_reduce %parallel_loop3A_178 {dim = 0 : i64, kind = #tpu.reduction_kind<sum>} : vector<16xi1> -> vector<16xi32>
      %parallel_loop3A_180 = arith.addi %parallel_loop3A_132, %parallel_loop3A_179 : vector<16xi32>
      %parallel_loop3A_181 = arith.constant 3 : i32
      %parallel_loop3A_182 = vector.broadcast %parallel_loop3A_181 : i32 to vector<16xi32>
      %parallel_loop3A_183 = arith.cmpi eq, %parallel_loop3A_165, %parallel_loop3A_182 : vector<16xi32>
      %parallel_loop3A_184 = tpu.all_reduce %parallel_loop3A_183 {dim = 0 : i64, kind = #tpu.reduction_kind<sum>} : vector<16xi1> -> vector<16xi32>
      %parallel_loop3A_185 = arith.addi %parallel_loop3A_137, %parallel_loop3A_184 : vector<16xi32>
      %parallel_loop3A_186 = arith.constant 4 : i32
      %parallel_loop3A_187 = vector.broadcast %parallel_loop3A_186 : i32 to vector<16xi32>
      %parallel_loop3A_188 = arith.cmpi eq, %parallel_loop3A_165, %parallel_loop3A_187 : vector<16xi32>
      %parallel_loop3A_189 = tpu.all_reduce %parallel_loop3A_188 {dim = 0 : i64, kind = #tpu.reduction_kind<sum>} : vector<16xi1> -> vector<16xi32>
      %parallel_loop3A_190 = arith.addi %parallel_loop3A_142, %parallel_loop3A_189 : vector<16xi32>
      %parallel_loop3A_191 = arith.constant 5 : i32
      %parallel_loop3A_192 = vector.broadcast %parallel_loop3A_191 : i32 to vector<16xi32>
      %parallel_loop3A_193 = arith.cmpi eq, %parallel_loop3A_165, %parallel_loop3A_192 : vector<16xi32>
      %parallel_loop3A_194 = tpu.all_reduce %parallel_loop3A_193 {dim = 0 : i64, kind = #tpu.reduction_kind<sum>} : vector<16xi1> -> vector<16xi32>
      %parallel_loop3A_195 = arith.addi %parallel_loop3A_147, %parallel_loop3A_194 : vector<16xi32>
      %parallel_loop3A_196 = arith.constant 6 : i32
      %parallel_loop3A_197 = vector.broadcast %parallel_loop3A_196 : i32 to vector<16xi32>
      %parallel_loop3A_198 = arith.cmpi eq, %parallel_loop3A_165, %parallel_loop3A_197 : vector<16xi32>
      %parallel_loop3A_199 = tpu.all_reduce %parallel_loop3A_198 {dim = 0 : i64, kind = #tpu.reduction_kind<sum>} : vector<16xi1> -> vector<16xi32>
      %parallel_loop3A_200 = arith.addi %parallel_loop3A_152, %parallel_loop3A_199 : vector<16xi32>
      %parallel_loop3A_201 = arith.constant 7 : i32
      %parallel_loop3A_202 = vector.broadcast %parallel_loop3A_201 : i32 to vector<16xi32>
      %parallel_loop3A_203 = arith.cmpi eq, %parallel_loop3A_165, %parallel_loop3A_202 : vector<16xi32>
      %parallel_loop3A_204 = tpu.all_reduce %parallel_loop3A_203 {dim = 0 : i64, kind = #tpu.reduction_kind<sum>} : vector<16xi1> -> vector<16xi32>
      %parallel_loop3A_205 = arith.addi %parallel_loop3A_157, %parallel_loop3A_204 : vector<16xi32>
      %parallel_loop3A_206 = arith.constant 8 : i32
      %parallel_loop3A_207 = vector.broadcast %parallel_loop3A_206 : i32 to vector<16xi32>
      %parallel_loop3A_208 = arith.cmpi eq, %parallel_loop3A_165, %parallel_loop3A_207 : vector<16xi32>
      %parallel_loop3A_209 = tpu.all_reduce %parallel_loop3A_208 {dim = 0 : i64, kind = #tpu.reduction_kind<sum>} : vector<16xi1> -> vector<16xi32>
      %parallel_loop3A_210 = arith.addi %parallel_loop3A_162, %parallel_loop3A_209 : vector<16xi32>
      %parallel_loop3A_211 = arith.index_cast %parallel_loop3A_105 : i32 to index
      %parallel_loop3A_212 = arith.constant 32 : index
      %parallel_loop3A_213 = tpu.vector_load %arg11[%parallel_loop3A_211, %parallel_loop3A_212] {strides = array<i32>} : memref<16x128xi32, #tpu.memory_space<vmem>>, vector<16xi32>,
      %parallel_loop3A_214 = arith.constant 0 : i32
      %parallel_loop3A_215 = vector.broadcast %parallel_loop3A_214 : i32 to vector<16xi32>
      %parallel_loop3A_216 = arith.cmpi eq, %parallel_loop3A_213, %parallel_loop3A_215 : vector<16xi32>
      %parallel_loop3A_217 = tpu.all_reduce %parallel_loop3A_216 {dim = 0 : i64, kind = #tpu.reduction_kind<sum>} : vector<16xi1> -> vector<16xi32>
      %parallel_loop3A_218 = arith.addi %parallel_loop3A_170, %parallel_loop3A_217 : vector<16xi32>
      %parallel_loop3A_219 = arith.constant 1 : i32
      %parallel_loop3A_220 = vector.broadcast %parallel_loop3A_219 : i32 to vector<16xi32>
      %parallel_loop3A_221 = arith.cmpi eq, %parallel_loop3A_213, %parallel_loop3A_220 : vector<16xi32>
      %parallel_loop3A_222 = tpu.all_reduce %parallel_loop3A_221 {dim = 0 : i64, kind = #tpu.reduction_kind<sum>} : vector<16xi1> -> vector<16xi32>
      %parallel_loop3A_223 = arith.addi %parallel_loop3A_175, %parallel_loop3A_222 : vector<16xi32>
      %parallel_loop3A_224 = arith.constant 2 : i32
      %parallel_loop3A_225 = vector.broadcast %parallel_loop3A_224 : i32 to vector<16xi32>
      %parallel_loop3A_226 = arith.cmpi eq, %parallel_loop3A_213, %parallel_loop3A_225 : vector<16xi32>
      %parallel_loop3A_227 = tpu.all_reduce %parallel_loop3A_226 {dim = 0 : i64, kind = #tpu.reduction_kind<sum>} : vector<16xi1> -> vector<16xi32>
      %parallel_loop3A_228 = arith.addi %parallel_loop3A_180, %parallel_loop3A_227 : vector<16xi32>
      %parallel_loop3A_229 = arith.constant 3 : i32
      %parallel_loop3A_230 = vector.broadcast %parallel_loop3A_229 : i32 to vector<16xi32>
      %parallel_loop3A_231 = arith.cmpi eq, %parallel_loop3A_213, %parallel_loop3A_230 : vector<16xi32>
      %parallel_loop3A_232 = tpu.all_reduce %parallel_loop3A_231 {dim = 0 : i64, kind = #tpu.reduction_kind<sum>} : vector<16xi1> -> vector<16xi32>
      %parallel_loop3A_233 = arith.addi %parallel_loop3A_185, %parallel_loop3A_232 : vector<16xi32>
      %parallel_loop3A_234 = arith.constant 4 : i32
      %parallel_loop3A_235 = vector.broadcast %parallel_loop3A_234 : i32 to vector<16xi32>
      %parallel_loop3A_236 = arith.cmpi eq, %parallel_loop3A_213, %parallel_loop3A_235 : vector<16xi32>
      %parallel_loop3A_237 = tpu.all_reduce %parallel_loop3A_236 {dim = 0 : i64, kind = #tpu.reduction_kind<sum>} : vector<16xi1> -> vector<16xi32>
      %parallel_loop3A_238 = arith.addi %parallel_loop3A_190, %parallel_loop3A_237 : vector<16xi32>
      %parallel_loop3A_239 = arith.constant 5 : i32
      %parallel_loop3A_240 = vector.broadcast %parallel_loop3A_239 : i32 to vector<16xi32>
      %parallel_loop3A_241 = arith.cmpi eq, %parallel_loop3A_213, %parallel_loop3A_240 : vector<16xi32>
      %parallel_loop3A_242 = tpu.all_reduce %parallel_loop3A_241 {dim = 0 : i64, kind = #tpu.reduction_kind<sum>} : vector<16xi1> -> vector<16xi32>
      %parallel_loop3A_243 = arith.addi %parallel_loop3A_195, %parallel_loop3A_242 : vector<16xi32>
      %parallel_loop3A_244 = arith.constant 6 : i32
      %parallel_loop3A_245 = vector.broadcast %parallel_loop3A_244 : i32 to vector<16xi32>
      %parallel_loop3A_246 = arith.cmpi eq, %parallel_loop3A_213, %parallel_loop3A_245 : vector<16xi32>
      %parallel_loop3A_247 = tpu.all_reduce %parallel_loop3A_246 {dim = 0 : i64, kind = #tpu.reduction_kind<sum>} : vector<16xi1> -> vector<16xi32>
      %parallel_loop3A_248 = arith.addi %parallel_loop3A_200, %parallel_loop3A_247 : vector<16xi32>
      %parallel_loop3A_249 = arith.constant 7 : i32
      %parallel_loop3A_250 = vector.broadcast %parallel_loop3A_249 : i32 to vector<16xi32>
      %parallel_loop3A_251 = arith.cmpi eq, %parallel_loop3A_213, %parallel_loop3A_250 : vector<16xi32>
      %parallel_loop3A_252 = tpu.all_reduce %parallel_loop3A_251 {dim = 0 : i64, kind = #tpu.reduction_kind<sum>} : vector<16xi1> -> vector<16xi32>
      %parallel_loop3A_253 = arith.addi %parallel_loop3A_205, %parallel_loop3A_252 : vector<16xi32>
      %parallel_loop3A_254 = arith.constant 8 : i32
      %parallel_loop3A_255 = vector.broadcast %parallel_loop3A_254 : i32 to vector<16xi32>
      %parallel_loop3A_256 = arith.cmpi eq, %parallel_loop3A_213, %parallel_loop3A_255 : vector<16xi32>
      %parallel_loop3A_257 = tpu.all_reduce %parallel_loop3A_256 {dim = 0 : i64, kind = #tpu.reduction_kind<sum>} : vector<16xi1> -> vector<16xi32>
      %parallel_loop3A_258 = arith.addi %parallel_loop3A_210, %parallel_loop3A_257 : vector<16xi32>
      %parallel_loop3A_259 = arith.index_cast %parallel_loop3A_105 : i32 to index
      %parallel_loop3A_260 = arith.constant 48 : index
      %parallel_loop3A_261 = tpu.vector_load %arg11[%parallel_loop3A_259, %parallel_loop3A_260] {strides = array<i32>} : memref<16x128xi32, #tpu.memory_space<vmem>>, vector<16xi32>,
      %parallel_loop3A_262 = arith.constant 0 : i32
      %parallel_loop3A_263 = vector.broadcast %parallel_loop3A_262 : i32 to vector<16xi32>
      %parallel_loop3A_264 = arith.cmpi eq, %parallel_loop3A_261, %parallel_loop3A_263 : vector<16xi32>
      %parallel_loop3A_265 = tpu.all_reduce %parallel_loop3A_264 {dim = 0 : i64, kind = #tpu.reduction_kind<sum>} : vector<16xi1> -> vector<16xi32>
      %parallel_loop3A_266 = arith.addi %parallel_loop3A_218, %parallel_loop3A_265 : vector<16xi32>
      %parallel_loop3A_267 = arith.constant 1 : i32
      %parallel_loop3A_268 = vector.broadcast %parallel_loop3A_267 : i32 to vector<16xi32>
      %parallel_loop3A_269 = arith.cmpi eq, %parallel_loop3A_261, %parallel_loop3A_268 : vector<16xi32>
      %parallel_loop3A_270 = tpu.all_reduce %parallel_loop3A_269 {dim = 0 : i64, kind = #tpu.reduction_kind<sum>} : vector<16xi1> -> vector<16xi32>
      %parallel_loop3A_271 = arith.addi %parallel_loop3A_223, %parallel_loop3A_270 : vector<16xi32>
      %parallel_loop3A_272 = arith.constant 2 : i32
      %parallel_loop3A_273 = vector.broadcast %parallel_loop3A_272 : i32 to vector<16xi32>
      %parallel_loop3A_274 = arith.cmpi eq, %parallel_loop3A_261, %parallel_loop3A_273 : vector<16xi32>
      %parallel_loop3A_275 = tpu.all_reduce %parallel_loop3A_274 {dim = 0 : i64, kind = #tpu.reduction_kind<sum>} : vector<16xi1> -> vector<16xi32>
      %parallel_loop3A_276 = arith.addi %parallel_loop3A_228, %parallel_loop3A_275 : vector<16xi32>
      %parallel_loop3A_277 = arith.constant 3 : i32
      %parallel_loop3A_278 = vector.broadcast %parallel_loop3A_277 : i32 to vector<16xi32>
      %parallel_loop3A_279 = arith.cmpi eq, %parallel_loop3A_261, %parallel_loop3A_278 : vector<16xi32>
      %parallel_loop3A_280 = tpu.all_reduce %parallel_loop3A_279 {dim = 0 : i64, kind = #tpu.reduction_kind<sum>} : vector<16xi1> -> vector<16xi32>
      %parallel_loop3A_281 = arith.addi %parallel_loop3A_233, %parallel_loop3A_280 : vector<16xi32>
      %parallel_loop3A_282 = arith.constant 4 : i32
      %parallel_loop3A_283 = vector.broadcast %parallel_loop3A_282 : i32 to vector<16xi32>
      %parallel_loop3A_284 = arith.cmpi eq, %parallel_loop3A_261, %parallel_loop3A_283 : vector<16xi32>
      %parallel_loop3A_285 = tpu.all_reduce %parallel_loop3A_284 {dim = 0 : i64, kind = #tpu.reduction_kind<sum>} : vector<16xi1> -> vector<16xi32>
      %parallel_loop3A_286 = arith.addi %parallel_loop3A_238, %parallel_loop3A_285 : vector<16xi32>
      %parallel_loop3A_287 = arith.constant 5 : i32
      %parallel_loop3A_288 = vector.broadcast %parallel_loop3A_287 : i32 to vector<16xi32>
      %parallel_loop3A_289 = arith.cmpi eq, %parallel_loop3A_261, %parallel_loop3A_288 : vector<16xi32>
      %parallel_loop3A_290 = tpu.all_reduce %parallel_loop3A_289 {dim = 0 : i64, kind = #tpu.reduction_kind<sum>} : vector<16xi1> -> vector<16xi32>
      %parallel_loop3A_291 = arith.addi %parallel_loop3A_243, %parallel_loop3A_290 : vector<16xi32>
      %parallel_loop3A_292 = arith.constant 6 : i32
      %parallel_loop3A_293 = vector.broadcast %parallel_loop3A_292 : i32 to vector<16xi32>
      %parallel_loop3A_294 = arith.cmpi eq, %parallel_loop3A_261, %parallel_loop3A_293 : vector<16xi32>
      %parallel_loop3A_295 = tpu.all_reduce %parallel_loop3A_294 {dim = 0 : i64, kind = #tpu.reduction_kind<sum>} : vector<16xi1> -> vector<16xi32>
      %parallel_loop3A_296 = arith.addi %parallel_loop3A_248, %parallel_loop3A_295 : vector<16xi32>
      %parallel_loop3A_297 = arith.constant 7 : i32
      %parallel_loop3A_298 = vector.broadcast %parallel_loop3A_297 : i32 to vector<16xi32>
      %parallel_loop3A_299 = arith.cmpi eq, %parallel_loop3A_261, %parallel_loop3A_298 : vector<16xi32>
      %parallel_loop3A_300 = tpu.all_reduce %parallel_loop3A_299 {dim = 0 : i64, kind = #tpu.reduction_kind<sum>} : vector<16xi1> -> vector<16xi32>
      %parallel_loop3A_301 = arith.addi %parallel_loop3A_253, %parallel_loop3A_300 : vector<16xi32>
      %parallel_loop3A_302 = arith.constant 8 : i32
      %parallel_loop3A_303 = vector.broadcast %parallel_loop3A_302 : i32 to vector<16xi32>
      %parallel_loop3A_304 = arith.cmpi eq, %parallel_loop3A_261, %parallel_loop3A_303 : vector<16xi32>
      %parallel_loop3A_305 = tpu.all_reduce %parallel_loop3A_304 {dim = 0 : i64, kind = #tpu.reduction_kind<sum>} : vector<16xi1> -> vector<16xi32>
      %parallel_loop3A_306 = arith.addi %parallel_loop3A_258, %parallel_loop3A_305 : vector<16xi32>
      %parallel_loop3A_307 = arith.index_cast %parallel_loop3A_105 : i32 to index
      %parallel_loop3A_308 = arith.constant 64 : index
      %parallel_loop3A_309 = tpu.vector_load %arg11[%parallel_loop3A_307, %parallel_loop3A_308] {strides = array<i32>} : memref<16x128xi32, #tpu.memory_space<vmem>>, vector<16xi32>,
      %parallel_loop3A_310 = arith.constant 0 : i32
      %parallel_loop3A_311 = vector.broadcast %parallel_loop3A_310 : i32 to vector<16xi32>
      %parallel_loop3A_312 = arith.cmpi eq, %parallel_loop3A_309, %parallel_loop3A_311 : vector<16xi32>
      %parallel_loop3A_313 = tpu.all_reduce %parallel_loop3A_312 {dim = 0 : i64, kind = #tpu.reduction_kind<sum>} : vector<16xi1> -> vector<16xi32>
      %parallel_loop3A_314 = arith.addi %parallel_loop3A_266, %parallel_loop3A_313 : vector<16xi32>
      %parallel_loop3A_315 = arith.constant 1 : i32
      %parallel_loop3A_316 = vector.broadcast %parallel_loop3A_315 : i32 to vector<16xi32>
      %parallel_loop3A_317 = arith.cmpi eq, %parallel_loop3A_309, %parallel_loop3A_316 : vector<16xi32>
      %parallel_loop3A_318 = tpu.all_reduce %parallel_loop3A_317 {dim = 0 : i64, kind = #tpu.reduction_kind<sum>} : vector<16xi1> -> vector<16xi32>
      %parallel_loop3A_319 = arith.addi %parallel_loop3A_271, %parallel_loop3A_318 : vector<16xi32>
      %parallel_loop3A_320 = arith.constant 2 : i32
      %parallel_loop3A_321 = vector.broadcast %parallel_loop3A_320 : i32 to vector<16xi32>
      %parallel_loop3A_322 = arith.cmpi eq, %parallel_loop3A_309, %parallel_loop3A_321 : vector<16xi32>
      %parallel_loop3A_323 = tpu.all_reduce %parallel_loop3A_322 {dim = 0 : i64, kind = #tpu.reduction_kind<sum>} : vector<16xi1> -> vector<16xi32>
      %parallel_loop3A_324 = arith.addi %parallel_loop3A_276, %parallel_loop3A_323 : vector<16xi32>
      %parallel_loop3A_325 = arith.constant 3 : i32
      %parallel_loop3A_326 = vector.broadcast %parallel_loop3A_325 : i32 to vector<16xi32>
      %parallel_loop3A_327 = arith.cmpi eq, %parallel_loop3A_309, %parallel_loop3A_326 : vector<16xi32>
      %parallel_loop3A_328 = tpu.all_reduce %parallel_loop3A_327 {dim = 0 : i64, kind = #tpu.reduction_kind<sum>} : vector<16xi1> -> vector<16xi32>
      %parallel_loop3A_329 = arith.addi %parallel_loop3A_281, %parallel_loop3A_328 : vector<16xi32>
      %parallel_loop3A_330 = arith.constant 4 : i32
      %parallel_loop3A_331 = vector.broadcast %parallel_loop3A_330 : i32 to vector<16xi32>
      %parallel_loop3A_332 = arith.cmpi eq, %parallel_loop3A_309, %parallel_loop3A_331 : vector<16xi32>
      %parallel_loop3A_333 = tpu.all_reduce %parallel_loop3A_332 {dim = 0 : i64, kind = #tpu.reduction_kind<sum>} : vector<16xi1> -> vector<16xi32>
      %parallel_loop3A_334 = arith.addi %parallel_loop3A_286, %parallel_loop3A_333 : vector<16xi32>
      %parallel_loop3A_335 = arith.constant 5 : i32
      %parallel_loop3A_336 = vector.broadcast %parallel_loop3A_335 : i32 to vector<16xi32>
      %parallel_loop3A_337 = arith.cmpi eq, %parallel_loop3A_309, %parallel_loop3A_336 : vector<16xi32>
      %parallel_loop3A_338 = tpu.all_reduce %parallel_loop3A_337 {dim = 0 : i64, kind = #tpu.reduction_kind<sum>} : vector<16xi1> -> vector<16xi32>
      %parallel_loop3A_339 = arith.addi %parallel_loop3A_291, %parallel_loop3A_338 : vector<16xi32>
      %parallel_loop3A_340 = arith.constant 6 : i32
      %parallel_loop3A_341 = vector.broadcast %parallel_loop3A_340 : i32 to vector<16xi32>
      %parallel_loop3A_342 = arith.cmpi eq, %parallel_loop3A_309, %parallel_loop3A_341 : vector<16xi32>
      %parallel_loop3A_343 = tpu.all_reduce %parallel_loop3A_342 {dim = 0 : i64, kind = #tpu.reduction_kind<sum>} : vector<16xi1> -> vector<16xi32>
      %parallel_loop3A_344 = arith.addi %parallel_loop3A_296, %parallel_loop3A_343 : vector<16xi32>
      %parallel_loop3A_345 = arith.constant 7 : i32
      %parallel_loop3A_346 = vector.broadcast %parallel_loop3A_345 : i32 to vector<16xi32>
      %parallel_loop3A_347 = arith.cmpi eq, %parallel_loop3A_309, %parallel_loop3A_346 : vector<16xi32>
      %parallel_loop3A_348 = tpu.all_reduce %parallel_loop3A_347 {dim = 0 : i64, kind = #tpu.reduction_kind<sum>} : vector<16xi1> -> vector<16xi32>
      %parallel_loop3A_349 = arith.addi %parallel_loop3A_301, %parallel_loop3A_348 : vector<16xi32>
      %parallel_loop3A_350 = arith.constant 8 : i32
      %parallel_loop3A_351 = vector.broadcast %parallel_loop3A_350 : i32 to vector<16xi32>
      %parallel_loop3A_352 = arith.cmpi eq, %parallel_loop3A_309, %parallel_loop3A_351 : vector<16xi32>
      %parallel_loop3A_353 = tpu.all_reduce %parallel_loop3A_352 {dim = 0 : i64, kind = #tpu.reduction_kind<sum>} : vector<16xi1> -> vector<16xi32>
      %parallel_loop3A_354 = arith.addi %parallel_loop3A_306, %parallel_loop3A_353 : vector<16xi32>
      %parallel_loop3A_355 = arith.index_cast %parallel_loop3A_105 : i32 to index
      %parallel_loop3A_356 = arith.constant 80 : index
      %parallel_loop3A_357 = tpu.vector_load %arg11[%parallel_loop3A_355, %parallel_loop3A_356] {strides = array<i32>} : memref<16x128xi32, #tpu.memory_space<vmem>>, vector<16xi32>,
      %parallel_loop3A_358 = arith.constant 0 : i32
      %parallel_loop3A_359 = vector.broadcast %parallel_loop3A_358 : i32 to vector<16xi32>
      %parallel_loop3A_360 = arith.cmpi eq, %parallel_loop3A_357, %parallel_loop3A_359 : vector<16xi32>
      %parallel_loop3A_361 = tpu.all_reduce %parallel_loop3A_360 {dim = 0 : i64, kind = #tpu.reduction_kind<sum>} : vector<16xi1> -> vector<16xi32>
      %parallel_loop3A_362 = arith.addi %parallel_loop3A_314, %parallel_loop3A_361 : vector<16xi32>
      %parallel_loop3A_363 = arith.constant 1 : i32
      %parallel_loop3A_364 = vector.broadcast %parallel_loop3A_363 : i32 to vector<16xi32>
      %parallel_loop3A_365 = arith.cmpi eq, %parallel_loop3A_357, %parallel_loop3A_364 : vector<16xi32>
      %parallel_loop3A_366 = tpu.all_reduce %parallel_loop3A_365 {dim = 0 : i64, kind = #tpu.reduction_kind<sum>} : vector<16xi1> -> vector<16xi32>
      %parallel_loop3A_367 = arith.addi %parallel_loop3A_319, %parallel_loop3A_366 : vector<16xi32>
      %parallel_loop3A_368 = arith.constant 2 : i32
      %parallel_loop3A_369 = vector.broadcast %parallel_loop3A_368 : i32 to vector<16xi32>
      %parallel_loop3A_370 = arith.cmpi eq, %parallel_loop3A_357, %parallel_loop3A_369 : vector<16xi32>
      %parallel_loop3A_371 = tpu.all_reduce %parallel_loop3A_370 {dim = 0 : i64, kind = #tpu.reduction_kind<sum>} : vector<16xi1> -> vector<16xi32>
      %parallel_loop3A_372 = arith.addi %parallel_loop3A_324, %parallel_loop3A_371 : vector<16xi32>
      %parallel_loop3A_373 = arith.constant 3 : i32
      %parallel_loop3A_374 = vector.broadcast %parallel_loop3A_373 : i32 to vector<16xi32>
      %parallel_loop3A_375 = arith.cmpi eq, %parallel_loop3A_357, %parallel_loop3A_374 : vector<16xi32>
      %parallel_loop3A_376 = tpu.all_reduce %parallel_loop3A_375 {dim = 0 : i64, kind = #tpu.reduction_kind<sum>} : vector<16xi1> -> vector<16xi32>
      %parallel_loop3A_377 = arith.addi %parallel_loop3A_329, %parallel_loop3A_376 : vector<16xi32>
      %parallel_loop3A_378 = arith.constant 4 : i32
      %parallel_loop3A_379 = vector.broadcast %parallel_loop3A_378 : i32 to vector<16xi32>
      %parallel_loop3A_380 = arith.cmpi eq, %parallel_loop3A_357, %parallel_loop3A_379 : vector<16xi32>
      %parallel_loop3A_381 = tpu.all_reduce %parallel_loop3A_380 {dim = 0 : i64, kind = #tpu.reduction_kind<sum>} : vector<16xi1> -> vector<16xi32>
      %parallel_loop3A_382 = arith.addi %parallel_loop3A_334, %parallel_loop3A_381 : vector<16xi32>
      %parallel_loop3A_383 = arith.constant 5 : i32
      %parallel_loop3A_384 = vector.broadcast %parallel_loop3A_383 : i32 to vector<16xi32>
      %parallel_loop3A_385 = arith.cmpi eq, %parallel_loop3A_357, %parallel_loop3A_384 : vector<16xi32>
      %parallel_loop3A_386 = tpu.all_reduce %parallel_loop3A_385 {dim = 0 : i64, kind = #tpu.reduction_kind<sum>} : vector<16xi1> -> vector<16xi32>
      %parallel_loop3A_387 = arith.addi %parallel_loop3A_339, %parallel_loop3A_386 : vector<16xi32>
      %parallel_loop3A_388 = arith.constant 6 : i32
      %parallel_loop3A_389 = vector.broadcast %parallel_loop3A_388 : i32 to vector<16xi32>
      %parallel_loop3A_390 = arith.cmpi eq, %parallel_loop3A_357, %parallel_loop3A_389 : vector<16xi32>
      %parallel_loop3A_391 = tpu.all_reduce %parallel_loop3A_390 {dim = 0 : i64, kind = #tpu.reduction_kind<sum>} : vector<16xi1> -> vector<16xi32>
      %parallel_loop3A_392 = arith.addi %parallel_loop3A_344, %parallel_loop3A_391 : vector<16xi32>
      %parallel_loop3A_393 = arith.constant 7 : i32
      %parallel_loop3A_394 = vector.broadcast %parallel_loop3A_393 : i32 to vector<16xi32>
      %parallel_loop3A_395 = arith.cmpi eq, %parallel_loop3A_357, %parallel_loop3A_394 : vector<16xi32>
      %parallel_loop3A_396 = tpu.all_reduce %parallel_loop3A_395 {dim = 0 : i64, kind = #tpu.reduction_kind<sum>} : vector<16xi1> -> vector<16xi32>
      %parallel_loop3A_397 = arith.addi %parallel_loop3A_349, %parallel_loop3A_396 : vector<16xi32>
      %parallel_loop3A_398 = arith.constant 8 : i32
      %parallel_loop3A_399 = vector.broadcast %parallel_loop3A_398 : i32 to vector<16xi32>
      %parallel_loop3A_400 = arith.cmpi eq, %parallel_loop3A_357, %parallel_loop3A_399 : vector<16xi32>
      %parallel_loop3A_401 = tpu.all_reduce %parallel_loop3A_400 {dim = 0 : i64, kind = #tpu.reduction_kind<sum>} : vector<16xi1> -> vector<16xi32>
      %parallel_loop3A_402 = arith.addi %parallel_loop3A_354, %parallel_loop3A_401 : vector<16xi32>
      %parallel_loop3A_403 = arith.index_cast %parallel_loop3A_105 : i32 to index
      %parallel_loop3A_404 = arith.constant 96 : index
      %parallel_loop3A_405 = tpu.vector_load %arg11[%parallel_loop3A_403, %parallel_loop3A_404] {strides = array<i32>} : memref<16x128xi32, #tpu.memory_space<vmem>>, vector<16xi32>,
      %parallel_loop3A_406 = arith.constant 0 : i32
      %parallel_loop3A_407 = vector.broadcast %parallel_loop3A_406 : i32 to vector<16xi32>
      %parallel_loop3A_408 = arith.cmpi eq, %parallel_loop3A_405, %parallel_loop3A_407 : vector<16xi32>
      %parallel_loop3A_409 = tpu.all_reduce %parallel_loop3A_408 {dim = 0 : i64, kind = #tpu.reduction_kind<sum>} : vector<16xi1> -> vector<16xi32>
      %parallel_loop3A_410 = arith.addi %parallel_loop3A_362, %parallel_loop3A_409 : vector<16xi32>
      %parallel_loop3A_411 = arith.constant 1 : i32
      %parallel_loop3A_412 = vector.broadcast %parallel_loop3A_411 : i32 to vector<16xi32>
      %parallel_loop3A_413 = arith.cmpi eq, %parallel_loop3A_405, %parallel_loop3A_412 : vector<16xi32>
      %parallel_loop3A_414 = tpu.all_reduce %parallel_loop3A_413 {dim = 0 : i64, kind = #tpu.reduction_kind<sum>} : vector<16xi1> -> vector<16xi32>
      %parallel_loop3A_415 = arith.addi %parallel_loop3A_367, %parallel_loop3A_414 : vector<16xi32>
      %parallel_loop3A_416 = arith.constant 2 : i32
      %parallel_loop3A_417 = vector.broadcast %parallel_loop3A_416 : i32 to vector<16xi32>
      %parallel_loop3A_418 = arith.cmpi eq, %parallel_loop3A_405, %parallel_loop3A_417 : vector<16xi32>
      %parallel_loop3A_419 = tpu.all_reduce %parallel_loop3A_418 {dim = 0 : i64, kind = #tpu.reduction_kind<sum>} : vector<16xi1> -> vector<16xi32>
      %parallel_loop3A_420 = arith.addi %parallel_loop3A_372, %parallel_loop3A_419 : vector<16xi32>
      %parallel_loop3A_421 = arith.constant 3 : i32
      %parallel_loop3A_422 = vector.broadcast %parallel_loop3A_421 : i32 to vector<16xi32>
      %parallel_loop3A_423 = arith.cmpi eq, %parallel_loop3A_405, %parallel_loop3A_422 : vector<16xi32>
      %parallel_loop3A_424 = tpu.all_reduce %parallel_loop3A_423 {dim = 0 : i64, kind = #tpu.reduction_kind<sum>} : vector<16xi1> -> vector<16xi32>
      %parallel_loop3A_425 = arith.addi %parallel_loop3A_377, %parallel_loop3A_424 : vector<16xi32>
      %parallel_loop3A_426 = arith.constant 4 : i32
      %parallel_loop3A_427 = vector.broadcast %parallel_loop3A_426 : i32 to vector<16xi32>
      %parallel_loop3A_428 = arith.cmpi eq, %parallel_loop3A_405, %parallel_loop3A_427 : vector<16xi32>
      %parallel_loop3A_429 = tpu.all_reduce %parallel_loop3A_428 {dim = 0 : i64, kind = #tpu.reduction_kind<sum>} : vector<16xi1> -> vector<16xi32>
      %parallel_loop3A_430 = arith.addi %parallel_loop3A_382, %parallel_loop3A_429 : vector<16xi32>
      %parallel_loop3A_431 = arith.constant 5 : i32
      %parallel_loop3A_432 = vector.broadcast %parallel_loop3A_431 : i32 to vector<16xi32>
      %parallel_loop3A_433 = arith.cmpi eq, %parallel_loop3A_405, %parallel_loop3A_432 : vector<16xi32>
      %parallel_loop3A_434 = tpu.all_reduce %parallel_loop3A_433 {dim = 0 : i64, kind = #tpu.reduction_kind<sum>} : vector<16xi1> -> vector<16xi32>
      %parallel_loop3A_435 = arith.addi %parallel_loop3A_387, %parallel_loop3A_434 : vector<16xi32>
      %parallel_loop3A_436 = arith.constant 6 : i32
      %parallel_loop3A_437 = vector.broadcast %parallel_loop3A_436 : i32 to vector<16xi32>
      %parallel_loop3A_438 = arith.cmpi eq, %parallel_loop3A_405, %parallel_loop3A_437 : vector<16xi32>
      %parallel_loop3A_439 = tpu.all_reduce %parallel_loop3A_438 {dim = 0 : i64, kind = #tpu.reduction_kind<sum>} : vector<16xi1> -> vector<16xi32>
      %parallel_loop3A_440 = arith.addi %parallel_loop3A_392, %parallel_loop3A_439 : vector<16xi32>
      %parallel_loop3A_441 = arith.constant 7 : i32
      %parallel_loop3A_442 = vector.broadcast %parallel_loop3A_441 : i32 to vector<16xi32>
      %parallel_loop3A_443 = arith.cmpi eq, %parallel_loop3A_405, %parallel_loop3A_442 : vector<16xi32>
      %parallel_loop3A_444 = tpu.all_reduce %parallel_loop3A_443 {dim = 0 : i64, kind = #tpu.reduction_kind<sum>} : vector<16xi1> -> vector<16xi32>
      %parallel_loop3A_445 = arith.addi %parallel_loop3A_397, %parallel_loop3A_444 : vector<16xi32>
      %parallel_loop3A_446 = arith.constant 8 : i32
      %parallel_loop3A_447 = vector.broadcast %parallel_loop3A_446 : i32 to vector<16xi32>
      %parallel_loop3A_448 = arith.cmpi eq, %parallel_loop3A_405, %parallel_loop3A_447 : vector<16xi32>
      %parallel_loop3A_449 = tpu.all_reduce %parallel_loop3A_448 {dim = 0 : i64, kind = #tpu.reduction_kind<sum>} : vector<16xi1> -> vector<16xi32>
      %parallel_loop3A_450 = arith.addi %parallel_loop3A_402, %parallel_loop3A_449 : vector<16xi32>
      %parallel_loop3A_451 = arith.index_cast %parallel_loop3A_105 : i32 to index
      %parallel_loop3A_452 = arith.constant 112 : index
      %parallel_loop3A_453 = tpu.vector_load %arg11[%parallel_loop3A_451, %parallel_loop3A_452] {strides = array<i32>} : memref<16x128xi32, #tpu.memory_space<vmem>>, vector<16xi32>,
      %parallel_loop3A_454 = arith.constant 0 : i32
      %parallel_loop3A_455 = vector.broadcast %parallel_loop3A_454 : i32 to vector<16xi32>
      %parallel_loop3A_456 = arith.cmpi eq, %parallel_loop3A_453, %parallel_loop3A_455 : vector<16xi32>
      %parallel_loop3A_457 = tpu.all_reduce %parallel_loop3A_456 {dim = 0 : i64, kind = #tpu.reduction_kind<sum>} : vector<16xi1> -> vector<16xi32>
      %parallel_loop3A_458 = arith.addi %parallel_loop3A_410, %parallel_loop3A_457 : vector<16xi32>
      %parallel_loop3A_459 = arith.constant 1 : i32
      %parallel_loop3A_460 = vector.broadcast %parallel_loop3A_459 : i32 to vector<16xi32>
      %parallel_loop3A_461 = arith.cmpi eq, %parallel_loop3A_453, %parallel_loop3A_460 : vector<16xi32>
      %parallel_loop3A_462 = tpu.all_reduce %parallel_loop3A_461 {dim = 0 : i64, kind = #tpu.reduction_kind<sum>} : vector<16xi1> -> vector<16xi32>
      %parallel_loop3A_463 = arith.addi %parallel_loop3A_415, %parallel_loop3A_462 : vector<16xi32>
      %parallel_loop3A_464 = arith.constant 2 : i32
      %parallel_loop3A_465 = vector.broadcast %parallel_loop3A_464 : i32 to vector<16xi32>
      %parallel_loop3A_466 = arith.cmpi eq, %parallel_loop3A_453, %parallel_loop3A_465 : vector<16xi32>
      %parallel_loop3A_467 = tpu.all_reduce %parallel_loop3A_466 {dim = 0 : i64, kind = #tpu.reduction_kind<sum>} : vector<16xi1> -> vector<16xi32>
      %parallel_loop3A_468 = arith.addi %parallel_loop3A_420, %parallel_loop3A_467 : vector<16xi32>
      %parallel_loop3A_469 = arith.constant 3 : i32
      %parallel_loop3A_470 = vector.broadcast %parallel_loop3A_469 : i32 to vector<16xi32>
      %parallel_loop3A_471 = arith.cmpi eq, %parallel_loop3A_453, %parallel_loop3A_470 : vector<16xi32>
      %parallel_loop3A_472 = tpu.all_reduce %parallel_loop3A_471 {dim = 0 : i64, kind = #tpu.reduction_kind<sum>} : vector<16xi1> -> vector<16xi32>
      %parallel_loop3A_473 = arith.addi %parallel_loop3A_425, %parallel_loop3A_472 : vector<16xi32>
      %parallel_loop3A_474 = arith.constant 4 : i32
      %parallel_loop3A_475 = vector.broadcast %parallel_loop3A_474 : i32 to vector<16xi32>
      %parallel_loop3A_476 = arith.cmpi eq, %parallel_loop3A_453, %parallel_loop3A_475 : vector<16xi32>
      %parallel_loop3A_477 = tpu.all_reduce %parallel_loop3A_476 {dim = 0 : i64, kind = #tpu.reduction_kind<sum>} : vector<16xi1> -> vector<16xi32>
      %parallel_loop3A_478 = arith.addi %parallel_loop3A_430, %parallel_loop3A_477 : vector<16xi32>
      %parallel_loop3A_479 = arith.constant 5 : i32
      %parallel_loop3A_480 = vector.broadcast %parallel_loop3A_479 : i32 to vector<16xi32>
      %parallel_loop3A_481 = arith.cmpi eq, %parallel_loop3A_453, %parallel_loop3A_480 : vector<16xi32>
      %parallel_loop3A_482 = tpu.all_reduce %parallel_loop3A_481 {dim = 0 : i64, kind = #tpu.reduction_kind<sum>} : vector<16xi1> -> vector<16xi32>
      %parallel_loop3A_483 = arith.addi %parallel_loop3A_435, %parallel_loop3A_482 : vector<16xi32>
      %parallel_loop3A_484 = arith.constant 6 : i32
      %parallel_loop3A_485 = vector.broadcast %parallel_loop3A_484 : i32 to vector<16xi32>
      %parallel_loop3A_486 = arith.cmpi eq, %parallel_loop3A_453, %parallel_loop3A_485 : vector<16xi32>
      %parallel_loop3A_487 = tpu.all_reduce %parallel_loop3A_486 {dim = 0 : i64, kind = #tpu.reduction_kind<sum>} : vector<16xi1> -> vector<16xi32>
      %parallel_loop3A_488 = arith.addi %parallel_loop3A_440, %parallel_loop3A_487 : vector<16xi32>
      %parallel_loop3A_489 = arith.constant 7 : i32
      %parallel_loop3A_490 = vector.broadcast %parallel_loop3A_489 : i32 to vector<16xi32>
      %parallel_loop3A_491 = arith.cmpi eq, %parallel_loop3A_453, %parallel_loop3A_490 : vector<16xi32>
      %parallel_loop3A_492 = tpu.all_reduce %parallel_loop3A_491 {dim = 0 : i64, kind = #tpu.reduction_kind<sum>} : vector<16xi1> -> vector<16xi32>
      %parallel_loop3A_493 = arith.addi %parallel_loop3A_445, %parallel_loop3A_492 : vector<16xi32>
      %parallel_loop3A_494 = arith.constant 8 : i32
      %parallel_loop3A_495 = vector.broadcast %parallel_loop3A_494 : i32 to vector<16xi32>
      %parallel_loop3A_496 = arith.cmpi eq, %parallel_loop3A_453, %parallel_loop3A_495 : vector<16xi32>
      %parallel_loop3A_497 = tpu.all_reduce %parallel_loop3A_496 {dim = 0 : i64, kind = #tpu.reduction_kind<sum>} : vector<16xi1> -> vector<16xi32>
      %parallel_loop3A_498 = arith.addi %parallel_loop3A_450, %parallel_loop3A_497 : vector<16xi32>
      scf.yield %parallel_loop3A_458, %parallel_loop3A_463, %parallel_loop3A_468, %parallel_loop3A_473, %parallel_loop3A_478, %parallel_loop3A_483, %parallel_loop3A_488, %parallel_loop3A_493, %parallel_loop3A_498 : vector<16xi32>, vector<16xi32>, vector<16xi32>, vector<16xi32>, vector<16xi32>, vector<16xi32>, vector<16xi32>, vector<16xi32>, vector<16xi32>
    } {sc.loop_unroll_factor = 1 : i64, sc.parallel_access}
    %broadcast_in_dim3A_21 = arith.constant 100 : i32
    %broadcast_in_dim3A_22 = vector.broadcast %broadcast_in_dim3A_21 : i32 to vector<16xi32>
    %eq3A = arith.constant 0 : i32
    %eq3A_23 = vector.broadcast %eq3A : i32 to vector<16xi32>
    %eq3A_24 = arith.cmpi eq, %iota3A, %eq3A_23 : vector<16xi32>
    %select_n3A = arith.select %eq3A_24, %broadcast_in_dim3A_22, %broadcast_in_dim3A_17 : vector<16xi1>, vector<16xi32>
    %add3A = arith.addi %broadcast_in_dim3A_22, %parallel_loop3A_20#0 : vector<16xi32>
    %eq3A_25 = arith.constant 1 : i32
    %eq3A_26 = vector.broadcast %eq3A_25 : i32 to vector<16xi32>
    %eq3A_27 = arith.cmpi eq, %iota3A, %eq3A_26 : vector<16xi32>
    %select_n3A_28 = arith.select %eq3A_27, %add3A, %select_n3A : vector<16xi1>, vector<16xi32>
    %add3A_29 = arith.addi %add3A, %parallel_loop3A_20#1 : vector<16xi32>
    %eq3A_30 = arith.constant 2 : i32
    %eq3A_31 = vector.broadcast %eq3A_30 : i32 to vector<16xi32>
    %eq3A_32 = arith.cmpi eq, %iota3A, %eq3A_31 : vector<16xi32>
    %select_n3A_33 = arith.select %eq3A_32, %add3A_29, %select_n3A_28 : vector<16xi1>, vector<16xi32>
    %add3A_34 = arith.addi %add3A_29, %parallel_loop3A_20#2 : vector<16xi32>
    %eq3A_35 = arith.constant 3 : i32
    %eq3A_36 = vector.broadcast %eq3A_35 : i32 to vector<16xi32>
    %eq3A_37 = arith.cmpi eq, %iota3A, %eq3A_36 : vector<16xi32>
    %select_n3A_38 = arith.select %eq3A_37, %add3A_34, %select_n3A_33 : vector<16xi1>, vector<16xi32>
    %add3A_39 = arith.addi %add3A_34, %parallel_loop3A_20#3 : vector<16xi32>
    %eq3A_40 = arith.constant 4 : i32
    %eq3A_41 = vector.broadcast %eq3A_40 : i32 to vector<16xi32>
    %eq3A_42 = arith.cmpi eq, %iota3A, %eq3A_41 : vector<16xi32>
    %select_n3A_43 = arith.select %eq3A_42, %add3A_39, %select_n3A_38 : vector<16xi1>, vector<16xi32>
    %add3A_44 = arith.addi %add3A_39, %parallel_loop3A_20#4 : vector<16xi32>
    %eq3A_45 = arith.constant 5 : i32
    %eq3A_46 = vector.broadcast %eq3A_45 : i32 to vector<16xi32>
    %eq3A_47 = arith.cmpi eq, %iota3A, %eq3A_46 : vector<16xi32>
    %select_n3A_48 = arith.select %eq3A_47, %add3A_44, %select_n3A_43 : vector<16xi1>, vector<16xi32>
    %add3A_49 = arith.addi %add3A_44, %parallel_loop3A_20#5 : vector<16xi32>
    %eq3A_50 = arith.constant 6 : i32
    %eq3A_51 = vector.broadcast %eq3A_50 : i32 to vector<16xi32>
    %eq3A_52 = arith.cmpi eq, %iota3A, %eq3A_51 : vector<16xi32>
    %select_n3A_53 = arith.select %eq3A_52, %add3A_49, %select_n3A_48 : vector<16xi1>, vector<16xi32>
    %add3A_54 = arith.addi %add3A_49, %parallel_loop3A_20#6 : vector<16xi32>
    %eq3A_55 = arith.constant 7 : i32
    %eq3A_56 = vector.broadcast %eq3A_55 : i32 to vector<16xi32>
    %eq3A_57 = arith.cmpi eq, %iota3A, %eq3A_56 : vector<16xi32>
    %select_n3A_58 = arith.select %eq3A_57, %add3A_54, %select_n3A_53 : vector<16xi1>, vector<16xi32>
    %add3A_59 = arith.addi %add3A_54, %parallel_loop3A_20#7 : vector<16xi32>
    %eq3A_60 = arith.constant 8 : i32
    %eq3A_61 = vector.broadcast %eq3A_60 : i32 to vector<16xi32>
    %eq3A_62 = arith.cmpi eq, %iota3A, %eq3A_61 : vector<16xi32>
    %select_n3A_63 = arith.select %eq3A_62, %add3A_59, %select_n3A_58 : vector<16xi1>, vector<16xi32>
    %add3A_64 = arith.addi %add3A_59, %parallel_loop3A_20#8 : vector<16xi32>
    %eq3A_65 = arith.constant 9 : i32
    %eq3A_66 = vector.broadcast %eq3A_65 : i32 to vector<16xi32>
    %eq3A_67 = arith.cmpi eq, %iota3A, %eq3A_66 : vector<16xi32>
    %select_n3A_68 = arith.select %eq3A_67, %add3A_64, %select_n3A_63 : vector<16xi1>, vector<16xi32>
    %add3A_69 = arith.constant 0 : i32
    %add3A_70 = arith.addi %multiple_of3A, %add3A_69 : i32
    %multiple_of3A_71 = tpu.assume_multiple %add3A_70, 64 : i32
    %dma_start3A_72 = arith.constant 0 : i32
    %dma_start3A_73 = tpu.memref_slice %arg2[%arg1, %multiple_of3A_71, %dma_start3A_72] : memref<16x2148x768xf32, #tpu.memory_space<hbm>> -> memref<1x64x768xf32, #tpu.memory_space<hbm>>
    %dma_start3A_74 = tpu.memref_squeeze %dma_start3A_73 : memref<1x64x768xf32, #tpu.memory_space<hbm>> -> memref<64x768xf32, #tpu.memory_space<hbm>>
    %dma_start3A_75 = arith.constant 0 : i32
    %dma_start3A_76 = tpu.memref_slice %arg2[%arg1, %multiple_of3A_71, %dma_start3A_75] : memref<16x2148x768xf32, #tpu.memory_space<hbm>> -> memref<1x64x768xf32, #tpu.memory_space<hbm>>
    %dma_start3A_77 = tpu.memref_squeeze %dma_start3A_76 : memref<1x64x768xf32, #tpu.memory_space<hbm>> -> memref<64x768xf32, #tpu.memory_space<hbm>>
    tpu.enqueue_dma source(%dma_start3A_77 : memref<64x768xf32, #tpu.memory_space<hbm>>) target(%arg9 : memref<64x768xf32, #tpu.memory_space<vmem>>) target_semaphore(%arg14 : memref<!tpu.dma_semaphore, #tpu.memory_space<semaphore_mem>>)
    %scan3A = arith.constant 0 : i32
    %scan3A_78 = arith.constant 0 : i32
    %scan3A_79 = arith.constant 8 : i32
    %scan3A_80 = arith.addi %scan3A_78, %scan3A_79 : i32
    %scan3A_81 = arith.constant 1 : i32
    scf.for %scan3A_105 = %scan3A_78 to %scan3A_80 step %scan3A_81  : i32 {
      %mul3A_106 = arith.constant 2 : i32
      %mul3A_107 = arith.muli %scan3A_105, %mul3A_106 : i32
      %mul3A_108 = arith.constant 64 : i32
      %mul3A_109 = arith.muli %mul3A_107, %mul3A_108 : i32
      %add3A_110 = arith.addi %multiple_of3A, %mul3A_109 : i32
      %dma_wait3A_111 = arith.constant 0 : i32
      %dma_wait3A_112 = arith.constant 0 : i32
      %dma_wait3A_113 = tpu.memref_slice %arg3[%arg1, %dma_wait3A_111, %dma_wait3A_112] : memref<16x64x768xf32, #tpu.memory_space<hbm>> -> memref<1x64x768xf32, #tpu.memory_space<hbm>>
      %dma_wait3A_114 = tpu.memref_squeeze %dma_wait3A_113 : memref<1x64x768xf32, #tpu.memory_space<hbm>> -> memref<64x768xf32, #tpu.memory_space<hbm>>
      %dma_wait3A_115 = arith.constant 0 : i32
      %dma_wait3A_116 = arith.constant 0 : i32
      %dma_wait3A_117 = tpu.memref_slice %arg3[%arg1, %dma_wait3A_115, %dma_wait3A_116] : memref<16x64x768xf32, #tpu.memory_space<hbm>> -> memref<1x64x768xf32, #tpu.memory_space<hbm>>
      %dma_wait3A_118 = tpu.memref_squeeze %dma_wait3A_117 : memref<1x64x768xf32, #tpu.memory_space<hbm>> -> memref<64x768xf32, #tpu.memory_space<hbm>>
      tpu.wait_dma2 semaphore(%arg14 : memref<!tpu.dma_semaphore, #tpu.memory_space<semaphore_mem>>) src(%dma_wait3A_118 : memref<64x768xf32, #tpu.memory_space<hbm>>) dst(%arg9 : memref<64x768xf32, #tpu.memory_space<vmem>>)
      %add3A_119 = arith.constant 1 : i32
      %add3A_120 = arith.addi %mul3A_107, %add3A_119 : i32
      %mul3A_121 = arith.constant 64 : i32
      %mul3A_122 = arith.muli %add3A_120, %mul3A_121 : i32
      %add3A_123 = arith.addi %multiple_of3A, %mul3A_122 : i32
      %multiple_of3A_124 = tpu.assume_multiple %add3A_123, 64 : i32
      %dma_start3A_125 = arith.constant 0 : i32
      %dma_start3A_126 = tpu.memref_slice %arg2[%arg1, %multiple_of3A_124, %dma_start3A_125] : memref<16x2148x768xf32, #tpu.memory_space<hbm>> -> memref<1x64x768xf32, #tpu.memory_space<hbm>>
      %dma_start3A_127 = tpu.memref_squeeze %dma_start3A_126 : memref<1x64x768xf32, #tpu.memory_space<hbm>> -> memref<64x768xf32, #tpu.memory_space<hbm>>
      %dma_start3A_128 = arith.constant 0 : i32
      %dma_start3A_129 = tpu.memref_slice %arg2[%arg1, %multiple_of3A_124, %dma_start3A_128] : memref<16x2148x768xf32, #tpu.memory_space<hbm>> -> memref<1x64x768xf32, #tpu.memory_space<hbm>>
      %dma_start3A_130 = tpu.memref_squeeze %dma_start3A_129 : memref<1x64x768xf32, #tpu.memory_space<hbm>> -> memref<64x768xf32, #tpu.memory_space<hbm>>
      tpu.enqueue_dma source(%dma_start3A_130 : memref<64x768xf32, #tpu.memory_space<hbm>>) target(%arg10 : memref<64x768xf32, #tpu.memory_space<vmem>>) target_semaphore(%arg15 : memref<!tpu.dma_semaphore, #tpu.memory_space<semaphore_mem>>)
      %add3A_131 = arith.constant 64 : i32
      %add3A_132 = arith.addi %add3A_110, %add3A_131 : i32
      %scan3A_133 = arith.constant 0 : i32
      %scan3A_134 = arith.constant 0 : i32
      %scan3A_135 = arith.constant 9 : i32
      %scan3A_136 = arith.addi %scan3A_134, %scan3A_135 : i32
      %scan3A_137 = arith.constant 1 : i32
      scf.for %scan3A_172 = %scan3A_134 to %scan3A_136 step %scan3A_137  : i32 {
        %eq3A_173 = arith.constant 0 : i32
        %eq3A_174 = arith.cmpi eq, %scan3A_172, %eq3A_173 : i32
        %eq3A_175 = vector.broadcast %scan3A_172 : i32 to vector<16xi32>
        %eq3A_176 = arith.cmpi eq, %iota3A, %eq3A_175 : vector<16xi32>
        %jit3A = arith.constant 0 : i32
        %broadcast_in_dim3A_177 = vector.broadcast %jit3A : i32 to vector<16xi32>
        %select_n3A_178 = arith.select %eq3A_176, %select_n3A_68, %broadcast_in_dim3A_177 : vector<16xi1>, vector<16xi32>
        %reduce_max3A = arith.constant true
        %reduce_max3A_179 = vector.broadcast %reduce_max3A : i1 to vector<16xi1>
        %reduce_max3A_180 = arith.constant -2147483648 : i32
        %reduce_max3A_181 = vector.broadcast %reduce_max3A_180 : i32 to vector<16xi32>
        %reduce_max3A_182 = arith.xori %select_n3A_178, %reduce_max3A_181 : vector<16xi32>
        %reduce_max3A_183 = tpu.scan <max>, %reduce_max3A_182 masked %reduce_max3A_179 : vector<16xi32>, vector<16xi1> -> vector<16xi32>
        %reduce_max3A_184 = arith.xori %reduce_max3A_183, %reduce_max3A_181 : vector<16xi32>
        %reduce_max3A_185 = vector.extract %reduce_max3A_184[15] : i32 from vector<16xi32>
        %jit3A_186 = arith.constant 0 : i32
        %select_n3A_187 = arith.select %eq3A_174, %jit3A_186, %reduce_max3A_185 : i32
        %eq3A_188 = arith.constant 0 : i32
        %eq3A_189 = arith.cmpi eq, %scan3A_172, %eq3A_188 : i32
        %add3A_190 = arith.constant 1 : i32
        %add3A_191 = arith.addi %scan3A_172, %add3A_190 : i32
        %eq3A_192 = vector.broadcast %add3A_191 : i32 to vector<16xi32>
        %eq3A_193 = arith.cmpi eq, %iota3A, %eq3A_192 : vector<16xi32>
        %jit3A_194 = arith.constant 0 : i32
        %broadcast_in_dim3A_195 = vector.broadcast %jit3A_194 : i32 to vector<16xi32>
        %select_n3A_196 = arith.select %eq3A_193, %select_n3A_68, %broadcast_in_dim3A_195 : vector<16xi1>, vector<16xi32>
        %reduce_max3A_197 = arith.constant true
        %reduce_max3A_198 = vector.broadcast %reduce_max3A_197 : i1 to vector<16xi1>
        %reduce_max3A_199 = arith.constant -2147483648 : i32
        %reduce_max3A_200 = vector.broadcast %reduce_max3A_199 : i32 to vector<16xi32>
        %reduce_max3A_201 = arith.xori %select_n3A_196, %reduce_max3A_200 : vector<16xi32>
        %reduce_max3A_202 = tpu.scan <max>, %reduce_max3A_201 masked %reduce_max3A_198 : vector<16xi32>, vector<16xi1> -> vector<16xi32>
        %reduce_max3A_203 = arith.xori %reduce_max3A_202, %reduce_max3A_200 : vector<16xi32>
        %reduce_max3A_204 = vector.extract %reduce_max3A_203[15] : i32 from vector<16xi32>
        %jit3A_205 = arith.constant 100 : i32
        %select_n3A_206 = arith.select %eq3A_189, %jit3A_205, %reduce_max3A_204 : i32
        %eq3A_207 = arith.constant 0 : i32
        %eq3A_208 = arith.cmpi eq, %scan3A_172, %eq3A_207 : i32
        %sub3A = arith.constant 1 : i32
        %sub3A_209 = arith.subi %scan3A_172, %sub3A : i32
        %jit3A_210 = arith.constant 8 : i32
        %select_n3A_211 = arith.select %eq3A_208, %jit3A_210, %sub3A_209 : i32
        %max3A = arith.maxsi %select_n3A_187, %add3A_110 : i32
        %min3A = arith.minsi %select_n3A_206, %add3A_132 : i32
        %while3A = arith.subi %min3A, %max3A : i32
        %while3A_212 = arith.addi %max3A, %while3A : i32
        %while3A_213 = arith.constant 1 : i32
        %while3A_214 = arith.divsi %while3A, %while3A_213 : i32
        %while3A_215 = arith.muli %while3A_214, %while3A_213 : i32
        %while3A_216 = arith.addi %max3A, %while3A_215 : i32
        %while3A_217 = arith.constant 1 : i32
        %while3A_218:48 = scf.for %while3A_224 = %max3A to %while3A_216 step %while3A_217 iter_args(%while3A_225 = %broadcast_in_dim3A_15, %while3A_226 = %broadcast_in_dim3A_15, %while3A_227 = %broadcast_in_dim3A_15, %while3A_228 = %broadcast_in_dim3A_15, %while3A_229 = %broadcast_in_dim3A_15, %while3A_230 = %broadcast_in_dim3A_15, %while3A_231 = %broadcast_in_dim3A_15, %while3A_232 = %broadcast_in_dim3A_15, %while3A_233 = %broadcast_in_dim3A_15, %while3A_234 = %broadcast_in_dim3A_15, %while3A_235 = %broadcast_in_dim3A_15, %while3A_236 = %broadcast_in_dim3A_15, %while3A_237 = %broadcast_in_dim3A_15, %while3A_238 = %broadcast_in_dim3A_15, %while3A_239 = %broadcast_in_dim3A_15, %while3A_240 = %broadcast_in_dim3A_15, %while3A_241 = %broadcast_in_dim3A_15, %while3A_242 = %broadcast_in_dim3A_15, %while3A_243 = %broadcast_in_dim3A_15, %while3A_244 = %broadcast_in_dim3A_15, %while3A_245 = %broadcast_in_dim3A_15, %while3A_246 = %broadcast_in_dim3A_15, %while3A_247 = %broadcast_in_dim3A_15, %while3A_248 = %broadcast_in_dim3A_15, %while3A_249 = %broadcast_in_dim3A_15, %while3A_250 = %broadcast_in_dim3A_15, %while3A_251 = %broadcast_in_dim3A_15, %while3A_252 = %broadcast_in_dim3A_15, %while3A_253 = %broadcast_in_dim3A_15, %while3A_254 = %broadcast_in_dim3A_15, %while3A_255 = %broadcast_in_dim3A_15, %while3A_256 = %broadcast_in_dim3A_15, %while3A_257 = %broadcast_in_dim3A_15, %while3A_258 = %broadcast_in_dim3A_15, %while3A_259 = %broadcast_in_dim3A_15, %while3A_260 = %broadcast_in_dim3A_15, %while3A_261 = %broadcast_in_dim3A_15, %while3A_262 = %broadcast_in_dim3A_15, %while3A_263 = %broadcast_in_dim3A_15, %while3A_264 = %broadcast_in_dim3A_15, %while3A_265 = %broadcast_in_dim3A_15, %while3A_266 = %broadcast_in_dim3A_15, %while3A_267 = %broadcast_in_dim3A_15, %while3A_268 = %broadcast_in_dim3A_15, %while3A_269 = %broadcast_in_dim3A_15, %while3A_270 = %broadcast_in_dim3A_15, %while3A_271 = %broadcast_in_dim3A_15, %while3A_272 = %broadcast_in_dim3A_15) -> (vector<16xf32>, vector<16xf32>, vector<16xf32>, vector<16xf32>, vector<16xf32>, vector<16xf32>, vector<16xf32>, vector<16xf32>, vector<16xf32>, vector<16xf32>, vector<16xf32>, vector<16xf32>, vector<16xf32>, vector<16xf32>, vector<16xf32>, vector<16xf32>, vector<16xf32>, vector<16xf32>, vector<16xf32>, vector<16xf32>, vector<16xf32>, vector<16xf32>, vector<16xf32>, vector<16xf32>, vector<16xf32>, vector<16xf32>, vector<16xf32>, vector<16xf32>, vector<16xf32>, vector<16xf32>, vector<16xf32>, vector<16xf32>, vector<16xf32>, vector<16xf32>, vector<16xf32>, vector<16xf32>, vector<16xf32>, vector<16xf32>, vector<16xf32>, vector<16xf32>, vector<16xf32>, vector<16xf32>, vector<16xf32>, vector<16xf32>, vector<16xf32>, vector<16xf32>, vector<16xf32>, vector<16xf32>)  : i32 {
          %sub3A_273 = arith.subi %while3A_224, %add3A_110 : i32
          %get3A = arith.index_cast %sub3A_273 : i32 to index
          %get3A_274 = arith.constant 0 : index
          %get3A_275 = tpu.vector_load %arg9[%get3A, %get3A_274] {strides = array<i32>} : memref<64x768xf32, #tpu.memory_space<vmem>>, vector<16xf32>,
          %add3A_276 = arith.addf %while3A_225, %get3A_275 : vector<16xf32>
          %get3A_277 = arith.index_cast %sub3A_273 : i32 to index
          %get3A_278 = arith.constant 16 : index
          %get3A_279 = tpu.vector_load %arg9[%get3A_277, %get3A_278] {strides = array<i32>} : memref<64x768xf32, #tpu.memory_space<vmem>>, vector<16xf32>,
          %add3A_280 = arith.addf %while3A_226, %get3A_279 : vector<16xf32>
          %get3A_281 = arith.index_cast %sub3A_273 : i32 to index
          %get3A_282 = arith.constant 32 : index
          %get3A_283 = tpu.vector_load %arg9[%get3A_281, %get3A_282] {strides = array<i32>} : memref<64x768xf32, #tpu.memory_space<vmem>>, vector<16xf32>,
          %add3A_284 = arith.addf %while3A_227, %get3A_283 : vector<16xf32>
          %get3A_285 = arith.index_cast %sub3A_273 : i32 to index
          %get3A_286 = arith.constant 48 : index
          %get3A_287 = tpu.vector_load %arg9[%get3A_285, %get3A_286] {strides = array<i32>} : memref<64x768xf32, #tpu.memory_space<vmem>>, vector<16xf32>,
          %add3A_288 = arith.addf %while3A_228, %get3A_287 : vector<16xf32>
          %get3A_289 = arith.index_cast %sub3A_273 : i32 to index
          %get3A_290 = arith.constant 64 : index
          %get3A_291 = tpu.vector_load %arg9[%get3A_289, %get3A_290] {strides = array<i32>} : memref<64x768xf32, #tpu.memory_space<vmem>>, vector<16xf32>,
          %add3A_292 = arith.addf %while3A_229, %get3A_291 : vector<16xf32>
          %get3A_293 = arith.index_cast %sub3A_273 : i32 to index
          %get3A_294 = arith.constant 80 : index
          %get3A_295 = tpu.vector_load %arg9[%get3A_293, %get3A_294] {strides = array<i32>} : memref<64x768xf32, #tpu.memory_space<vmem>>, vector<16xf32>,
          %add3A_296 = arith.addf %while3A_230, %get3A_295 : vector<16xf32>
          %get3A_297 = arith.index_cast %sub3A_273 : i32 to index
          %get3A_298 = arith.constant 96 : index
          %get3A_299 = tpu.vector_load %arg9[%get3A_297, %get3A_298] {strides = array<i32>} : memref<64x768xf32, #tpu.memory_space<vmem>>, vector<16xf32>,
          %add3A_300 = arith.addf %while3A_231, %get3A_299 : vector<16xf32>
          %get3A_301 = arith.index_cast %sub3A_273 : i32 to index
          %get3A_302 = arith.constant 112 : index
          %get3A_303 = tpu.vector_load %arg9[%get3A_301, %get3A_302] {strides = array<i32>} : memref<64x768xf32, #tpu.memory_space<vmem>>, vector<16xf32>,
          %add3A_304 = arith.addf %while3A_232, %get3A_303 : vector<16xf32>
          %get3A_305 = arith.index_cast %sub3A_273 : i32 to index
          %get3A_306 = arith.constant 128 : index
          %get3A_307 = tpu.vector_load %arg9[%get3A_305, %get3A_306] {strides = array<i32>} : memref<64x768xf32, #tpu.memory_space<vmem>>, vector<16xf32>,
          %add3A_308 = arith.addf %while3A_233, %get3A_307 : vector<16xf32>
          %get3A_309 = arith.index_cast %sub3A_273 : i32 to index
          %get3A_310 = arith.constant 144 : index
          %get3A_311 = tpu.vector_load %arg9[%get3A_309, %get3A_310] {strides = array<i32>} : memref<64x768xf32, #tpu.memory_space<vmem>>, vector<16xf32>,
          %add3A_312 = arith.addf %while3A_234, %get3A_311 : vector<16xf32>
          %get3A_313 = arith.index_cast %sub3A_273 : i32 to index
          %get3A_314 = arith.constant 160 : index
          %get3A_315 = tpu.vector_load %arg9[%get3A_313, %get3A_314] {strides = array<i32>} : memref<64x768xf32, #tpu.memory_space<vmem>>, vector<16xf32>,
          %add3A_316 = arith.addf %while3A_235, %get3A_315 : vector<16xf32>
          %get3A_317 = arith.index_cast %sub3A_273 : i32 to index
          %get3A_318 = arith.constant 176 : index
          %get3A_319 = tpu.vector_load %arg9[%get3A_317, %get3A_318] {strides = array<i32>} : memref<64x768xf32, #tpu.memory_space<vmem>>, vector<16xf32>,
          %add3A_320 = arith.addf %while3A_236, %get3A_319 : vector<16xf32>
          %get3A_321 = arith.index_cast %sub3A_273 : i32 to index
          %get3A_322 = arith.constant 192 : index
          %get3A_323 = tpu.vector_load %arg9[%get3A_321, %get3A_322] {strides = array<i32>} : memref<64x768xf32, #tpu.memory_space<vmem>>, vector<16xf32>,
          %add3A_324 = arith.addf %while3A_237, %get3A_323 : vector<16xf32>
          %get3A_325 = arith.index_cast %sub3A_273 : i32 to index
          %get3A_326 = arith.constant 208 : index
          %get3A_327 = tpu.vector_load %arg9[%get3A_325, %get3A_326] {strides = array<i32>} : memref<64x768xf32, #tpu.memory_space<vmem>>, vector<16xf32>,
          %add3A_328 = arith.addf %while3A_238, %get3A_327 : vector<16xf32>
          %get3A_329 = arith.index_cast %sub3A_273 : i32 to index
          %get3A_330 = arith.constant 224 : index
          %get3A_331 = tpu.vector_load %arg9[%get3A_329, %get3A_330] {strides = array<i32>} : memref<64x768xf32, #tpu.memory_space<vmem>>, vector<16xf32>,
          %add3A_332 = arith.addf %while3A_239, %get3A_331 : vector<16xf32>
          %get3A_333 = arith.index_cast %sub3A_273 : i32 to index
          %get3A_334 = arith.constant 240 : index
          %get3A_335 = tpu.vector_load %arg9[%get3A_333, %get3A_334] {strides = array<i32>} : memref<64x768xf32, #tpu.memory_space<vmem>>, vector<16xf32>,
          %add3A_336 = arith.addf %while3A_240, %get3A_335 : vector<16xf32>
          %get3A_337 = arith.index_cast %sub3A_273 : i32 to index
          %get3A_338 = arith.constant 256 : index
          %get3A_339 = tpu.vector_load %arg9[%get3A_337, %get3A_338] {strides = array<i32>} : memref<64x768xf32, #tpu.memory_space<vmem>>, vector<16xf32>,
          %add3A_340 = arith.addf %while3A_241, %get3A_339 : vector<16xf32>
          %get3A_341 = arith.index_cast %sub3A_273 : i32 to index
          %get3A_342 = arith.constant 272 : index
          %get3A_343 = tpu.vector_load %arg9[%get3A_341, %get3A_342] {strides = array<i32>} : memref<64x768xf32, #tpu.memory_space<vmem>>, vector<16xf32>,
          %add3A_344 = arith.addf %while3A_242, %get3A_343 : vector<16xf32>
          %get3A_345 = arith.index_cast %sub3A_273 : i32 to index
          %get3A_346 = arith.constant 288 : index
          %get3A_347 = tpu.vector_load %arg9[%get3A_345, %get3A_346] {strides = array<i32>} : memref<64x768xf32, #tpu.memory_space<vmem>>, vector<16xf32>,
          %add3A_348 = arith.addf %while3A_243, %get3A_347 : vector<16xf32>
          %get3A_349 = arith.index_cast %sub3A_273 : i32 to index
          %get3A_350 = arith.constant 304 : index
          %get3A_351 = tpu.vector_load %arg9[%get3A_349, %get3A_350] {strides = array<i32>} : memref<64x768xf32, #tpu.memory_space<vmem>>, vector<16xf32>,
          %add3A_352 = arith.addf %while3A_244, %get3A_351 : vector<16xf32>
          %get3A_353 = arith.index_cast %sub3A_273 : i32 to index
          %get3A_354 = arith.constant 320 : index
          %get3A_355 = tpu.vector_load %arg9[%get3A_353, %get3A_354] {strides = array<i32>} : memref<64x768xf32, #tpu.memory_space<vmem>>, vector<16xf32>,
          %add3A_356 = arith.addf %while3A_245, %get3A_355 : vector<16xf32>
          %get3A_357 = arith.index_cast %sub3A_273 : i32 to index
          %get3A_358 = arith.constant 336 : index
          %get3A_359 = tpu.vector_load %arg9[%get3A_357, %get3A_358] {strides = array<i32>} : memref<64x768xf32, #tpu.memory_space<vmem>>, vector<16xf32>,
          %add3A_360 = arith.addf %while3A_246, %get3A_359 : vector<16xf32>
          %get3A_361 = arith.index_cast %sub3A_273 : i32 to index
          %get3A_362 = arith.constant 352 : index
          %get3A_363 = tpu.vector_load %arg9[%get3A_361, %get3A_362] {strides = array<i32>} : memref<64x768xf32, #tpu.memory_space<vmem>>, vector<16xf32>,
          %add3A_364 = arith.addf %while3A_247, %get3A_363 : vector<16xf32>
          %get3A_365 = arith.index_cast %sub3A_273 : i32 to index
          %get3A_366 = arith.constant 368 : index
          %get3A_367 = tpu.vector_load %arg9[%get3A_365, %get3A_366] {strides = array<i32>} : memref<64x768xf32, #tpu.memory_space<vmem>>, vector<16xf32>,
          %add3A_368 = arith.addf %while3A_248, %get3A_367 : vector<16xf32>
          %get3A_369 = arith.index_cast %sub3A_273 : i32 to index
          %get3A_370 = arith.constant 384 : index
          %get3A_371 = tpu.vector_load %arg9[%get3A_369, %get3A_370] {strides = array<i32>} : memref<64x768xf32, #tpu.memory_space<vmem>>, vector<16xf32>,
          %add3A_372 = arith.addf %while3A_249, %get3A_371 : vector<16xf32>
          %get3A_373 = arith.index_cast %sub3A_273 : i32 to index
          %get3A_374 = arith.constant 400 : index
          %get3A_375 = tpu.vector_load %arg9[%get3A_373, %get3A_374] {strides = array<i32>} : memref<64x768xf32, #tpu.memory_space<vmem>>, vector<16xf32>,
          %add3A_376 = arith.addf %while3A_250, %get3A_375 : vector<16xf32>
          %get3A_377 = arith.index_cast %sub3A_273 : i32 to index
          %get3A_378 = arith.constant 416 : index
          %get3A_379 = tpu.vector_load %arg9[%get3A_377, %get3A_378] {strides = array<i32>} : memref<64x768xf32, #tpu.memory_space<vmem>>, vector<16xf32>,
          %add3A_380 = arith.addf %while3A_251, %get3A_379 : vector<16xf32>
          %get3A_381 = arith.index_cast %sub3A_273 : i32 to index
          %get3A_382 = arith.constant 432 : index
          %get3A_383 = tpu.vector_load %arg9[%get3A_381, %get3A_382] {strides = array<i32>} : memref<64x768xf32, #tpu.memory_space<vmem>>, vector<16xf32>,
          %add3A_384 = arith.addf %while3A_252, %get3A_383 : vector<16xf32>
          %get3A_385 = arith.index_cast %sub3A_273 : i32 to index
          %get3A_386 = arith.constant 448 : index
          %get3A_387 = tpu.vector_load %arg9[%get3A_385, %get3A_386] {strides = array<i32>} : memref<64x768xf32, #tpu.memory_space<vmem>>, vector<16xf32>,
          %add3A_388 = arith.addf %while3A_253, %get3A_387 : vector<16xf32>
          %get3A_389 = arith.index_cast %sub3A_273 : i32 to index
          %get3A_390 = arith.constant 464 : index
          %get3A_391 = tpu.vector_load %arg9[%get3A_389, %get3A_390] {strides = array<i32>} : memref<64x768xf32, #tpu.memory_space<vmem>>, vector<16xf32>,
          %add3A_392 = arith.addf %while3A_254, %get3A_391 : vector<16xf32>
          %get3A_393 = arith.index_cast %sub3A_273 : i32 to index
          %get3A_394 = arith.constant 480 : index
          %get3A_395 = tpu.vector_load %arg9[%get3A_393, %get3A_394] {strides = array<i32>} : memref<64x768xf32, #tpu.memory_space<vmem>>, vector<16xf32>,
          %add3A_396 = arith.addf %while3A_255, %get3A_395 : vector<16xf32>
          %get3A_397 = arith.index_cast %sub3A_273 : i32 to index
          %get3A_398 = arith.constant 496 : index
          %get3A_399 = tpu.vector_load %arg9[%get3A_397, %get3A_398] {strides = array<i32>} : memref<64x768xf32, #tpu.memory_space<vmem>>, vector<16xf32>,
          %add3A_400 = arith.addf %while3A_256, %get3A_399 : vector<16xf32>
          %get3A_401 = arith.index_cast %sub3A_273 : i32 to index
          %get3A_402 = arith.constant 512 : index
          %get3A_403 = tpu.vector_load %arg9[%get3A_401, %get3A_402] {strides = array<i32>} : memref<64x768xf32, #tpu.memory_space<vmem>>, vector<16xf32>,
          %add3A_404 = arith.addf %while3A_257, %get3A_403 : vector<16xf32>
          %get3A_405 = arith.index_cast %sub3A_273 : i32 to index
          %get3A_406 = arith.constant 528 : index
          %get3A_407 = tpu.vector_load %arg9[%get3A_405, %get3A_406] {strides = array<i32>} : memref<64x768xf32, #tpu.memory_space<vmem>>, vector<16xf32>,
          %add3A_408 = arith.addf %while3A_258, %get3A_407 : vector<16xf32>
          %get3A_409 = arith.index_cast %sub3A_273 : i32 to index
          %get3A_410 = arith.constant 544 : index
          %get3A_411 = tpu.vector_load %arg9[%get3A_409, %get3A_410] {strides = array<i32>} : memref<64x768xf32, #tpu.memory_space<vmem>>, vector<16xf32>,
          %add3A_412 = arith.addf %while3A_259, %get3A_411 : vector<16xf32>
          %get3A_413 = arith.index_cast %sub3A_273 : i32 to index
          %get3A_414 = arith.constant 560 : index
          %get3A_415 = tpu.vector_load %arg9[%get3A_413, %get3A_414] {strides = array<i32>} : memref<64x768xf32, #tpu.memory_space<vmem>>, vector<16xf32>,
          %add3A_416 = arith.addf %while3A_260, %get3A_415 : vector<16xf32>
          %get3A_417 = arith.index_cast %sub3A_273 : i32 to index
          %get3A_418 = arith.constant 576 : index
          %get3A_419 = tpu.vector_load %arg9[%get3A_417, %get3A_418] {strides = array<i32>} : memref<64x768xf32, #tpu.memory_space<vmem>>, vector<16xf32>,
          %add3A_420 = arith.addf %while3A_261, %get3A_419 : vector<16xf32>
          %get3A_421 = arith.index_cast %sub3A_273 : i32 to index
          %get3A_422 = arith.constant 592 : index
          %get3A_423 = tpu.vector_load %arg9[%get3A_421, %get3A_422] {strides = array<i32>} : memref<64x768xf32, #tpu.memory_space<vmem>>, vector<16xf32>,
          %add3A_424 = arith.addf %while3A_262, %get3A_423 : vector<16xf32>
          %get3A_425 = arith.index_cast %sub3A_273 : i32 to index
          %get3A_426 = arith.constant 608 : index
          %get3A_427 = tpu.vector_load %arg9[%get3A_425, %get3A_426] {strides = array<i32>} : memref<64x768xf32, #tpu.memory_space<vmem>>, vector<16xf32>,
          %add3A_428 = arith.addf %while3A_263, %get3A_427 : vector<16xf32>
          %get3A_429 = arith.index_cast %sub3A_273 : i32 to index
          %get3A_430 = arith.constant 624 : index
          %get3A_431 = tpu.vector_load %arg9[%get3A_429, %get3A_430] {strides = array<i32>} : memref<64x768xf32, #tpu.memory_space<vmem>>, vector<16xf32>,
          %add3A_432 = arith.addf %while3A_264, %get3A_431 : vector<16xf32>
          %get3A_433 = arith.index_cast %sub3A_273 : i32 to index
          %get3A_434 = arith.constant 640 : index
          %get3A_435 = tpu.vector_load %arg9[%get3A_433, %get3A_434] {strides = array<i32>} : memref<64x768xf32, #tpu.memory_space<vmem>>, vector<16xf32>,
          %add3A_436 = arith.addf %while3A_265, %get3A_435 : vector<16xf32>
          %get3A_437 = arith.index_cast %sub3A_273 : i32 to index
          %get3A_438 = arith.constant 656 : index
          %get3A_439 = tpu.vector_load %arg9[%get3A_437, %get3A_438] {strides = array<i32>} : memref<64x768xf32, #tpu.memory_space<vmem>>, vector<16xf32>,
          %add3A_440 = arith.addf %while3A_266, %get3A_439 : vector<16xf32>
          %get3A_441 = arith.index_cast %sub3A_273 : i32 to index
          %get3A_442 = arith.constant 672 : index
          %get3A_443 = tpu.vector_load %arg9[%get3A_441, %get3A_442] {strides = array<i32>} : memref<64x768xf32, #tpu.memory_space<vmem>>, vector<16xf32>,
          %add3A_444 = arith.addf %while3A_267, %get3A_443 : vector<16xf32>
          %get3A_445 = arith.index_cast %sub3A_273 : i32 to index
          %get3A_446 = arith.constant 688 : index
          %get3A_447 = tpu.vector_load %arg9[%get3A_445, %get3A_446] {strides = array<i32>} : memref<64x768xf32, #tpu.memory_space<vmem>>, vector<16xf32>,
          %add3A_448 = arith.addf %while3A_268, %get3A_447 : vector<16xf32>
          %get3A_449 = arith.index_cast %sub3A_273 : i32 to index
          %get3A_450 = arith.constant 704 : index
          %get3A_451 = tpu.vector_load %arg9[%get3A_449, %get3A_450] {strides = array<i32>} : memref<64x768xf32, #tpu.memory_space<vmem>>, vector<16xf32>,
          %add3A_452 = arith.addf %while3A_269, %get3A_451 : vector<16xf32>
          %get3A_453 = arith.index_cast %sub3A_273 : i32 to index
          %get3A_454 = arith.constant 720 : index
          %get3A_455 = tpu.vector_load %arg9[%get3A_453, %get3A_454] {strides = array<i32>} : memref<64x768xf32, #tpu.memory_space<vmem>>, vector<16xf32>,
          %add3A_456 = arith.addf %while3A_270, %get3A_455 : vector<16xf32>
          %get3A_457 = arith.index_cast %sub3A_273 : i32 to index
          %get3A_458 = arith.constant 736 : index
          %get3A_459 = tpu.vector_load %arg9[%get3A_457, %get3A_458] {strides = array<i32>} : memref<64x768xf32, #tpu.memory_space<vmem>>, vector<16xf32>,
          %add3A_460 = arith.addf %while3A_271, %get3A_459 : vector<16xf32>
          %get3A_461 = arith.index_cast %sub3A_273 : i32 to index
          %get3A_462 = arith.constant 752 : index
          %get3A_463 = tpu.vector_load %arg9[%get3A_461, %get3A_462] {strides = array<i32>} : memref<64x768xf32, #tpu.memory_space<vmem>>, vector<16xf32>,
          %add3A_464 = arith.addf %while3A_272, %get3A_463 : vector<16xf32>
          scf.yield %add3A_276, %add3A_280, %add3A_284, %add3A_288, %add3A_292, %add3A_296, %add3A_300, %add3A_304, %add3A_308, %add3A_312, %add3A_316, %add3A_320, %add3A_324, %add3A_328, %add3A_332, %add3A_336, %add3A_340, %add3A_344, %add3A_348, %add3A_352, %add3A_356, %add3A_360, %add3A_364, %add3A_368, %add3A_372, %add3A_376, %add3A_380, %add3A_384, %add3A_388, %add3A_392, %add3A_396, %add3A_400, %add3A_404, %add3A_408, %add3A_412, %add3A_416, %add3A_420, %add3A_424, %add3A_428, %add3A_432, %add3A_436, %add3A_440, %add3A_444, %add3A_448, %add3A_452, %add3A_456, %add3A_460, %add3A_464 : vector<16xf32>, vector<16xf32>, vector<16xf32>, vector<16xf32>, vector<16xf32>, vector<16xf32>, vector<16xf32>, vector<16xf32>, vector<16xf32>, vector<16xf32>, vector<16xf32>, vector<16xf32>, vector<16xf32>, vector<16xf32>, vector<16xf32>, vector<16xf32>, vector<16xf32>, vector<16xf32>, vector<16xf32>, vector<16xf32>, vector<16xf32>, vector<16xf32>, vector<16xf32>, vector<16xf32>, vector<16xf32>, vector<16xf32>, vector<16xf32>, vector<16xf32>, vector<16xf32>, vector<16xf32>, vector<16xf32>, vector<16xf32>, vector<16xf32>, vector<16xf32>, vector<16xf32>, vector<16xf32>, vector<16xf32>, vector<16xf32>, vector<16xf32>, vector<16xf32>, vector<16xf32>, vector<16xf32>, vector<16xf32>, vector<16xf32>, vector<16xf32>, vector<16xf32>, vector<16xf32>, vector<16xf32>
        }
        %while3A_219 = arith.constant 1 : i32
        %while3A_220:48 = scf.for %while3A_224 = %while3A_216 to %while3A_212 step %while3A_219 iter_args(%while3A_225 = %while3A_218#0, %while3A_226 = %while3A_218#1, %while3A_227 = %while3A_218#2, %while3A_228 = %while3A_218#3, %while3A_229 = %while3A_218#4, %while3A_230 = %while3A_218#5, %while3A_231 = %while3A_218#6, %while3A_232 = %while3A_218#7, %while3A_233 = %while3A_218#8, %while3A_234 = %while3A_218#9, %while3A_235 = %while3A_218#10, %while3A_236 = %while3A_218#11, %while3A_237 = %while3A_218#12, %while3A_238 = %while3A_218#13, %while3A_239 = %while3A_218#14, %while3A_240 = %while3A_218#15, %while3A_241 = %while3A_218#16, %while3A_242 = %while3A_218#17, %while3A_243 = %while3A_218#18, %while3A_244 = %while3A_218#19, %while3A_245 = %while3A_218#20, %while3A_246 = %while3A_218#21, %while3A_247 = %while3A_218#22, %while3A_248 = %while3A_218#23, %while3A_249 = %while3A_218#24, %while3A_250 = %while3A_218#25, %while3A_251 = %while3A_218#26, %while3A_252 = %while3A_218#27, %while3A_253 = %while3A_218#28, %while3A_254 = %while3A_218#29, %while3A_255 = %while3A_218#30, %while3A_256 = %while3A_218#31, %while3A_257 = %while3A_218#32, %while3A_258 = %while3A_218#33, %while3A_259 = %while3A_218#34, %while3A_260 = %while3A_218#35, %while3A_261 = %while3A_218#36, %while3A_262 = %while3A_218#37, %while3A_263 = %while3A_218#38, %while3A_264 = %while3A_218#39, %while3A_265 = %while3A_218#40, %while3A_266 = %while3A_218#41, %while3A_267 = %while3A_218#42, %while3A_268 = %while3A_218#43, %while3A_269 = %while3A_218#44, %while3A_270 = %while3A_218#45, %while3A_271 = %while3A_218#46, %while3A_272 = %while3A_218#47) -> (vector<16xf32>, vector<16xf32>, vector<16xf32>, vector<16xf32>, vector<16xf32>, vector<16xf32>, vector<16xf32>, vector<16xf32>, vector<16xf32>, vector<16xf32>, vector<16xf32>, vector<16xf32>, vector<16xf32>, vector<16xf32>, vector<16xf32>, vector<16xf32>, vector<16xf32>, vector<16xf32>, vector<16xf32>, vector<16xf32>, vector<16xf32>, vector<16xf32>, vector<16xf32>, vector<16xf32>, vector<16xf32>, vector<16xf32>, vector<16xf32>, vector<16xf32>, vector<16xf32>, vector<16xf32>, vector<16xf32>, vector<16xf32>, vector<16xf32>, vector<16xf32>, vector<16xf32>, vector<16xf32>, vector<16xf32>, vector<16xf32>, vector<16xf32>, vector<16xf32>, vector<16xf32>, vector<16xf32>, vector<16xf32>, vector<16xf32>, vector<16xf32>, vector<16xf32>, vector<16xf32>, vector<16xf32>)  : i32 {
          %sub3A_273 = arith.subi %while3A_224, %add3A_110 : i32
          %get3A = arith.index_cast %sub3A_273 : i32 to index
          %get3A_274 = arith.constant 0 : index
          %get3A_275 = tpu.vector_load %arg9[%get3A, %get3A_274] {strides = array<i32>} : memref<64x768xf32, #tpu.memory_space<vmem>>, vector<16xf32>,
          %add3A_276 = arith.addf %while3A_225, %get3A_275 : vector<16xf32>
          %get3A_277 = arith.index_cast %sub3A_273 : i32 to index
          %get3A_278 = arith.constant 16 : index
          %get3A_279 = tpu.vector_load %arg9[%get3A_277, %get3A_278] {strides = array<i32>} : memref<64x768xf32, #tpu.memory_space<vmem>>, vector<16xf32>,
          %add3A_280 = arith.addf %while3A_226, %get3A_279 : vector<16xf32>
          %get3A_281 = arith.index_cast %sub3A_273 : i32 to index
          %get3A_282 = arith.constant 32 : index
          %get3A_283 = tpu.vector_load %arg9[%get3A_281, %get3A_282] {strides = array<i32>} : memref<64x768xf32, #tpu.memory_space<vmem>>, vector<16xf32>,
          %add3A_284 = arith.addf %while3A_227, %get3A_283 : vector<16xf32>
          %get3A_285 = arith.index_cast %sub3A_273 : i32 to index
          %get3A_286 = arith.constant 48 : index
          %get3A_287 = tpu.vector_load %arg9[%get3A_285, %get3A_286] {strides = array<i32>} : memref<64x768xf32, #tpu.memory_space<vmem>>, vector<16xf32>,
          %add3A_288 = arith.addf %while3A_228, %get3A_287 : vector<16xf32>
          %get3A_289 = arith.index_cast %sub3A_273 : i32 to index
          %get3A_290 = arith.constant 64 : index
          %get3A_291 = tpu.vector_load %arg9[%get3A_289, %get3A_290] {strides = array<i32>} : memref<64x768xf32, #tpu.memory_space<vmem>>, vector<16xf32>,
          %add3A_292 = arith.addf %while3A_229, %get3A_291 : vector<16xf32>
          %get3A_293 = arith.index_cast %sub3A_273 : i32 to index
          %get3A_294 = arith.constant 80 : index
          %get3A_295 = tpu.vector_load %arg9[%get3A_293, %get3A_294] {strides = array<i32>} : memref<64x768xf32, #tpu.memory_space<vmem>>, vector<16xf32>,
          %add3A_296 = arith.addf %while3A_230, %get3A_295 : vector<16xf32>
          %get3A_297 = arith.index_cast %sub3A_273 : i32 to index
          %get3A_298 = arith.constant 96 : index
          %get3A_299 = tpu.vector_load %arg9[%get3A_297, %get3A_298] {strides = array<i32>} : memref<64x768xf32, #tpu.memory_space<vmem>>, vector<16xf32>,
          %add3A_300 = arith.addf %while3A_231, %get3A_299 : vector<16xf32>
          %get3A_301 = arith.index_cast %sub3A_273 : i32 to index
          %get3A_302 = arith.constant 112 : index
          %get3A_303 = tpu.vector_load %arg9[%get3A_301, %get3A_302] {strides = array<i32>} : memref<64x768xf32, #tpu.memory_space<vmem>>, vector<16xf32>,
          %add3A_304 = arith.addf %while3A_232, %get3A_303 : vector<16xf32>
          %get3A_305 = arith.index_cast %sub3A_273 : i32 to index
          %get3A_306 = arith.constant 128 : index
          %get3A_307 = tpu.vector_load %arg9[%get3A_305, %get3A_306] {strides = array<i32>} : memref<64x768xf32, #tpu.memory_space<vmem>>, vector<16xf32>,
          %add3A_308 = arith.addf %while3A_233, %get3A_307 : vector<16xf32>
          %get3A_309 = arith.index_cast %sub3A_273 : i32 to index
          %get3A_310 = arith.constant 144 : index
          %get3A_311 = tpu.vector_load %arg9[%get3A_309, %get3A_310] {strides = array<i32>} : memref<64x768xf32, #tpu.memory_space<vmem>>, vector<16xf32>,
          %add3A_312 = arith.addf %while3A_234, %get3A_311 : vector<16xf32>
          %get3A_313 = arith.index_cast %sub3A_273 : i32 to index
          %get3A_314 = arith.constant 160 : index
          %get3A_315 = tpu.vector_load %arg9[%get3A_313, %get3A_314] {strides = array<i32>} : memref<64x768xf32, #tpu.memory_space<vmem>>, vector<16xf32>,
          %add3A_316 = arith.addf %while3A_235, %get3A_315 : vector<16xf32>
          %get3A_317 = arith.index_cast %sub3A_273 : i32 to index
          %get3A_318 = arith.constant 176 : index
          %get3A_319 = tpu.vector_load %arg9[%get3A_317, %get3A_318] {strides = array<i32>} : memref<64x768xf32, #tpu.memory_space<vmem>>, vector<16xf32>,
          %add3A_320 = arith.addf %while3A_236, %get3A_319 : vector<16xf32>
          %get3A_321 = arith.index_cast %sub3A_273 : i32 to index
          %get3A_322 = arith.constant 192 : index
          %get3A_323 = tpu.vector_load %arg9[%get3A_321, %get3A_322] {strides = array<i32>} : memref<64x768xf32, #tpu.memory_space<vmem>>, vector<16xf32>,
          %add3A_324 = arith.addf %while3A_237, %get3A_323 : vector<16xf32>
          %get3A_325 = arith.index_cast %sub3A_273 : i32 to index
          %get3A_326 = arith.constant 208 : index
          %get3A_327 = tpu.vector_load %arg9[%get3A_325, %get3A_326] {strides = array<i32>} : memref<64x768xf32, #tpu.memory_space<vmem>>, vector<16xf32>,
          %add3A_328 = arith.addf %while3A_238, %get3A_327 : vector<16xf32>
          %get3A_329 = arith.index_cast %sub3A_273 : i32 to index
          %get3A_330 = arith.constant 224 : index
          %get3A_331 = tpu.vector_load %arg9[%get3A_329, %get3A_330] {strides = array<i32>} : memref<64x768xf32, #tpu.memory_space<vmem>>, vector<16xf32>,
          %add3A_332 = arith.addf %while3A_239, %get3A_331 : vector<16xf32>
          %get3A_333 = arith.index_cast %sub3A_273 : i32 to index
          %get3A_334 = arith.constant 240 : index
          %get3A_335 = tpu.vector_load %arg9[%get3A_333, %get3A_334] {strides = array<i32>} : memref<64x768xf32, #tpu.memory_space<vmem>>, vector<16xf32>,
          %add3A_336 = arith.addf %while3A_240, %get3A_335 : vector<16xf32>
          %get3A_337 = arith.index_cast %sub3A_273 : i32 to index
          %get3A_338 = arith.constant 256 : index
          %get3A_339 = tpu.vector_load %arg9[%get3A_337, %get3A_338] {strides = array<i32>} : memref<64x768xf32, #tpu.memory_space<vmem>>, vector<16xf32>,
          %add3A_340 = arith.addf %while3A_241, %get3A_339 : vector<16xf32>
          %get3A_341 = arith.index_cast %sub3A_273 : i32 to index
          %get3A_342 = arith.constant 272 : index
          %get3A_343 = tpu.vector_load %arg9[%get3A_341, %get3A_342] {strides = array<i32>} : memref<64x768xf32, #tpu.memory_space<vmem>>, vector<16xf32>,
          %add3A_344 = arith.addf %while3A_242, %get3A_343 : vector<16xf32>
          %get3A_345 = arith.index_cast %sub3A_273 : i32 to index
          %get3A_346 = arith.constant 288 : index
          %get3A_347 = tpu.vector_load %arg9[%get3A_345, %get3A_346] {strides = array<i32>} : memref<64x768xf32, #tpu.memory_space<vmem>>, vector<16xf32>,
          %add3A_348 = arith.addf %while3A_243, %get3A_347 : vector<16xf32>
          %get3A_349 = arith.index_cast %sub3A_273 : i32 to index
          %get3A_350 = arith.constant 304 : index
          %get3A_351 = tpu.vector_load %arg9[%get3A_349, %get3A_350] {strides = array<i32>} : memref<64x768xf32, #tpu.memory_space<vmem>>, vector<16xf32>,
          %add3A_352 = arith.addf %while3A_244, %get3A_351 : vector<16xf32>
          %get3A_353 = arith.index_cast %sub3A_273 : i32 to index
          %get3A_354 = arith.constant 320 : index
          %get3A_355 = tpu.vector_load %arg9[%get3A_353, %get3A_354] {strides = array<i32>} : memref<64x768xf32, #tpu.memory_space<vmem>>, vector<16xf32>,
          %add3A_356 = arith.addf %while3A_245, %get3A_355 : vector<16xf32>
          %get3A_357 = arith.index_cast %sub3A_273 : i32 to index
          %get3A_358 = arith.constant 336 : index
          %get3A_359 = tpu.vector_load %arg9[%get3A_357, %get3A_358] {strides = array<i32>} : memref<64x768xf32, #tpu.memory_space<vmem>>, vector<16xf32>,
          %add3A_360 = arith.addf %while3A_246, %get3A_359 : vector<16xf32>
          %get3A_361 = arith.index_cast %sub3A_273 : i32 to index
          %get3A_362 = arith.constant 352 : index
          %get3A_363 = tpu.vector_load %arg9[%get3A_361, %get3A_362] {strides = array<i32>} : memref<64x768xf32, #tpu.memory_space<vmem>>, vector<16xf32>,
          %add3A_364 = arith.addf %while3A_247, %get3A_363 : vector<16xf32>
          %get3A_365 = arith.index_cast %sub3A_273 : i32 to index
          %get3A_366 = arith.constant 368 : index
          %get3A_367 = tpu.vector_load %arg9[%get3A_365, %get3A_366] {strides = array<i32>} : memref<64x768xf32, #tpu.memory_space<vmem>>, vector<16xf32>,
          %add3A_368 = arith.addf %while3A_248, %get3A_367 : vector<16xf32>
          %get3A_369 = arith.index_cast %sub3A_273 : i32 to index
          %get3A_370 = arith.constant 384 : index
          %get3A_371 = tpu.vector_load %arg9[%get3A_369, %get3A_370] {strides = array<i32>} : memref<64x768xf32, #tpu.memory_space<vmem>>, vector<16xf32>,
          %add3A_372 = arith.addf %while3A_249, %get3A_371 : vector<16xf32>
          %get3A_373 = arith.index_cast %sub3A_273 : i32 to index
          %get3A_374 = arith.constant 400 : index
          %get3A_375 = tpu.vector_load %arg9[%get3A_373, %get3A_374] {strides = array<i32>} : memref<64x768xf32, #tpu.memory_space<vmem>>, vector<16xf32>,
          %add3A_376 = arith.addf %while3A_250, %get3A_375 : vector<16xf32>
          %get3A_377 = arith.index_cast %sub3A_273 : i32 to index
          %get3A_378 = arith.constant 416 : index
          %get3A_379 = tpu.vector_load %arg9[%get3A_377, %get3A_378] {strides = array<i32>} : memref<64x768xf32, #tpu.memory_space<vmem>>, vector<16xf32>,
          %add3A_380 = arith.addf %while3A_251, %get3A_379 : vector<16xf32>
          %get3A_381 = arith.index_cast %sub3A_273 : i32 to index
          %get3A_382 = arith.constant 432 : index
          %get3A_383 = tpu.vector_load %arg9[%get3A_381, %get3A_382] {strides = array<i32>} : memref<64x768xf32, #tpu.memory_space<vmem>>, vector<16xf32>,
          %add3A_384 = arith.addf %while3A_252, %get3A_383 : vector<16xf32>
          %get3A_385 = arith.index_cast %sub3A_273 : i32 to index
          %get3A_386 = arith.constant 448 : index
          %get3A_387 = tpu.vector_load %arg9[%get3A_385, %get3A_386] {strides = array<i32>} : memref<64x768xf32, #tpu.memory_space<vmem>>, vector<16xf32>,
          %add3A_388 = arith.addf %while3A_253, %get3A_387 : vector<16xf32>
          %get3A_389 = arith.index_cast %sub3A_273 : i32 to index
          %get3A_390 = arith.constant 464 : index
          %get3A_391 = tpu.vector_load %arg9[%get3A_389, %get3A_390] {strides = array<i32>} : memref<64x768xf32, #tpu.memory_space<vmem>>, vector<16xf32>,
          %add3A_392 = arith.addf %while3A_254, %get3A_391 : vector<16xf32>
          %get3A_393 = arith.index_cast %sub3A_273 : i32 to index
          %get3A_394 = arith.constant 480 : index
          %get3A_395 = tpu.vector_load %arg9[%get3A_393, %get3A_394] {strides = array<i32>} : memref<64x768xf32, #tpu.memory_space<vmem>>, vector<16xf32>,
          %add3A_396 = arith.addf %while3A_255, %get3A_395 : vector<16xf32>
          %get3A_397 = arith.index_cast %sub3A_273 : i32 to index
          %get3A_398 = arith.constant 496 : index
          %get3A_399 = tpu.vector_load %arg9[%get3A_397, %get3A_398] {strides = array<i32>} : memref<64x768xf32, #tpu.memory_space<vmem>>, vector<16xf32>,
          %add3A_400 = arith.addf %while3A_256, %get3A_399 : vector<16xf32>
          %get3A_401 = arith.index_cast %sub3A_273 : i32 to index
          %get3A_402 = arith.constant 512 : index
          %get3A_403 = tpu.vector_load %arg9[%get3A_401, %get3A_402] {strides = array<i32>} : memref<64x768xf32, #tpu.memory_space<vmem>>, vector<16xf32>,
          %add3A_404 = arith.addf %while3A_257, %get3A_403 : vector<16xf32>
          %get3A_405 = arith.index_cast %sub3A_273 : i32 to index
          %get3A_406 = arith.constant 528 : index
          %get3A_407 = tpu.vector_load %arg9[%get3A_405, %get3A_406] {strides = array<i32>} : memref<64x768xf32, #tpu.memory_space<vmem>>, vector<16xf32>,
          %add3A_408 = arith.addf %while3A_258, %get3A_407 : vector<16xf32>
          %get3A_409 = arith.index_cast %sub3A_273 : i32 to index
          %get3A_410 = arith.constant 544 : index
          %get3A_411 = tpu.vector_load %arg9[%get3A_409, %get3A_410] {strides = array<i32>} : memref<64x768xf32, #tpu.memory_space<vmem>>, vector<16xf32>,
          %add3A_412 = arith.addf %while3A_259, %get3A_411 : vector<16xf32>
          %get3A_413 = arith.index_cast %sub3A_273 : i32 to index
          %get3A_414 = arith.constant 560 : index
          %get3A_415 = tpu.vector_load %arg9[%get3A_413, %get3A_414] {strides = array<i32>} : memref<64x768xf32, #tpu.memory_space<vmem>>, vector<16xf32>,
          %add3A_416 = arith.addf %while3A_260, %get3A_415 : vector<16xf32>
          %get3A_417 = arith.index_cast %sub3A_273 : i32 to index
          %get3A_418 = arith.constant 576 : index
          %get3A_419 = tpu.vector_load %arg9[%get3A_417, %get3A_418] {strides = array<i32>} : memref<64x768xf32, #tpu.memory_space<vmem>>, vector<16xf32>,
          %add3A_420 = arith.addf %while3A_261, %get3A_419 : vector<16xf32>
          %get3A_421 = arith.index_cast %sub3A_273 : i32 to index
          %get3A_422 = arith.constant 592 : index
          %get3A_423 = tpu.vector_load %arg9[%get3A_421, %get3A_422] {strides = array<i32>} : memref<64x768xf32, #tpu.memory_space<vmem>>, vector<16xf32>,
          %add3A_424 = arith.addf %while3A_262, %get3A_423 : vector<16xf32>
          %get3A_425 = arith.index_cast %sub3A_273 : i32 to index
          %get3A_426 = arith.constant 608 : index
          %get3A_427 = tpu.vector_load %arg9[%get3A_425, %get3A_426] {strides = array<i32>} : memref<64x768xf32, #tpu.memory_space<vmem>>, vector<16xf32>,
          %add3A_428 = arith.addf %while3A_263, %get3A_427 : vector<16xf32>
          %get3A_429 = arith.index_cast %sub3A_273 : i32 to index
          %get3A_430 = arith.constant 624 : index
          %get3A_431 = tpu.vector_load %arg9[%get3A_429, %get3A_430] {strides = array<i32>} : memref<64x768xf32, #tpu.memory_space<vmem>>, vector<16xf32>,
          %add3A_432 = arith.addf %while3A_264, %get3A_431 : vector<16xf32>
          %get3A_433 = arith.index_cast %sub3A_273 : i32 to index
          %get3A_434 = arith.constant 640 : index
          %get3A_435 = tpu.vector_load %arg9[%get3A_433, %get3A_434] {strides = array<i32>} : memref<64x768xf32, #tpu.memory_space<vmem>>, vector<16xf32>,
          %add3A_436 = arith.addf %while3A_265, %get3A_435 : vector<16xf32>
          %get3A_437 = arith.index_cast %sub3A_273 : i32 to index
          %get3A_438 = arith.constant 656 : index
          %get3A_439 = tpu.vector_load %arg9[%get3A_437, %get3A_438] {strides = array<i32>} : memref<64x768xf32, #tpu.memory_space<vmem>>, vector<16xf32>,
          %add3A_440 = arith.addf %while3A_266, %get3A_439 : vector<16xf32>
          %get3A_441 = arith.index_cast %sub3A_273 : i32 to index
          %get3A_442 = arith.constant 672 : index
          %get3A_443 = tpu.vector_load %arg9[%get3A_441, %get3A_442] {strides = array<i32>} : memref<64x768xf32, #tpu.memory_space<vmem>>, vector<16xf32>,
          %add3A_444 = arith.addf %while3A_267, %get3A_443 : vector<16xf32>
          %get3A_445 = arith.index_cast %sub3A_273 : i32 to index
          %get3A_446 = arith.constant 688 : index
          %get3A_447 = tpu.vector_load %arg9[%get3A_445, %get3A_446] {strides = array<i32>} : memref<64x768xf32, #tpu.memory_space<vmem>>, vector<16xf32>,
          %add3A_448 = arith.addf %while3A_268, %get3A_447 : vector<16xf32>
          %get3A_449 = arith.index_cast %sub3A_273 : i32 to index
          %get3A_450 = arith.constant 704 : index
          %get3A_451 = tpu.vector_load %arg9[%get3A_449, %get3A_450] {strides = array<i32>} : memref<64x768xf32, #tpu.memory_space<vmem>>, vector<16xf32>,
          %add3A_452 = arith.addf %while3A_269, %get3A_451 : vector<16xf32>
          %get3A_453 = arith.index_cast %sub3A_273 : i32 to index
          %get3A_454 = arith.constant 720 : index
          %get3A_455 = tpu.vector_load %arg9[%get3A_453, %get3A_454] {strides = array<i32>} : memref<64x768xf32, #tpu.memory_space<vmem>>, vector<16xf32>,
          %add3A_456 = arith.addf %while3A_270, %get3A_455 : vector<16xf32>
          %get3A_457 = arith.index_cast %sub3A_273 : i32 to index
          %get3A_458 = arith.constant 736 : index
          %get3A_459 = tpu.vector_load %arg9[%get3A_457, %get3A_458] {strides = array<i32>} : memref<64x768xf32, #tpu.memory_space<vmem>>, vector<16xf32>,
          %add3A_460 = arith.addf %while3A_271, %get3A_459 : vector<16xf32>
          %get3A_461 = arith.index_cast %sub3A_273 : i32 to index
          %get3A_462 = arith.constant 752 : index
          %get3A_463 = tpu.vector_load %arg9[%get3A_461, %get3A_462] {strides = array<i32>} : memref<64x768xf32, #tpu.memory_space<vmem>>, vector<16xf32>,
          %add3A_464 = arith.addf %while3A_272, %get3A_463 : vector<16xf32>
          scf.yield %add3A_276, %add3A_280, %add3A_284, %add3A_288, %add3A_292, %add3A_296, %add3A_300, %add3A_304, %add3A_308, %add3A_312, %add3A_316, %add3A_320, %add3A_324, %add3A_328, %add3A_332, %add3A_336, %add3A_340, %add3A_344, %add3A_348, %add3A_352, %add3A_356, %add3A_360, %add3A_364, %add3A_368, %add3A_372, %add3A_376, %add3A_380, %add3A_384, %add3A_388, %add3A_392, %add3A_396, %add3A_400, %add3A_404, %add3A_408, %add3A_412, %add3A_416, %add3A_420, %add3A_424, %add3A_428, %add3A_432, %add3A_436, %add3A_440, %add3A_444, %add3A_448, %add3A_452, %add3A_456, %add3A_460, %add3A_464 : vector<16xf32>, vector<16xf32>, vector<16xf32>, vector<16xf32>, vector<16xf32>, vector<16xf32>, vector<16xf32>, vector<16xf32>, vector<16xf32>, vector<16xf32>, vector<16xf32>, vector<16xf32>, vector<16xf32>, vector<16xf32>, vector<16xf32>, vector<16xf32>, vector<16xf32>, vector<16xf32>, vector<16xf32>, vector<16xf32>, vector<16xf32>, vector<16xf32>, vector<16xf32>, vector<16xf32>, vector<16xf32>, vector<16xf32>, vector<16xf32>, vector<16xf32>, vector<16xf32>, vector<16xf32>, vector<16xf32>, vector<16xf32>, vector<16xf32>, vector<16xf32>, vector<16xf32>, vector<16xf32>, vector<16xf32>, vector<16xf32>, vector<16xf32>, vector<16xf32>, vector<16xf32>, vector<16xf32>, vector<16xf32>, vector<16xf32>, vector<16xf32>, vector<16xf32>, vector<16xf32>, vector<16xf32>
        }
        %gt3A = arith.cmpi sgt, %min3A, %max3A : i32
        %convert_element_type3A_221 = arith.extui %gt3A : i1 to i32
        %cond3A_222 = arith.constant 0 : i32
        %cond3A_223 = arith.cmpi ne, %convert_element_type3A_221, %cond3A_222 : i32
        scf.if %cond3A_223 {
          %swap3A = arith.index_cast %select_n3A_211 : i32 to index
          %swap3A_224 = arith.constant 0 : index
          %swap3A_225 = tpu.vector_load %arg12[%swap3A, %swap3A_224] {strides = array<i32>} : memref<16x768xf32, #tpu.memory_space<vmem>>, vector<16xf32>,
          tpu.vector_store %arg12[%swap3A, %swap3A_224], %while3A_220#0 {add = true, strides = array<i32>} : memref<16x768xf32, #tpu.memory_space<vmem>>, vector<16xf32>,
          %swap3A_226 = arith.index_cast %select_n3A_211 : i32 to index
          %swap3A_227 = arith.constant 16 : index
          %swap3A_228 = tpu.vector_load %arg12[%swap3A_226, %swap3A_227] {strides = array<i32>} : memref<16x768xf32, #tpu.memory_space<vmem>>, vector<16xf32>,
          tpu.vector_store %arg12[%swap3A_226, %swap3A_227], %while3A_220#1 {add = true, strides = array<i32>} : memref<16x768xf32, #tpu.memory_space<vmem>>, vector<16xf32>,
          %swap3A_229 = arith.index_cast %select_n3A_211 : i32 to index
          %swap3A_230 = arith.constant 32 : index
          %swap3A_231 = tpu.vector_load %arg12[%swap3A_229, %swap3A_230] {strides = array<i32>} : memref<16x768xf32, #tpu.memory_space<vmem>>, vector<16xf32>,
          tpu.vector_store %arg12[%swap3A_229, %swap3A_230], %while3A_220#2 {add = true, strides = array<i32>} : memref<16x768xf32, #tpu.memory_space<vmem>>, vector<16xf32>,
          %swap3A_232 = arith.index_cast %select_n3A_211 : i32 to index
          %swap3A_233 = arith.constant 48 : index
          %swap3A_234 = tpu.vector_load %arg12[%swap3A_232, %swap3A_233] {strides = array<i32>} : memref<16x768xf32, #tpu.memory_space<vmem>>, vector<16xf32>,
          tpu.vector_store %arg12[%swap3A_232, %swap3A_233], %while3A_220#3 {add = true, strides = array<i32>} : memref<16x768xf32, #tpu.memory_space<vmem>>, vector<16xf32>,
          %swap3A_235 = arith.index_cast %select_n3A_211 : i32 to index
          %swap3A_236 = arith.constant 64 : index
          %swap3A_237 = tpu.vector_load %arg12[%swap3A_235, %swap3A_236] {strides = array<i32>} : memref<16x768xf32, #tpu.memory_space<vmem>>, vector<16xf32>,
          tpu.vector_store %arg12[%swap3A_235, %swap3A_236], %while3A_220#4 {add = true, strides = array<i32>} : memref<16x768xf32, #tpu.memory_space<vmem>>, vector<16xf32>,
          %swap3A_238 = arith.index_cast %select_n3A_211 : i32 to index
          %swap3A_239 = arith.constant 80 : index
          %swap3A_240 = tpu.vector_load %arg12[%swap3A_238, %swap3A_239] {strides = array<i32>} : memref<16x768xf32, #tpu.memory_space<vmem>>, vector<16xf32>,
          tpu.vector_store %arg12[%swap3A_238, %swap3A_239], %while3A_220#5 {add = true, strides = array<i32>} : memref<16x768xf32, #tpu.memory_space<vmem>>, vector<16xf32>,
          %swap3A_241 = arith.index_cast %select_n3A_211 : i32 to index
          %swap3A_242 = arith.constant 96 : index
          %swap3A_243 = tpu.vector_load %arg12[%swap3A_241, %swap3A_242] {strides = array<i32>} : memref<16x768xf32, #tpu.memory_space<vmem>>, vector<16xf32>,
          tpu.vector_store %arg12[%swap3A_241, %swap3A_242], %while3A_220#6 {add = true, strides = array<i32>} : memref<16x768xf32, #tpu.memory_space<vmem>>, vector<16xf32>,
          %swap3A_244 = arith.index_cast %select_n3A_211 : i32 to index
          %swap3A_245 = arith.constant 112 : index
          %swap3A_246 = tpu.vector_load %arg12[%swap3A_244, %swap3A_245] {strides = array<i32>} : memref<16x768xf32, #tpu.memory_space<vmem>>, vector<16xf32>,
          tpu.vector_store %arg12[%swap3A_244, %swap3A_245], %while3A_220#7 {add = true, strides = array<i32>} : memref<16x768xf32, #tpu.memory_space<vmem>>, vector<16xf32>,
          %swap3A_247 = arith.index_cast %select_n3A_211 : i32 to index
          %swap3A_248 = arith.constant 128 : index
          %swap3A_249 = tpu.vector_load %arg12[%swap3A_247, %swap3A_248] {strides = array<i32>} : memref<16x768xf32, #tpu.memory_space<vmem>>, vector<16xf32>,
          tpu.vector_store %arg12[%swap3A_247, %swap3A_248], %while3A_220#8 {add = true, strides = array<i32>} : memref<16x768xf32, #tpu.memory_space<vmem>>, vector<16xf32>,
          %swap3A_250 = arith.index_cast %select_n3A_211 : i32 to index
          %swap3A_251 = arith.constant 144 : index
          %swap3A_252 = tpu.vector_load %arg12[%swap3A_250, %swap3A_251] {strides = array<i32>} : memref<16x768xf32, #tpu.memory_space<vmem>>, vector<16xf32>,
          tpu.vector_store %arg12[%swap3A_250, %swap3A_251], %while3A_220#9 {add = true, strides = array<i32>} : memref<16x768xf32, #tpu.memory_space<vmem>>, vector<16xf32>,
          %swap3A_253 = arith.index_cast %select_n3A_211 : i32 to index
          %swap3A_254 = arith.constant 160 : index
          %swap3A_255 = tpu.vector_load %arg12[%swap3A_253, %swap3A_254] {strides = array<i32>} : memref<16x768xf32, #tpu.memory_space<vmem>>, vector<16xf32>,
          tpu.vector_store %arg12[%swap3A_253, %swap3A_254], %while3A_220#10 {add = true, strides = array<i32>} : memref<16x768xf32, #tpu.memory_space<vmem>>, vector<16xf32>,
          %swap3A_256 = arith.index_cast %select_n3A_211 : i32 to index
          %swap3A_257 = arith.constant 176 : index
          %swap3A_258 = tpu.vector_load %arg12[%swap3A_256, %swap3A_257] {strides = array<i32>} : memref<16x768xf32, #tpu.memory_space<vmem>>, vector<16xf32>,
          tpu.vector_store %arg12[%swap3A_256, %swap3A_257], %while3A_220#11 {add = true, strides = array<i32>} : memref<16x768xf32, #tpu.memory_space<vmem>>, vector<16xf32>,
          %swap3A_259 = arith.index_cast %select_n3A_211 : i32 to index
          %swap3A_260 = arith.constant 192 : index
          %swap3A_261 = tpu.vector_load %arg12[%swap3A_259, %swap3A_260] {strides = array<i32>} : memref<16x768xf32, #tpu.memory_space<vmem>>, vector<16xf32>,
          tpu.vector_store %arg12[%swap3A_259, %swap3A_260], %while3A_220#12 {add = true, strides = array<i32>} : memref<16x768xf32, #tpu.memory_space<vmem>>, vector<16xf32>,
          %swap3A_262 = arith.index_cast %select_n3A_211 : i32 to index
          %swap3A_263 = arith.constant 208 : index
          %swap3A_264 = tpu.vector_load %arg12[%swap3A_262, %swap3A_263] {strides = array<i32>} : memref<16x768xf32, #tpu.memory_space<vmem>>, vector<16xf32>,
          tpu.vector_store %arg12[%swap3A_262, %swap3A_263], %while3A_220#13 {add = true, strides = array<i32>} : memref<16x768xf32, #tpu.memory_space<vmem>>, vector<16xf32>,
          %swap3A_265 = arith.index_cast %select_n3A_211 : i32 to index
          %swap3A_266 = arith.constant 224 : index
          %swap3A_267 = tpu.vector_load %arg12[%swap3A_265, %swap3A_266] {strides = array<i32>} : memref<16x768xf32, #tpu.memory_space<vmem>>, vector<16xf32>,
          tpu.vector_store %arg12[%swap3A_265, %swap3A_266], %while3A_220#14 {add = true, strides = array<i32>} : memref<16x768xf32, #tpu.memory_space<vmem>>, vector<16xf32>,
          %swap3A_268 = arith.index_cast %select_n3A_211 : i32 to index
          %swap3A_269 = arith.constant 240 : index
          %swap3A_270 = tpu.vector_load %arg12[%swap3A_268, %swap3A_269] {strides = array<i32>} : memref<16x768xf32, #tpu.memory_space<vmem>>, vector<16xf32>,
          tpu.vector_store %arg12[%swap3A_268, %swap3A_269], %while3A_220#15 {add = true, strides = array<i32>} : memref<16x768xf32, #tpu.memory_space<vmem>>, vector<16xf32>,
          %swap3A_271 = arith.index_cast %select_n3A_211 : i32 to index
          %swap3A_272 = arith.constant 256 : index
          %swap3A_273 = tpu.vector_load %arg12[%swap3A_271, %swap3A_272] {strides = array<i32>} : memref<16x768xf32, #tpu.memory_space<vmem>>, vector<16xf32>,
          tpu.vector_store %arg12[%swap3A_271, %swap3A_272], %while3A_220#16 {add = true, strides = array<i32>} : memref<16x768xf32, #tpu.memory_space<vmem>>, vector<16xf32>,
          %swap3A_274 = arith.index_cast %select_n3A_211 : i32 to index
          %swap3A_275 = arith.constant 272 : index
          %swap3A_276 = tpu.vector_load %arg12[%swap3A_274, %swap3A_275] {strides = array<i32>} : memref<16x768xf32, #tpu.memory_space<vmem>>, vector<16xf32>,
          tpu.vector_store %arg12[%swap3A_274, %swap3A_275], %while3A_220#17 {add = true, strides = array<i32>} : memref<16x768xf32, #tpu.memory_space<vmem>>, vector<16xf32>,
          %swap3A_277 = arith.index_cast %select_n3A_211 : i32 to index
          %swap3A_278 = arith.constant 288 : index
          %swap3A_279 = tpu.vector_load %arg12[%swap3A_277, %swap3A_278] {strides = array<i32>} : memref<16x768xf32, #tpu.memory_space<vmem>>, vector<16xf32>,
          tpu.vector_store %arg12[%swap3A_277, %swap3A_278], %while3A_220#18 {add = true, strides = array<i32>} : memref<16x768xf32, #tpu.memory_space<vmem>>, vector<16xf32>,
          %swap3A_280 = arith.index_cast %select_n3A_211 : i32 to index
          %swap3A_281 = arith.constant 304 : index
          %swap3A_282 = tpu.vector_load %arg12[%swap3A_280, %swap3A_281] {strides = array<i32>} : memref<16x768xf32, #tpu.memory_space<vmem>>, vector<16xf32>,
          tpu.vector_store %arg12[%swap3A_280, %swap3A_281], %while3A_220#19 {add = true, strides = array<i32>} : memref<16x768xf32, #tpu.memory_space<vmem>>, vector<16xf32>,
          %swap3A_283 = arith.index_cast %select_n3A_211 : i32 to index
          %swap3A_284 = arith.constant 320 : index
          %swap3A_285 = tpu.vector_load %arg12[%swap3A_283, %swap3A_284] {strides = array<i32>} : memref<16x768xf32, #tpu.memory_space<vmem>>, vector<16xf32>,
          tpu.vector_store %arg12[%swap3A_283, %swap3A_284], %while3A_220#20 {add = true, strides = array<i32>} : memref<16x768xf32, #tpu.memory_space<vmem>>, vector<16xf32>,
          %swap3A_286 = arith.index_cast %select_n3A_211 : i32 to index
          %swap3A_287 = arith.constant 336 : index
          %swap3A_288 = tpu.vector_load %arg12[%swap3A_286, %swap3A_287] {strides = array<i32>} : memref<16x768xf32, #tpu.memory_space<vmem>>, vector<16xf32>,
          tpu.vector_store %arg12[%swap3A_286, %swap3A_287], %while3A_220#21 {add = true, strides = array<i32>} : memref<16x768xf32, #tpu.memory_space<vmem>>, vector<16xf32>,
          %swap3A_289 = arith.index_cast %select_n3A_211 : i32 to index
          %swap3A_290 = arith.constant 352 : index
          %swap3A_291 = tpu.vector_load %arg12[%swap3A_289, %swap3A_290] {strides = array<i32>} : memref<16x768xf32, #tpu.memory_space<vmem>>, vector<16xf32>,
          tpu.vector_store %arg12[%swap3A_289, %swap3A_290], %while3A_220#22 {add = true, strides = array<i32>} : memref<16x768xf32, #tpu.memory_space<vmem>>, vector<16xf32>,
          %swap3A_292 = arith.index_cast %select_n3A_211 : i32 to index
          %swap3A_293 = arith.constant 368 : index
          %swap3A_294 = tpu.vector_load %arg12[%swap3A_292, %swap3A_293] {strides = array<i32>} : memref<16x768xf32, #tpu.memory_space<vmem>>, vector<16xf32>,
          tpu.vector_store %arg12[%swap3A_292, %swap3A_293], %while3A_220#23 {add = true, strides = array<i32>} : memref<16x768xf32, #tpu.memory_space<vmem>>, vector<16xf32>,
          %swap3A_295 = arith.index_cast %select_n3A_211 : i32 to index
          %swap3A_296 = arith.constant 384 : index
          %swap3A_297 = tpu.vector_load %arg12[%swap3A_295, %swap3A_296] {strides = array<i32>} : memref<16x768xf32, #tpu.memory_space<vmem>>, vector<16xf32>,
          tpu.vector_store %arg12[%swap3A_295, %swap3A_296], %while3A_220#24 {add = true, strides = array<i32>} : memref<16x768xf32, #tpu.memory_space<vmem>>, vector<16xf32>,
          %swap3A_298 = arith.index_cast %select_n3A_211 : i32 to index
          %swap3A_299 = arith.constant 400 : index
          %swap3A_300 = tpu.vector_load %arg12[%swap3A_298, %swap3A_299] {strides = array<i32>} : memref<16x768xf32, #tpu.memory_space<vmem>>, vector<16xf32>,
          tpu.vector_store %arg12[%swap3A_298, %swap3A_299], %while3A_220#25 {add = true, strides = array<i32>} : memref<16x768xf32, #tpu.memory_space<vmem>>, vector<16xf32>,
          %swap3A_301 = arith.index_cast %select_n3A_211 : i32 to index
          %swap3A_302 = arith.constant 416 : index
          %swap3A_303 = tpu.vector_load %arg12[%swap3A_301, %swap3A_302] {strides = array<i32>} : memref<16x768xf32, #tpu.memory_space<vmem>>, vector<16xf32>,
          tpu.vector_store %arg12[%swap3A_301, %swap3A_302], %while3A_220#26 {add = true, strides = array<i32>} : memref<16x768xf32, #tpu.memory_space<vmem>>, vector<16xf32>,
          %swap3A_304 = arith.index_cast %select_n3A_211 : i32 to index
          %swap3A_305 = arith.constant 432 : index
          %swap3A_306 = tpu.vector_load %arg12[%swap3A_304, %swap3A_305] {strides = array<i32>} : memref<16x768xf32, #tpu.memory_space<vmem>>, vector<16xf32>,
          tpu.vector_store %arg12[%swap3A_304, %swap3A_305], %while3A_220#27 {add = true, strides = array<i32>} : memref<16x768xf32, #tpu.memory_space<vmem>>, vector<16xf32>,
          %swap3A_307 = arith.index_cast %select_n3A_211 : i32 to index
          %swap3A_308 = arith.constant 448 : index
          %swap3A_309 = tpu.vector_load %arg12[%swap3A_307, %swap3A_308] {strides = array<i32>} : memref<16x768xf32, #tpu.memory_space<vmem>>, vector<16xf32>,
          tpu.vector_store %arg12[%swap3A_307, %swap3A_308], %while3A_220#28 {add = true, strides = array<i32>} : memref<16x768xf32, #tpu.memory_space<vmem>>, vector<16xf32>,
          %swap3A_310 = arith.index_cast %select_n3A_211 : i32 to index
          %swap3A_311 = arith.constant 464 : index
          %swap3A_312 = tpu.vector_load %arg12[%swap3A_310, %swap3A_311] {strides = array<i32>} : memref<16x768xf32, #tpu.memory_space<vmem>>, vector<16xf32>,
          tpu.vector_store %arg12[%swap3A_310, %swap3A_311], %while3A_220#29 {add = true, strides = array<i32>} : memref<16x768xf32, #tpu.memory_space<vmem>>, vector<16xf32>,
          %swap3A_313 = arith.index_cast %select_n3A_211 : i32 to index
          %swap3A_314 = arith.constant 480 : index
          %swap3A_315 = tpu.vector_load %arg12[%swap3A_313, %swap3A_314] {strides = array<i32>} : memref<16x768xf32, #tpu.memory_space<vmem>>, vector<16xf32>,
          tpu.vector_store %arg12[%swap3A_313, %swap3A_314], %while3A_220#30 {add = true, strides = array<i32>} : memref<16x768xf32, #tpu.memory_space<vmem>>, vector<16xf32>,
          %swap3A_316 = arith.index_cast %select_n3A_211 : i32 to index
          %swap3A_317 = arith.constant 496 : index
          %swap3A_318 = tpu.vector_load %arg12[%swap3A_316, %swap3A_317] {strides = array<i32>} : memref<16x768xf32, #tpu.memory_space<vmem>>, vector<16xf32>,
          tpu.vector_store %arg12[%swap3A_316, %swap3A_317], %while3A_220#31 {add = true, strides = array<i32>} : memref<16x768xf32, #tpu.memory_space<vmem>>, vector<16xf32>,
          %swap3A_319 = arith.index_cast %select_n3A_211 : i32 to index
          %swap3A_320 = arith.constant 512 : index
          %swap3A_321 = tpu.vector_load %arg12[%swap3A_319, %swap3A_320] {strides = array<i32>} : memref<16x768xf32, #tpu.memory_space<vmem>>, vector<16xf32>,
          tpu.vector_store %arg12[%swap3A_319, %swap3A_320], %while3A_220#32 {add = true, strides = array<i32>} : memref<16x768xf32, #tpu.memory_space<vmem>>, vector<16xf32>,
          %swap3A_322 = arith.index_cast %select_n3A_211 : i32 to index
          %swap3A_323 = arith.constant 528 : index
          %swap3A_324 = tpu.vector_load %arg12[%swap3A_322, %swap3A_323] {strides = array<i32>} : memref<16x768xf32, #tpu.memory_space<vmem>>, vector<16xf32>,
          tpu.vector_store %arg12[%swap3A_322, %swap3A_323], %while3A_220#33 {add = true, strides = array<i32>} : memref<16x768xf32, #tpu.memory_space<vmem>>, vector<16xf32>,
          %swap3A_325 = arith.index_cast %select_n3A_211 : i32 to index
          %swap3A_326 = arith.constant 544 : index
          %swap3A_327 = tpu.vector_load %arg12[%swap3A_325, %swap3A_326] {strides = array<i32>} : memref<16x768xf32, #tpu.memory_space<vmem>>, vector<16xf32>,
          tpu.vector_store %arg12[%swap3A_325, %swap3A_326], %while3A_220#34 {add = true, strides = array<i32>} : memref<16x768xf32, #tpu.memory_space<vmem>>, vector<16xf32>,
          %swap3A_328 = arith.index_cast %select_n3A_211 : i32 to index
          %swap3A_329 = arith.constant 560 : index
          %swap3A_330 = tpu.vector_load %arg12[%swap3A_328, %swap3A_329] {strides = array<i32>} : memref<16x768xf32, #tpu.memory_space<vmem>>, vector<16xf32>,
          tpu.vector_store %arg12[%swap3A_328, %swap3A_329], %while3A_220#35 {add = true, strides = array<i32>} : memref<16x768xf32, #tpu.memory_space<vmem>>, vector<16xf32>,
          %swap3A_331 = arith.index_cast %select_n3A_211 : i32 to index
          %swap3A_332 = arith.constant 576 : index
          %swap3A_333 = tpu.vector_load %arg12[%swap3A_331, %swap3A_332] {strides = array<i32>} : memref<16x768xf32, #tpu.memory_space<vmem>>, vector<16xf32>,
          tpu.vector_store %arg12[%swap3A_331, %swap3A_332], %while3A_220#36 {add = true, strides = array<i32>} : memref<16x768xf32, #tpu.memory_space<vmem>>, vector<16xf32>,
          %swap3A_334 = arith.index_cast %select_n3A_211 : i32 to index
          %swap3A_335 = arith.constant 592 : index
          %swap3A_336 = tpu.vector_load %arg12[%swap3A_334, %swap3A_335] {strides = array<i32>} : memref<16x768xf32, #tpu.memory_space<vmem>>, vector<16xf32>,
          tpu.vector_store %arg12[%swap3A_334, %swap3A_335], %while3A_220#37 {add = true, strides = array<i32>} : memref<16x768xf32, #tpu.memory_space<vmem>>, vector<16xf32>,
          %swap3A_337 = arith.index_cast %select_n3A_211 : i32 to index
          %swap3A_338 = arith.constant 608 : index
          %swap3A_339 = tpu.vector_load %arg12[%swap3A_337, %swap3A_338] {strides = array<i32>} : memref<16x768xf32, #tpu.memory_space<vmem>>, vector<16xf32>,
          tpu.vector_store %arg12[%swap3A_337, %swap3A_338], %while3A_220#38 {add = true, strides = array<i32>} : memref<16x768xf32, #tpu.memory_space<vmem>>, vector<16xf32>,
          %swap3A_340 = arith.index_cast %select_n3A_211 : i32 to index
          %swap3A_341 = arith.constant 624 : index
          %swap3A_342 = tpu.vector_load %arg12[%swap3A_340, %swap3A_341] {strides = array<i32>} : memref<16x768xf32, #tpu.memory_space<vmem>>, vector<16xf32>,
          tpu.vector_store %arg12[%swap3A_340, %swap3A_341], %while3A_220#39 {add = true, strides = array<i32>} : memref<16x768xf32, #tpu.memory_space<vmem>>, vector<16xf32>,
          %swap3A_343 = arith.index_cast %select_n3A_211 : i32 to index
          %swap3A_344 = arith.constant 640 : index
          %swap3A_345 = tpu.vector_load %arg12[%swap3A_343, %swap3A_344] {strides = array<i32>} : memref<16x768xf32, #tpu.memory_space<vmem>>, vector<16xf32>,
          tpu.vector_store %arg12[%swap3A_343, %swap3A_344], %while3A_220#40 {add = true, strides = array<i32>} : memref<16x768xf32, #tpu.memory_space<vmem>>, vector<16xf32>,
          %swap3A_346 = arith.index_cast %select_n3A_211 : i32 to index
          %swap3A_347 = arith.constant 656 : index
          %swap3A_348 = tpu.vector_load %arg12[%swap3A_346, %swap3A_347] {strides = array<i32>} : memref<16x768xf32, #tpu.memory_space<vmem>>, vector<16xf32>,
          tpu.vector_store %arg12[%swap3A_346, %swap3A_347], %while3A_220#41 {add = true, strides = array<i32>} : memref<16x768xf32, #tpu.memory_space<vmem>>, vector<16xf32>,
          %swap3A_349 = arith.index_cast %select_n3A_211 : i32 to index
          %swap3A_350 = arith.constant 672 : index
          %swap3A_351 = tpu.vector_load %arg12[%swap3A_349, %swap3A_350] {strides = array<i32>} : memref<16x768xf32, #tpu.memory_space<vmem>>, vector<16xf32>,
          tpu.vector_store %arg12[%swap3A_349, %swap3A_350], %while3A_220#42 {add = true, strides = array<i32>} : memref<16x768xf32, #tpu.memory_space<vmem>>, vector<16xf32>,
          %swap3A_352 = arith.index_cast %select_n3A_211 : i32 to index
          %swap3A_353 = arith.constant 688 : index
          %swap3A_354 = tpu.vector_load %arg12[%swap3A_352, %swap3A_353] {strides = array<i32>} : memref<16x768xf32, #tpu.memory_space<vmem>>, vector<16xf32>,
          tpu.vector_store %arg12[%swap3A_352, %swap3A_353], %while3A_220#43 {add = true, strides = array<i32>} : memref<16x768xf32, #tpu.memory_space<vmem>>, vector<16xf32>,
          %swap3A_355 = arith.index_cast %select_n3A_211 : i32 to index
          %swap3A_356 = arith.constant 704 : index
          %swap3A_357 = tpu.vector_load %arg12[%swap3A_355, %swap3A_356] {strides = array<i32>} : memref<16x768xf32, #tpu.memory_space<vmem>>, vector<16xf32>,
          tpu.vector_store %arg12[%swap3A_355, %swap3A_356], %while3A_220#44 {add = true, strides = array<i32>} : memref<16x768xf32, #tpu.memory_space<vmem>>, vector<16xf32>,
          %swap3A_358 = arith.index_cast %select_n3A_211 : i32 to index
          %swap3A_359 = arith.constant 720 : index
          %swap3A_360 = tpu.vector_load %arg12[%swap3A_358, %swap3A_359] {strides = array<i32>} : memref<16x768xf32, #tpu.memory_space<vmem>>, vector<16xf32>,
          tpu.vector_store %arg12[%swap3A_358, %swap3A_359], %while3A_220#45 {add = true, strides = array<i32>} : memref<16x768xf32, #tpu.memory_space<vmem>>, vector<16xf32>,
          %swap3A_361 = arith.index_cast %select_n3A_211 : i32 to index
          %swap3A_362 = arith.constant 736 : index
          %swap3A_363 = tpu.vector_load %arg12[%swap3A_361, %swap3A_362] {strides = array<i32>} : memref<16x768xf32, #tpu.memory_space<vmem>>, vector<16xf32>,
          tpu.vector_store %arg12[%swap3A_361, %swap3A_362], %while3A_220#46 {add = true, strides = array<i32>} : memref<16x768xf32, #tpu.memory_space<vmem>>, vector<16xf32>,
          %swap3A_364 = arith.index_cast %select_n3A_211 : i32 to index
          %swap3A_365 = arith.constant 752 : index
          %swap3A_366 = tpu.vector_load %arg12[%swap3A_364, %swap3A_365] {strides = array<i32>} : memref<16x768xf32, #tpu.memory_space<vmem>>, vector<16xf32>,
          tpu.vector_store %arg12[%swap3A_364, %swap3A_365], %while3A_220#47 {add = true, strides = array<i32>} : memref<16x768xf32, #tpu.memory_space<vmem>>, vector<16xf32>,
        } else {
        }
      }
      %scan3A_138 = arith.constant 9 : i32
      %dma_wait3A_139 = arith.constant 0 : i32
      %dma_wait3A_140 = arith.constant 0 : i32
      %dma_wait3A_141 = tpu.memref_slice %arg3[%arg1, %dma_wait3A_139, %dma_wait3A_140] : memref<16x64x768xf32, #tpu.memory_space<hbm>> -> memref<1x64x768xf32, #tpu.memory_space<hbm>>
      %dma_wait3A_142 = tpu.memref_squeeze %dma_wait3A_141 : memref<1x64x768xf32, #tpu.memory_space<hbm>> -> memref<64x768xf32, #tpu.memory_space<hbm>>
      %dma_wait3A_143 = arith.constant 0 : i32
      %dma_wait3A_144 = arith.constant 0 : i32
      %dma_wait3A_145 = tpu.memref_slice %arg3[%arg1, %dma_wait3A_143, %dma_wait3A_144] : memref<16x64x768xf32, #tpu.memory_space<hbm>> -> memref<1x64x768xf32, #tpu.memory_space<hbm>>
      %dma_wait3A_146 = tpu.memref_squeeze %dma_wait3A_145 : memref<1x64x768xf32, #tpu.memory_space<hbm>> -> memref<64x768xf32, #tpu.memory_space<hbm>>
      tpu.wait_dma2 semaphore(%arg15 : memref<!tpu.dma_semaphore, #tpu.memory_space<semaphore_mem>>) src(%dma_wait3A_146 : memref<64x768xf32, #tpu.memory_space<hbm>>) dst(%arg10 : memref<64x768xf32, #tpu.memory_space<vmem>>)
      %add3A_147 = arith.constant 2 : i32
      %add3A_148 = arith.addi %mul3A_107, %add3A_147 : i32
      %lt3A = arith.constant 16 : i32
      %lt3A_149 = arith.cmpi slt, %add3A_148, %lt3A : i32
      %convert_element_type3A_150 = arith.extui %lt3A_149 : i1 to i32
      %cond3A_151 = arith.constant 0 : i32
      %cond3A_152 = arith.cmpi ne, %convert_element_type3A_150, %cond3A_151 : i32
      scf.if %cond3A_152 {
        %add3A_172 = arith.constant 2 : i32
        %add3A_173 = arith.addi %mul3A_107, %add3A_172 : i32
        %mul3A_174 = arith.constant 64 : i32
        %mul3A_175 = arith.muli %add3A_173, %mul3A_174 : i32
        %add3A_176 = arith.addi %multiple_of3A, %mul3A_175 : i32
        %multiple_of3A_177 = tpu.assume_multiple %add3A_176, 64 : i32
        %dma_start3A_178 = arith.constant 0 : i32
        %dma_start3A_179 = tpu.memref_slice %arg2[%arg1, %multiple_of3A_177, %dma_start3A_178] : memref<16x2148x768xf32, #tpu.memory_space<hbm>> -> memref<1x64x768xf32, #tpu.memory_space<hbm>>
        %dma_start3A_180 = tpu.memref_squeeze %dma_start3A_179 : memref<1x64x768xf32, #tpu.memory_space<hbm>> -> memref<64x768xf32, #tpu.memory_space<hbm>>
        %dma_start3A_181 = arith.constant 0 : i32
        %dma_start3A_182 = tpu.memref_slice %arg2[%arg1, %multiple_of3A_177, %dma_start3A_181] : memref<16x2148x768xf32, #tpu.memory_space<hbm>> -> memref<1x64x768xf32, #tpu.memory_space<hbm>>
        %dma_start3A_183 = tpu.memref_squeeze %dma_start3A_182 : memref<1x64x768xf32, #tpu.memory_space<hbm>> -> memref<64x768xf32, #tpu.memory_space<hbm>>
        tpu.enqueue_dma source(%dma_start3A_183 : memref<64x768xf32, #tpu.memory_space<hbm>>) target(%arg9 : memref<64x768xf32, #tpu.memory_space<vmem>>) target_semaphore(%arg14 : memref<!tpu.dma_semaphore, #tpu.memory_space<semaphore_mem>>)
      } else {
      }
      %add3A_153 = arith.constant 2 : i32
      %add3A_154 = arith.addi %mul3A_107, %add3A_153 : i32
      %eq3A_155 = arith.constant 16 : i32
      %eq3A_156 = arith.cmpi eq, %add3A_154, %eq3A_155 : i32
      %convert_element_type3A_157 = arith.extui %eq3A_156 : i1 to i32
      %cond3A_158 = arith.constant 0 : i32
      %cond3A_159 = arith.cmpi ne, %convert_element_type3A_157, %cond3A_158 : i32
      scf.if %cond3A_159 {
        %eq3A_172 = arith.constant 0 : i32
        %eq3A_173 = arith.cmpi eq, %arg0, %eq3A_172 : i32
        %convert_element_type3A_174 = arith.extui %eq3A_173 : i1 to i32
        %cond3A_175 = arith.constant 0 : i32
        %cond3A_176 = arith.cmpi ne, %convert_element_type3A_174, %cond3A_175 : i32
        scf.if %cond3A_176 {
          %add3A_182 = arith.constant 1024 : i32
          %add3A_183 = arith.addi %multiple_of3A, %add3A_182 : i32
          %multiple_of3A_184 = tpu.assume_multiple %add3A_183, 64 : i32
          %dma_start3A_185 = arith.constant 0 : i32
          %dma_start3A_186 = tpu.memref_slice %arg2[%arg1, %multiple_of3A_184, %dma_start3A_185] : memref<16x2148x768xf32, #tpu.memory_space<hbm>> -> memref<1x64x768xf32, #tpu.memory_space<hbm>>
          %dma_start3A_187 = tpu.memref_squeeze %dma_start3A_186 : memref<1x64x768xf32, #tpu.memory_space<hbm>> -> memref<64x768xf32, #tpu.memory_space<hbm>>
          %dma_start3A_188 = arith.constant 0 : i32
          %dma_start3A_189 = tpu.memref_slice %arg2[%arg1, %multiple_of3A_184, %dma_start3A_188] : memref<16x2148x768xf32, #tpu.memory_space<hbm>> -> memref<1x64x768xf32, #tpu.memory_space<hbm>>
          %dma_start3A_190 = tpu.memref_squeeze %dma_start3A_189 : memref<1x64x768xf32, #tpu.memory_space<hbm>> -> memref<64x768xf32, #tpu.memory_space<hbm>>
          tpu.enqueue_dma source(%dma_start3A_190 : memref<64x768xf32, #tpu.memory_space<hbm>>) target(%arg9 : memref<64x768xf32, #tpu.memory_space<vmem>>) target_semaphore(%arg14 : memref<!tpu.dma_semaphore, #tpu.memory_space<semaphore_mem>>)
        } else {
        }
        %ne3A_177 = arith.constant 0 : i32
        %ne3A_178 = arith.cmpi ne, %arg0, %ne3A_177 : i32
        %convert_element_type3A_179 = arith.extui %ne3A_178 : i1 to i32
        %cond3A_180 = arith.constant 0 : i32
        %cond3A_181 = arith.cmpi ne, %convert_element_type3A_179, %cond3A_180 : i32
        scf.if %cond3A_181 {
          %dma_start3A_182 = arith.constant 0 : i32
          %dma_start3A_183 = arith.constant 0 : i32
          %dma_start3A_184 = tpu.memref_slice %arg3[%arg1, %dma_start3A_182, %dma_start3A_183] : memref<16x64x768xf32, #tpu.memory_space<hbm>> -> memref<1x64x768xf32, #tpu.memory_space<hbm>>
          %dma_start3A_185 = tpu.memref_squeeze %dma_start3A_184 : memref<1x64x768xf32, #tpu.memory_space<hbm>> -> memref<64x768xf32, #tpu.memory_space<hbm>>
          %dma_start3A_186 = arith.constant 0 : i32
          %dma_start3A_187 = arith.constant 0 : i32
          %dma_start3A_188 = tpu.memref_slice %arg3[%arg1, %dma_start3A_186, %dma_start3A_187] : memref<16x64x768xf32, #tpu.memory_space<hbm>> -> memref<1x64x768xf32, #tpu.memory_space<hbm>>
          %dma_start3A_189 = tpu.memref_squeeze %dma_start3A_188 : memref<1x64x768xf32, #tpu.memory_space<hbm>> -> memref<64x768xf32, #tpu.memory_space<hbm>>
          tpu.enqueue_dma source(%dma_start3A_189 : memref<64x768xf32, #tpu.memory_space<hbm>>) target(%arg9 : memref<64x768xf32, #tpu.memory_space<vmem>>) target_semaphore(%arg14 : memref<!tpu.dma_semaphore, #tpu.memory_space<semaphore_mem>>)
        } else {
        }
      } else {
      }
      %add3A_160 = arith.constant 64 : i32
      %add3A_161 = arith.addi %add3A_110, %add3A_160 : i32
      %add3A_162 = arith.constant 64 : i32
      %add3A_163 = arith.addi %add3A_110, %add3A_162 : i32
      %add3A_164 = arith.constant 128 : i32
      %add3A_165 = arith.addi %add3A_110, %add3A_164 : i32
      %scan3A_166 = arith.constant 0 : i32
      %scan3A_167 = arith.constant 0 : i32
      %scan3A_168 = arith.constant 9 : i32
      %scan3A_169 = arith.addi %scan3A_167, %scan3A_168 : i32
      %scan3A_170 = arith.constant 1 : i32
      scf.for %scan3A_172 = %scan3A_167 to %scan3A_169 step %scan3A_170  : i32 {
        %eq3A_173 = arith.constant 0 : i32
        %eq3A_174 = arith.cmpi eq, %scan3A_172, %eq3A_173 : i32
        %eq3A_175 = vector.broadcast %scan3A_172 : i32 to vector<16xi32>
        %eq3A_176 = arith.cmpi eq, %iota3A, %eq3A_175 : vector<16xi32>
        %jit3A = arith.constant 0 : i32
        %broadcast_in_dim3A_177 = vector.broadcast %jit3A : i32 to vector<16xi32>
        %select_n3A_178 = arith.select %eq3A_176, %select_n3A_68, %broadcast_in_dim3A_177 : vector<16xi1>, vector<16xi32>
        %reduce_max3A = arith.constant true
        %reduce_max3A_179 = vector.broadcast %reduce_max3A : i1 to vector<16xi1>
        %reduce_max3A_180 = arith.constant -2147483648 : i32
        %reduce_max3A_181 = vector.broadcast %reduce_max3A_180 : i32 to vector<16xi32>
        %reduce_max3A_182 = arith.xori %select_n3A_178, %reduce_max3A_181 : vector<16xi32>
        %reduce_max3A_183 = tpu.scan <max>, %reduce_max3A_182 masked %reduce_max3A_179 : vector<16xi32>, vector<16xi1> -> vector<16xi32>
        %reduce_max3A_184 = arith.xori %reduce_max3A_183, %reduce_max3A_181 : vector<16xi32>
        %reduce_max3A_185 = vector.extract %reduce_max3A_184[15] : i32 from vector<16xi32>
        %jit3A_186 = arith.constant 0 : i32
        %select_n3A_187 = arith.select %eq3A_174, %jit3A_186, %reduce_max3A_185 : i32
        %eq3A_188 = arith.constant 0 : i32
        %eq3A_189 = arith.cmpi eq, %scan3A_172, %eq3A_188 : i32
        %add3A_190 = arith.constant 1 : i32
        %add3A_191 = arith.addi %scan3A_172, %add3A_190 : i32
        %eq3A_192 = vector.broadcast %add3A_191 : i32 to vector<16xi32>
        %eq3A_193 = arith.cmpi eq, %iota3A, %eq3A_192 : vector<16xi32>
        %jit3A_194 = arith.constant 0 : i32
        %broadcast_in_dim3A_195 = vector.broadcast %jit3A_194 : i32 to vector<16xi32>
        %select_n3A_196 = arith.select %eq3A_193, %select_n3A_68, %broadcast_in_dim3A_195 : vector<16xi1>, vector<16xi32>
        %reduce_max3A_197 = arith.constant true
        %reduce_max3A_198 = vector.broadcast %reduce_max3A_197 : i1 to vector<16xi1>
        %reduce_max3A_199 = arith.constant -2147483648 : i32
        %reduce_max3A_200 = vector.broadcast %reduce_max3A_199 : i32 to vector<16xi32>
        %reduce_max3A_201 = arith.xori %select_n3A_196, %reduce_max3A_200 : vector<16xi32>
        %reduce_max3A_202 = tpu.scan <max>, %reduce_max3A_201 masked %reduce_max3A_198 : vector<16xi32>, vector<16xi1> -> vector<16xi32>
        %reduce_max3A_203 = arith.xori %reduce_max3A_202, %reduce_max3A_200 : vector<16xi32>
        %reduce_max3A_204 = vector.extract %reduce_max3A_203[15] : i32 from vector<16xi32>
        %jit3A_205 = arith.constant 100 : i32
        %select_n3A_206 = arith.select %eq3A_189, %jit3A_205, %reduce_max3A_204 : i32
        %eq3A_207 = arith.constant 0 : i32
        %eq3A_208 = arith.cmpi eq, %scan3A_172, %eq3A_207 : i32
        %sub3A = arith.constant 1 : i32
        %sub3A_209 = arith.subi %scan3A_172, %sub3A : i32
        %jit3A_210 = arith.constant 8 : i32
        %select_n3A_211 = arith.select %eq3A_208, %jit3A_210, %sub3A_209 : i32
        %max3A = arith.maxsi %select_n3A_187, %add3A_163 : i32
        %min3A = arith.minsi %select_n3A_206, %add3A_165 : i32
        %while3A = arith.subi %min3A, %max3A : i32
        %while3A_212 = arith.addi %max3A, %while3A : i32
        %while3A_213 = arith.constant 1 : i32
        %while3A_214 = arith.divsi %while3A, %while3A_213 : i32
        %while3A_215 = arith.muli %while3A_214, %while3A_213 : i32
        %while3A_216 = arith.addi %max3A, %while3A_215 : i32
        %while3A_217 = arith.constant 1 : i32
        %while3A_218:48 = scf.for %while3A_224 = %max3A to %while3A_216 step %while3A_217 iter_args(%while3A_225 = %broadcast_in_dim3A_15, %while3A_226 = %broadcast_in_dim3A_15, %while3A_227 = %broadcast_in_dim3A_15, %while3A_228 = %broadcast_in_dim3A_15, %while3A_229 = %broadcast_in_dim3A_15, %while3A_230 = %broadcast_in_dim3A_15, %while3A_231 = %broadcast_in_dim3A_15, %while3A_232 = %broadcast_in_dim3A_15, %while3A_233 = %broadcast_in_dim3A_15, %while3A_234 = %broadcast_in_dim3A_15, %while3A_235 = %broadcast_in_dim3A_15, %while3A_236 = %broadcast_in_dim3A_15, %while3A_237 = %broadcast_in_dim3A_15, %while3A_238 = %broadcast_in_dim3A_15, %while3A_239 = %broadcast_in_dim3A_15, %while3A_240 = %broadcast_in_dim3A_15, %while3A_241 = %broadcast_in_dim3A_15, %while3A_242 = %broadcast_in_dim3A_15, %while3A_243 = %broadcast_in_dim3A_15, %while3A_244 = %broadcast_in_dim3A_15, %while3A_245 = %broadcast_in_dim3A_15, %while3A_246 = %broadcast_in_dim3A_15, %while3A_247 = %broadcast_in_dim3A_15, %while3A_248 = %broadcast_in_dim3A_15, %while3A_249 = %broadcast_in_dim3A_15, %while3A_250 = %broadcast_in_dim3A_15, %while3A_251 = %broadcast_in_dim3A_15, %while3A_252 = %broadcast_in_dim3A_15, %while3A_253 = %broadcast_in_dim3A_15, %while3A_254 = %broadcast_in_dim3A_15, %while3A_255 = %broadcast_in_dim3A_15, %while3A_256 = %broadcast_in_dim3A_15, %while3A_257 = %broadcast_in_dim3A_15, %while3A_258 = %broadcast_in_dim3A_15, %while3A_259 = %broadcast_in_dim3A_15, %while3A_260 = %broadcast_in_dim3A_15, %while3A_261 = %broadcast_in_dim3A_15, %while3A_262 = %broadcast_in_dim3A_15, %while3A_263 = %broadcast_in_dim3A_15, %while3A_264 = %broadcast_in_dim3A_15, %while3A_265 = %broadcast_in_dim3A_15, %while3A_266 = %broadcast_in_dim3A_15, %while3A_267 = %broadcast_in_dim3A_15, %while3A_268 = %broadcast_in_dim3A_15, %while3A_269 = %broadcast_in_dim3A_15, %while3A_270 = %broadcast_in_dim3A_15, %while3A_271 = %broadcast_in_dim3A_15, %while3A_272 = %broadcast_in_dim3A_15) -> (vector<16xf32>, vector<16xf32>, vector<16xf32>, vector<16xf32>, vector<16xf32>, vector<16xf32>, vector<16xf32>, vector<16xf32>, vector<16xf32>, vector<16xf32>, vector<16xf32>, vector<16xf32>, vector<16xf32>, vector<16xf32>, vector<16xf32>, vector<16xf32>, vector<16xf32>, vector<16xf32>, vector<16xf32>, vector<16xf32>, vector<16xf32>, vector<16xf32>, vector<16xf32>, vector<16xf32>, vector<16xf32>, vector<16xf32>, vector<16xf32>, vector<16xf32>, vector<16xf32>, vector<16xf32>, vector<16xf32>, vector<16xf32>, vector<16xf32>, vector<16xf32>, vector<16xf32>, vector<16xf32>, vector<16xf32>, vector<16xf32>, vector<16xf32>, vector<16xf32>, vector<16xf32>, vector<16xf32>, vector<16xf32>, vector<16xf32>, vector<16xf32>, vector<16xf32>, vector<16xf32>, vector<16xf32>)  : i32 {
          %sub3A_273 = arith.subi %while3A_224, %add3A_161 : i32
          %get3A = arith.index_cast %sub3A_273 : i32 to index
          %get3A_274 = arith.constant 0 : index
          %get3A_275 = tpu.vector_load %arg10[%get3A, %get3A_274] {strides = array<i32>} : memref<64x768xf32, #tpu.memory_space<vmem>>, vector<16xf32>,
          %add3A_276 = arith.addf %while3A_225, %get3A_275 : vector<16xf32>
          %get3A_277 = arith.index_cast %sub3A_273 : i32 to index
          %get3A_278 = arith.constant 16 : index
          %get3A_279 = tpu.vector_load %arg10[%get3A_277, %get3A_278] {strides = array<i32>} : memref<64x768xf32, #tpu.memory_space<vmem>>, vector<16xf32>,
          %add3A_280 = arith.addf %while3A_226, %get3A_279 : vector<16xf32>
          %get3A_281 = arith.index_cast %sub3A_273 : i32 to index
          %get3A_282 = arith.constant 32 : index
          %get3A_283 = tpu.vector_load %arg10[%get3A_281, %get3A_282] {strides = array<i32>} : memref<64x768xf32, #tpu.memory_space<vmem>>, vector<16xf32>,
          %add3A_284 = arith.addf %while3A_227, %get3A_283 : vector<16xf32>
          %get3A_285 = arith.index_cast %sub3A_273 : i32 to index
          %get3A_286 = arith.constant 48 : index
          %get3A_287 = tpu.vector_load %arg10[%get3A_285, %get3A_286] {strides = array<i32>} : memref<64x768xf32, #tpu.memory_space<vmem>>, vector<16xf32>,
          %add3A_288 = arith.addf %while3A_228, %get3A_287 : vector<16xf32>
          %get3A_289 = arith.index_cast %sub3A_273 : i32 to index
          %get3A_290 = arith.constant 64 : index
          %get3A_291 = tpu.vector_load %arg10[%get3A_289, %get3A_290] {strides = array<i32>} : memref<64x768xf32, #tpu.memory_space<vmem>>, vector<16xf32>,
          %add3A_292 = arith.addf %while3A_229, %get3A_291 : vector<16xf32>
          %get3A_293 = arith.index_cast %sub3A_273 : i32 to index
          %get3A_294 = arith.constant 80 : index
          %get3A_295 = tpu.vector_load %arg10[%get3A_293, %get3A_294] {strides = array<i32>} : memref<64x768xf32, #tpu.memory_space<vmem>>, vector<16xf32>,
          %add3A_296 = arith.addf %while3A_230, %get3A_295 : vector<16xf32>
          %get3A_297 = arith.index_cast %sub3A_273 : i32 to index
          %get3A_298 = arith.constant 96 : index
          %get3A_299 = tpu.vector_load %arg10[%get3A_297, %get3A_298] {strides = array<i32>} : memref<64x768xf32, #tpu.memory_space<vmem>>, vector<16xf32>,
          %add3A_300 = arith.addf %while3A_231, %get3A_299 : vector<16xf32>
          %get3A_301 = arith.index_cast %sub3A_273 : i32 to index
          %get3A_302 = arith.constant 112 : index
          %get3A_303 = tpu.vector_load %arg10[%get3A_301, %get3A_302] {strides = array<i32>} : memref<64x768xf32, #tpu.memory_space<vmem>>, vector<16xf32>,
          %add3A_304 = arith.addf %while3A_232, %get3A_303 : vector<16xf32>
          %get3A_305 = arith.index_cast %sub3A_273 : i32 to index
          %get3A_306 = arith.constant 128 : index
          %get3A_307 = tpu.vector_load %arg10[%get3A_305, %get3A_306] {strides = array<i32>} : memref<64x768xf32, #tpu.memory_space<vmem>>, vector<16xf32>,
          %add3A_308 = arith.addf %while3A_233, %get3A_307 : vector<16xf32>
          %get3A_309 = arith.index_cast %sub3A_273 : i32 to index
          %get3A_310 = arith.constant 144 : index
          %get3A_311 = tpu.vector_load %arg10[%get3A_309, %get3A_310] {strides = array<i32>} : memref<64x768xf32, #tpu.memory_space<vmem>>, vector<16xf32>,
          %add3A_312 = arith.addf %while3A_234, %get3A_311 : vector<16xf32>
          %get3A_313 = arith.index_cast %sub3A_273 : i32 to index
          %get3A_314 = arith.constant 160 : index
          %get3A_315 = tpu.vector_load %arg10[%get3A_313, %get3A_314] {strides = array<i32>} : memref<64x768xf32, #tpu.memory_space<vmem>>, vector<16xf32>,
          %add3A_316 = arith.addf %while3A_235, %get3A_315 : vector<16xf32>
          %get3A_317 = arith.index_cast %sub3A_273 : i32 to index
          %get3A_318 = arith.constant 176 : index
          %get3A_319 = tpu.vector_load %arg10[%get3A_317, %get3A_318] {strides = array<i32>} : memref<64x768xf32, #tpu.memory_space<vmem>>, vector<16xf32>,
          %add3A_320 = arith.addf %while3A_236, %get3A_319 : vector<16xf32>
          %get3A_321 = arith.index_cast %sub3A_273 : i32 to index
          %get3A_322 = arith.constant 192 : index
          %get3A_323 = tpu.vector_load %arg10[%get3A_321, %get3A_322] {strides = array<i32>} : memref<64x768xf32, #tpu.memory_space<vmem>>, vector<16xf32>,
          %add3A_324 = arith.addf %while3A_237, %get3A_323 : vector<16xf32>
          %get3A_325 = arith.index_cast %sub3A_273 : i32 to index
          %get3A_326 = arith.constant 208 : index
          %get3A_327 = tpu.vector_load %arg10[%get3A_325, %get3A_326] {strides = array<i32>} : memref<64x768xf32, #tpu.memory_space<vmem>>, vector<16xf32>,
          %add3A_328 = arith.addf %while3A_238, %get3A_327 : vector<16xf32>
          %get3A_329 = arith.index_cast %sub3A_273 : i32 to index
          %get3A_330 = arith.constant 224 : index
          %get3A_331 = tpu.vector_load %arg10[%get3A_329, %get3A_330] {strides = array<i32>} : memref<64x768xf32, #tpu.memory_space<vmem>>, vector<16xf32>,
          %add3A_332 = arith.addf %while3A_239, %get3A_331 : vector<16xf32>
          %get3A_333 = arith.index_cast %sub3A_273 : i32 to index
          %get3A_334 = arith.constant 240 : index
          %get3A_335 = tpu.vector_load %arg10[%get3A_333, %get3A_334] {strides = array<i32>} : memref<64x768xf32, #tpu.memory_space<vmem>>, vector<16xf32>,
          %add3A_336 = arith.addf %while3A_240, %get3A_335 : vector<16xf32>
          %get3A_337 = arith.index_cast %sub3A_273 : i32 to index
          %get3A_338 = arith.constant 256 : index
          %get3A_339 = tpu.vector_load %arg10[%get3A_337, %get3A_338] {strides = array<i32>} : memref<64x768xf32, #tpu.memory_space<vmem>>, vector<16xf32>,
          %add3A_340 = arith.addf %while3A_241, %get3A_339 : vector<16xf32>
          %get3A_341 = arith.index_cast %sub3A_273 : i32 to index
          %get3A_342 = arith.constant 272 : index
          %get3A_343 = tpu.vector_load %arg10[%get3A_341, %get3A_342] {strides = array<i32>} : memref<64x768xf32, #tpu.memory_space<vmem>>, vector<16xf32>,
          %add3A_344 = arith.addf %while3A_242, %get3A_343 : vector<16xf32>
          %get3A_345 = arith.index_cast %sub3A_273 : i32 to index
          %get3A_346 = arith.constant 288 : index
          %get3A_347 = tpu.vector_load %arg10[%get3A_345, %get3A_346] {strides = array<i32>} : memref<64x768xf32, #tpu.memory_space<vmem>>, vector<16xf32>,
          %add3A_348 = arith.addf %while3A_243, %get3A_347 : vector<16xf32>
          %get3A_349 = arith.index_cast %sub3A_273 : i32 to index
          %get3A_350 = arith.constant 304 : index
          %get3A_351 = tpu.vector_load %arg10[%get3A_349, %get3A_350] {strides = array<i32>} : memref<64x768xf32, #tpu.memory_space<vmem>>, vector<16xf32>,
          %add3A_352 = arith.addf %while3A_244, %get3A_351 : vector<16xf32>
          %get3A_353 = arith.index_cast %sub3A_273 : i32 to index
          %get3A_354 = arith.constant 320 : index
          %get3A_355 = tpu.vector_load %arg10[%get3A_353, %get3A_354] {strides = array<i32>} : memref<64x768xf32, #tpu.memory_space<vmem>>, vector<16xf32>,
          %add3A_356 = arith.addf %while3A_245, %get3A_355 : vector<16xf32>
          %get3A_357 = arith.index_cast %sub3A_273 : i32 to index
          %get3A_358 = arith.constant 336 : index
          %get3A_359 = tpu.vector_load %arg10[%get3A_357, %get3A_358] {strides = array<i32>} : memref<64x768xf32, #tpu.memory_space<vmem>>, vector<16xf32>,
          %add3A_360 = arith.addf %while3A_246, %get3A_359 : vector<16xf32>
          %get3A_361 = arith.index_cast %sub3A_273 : i32 to index
          %get3A_362 = arith.constant 352 : index
          %get3A_363 = tpu.vector_load %arg10[%get3A_361, %get3A_362] {strides = array<i32>} : memref<64x768xf32, #tpu.memory_space<vmem>>, vector<16xf32>,
          %add3A_364 = arith.addf %while3A_247, %get3A_363 : vector<16xf32>
          %get3A_365 = arith.index_cast %sub3A_273 : i32 to index
          %get3A_366 = arith.constant 368 : index
          %get3A_367 = tpu.vector_load %arg10[%get3A_365, %get3A_366] {strides = array<i32>} : memref<64x768xf32, #tpu.memory_space<vmem>>, vector<16xf32>,
          %add3A_368 = arith.addf %while3A_248, %get3A_367 : vector<16xf32>
          %get3A_369 = arith.index_cast %sub3A_273 : i32 to index
          %get3A_370 = arith.constant 384 : index
          %get3A_371 = tpu.vector_load %arg10[%get3A_369, %get3A_370] {strides = array<i32>} : memref<64x768xf32, #tpu.memory_space<vmem>>, vector<16xf32>,
          %add3A_372 = arith.addf %while3A_249, %get3A_371 : vector<16xf32>
          %get3A_373 = arith.index_cast %sub3A_273 : i32 to index
          %get3A_374 = arith.constant 400 : index
          %get3A_375 = tpu.vector_load %arg10[%get3A_373, %get3A_374] {strides = array<i32>} : memref<64x768xf32, #tpu.memory_space<vmem>>, vector<16xf32>,
          %add3A_376 = arith.addf %while3A_250, %get3A_375 : vector<16xf32>
          %get3A_377 = arith.index_cast %sub3A_273 : i32 to index
          %get3A_378 = arith.constant 416 : index
          %get3A_379 = tpu.vector_load %arg10[%get3A_377, %get3A_378] {strides = array<i32>} : memref<64x768xf32, #tpu.memory_space<vmem>>, vector<16xf32>,
          %add3A_380 = arith.addf %while3A_251, %get3A_379 : vector<16xf32>
          %get3A_381 = arith.index_cast %sub3A_273 : i32 to index
          %get3A_382 = arith.constant 432 : index
          %get3A_383 = tpu.vector_load %arg10[%get3A_381, %get3A_382] {strides = array<i32>} : memref<64x768xf32, #tpu.memory_space<vmem>>, vector<16xf32>,
          %add3A_384 = arith.addf %while3A_252, %get3A_383 : vector<16xf32>
          %get3A_385 = arith.index_cast %sub3A_273 : i32 to index
          %get3A_386 = arith.constant 448 : index
          %get3A_387 = tpu.vector_load %arg10[%get3A_385, %get3A_386] {strides = array<i32>} : memref<64x768xf32, #tpu.memory_space<vmem>>, vector<16xf32>,
          %add3A_388 = arith.addf %while3A_253, %get3A_387 : vector<16xf32>
          %get3A_389 = arith.index_cast %sub3A_273 : i32 to index
          %get3A_390 = arith.constant 464 : index
          %get3A_391 = tpu.vector_load %arg10[%get3A_389, %get3A_390] {strides = array<i32>} : memref<64x768xf32, #tpu.memory_space<vmem>>, vector<16xf32>,
          %add3A_392 = arith.addf %while3A_254, %get3A_391 : vector<16xf32>
          %get3A_393 = arith.index_cast %sub3A_273 : i32 to index
          %get3A_394 = arith.constant 480 : index
          %get3A_395 = tpu.vector_load %arg10[%get3A_393, %get3A_394] {strides = array<i32>} : memref<64x768xf32, #tpu.memory_space<vmem>>, vector<16xf32>,
          %add3A_396 = arith.addf %while3A_255, %get3A_395 : vector<16xf32>
          %get3A_397 = arith.index_cast %sub3A_273 : i32 to index
          %get3A_398 = arith.constant 496 : index
          %get3A_399 = tpu.vector_load %arg10[%get3A_397, %get3A_398] {strides = array<i32>} : memref<64x768xf32, #tpu.memory_space<vmem>>, vector<16xf32>,
          %add3A_400 = arith.addf %while3A_256, %get3A_399 : vector<16xf32>
          %get3A_401 = arith.index_cast %sub3A_273 : i32 to index
          %get3A_402 = arith.constant 512 : index
          %get3A_403 = tpu.vector_load %arg10[%get3A_401, %get3A_402] {strides = array<i32>} : memref<64x768xf32, #tpu.memory_space<vmem>>, vector<16xf32>,
          %add3A_404 = arith.addf %while3A_257, %get3A_403 : vector<16xf32>
          %get3A_405 = arith.index_cast %sub3A_273 : i32 to index
          %get3A_406 = arith.constant 528 : index
          %get3A_407 = tpu.vector_load %arg10[%get3A_405, %get3A_406] {strides = array<i32>} : memref<64x768xf32, #tpu.memory_space<vmem>>, vector<16xf32>,
          %add3A_408 = arith.addf %while3A_258, %get3A_407 : vector<16xf32>
          %get3A_409 = arith.index_cast %sub3A_273 : i32 to index
          %get3A_410 = arith.constant 544 : index
          %get3A_411 = tpu.vector_load %arg10[%get3A_409, %get3A_410] {strides = array<i32>} : memref<64x768xf32, #tpu.memory_space<vmem>>, vector<16xf32>,
          %add3A_412 = arith.addf %while3A_259, %get3A_411 : vector<16xf32>
          %get3A_413 = arith.index_cast %sub3A_273 : i32 to index
          %get3A_414 = arith.constant 560 : index
          %get3A_415 = tpu.vector_load %arg10[%get3A_413, %get3A_414] {strides = array<i32>} : memref<64x768xf32, #tpu.memory_space<vmem>>, vector<16xf32>,
          %add3A_416 = arith.addf %while3A_260, %get3A_415 : vector<16xf32>
          %get3A_417 = arith.index_cast %sub3A_273 : i32 to index
          %get3A_418 = arith.constant 576 : index
          %get3A_419 = tpu.vector_load %arg10[%get3A_417, %get3A_418] {strides = array<i32>} : memref<64x768xf32, #tpu.memory_space<vmem>>, vector<16xf32>,
          %add3A_420 = arith.addf %while3A_261, %get3A_419 : vector<16xf32>
          %get3A_421 = arith.index_cast %sub3A_273 : i32 to index
          %get3A_422 = arith.constant 592 : index
          %get3A_423 = tpu.vector_load %arg10[%get3A_421, %get3A_422] {strides = array<i32>} : memref<64x768xf32, #tpu.memory_space<vmem>>, vector<16xf32>,
          %add3A_424 = arith.addf %while3A_262, %get3A_423 : vector<16xf32>
          %get3A_425 = arith.index_cast %sub3A_273 : i32 to index
          %get3A_426 = arith.constant 608 : index
          %get3A_427 = tpu.vector_load %arg10[%get3A_425, %get3A_426] {strides = array<i32>} : memref<64x768xf32, #tpu.memory_space<vmem>>, vector<16xf32>,
          %add3A_428 = arith.addf %while3A_263, %get3A_427 : vector<16xf32>
          %get3A_429 = arith.index_cast %sub3A_273 : i32 to index
          %get3A_430 = arith.constant 624 : index
          %get3A_431 = tpu.vector_load %arg10[%get3A_429, %get3A_430] {strides = array<i32>} : memref<64x768xf32, #tpu.memory_space<vmem>>, vector<16xf32>,
          %add3A_432 = arith.addf %while3A_264, %get3A_431 : vector<16xf32>
          %get3A_433 = arith.index_cast %sub3A_273 : i32 to index
          %get3A_434 = arith.constant 640 : index
          %get3A_435 = tpu.vector_load %arg10[%get3A_433, %get3A_434] {strides = array<i32>} : memref<64x768xf32, #tpu.memory_space<vmem>>, vector<16xf32>,
          %add3A_436 = arith.addf %while3A_265, %get3A_435 : vector<16xf32>
          %get3A_437 = arith.index_cast %sub3A_273 : i32 to index
          %get3A_438 = arith.constant 656 : index
          %get3A_439 = tpu.vector_load %arg10[%get3A_437, %get3A_438] {strides = array<i32>} : memref<64x768xf32, #tpu.memory_space<vmem>>, vector<16xf32>,
          %add3A_440 = arith.addf %while3A_266, %get3A_439 : vector<16xf32>
          %get3A_441 = arith.index_cast %sub3A_273 : i32 to index
          %get3A_442 = arith.constant 672 : index
          %get3A_443 = tpu.vector_load %arg10[%get3A_441, %get3A_442] {strides = array<i32>} : memref<64x768xf32, #tpu.memory_space<vmem>>, vector<16xf32>,
          %add3A_444 = arith.addf %while3A_267, %get3A_443 : vector<16xf32>
          %get3A_445 = arith.index_cast %sub3A_273 : i32 to index
          %get3A_446 = arith.constant 688 : index
          %get3A_447 = tpu.vector_load %arg10[%get3A_445, %get3A_446] {strides = array<i32>} : memref<64x768xf32, #tpu.memory_space<vmem>>, vector<16xf32>,
          %add3A_448 = arith.addf %while3A_268, %get3A_447 : vector<16xf32>
          %get3A_449 = arith.index_cast %sub3A_273 : i32 to index
          %get3A_450 = arith.constant 704 : index
          %get3A_451 = tpu.vector_load %arg10[%get3A_449, %get3A_450] {strides = array<i32>} : memref<64x768xf32, #tpu.memory_space<vmem>>, vector<16xf32>,
          %add3A_452 = arith.addf %while3A_269, %get3A_451 : vector<16xf32>
          %get3A_453 = arith.index_cast %sub3A_273 : i32 to index
          %get3A_454 = arith.constant 720 : index
          %get3A_455 = tpu.vector_load %arg10[%get3A_453, %get3A_454] {strides = array<i32>} : memref<64x768xf32, #tpu.memory_space<vmem>>, vector<16xf32>,
          %add3A_456 = arith.addf %while3A_270, %get3A_455 : vector<16xf32>
          %get3A_457 = arith.index_cast %sub3A_273 : i32 to index
          %get3A_458 = arith.constant 736 : index
          %get3A_459 = tpu.vector_load %arg10[%get3A_457, %get3A_458] {strides = array<i32>} : memref<64x768xf32, #tpu.memory_space<vmem>>, vector<16xf32>,
          %add3A_460 = arith.addf %while3A_271, %get3A_459 : vector<16xf32>
          %get3A_461 = arith.index_cast %sub3A_273 : i32 to index
          %get3A_462 = arith.constant 752 : index
          %get3A_463 = tpu.vector_load %arg10[%get3A_461, %get3A_462] {strides = array<i32>} : memref<64x768xf32, #tpu.memory_space<vmem>>, vector<16xf32>,
          %add3A_464 = arith.addf %while3A_272, %get3A_463 : vector<16xf32>
          scf.yield %add3A_276, %add3A_280, %add3A_284, %add3A_288, %add3A_292, %add3A_296, %add3A_300, %add3A_304, %add3A_308, %add3A_312, %add3A_316, %add3A_320, %add3A_324, %add3A_328, %add3A_332, %add3A_336, %add3A_340, %add3A_344, %add3A_348, %add3A_352, %add3A_356, %add3A_360, %add3A_364, %add3A_368, %add3A_372, %add3A_376, %add3A_380, %add3A_384, %add3A_388, %add3A_392, %add3A_396, %add3A_400, %add3A_404, %add3A_408, %add3A_412, %add3A_416, %add3A_420, %add3A_424, %add3A_428, %add3A_432, %add3A_436, %add3A_440, %add3A_444, %add3A_448, %add3A_452, %add3A_456, %add3A_460, %add3A_464 : vector<16xf32>, vector<16xf32>, vector<16xf32>, vector<16xf32>, vector<16xf32>, vector<16xf32>, vector<16xf32>, vector<16xf32>, vector<16xf32>, vector<16xf32>, vector<16xf32>, vector<16xf32>, vector<16xf32>, vector<16xf32>, vector<16xf32>, vector<16xf32>, vector<16xf32>, vector<16xf32>, vector<16xf32>, vector<16xf32>, vector<16xf32>, vector<16xf32>, vector<16xf32>, vector<16xf32>, vector<16xf32>, vector<16xf32>, vector<16xf32>, vector<16xf32>, vector<16xf32>, vector<16xf32>, vector<16xf32>, vector<16xf32>, vector<16xf32>, vector<16xf32>, vector<16xf32>, vector<16xf32>, vector<16xf32>, vector<16xf32>, vector<16xf32>, vector<16xf32>, vector<16xf32>, vector<16xf32>, vector<16xf32>, vector<16xf32>, vector<16xf32>, vector<16xf32>, vector<16xf32>, vector<16xf32>
        }
        %while3A_219 = arith.constant 1 : i32
        %while3A_220:48 = scf.for %while3A_224 = %while3A_216 to %while3A_212 step %while3A_219 iter_args(%while3A_225 = %while3A_218#0, %while3A_226 = %while3A_218#1, %while3A_227 = %while3A_218#2, %while3A_228 = %while3A_218#3, %while3A_229 = %while3A_218#4, %while3A_230 = %while3A_218#5, %while3A_231 = %while3A_218#6, %while3A_232 = %while3A_218#7, %while3A_233 = %while3A_218#8, %while3A_234 = %while3A_218#9, %while3A_235 = %while3A_218#10, %while3A_236 = %while3A_218#11, %while3A_237 = %while3A_218#12, %while3A_238 = %while3A_218#13, %while3A_239 = %while3A_218#14, %while3A_240 = %while3A_218#15, %while3A_241 = %while3A_218#16, %while3A_242 = %while3A_218#17, %while3A_243 = %while3A_218#18, %while3A_244 = %while3A_218#19, %while3A_245 = %while3A_218#20, %while3A_246 = %while3A_218#21, %while3A_247 = %while3A_218#22, %while3A_248 = %while3A_218#23, %while3A_249 = %while3A_218#24, %while3A_250 = %while3A_218#25, %while3A_251 = %while3A_218#26, %while3A_252 = %while3A_218#27, %while3A_253 = %while3A_218#28, %while3A_254 = %while3A_218#29, %while3A_255 = %while3A_218#30, %while3A_256 = %while3A_218#31, %while3A_257 = %while3A_218#32, %while3A_258 = %while3A_218#33, %while3A_259 = %while3A_218#34, %while3A_260 = %while3A_218#35, %while3A_261 = %while3A_218#36, %while3A_262 = %while3A_218#37, %while3A_263 = %while3A_218#38, %while3A_264 = %while3A_218#39, %while3A_265 = %while3A_218#40, %while3A_266 = %while3A_218#41, %while3A_267 = %while3A_218#42, %while3A_268 = %while3A_218#43, %while3A_269 = %while3A_218#44, %while3A_270 = %while3A_218#45, %while3A_271 = %while3A_218#46, %while3A_272 = %while3A_218#47) -> (vector<16xf32>, vector<16xf32>, vector<16xf32>, vector<16xf32>, vector<16xf32>, vector<16xf32>, vector<16xf32>, vector<16xf32>, vector<16xf32>, vector<16xf32>, vector<16xf32>, vector<16xf32>, vector<16xf32>, vector<16xf32>, vector<16xf32>, vector<16xf32>, vector<16xf32>, vector<16xf32>, vector<16xf32>, vector<16xf32>, vector<16xf32>, vector<16xf32>, vector<16xf32>, vector<16xf32>, vector<16xf32>, vector<16xf32>, vector<16xf32>, vector<16xf32>, vector<16xf32>, vector<16xf32>, vector<16xf32>, vector<16xf32>, vector<16xf32>, vector<16xf32>, vector<16xf32>, vector<16xf32>, vector<16xf32>, vector<16xf32>, vector<16xf32>, vector<16xf32>, vector<16xf32>, vector<16xf32>, vector<16xf32>, vector<16xf32>, vector<16xf32>, vector<16xf32>, vector<16xf32>, vector<16xf32>)  : i32 {
          %sub3A_273 = arith.subi %while3A_224, %add3A_161 : i32
          %get3A = arith.index_cast %sub3A_273 : i32 to index
          %get3A_274 = arith.constant 0 : index
          %get3A_275 = tpu.vector_load %arg10[%get3A, %get3A_274] {strides = array<i32>} : memref<64x768xf32, #tpu.memory_space<vmem>>, vector<16xf32>,
          %add3A_276 = arith.addf %while3A_225, %get3A_275 : vector<16xf32>
          %get3A_277 = arith.index_cast %sub3A_273 : i32 to index
          %get3A_278 = arith.constant 16 : index
          %get3A_279 = tpu.vector_load %arg10[%get3A_277, %get3A_278] {strides = array<i32>} : memref<64x768xf32, #tpu.memory_space<vmem>>, vector<16xf32>,
          %add3A_280 = arith.addf %while3A_226, %get3A_279 : vector<16xf32>
          %get3A_281 = arith.index_cast %sub3A_273 : i32 to index
          %get3A_282 = arith.constant 32 : index
          %get3A_283 = tpu.vector_load %arg10[%get3A_281, %get3A_282] {strides = array<i32>} : memref<64x768xf32, #tpu.memory_space<vmem>>, vector<16xf32>,
          %add3A_284 = arith.addf %while3A_227, %get3A_283 : vector<16xf32>
          %get3A_285 = arith.index_cast %sub3A_273 : i32 to index
          %get3A_286 = arith.constant 48 : index
          %get3A_287 = tpu.vector_load %arg10[%get3A_285, %get3A_286] {strides = array<i32>} : memref<64x768xf32, #tpu.memory_space<vmem>>, vector<16xf32>,
          %add3A_288 = arith.addf %while3A_228, %get3A_287 : vector<16xf32>
          %get3A_289 = arith.index_cast %sub3A_273 : i32 to index
          %get3A_290 = arith.constant 64 : index
          %get3A_291 = tpu.vector_load %arg10[%get3A_289, %get3A_290] {strides = array<i32>} : memref<64x768xf32, #tpu.memory_space<vmem>>, vector<16xf32>,
          %add3A_292 = arith.addf %while3A_229, %get3A_291 : vector<16xf32>
          %get3A_293 = arith.index_cast %sub3A_273 : i32 to index
          %get3A_294 = arith.constant 80 : index
          %get3A_295 = tpu.vector_load %arg10[%get3A_293, %get3A_294] {strides = array<i32>} : memref<64x768xf32, #tpu.memory_space<vmem>>, vector<16xf32>,
          %add3A_296 = arith.addf %while3A_230, %get3A_295 : vector<16xf32>
          %get3A_297 = arith.index_cast %sub3A_273 : i32 to index
          %get3A_298 = arith.constant 96 : index
          %get3A_299 = tpu.vector_load %arg10[%get3A_297, %get3A_298] {strides = array<i32>} : memref<64x768xf32, #tpu.memory_space<vmem>>, vector<16xf32>,
          %add3A_300 = arith.addf %while3A_231, %get3A_299 : vector<16xf32>
          %get3A_301 = arith.index_cast %sub3A_273 : i32 to index
          %get3A_302 = arith.constant 112 : index
          %get3A_303 = tpu.vector_load %arg10[%get3A_301, %get3A_302] {strides = array<i32>} : memref<64x768xf32, #tpu.memory_space<vmem>>, vector<16xf32>,
          %add3A_304 = arith.addf %while3A_232, %get3A_303 : vector<16xf32>
          %get3A_305 = arith.index_cast %sub3A_273 : i32 to index
          %get3A_306 = arith.constant 128 : index
          %get3A_307 = tpu.vector_load %arg10[%get3A_305, %get3A_306] {strides = array<i32>} : memref<64x768xf32, #tpu.memory_space<vmem>>, vector<16xf32>,
          %add3A_308 = arith.addf %while3A_233, %get3A_307 : vector<16xf32>
          %get3A_309 = arith.index_cast %sub3A_273 : i32 to index
          %get3A_310 = arith.constant 144 : index
          %get3A_311 = tpu.vector_load %arg10[%get3A_309, %get3A_310] {strides = array<i32>} : memref<64x768xf32, #tpu.memory_space<vmem>>, vector<16xf32>,
          %add3A_312 = arith.addf %while3A_234, %get3A_311 : vector<16xf32>
          %get3A_313 = arith.index_cast %sub3A_273 : i32 to index
          %get3A_314 = arith.constant 160 : index
          %get3A_315 = tpu.vector_load %arg10[%get3A_313, %get3A_314] {strides = array<i32>} : memref<64x768xf32, #tpu.memory_space<vmem>>, vector<16xf32>,
          %add3A_316 = arith.addf %while3A_235, %get3A_315 : vector<16xf32>
          %get3A_317 = arith.index_cast %sub3A_273 : i32 to index
          %get3A_318 = arith.constant 176 : index
          %get3A_319 = tpu.vector_load %arg10[%get3A_317, %get3A_318] {strides = array<i32>} : memref<64x768xf32, #tpu.memory_space<vmem>>, vector<16xf32>,
          %add3A_320 = arith.addf %while3A_236, %get3A_319 : vector<16xf32>
          %get3A_321 = arith.index_cast %sub3A_273 : i32 to index
          %get3A_322 = arith.constant 192 : index
          %get3A_323 = tpu.vector_load %arg10[%get3A_321, %get3A_322] {strides = array<i32>} : memref<64x768xf32, #tpu.memory_space<vmem>>, vector<16xf32>,
          %add3A_324 = arith.addf %while3A_237, %get3A_323 : vector<16xf32>
          %get3A_325 = arith.index_cast %sub3A_273 : i32 to index
          %get3A_326 = arith.constant 208 : index
          %get3A_327 = tpu.vector_load %arg10[%get3A_325, %get3A_326] {strides = array<i32>} : memref<64x768xf32, #tpu.memory_space<vmem>>, vector<16xf32>,
          %add3A_328 = arith.addf %while3A_238, %get3A_327 : vector<16xf32>
          %get3A_329 = arith.index_cast %sub3A_273 : i32 to index
          %get3A_330 = arith.constant 224 : index
          %get3A_331 = tpu.vector_load %arg10[%get3A_329, %get3A_330] {strides = array<i32>} : memref<64x768xf32, #tpu.memory_space<vmem>>, vector<16xf32>,
          %add3A_332 = arith.addf %while3A_239, %get3A_331 : vector<16xf32>
          %get3A_333 = arith.index_cast %sub3A_273 : i32 to index
          %get3A_334 = arith.constant 240 : index
          %get3A_335 = tpu.vector_load %arg10[%get3A_333, %get3A_334] {strides = array<i32>} : memref<64x768xf32, #tpu.memory_space<vmem>>, vector<16xf32>,
          %add3A_336 = arith.addf %while3A_240, %get3A_335 : vector<16xf32>
          %get3A_337 = arith.index_cast %sub3A_273 : i32 to index
          %get3A_338 = arith.constant 256 : index
          %get3A_339 = tpu.vector_load %arg10[%get3A_337, %get3A_338] {strides = array<i32>} : memref<64x768xf32, #tpu.memory_space<vmem>>, vector<16xf32>,
          %add3A_340 = arith.addf %while3A_241, %get3A_339 : vector<16xf32>
          %get3A_341 = arith.index_cast %sub3A_273 : i32 to index
          %get3A_342 = arith.constant 272 : index
          %get3A_343 = tpu.vector_load %arg10[%get3A_341, %get3A_342] {strides = array<i32>} : memref<64x768xf32, #tpu.memory_space<vmem>>, vector<16xf32>,
          %add3A_344 = arith.addf %while3A_242, %get3A_343 : vector<16xf32>
          %get3A_345 = arith.index_cast %sub3A_273 : i32 to index
          %get3A_346 = arith.constant 288 : index
          %get3A_347 = tpu.vector_load %arg10[%get3A_345, %get3A_346] {strides = array<i32>} : memref<64x768xf32, #tpu.memory_space<vmem>>, vector<16xf32>,
          %add3A_348 = arith.addf %while3A_243, %get3A_347 : vector<16xf32>
          %get3A_349 = arith.index_cast %sub3A_273 : i32 to index
          %get3A_350 = arith.constant 304 : index
          %get3A_351 = tpu.vector_load %arg10[%get3A_349, %get3A_350] {strides = array<i32>} : memref<64x768xf32, #tpu.memory_space<vmem>>, vector<16xf32>,
          %add3A_352 = arith.addf %while3A_244, %get3A_351 : vector<16xf32>
          %get3A_353 = arith.index_cast %sub3A_273 : i32 to index
          %get3A_354 = arith.constant 320 : index
          %get3A_355 = tpu.vector_load %arg10[%get3A_353, %get3A_354] {strides = array<i32>} : memref<64x768xf32, #tpu.memory_space<vmem>>, vector<16xf32>,
          %add3A_356 = arith.addf %while3A_245, %get3A_355 : vector<16xf32>
          %get3A_357 = arith.index_cast %sub3A_273 : i32 to index
          %get3A_358 = arith.constant 336 : index
          %get3A_359 = tpu.vector_load %arg10[%get3A_357, %get3A_358] {strides = array<i32>} : memref<64x768xf32, #tpu.memory_space<vmem>>, vector<16xf32>,
          %add3A_360 = arith.addf %while3A_246, %get3A_359 : vector<16xf32>
          %get3A_361 = arith.index_cast %sub3A_273 : i32 to index
          %get3A_362 = arith.constant 352 : index
          %get3A_363 = tpu.vector_load %arg10[%get3A_361, %get3A_362] {strides = array<i32>} : memref<64x768xf32, #tpu.memory_space<vmem>>, vector<16xf32>,
          %add3A_364 = arith.addf %while3A_247, %get3A_363 : vector<16xf32>
          %get3A_365 = arith.index_cast %sub3A_273 : i32 to index
          %get3A_366 = arith.constant 368 : index
          %get3A_367 = tpu.vector_load %arg10[%get3A_365, %get3A_366] {strides = array<i32>} : memref<64x768xf32, #tpu.memory_space<vmem>>, vector<16xf32>,
          %add3A_368 = arith.addf %while3A_248, %get3A_367 : vector<16xf32>
          %get3A_369 = arith.index_cast %sub3A_273 : i32 to index
          %get3A_370 = arith.constant 384 : index
          %get3A_371 = tpu.vector_load %arg10[%get3A_369, %get3A_370] {strides = array<i32>} : memref<64x768xf32, #tpu.memory_space<vmem>>, vector<16xf32>,
          %add3A_372 = arith.addf %while3A_249, %get3A_371 : vector<16xf32>
          %get3A_373 = arith.index_cast %sub3A_273 : i32 to index
          %get3A_374 = arith.constant 400 : index
          %get3A_375 = tpu.vector_load %arg10[%get3A_373, %get3A_374] {strides = array<i32>} : memref<64x768xf32, #tpu.memory_space<vmem>>, vector<16xf32>,
          %add3A_376 = arith.addf %while3A_250, %get3A_375 : vector<16xf32>
          %get3A_377 = arith.index_cast %sub3A_273 : i32 to index
          %get3A_378 = arith.constant 416 : index
          %get3A_379 = tpu.vector_load %arg10[%get3A_377, %get3A_378] {strides = array<i32>} : memref<64x768xf32, #tpu.memory_space<vmem>>, vector<16xf32>,
          %add3A_380 = arith.addf %while3A_251, %get3A_379 : vector<16xf32>
          %get3A_381 = arith.index_cast %sub3A_273 : i32 to index
          %get3A_382 = arith.constant 432 : index
          %get3A_383 = tpu.vector_load %arg10[%get3A_381, %get3A_382] {strides = array<i32>} : memref<64x768xf32, #tpu.memory_space<vmem>>, vector<16xf32>,
          %add3A_384 = arith.addf %while3A_252, %get3A_383 : vector<16xf32>
          %get3A_385 = arith.index_cast %sub3A_273 : i32 to index
          %get3A_386 = arith.constant 448 : index
          %get3A_387 = tpu.vector_load %arg10[%get3A_385, %get3A_386] {strides = array<i32>} : memref<64x768xf32, #tpu.memory_space<vmem>>, vector<16xf32>,
          %add3A_388 = arith.addf %while3A_253, %get3A_387 : vector<16xf32>
          %get3A_389 = arith.index_cast %sub3A_273 : i32 to index
          %get3A_390 = arith.constant 464 : index
          %get3A_391 = tpu.vector_load %arg10[%get3A_389, %get3A_390] {strides = array<i32>} : memref<64x768xf32, #tpu.memory_space<vmem>>, vector<16xf32>,
          %add3A_392 = arith.addf %while3A_254, %get3A_391 : vector<16xf32>
          %get3A_393 = arith.index_cast %sub3A_273 : i32 to index
          %get3A_394 = arith.constant 480 : index
          %get3A_395 = tpu.vector_load %arg10[%get3A_393, %get3A_394] {strides = array<i32>} : memref<64x768xf32, #tpu.memory_space<vmem>>, vector<16xf32>,
          %add3A_396 = arith.addf %while3A_255, %get3A_395 : vector<16xf32>
          %get3A_397 = arith.index_cast %sub3A_273 : i32 to index
          %get3A_398 = arith.constant 496 : index
          %get3A_399 = tpu.vector_load %arg10[%get3A_397, %get3A_398] {strides = array<i32>} : memref<64x768xf32, #tpu.memory_space<vmem>>, vector<16xf32>,
          %add3A_400 = arith.addf %while3A_256, %get3A_399 : vector<16xf32>
          %get3A_401 = arith.index_cast %sub3A_273 : i32 to index
          %get3A_402 = arith.constant 512 : index
          %get3A_403 = tpu.vector_load %arg10[%get3A_401, %get3A_402] {strides = array<i32>} : memref<64x768xf32, #tpu.memory_space<vmem>>, vector<16xf32>,
          %add3A_404 = arith.addf %while3A_257, %get3A_403 : vector<16xf32>
          %get3A_405 = arith.index_cast %sub3A_273 : i32 to index
          %get3A_406 = arith.constant 528 : index
          %get3A_407 = tpu.vector_load %arg10[%get3A_405, %get3A_406] {strides = array<i32>} : memref<64x768xf32, #tpu.memory_space<vmem>>, vector<16xf32>,
          %add3A_408 = arith.addf %while3A_258, %get3A_407 : vector<16xf32>
          %get3A_409 = arith.index_cast %sub3A_273 : i32 to index
          %get3A_410 = arith.constant 544 : index
          %get3A_411 = tpu.vector_load %arg10[%get3A_409, %get3A_410] {strides = array<i32>} : memref<64x768xf32, #tpu.memory_space<vmem>>, vector<16xf32>,
          %add3A_412 = arith.addf %while3A_259, %get3A_411 : vector<16xf32>
          %get3A_413 = arith.index_cast %sub3A_273 : i32 to index
          %get3A_414 = arith.constant 560 : index
          %get3A_415 = tpu.vector_load %arg10[%get3A_413, %get3A_414] {strides = array<i32>} : memref<64x768xf32, #tpu.memory_space<vmem>>, vector<16xf32>,
          %add3A_416 = arith.addf %while3A_260, %get3A_415 : vector<16xf32>
          %get3A_417 = arith.index_cast %sub3A_273 : i32 to index
          %get3A_418 = arith.constant 576 : index
          %get3A_419 = tpu.vector_load %arg10[%get3A_417, %get3A_418] {strides = array<i32>} : memref<64x768xf32, #tpu.memory_space<vmem>>, vector<16xf32>,
          %add3A_420 = arith.addf %while3A_261, %get3A_419 : vector<16xf32>
          %get3A_421 = arith.index_cast %sub3A_273 : i32 to index
          %get3A_422 = arith.constant 592 : index
          %get3A_423 = tpu.vector_load %arg10[%get3A_421, %get3A_422] {strides = array<i32>} : memref<64x768xf32, #tpu.memory_space<vmem>>, vector<16xf32>,
          %add3A_424 = arith.addf %while3A_262, %get3A_423 : vector<16xf32>
          %get3A_425 = arith.index_cast %sub3A_273 : i32 to index
          %get3A_426 = arith.constant 608 : index
          %get3A_427 = tpu.vector_load %arg10[%get3A_425, %get3A_426] {strides = array<i32>} : memref<64x768xf32, #tpu.memory_space<vmem>>, vector<16xf32>,
          %add3A_428 = arith.addf %while3A_263, %get3A_427 : vector<16xf32>
          %get3A_429 = arith.index_cast %sub3A_273 : i32 to index
          %get3A_430 = arith.constant 624 : index
          %get3A_431 = tpu.vector_load %arg10[%get3A_429, %get3A_430] {strides = array<i32>} : memref<64x768xf32, #tpu.memory_space<vmem>>, vector<16xf32>,
          %add3A_432 = arith.addf %while3A_264, %get3A_431 : vector<16xf32>
          %get3A_433 = arith.index_cast %sub3A_273 : i32 to index
          %get3A_434 = arith.constant 640 : index
          %get3A_435 = tpu.vector_load %arg10[%get3A_433, %get3A_434] {strides = array<i32>} : memref<64x768xf32, #tpu.memory_space<vmem>>, vector<16xf32>,
          %add3A_436 = arith.addf %while3A_265, %get3A_435 : vector<16xf32>
          %get3A_437 = arith.index_cast %sub3A_273 : i32 to index
          %get3A_438 = arith.constant 656 : index
          %get3A_439 = tpu.vector_load %arg10[%get3A_437, %get3A_438] {strides = array<i32>} : memref<64x768xf32, #tpu.memory_space<vmem>>, vector<16xf32>,
          %add3A_440 = arith.addf %while3A_266, %get3A_439 : vector<16xf32>
          %get3A_441 = arith.index_cast %sub3A_273 : i32 to index
          %get3A_442 = arith.constant 672 : index
          %get3A_443 = tpu.vector_load %arg10[%get3A_441, %get3A_442] {strides = array<i32>} : memref<64x768xf32, #tpu.memory_space<vmem>>, vector<16xf32>,
          %add3A_444 = arith.addf %while3A_267, %get3A_443 : vector<16xf32>
          %get3A_445 = arith.index_cast %sub3A_273 : i32 to index
          %get3A_446 = arith.constant 688 : index
          %get3A_447 = tpu.vector_load %arg10[%get3A_445, %get3A_446] {strides = array<i32>} : memref<64x768xf32, #tpu.memory_space<vmem>>, vector<16xf32>,
          %add3A_448 = arith.addf %while3A_268, %get3A_447 : vector<16xf32>
          %get3A_449 = arith.index_cast %sub3A_273 : i32 to index
          %get3A_450 = arith.constant 704 : index
          %get3A_451 = tpu.vector_load %arg10[%get3A_449, %get3A_450] {strides = array<i32>} : memref<64x768xf32, #tpu.memory_space<vmem>>, vector<16xf32>,
          %add3A_452 = arith.addf %while3A_269, %get3A_451 : vector<16xf32>
          %get3A_453 = arith.index_cast %sub3A_273 : i32 to index
          %get3A_454 = arith.constant 720 : index
          %get3A_455 = tpu.vector_load %arg10[%get3A_453, %get3A_454] {strides = array<i32>} : memref<64x768xf32, #tpu.memory_space<vmem>>, vector<16xf32>,
          %add3A_456 = arith.addf %while3A_270, %get3A_455 : vector<16xf32>
          %get3A_457 = arith.index_cast %sub3A_273 : i32 to index
          %get3A_458 = arith.constant 736 : index
          %get3A_459 = tpu.vector_load %arg10[%get3A_457, %get3A_458] {strides = array<i32>} : memref<64x768xf32, #tpu.memory_space<vmem>>, vector<16xf32>,
          %add3A_460 = arith.addf %while3A_271, %get3A_459 : vector<16xf32>
          %get3A_461 = arith.index_cast %sub3A_273 : i32 to index
          %get3A_462 = arith.constant 752 : index
          %get3A_463 = tpu.vector_load %arg10[%get3A_461, %get3A_462] {strides = array<i32>} : memref<64x768xf32, #tpu.memory_space<vmem>>, vector<16xf32>,
          %add3A_464 = arith.addf %while3A_272, %get3A_463 : vector<16xf32>
          scf.yield %add3A_276, %add3A_280, %add3A_284, %add3A_288, %add3A_292, %add3A_296, %add3A_300, %add3A_304, %add3A_308, %add3A_312, %add3A_316, %add3A_320, %add3A_324, %add3A_328, %add3A_332, %add3A_336, %add3A_340, %add3A_344, %add3A_348, %add3A_352, %add3A_356, %add3A_360, %add3A_364, %add3A_368, %add3A_372, %add3A_376, %add3A_380, %add3A_384, %add3A_388, %add3A_392, %add3A_396, %add3A_400, %add3A_404, %add3A_408, %add3A_412, %add3A_416, %add3A_420, %add3A_424, %add3A_428, %add3A_432, %add3A_436, %add3A_440, %add3A_444, %add3A_448, %add3A_452, %add3A_456, %add3A_460, %add3A_464 : vector<16xf32>, vector<16xf32>, vector<16xf32>, vector<16xf32>, vector<16xf32>, vector<16xf32>, vector<16xf32>, vector<16xf32>, vector<16xf32>, vector<16xf32>, vector<16xf32>, vector<16xf32>, vector<16xf32>, vector<16xf32>, vector<16xf32>, vector<16xf32>, vector<16xf32>, vector<16xf32>, vector<16xf32>, vector<16xf32>, vector<16xf32>, vector<16xf32>, vector<16xf32>, vector<16xf32>, vector<16xf32>, vector<16xf32>, vector<16xf32>, vector<16xf32>, vector<16xf32>, vector<16xf32>, vector<16xf32>, vector<16xf32>, vector<16xf32>, vector<16xf32>, vector<16xf32>, vector<16xf32>, vector<16xf32>, vector<16xf32>, vector<16xf32>, vector<16xf32>, vector<16xf32>, vector<16xf32>, vector<16xf32>, vector<16xf32>, vector<16xf32>, vector<16xf32>, vector<16xf32>, vector<16xf32>
        }
        %gt3A = arith.cmpi sgt, %min3A, %max3A : i32
        %convert_element_type3A_221 = arith.extui %gt3A : i1 to i32
        %cond3A_222 = arith.constant 0 : i32
        %cond3A_223 = arith.cmpi ne, %convert_element_type3A_221, %cond3A_222 : i32
        scf.if %cond3A_223 {
          %swap3A = arith.index_cast %select_n3A_211 : i32 to index
          %swap3A_224 = arith.constant 0 : index
          %swap3A_225 = tpu.vector_load %arg12[%swap3A, %swap3A_224] {strides = array<i32>} : memref<16x768xf32, #tpu.memory_space<vmem>>, vector<16xf32>,
          tpu.vector_store %arg12[%swap3A, %swap3A_224], %while3A_220#0 {add = true, strides = array<i32>} : memref<16x768xf32, #tpu.memory_space<vmem>>, vector<16xf32>,
          %swap3A_226 = arith.index_cast %select_n3A_211 : i32 to index
          %swap3A_227 = arith.constant 16 : index
          %swap3A_228 = tpu.vector_load %arg12[%swap3A_226, %swap3A_227] {strides = array<i32>} : memref<16x768xf32, #tpu.memory_space<vmem>>, vector<16xf32>,
          tpu.vector_store %arg12[%swap3A_226, %swap3A_227], %while3A_220#1 {add = true, strides = array<i32>} : memref<16x768xf32, #tpu.memory_space<vmem>>, vector<16xf32>,
          %swap3A_229 = arith.index_cast %select_n3A_211 : i32 to index
          %swap3A_230 = arith.constant 32 : index
          %swap3A_231 = tpu.vector_load %arg12[%swap3A_229, %swap3A_230] {strides = array<i32>} : memref<16x768xf32, #tpu.memory_space<vmem>>, vector<16xf32>,
          tpu.vector_store %arg12[%swap3A_229, %swap3A_230], %while3A_220#2 {add = true, strides = array<i32>} : memref<16x768xf32, #tpu.memory_space<vmem>>, vector<16xf32>,
          %swap3A_232 = arith.index_cast %select_n3A_211 : i32 to index
          %swap3A_233 = arith.constant 48 : index
          %swap3A_234 = tpu.vector_load %arg12[%swap3A_232, %swap3A_233] {strides = array<i32>} : memref<16x768xf32, #tpu.memory_space<vmem>>, vector<16xf32>,
          tpu.vector_store %arg12[%swap3A_232, %swap3A_233], %while3A_220#3 {add = true, strides = array<i32>} : memref<16x768xf32, #tpu.memory_space<vmem>>, vector<16xf32>,
          %swap3A_235 = arith.index_cast %select_n3A_211 : i32 to index
          %swap3A_236 = arith.constant 64 : index
          %swap3A_237 = tpu.vector_load %arg12[%swap3A_235, %swap3A_236] {strides = array<i32>} : memref<16x768xf32, #tpu.memory_space<vmem>>, vector<16xf32>,
          tpu.vector_store %arg12[%swap3A_235, %swap3A_236], %while3A_220#4 {add = true, strides = array<i32>} : memref<16x768xf32, #tpu.memory_space<vmem>>, vector<16xf32>,
          %swap3A_238 = arith.index_cast %select_n3A_211 : i32 to index
          %swap3A_239 = arith.constant 80 : index
          %swap3A_240 = tpu.vector_load %arg12[%swap3A_238, %swap3A_239] {strides = array<i32>} : memref<16x768xf32, #tpu.memory_space<vmem>>, vector<16xf32>,
          tpu.vector_store %arg12[%swap3A_238, %swap3A_239], %while3A_220#5 {add = true, strides = array<i32>} : memref<16x768xf32, #tpu.memory_space<vmem>>, vector<16xf32>,
          %swap3A_241 = arith.index_cast %select_n3A_211 : i32 to index
          %swap3A_242 = arith.constant 96 : index
          %swap3A_243 = tpu.vector_load %arg12[%swap3A_241, %swap3A_242] {strides = array<i32>} : memref<16x768xf32, #tpu.memory_space<vmem>>, vector<16xf32>,
          tpu.vector_store %arg12[%swap3A_241, %swap3A_242], %while3A_220#6 {add = true, strides = array<i32>} : memref<16x768xf32, #tpu.memory_space<vmem>>, vector<16xf32>,
          %swap3A_244 = arith.index_cast %select_n3A_211 : i32 to index
          %swap3A_245 = arith.constant 112 : index
          %swap3A_246 = tpu.vector_load %arg12[%swap3A_244, %swap3A_245] {strides = array<i32>} : memref<16x768xf32, #tpu.memory_space<vmem>>, vector<16xf32>,
          tpu.vector_store %arg12[%swap3A_244, %swap3A_245], %while3A_220#7 {add = true, strides = array<i32>} : memref<16x768xf32, #tpu.memory_space<vmem>>, vector<16xf32>,
          %swap3A_247 = arith.index_cast %select_n3A_211 : i32 to index
          %swap3A_248 = arith.constant 128 : index
          %swap3A_249 = tpu.vector_load %arg12[%swap3A_247, %swap3A_248] {strides = array<i32>} : memref<16x768xf32, #tpu.memory_space<vmem>>, vector<16xf32>,
          tpu.vector_store %arg12[%swap3A_247, %swap3A_248], %while3A_220#8 {add = true, strides = array<i32>} : memref<16x768xf32, #tpu.memory_space<vmem>>, vector<16xf32>,
          %swap3A_250 = arith.index_cast %select_n3A_211 : i32 to index
          %swap3A_251 = arith.constant 144 : index
          %swap3A_252 = tpu.vector_load %arg12[%swap3A_250, %swap3A_251] {strides = array<i32>} : memref<16x768xf32, #tpu.memory_space<vmem>>, vector<16xf32>,
          tpu.vector_store %arg12[%swap3A_250, %swap3A_251], %while3A_220#9 {add = true, strides = array<i32>} : memref<16x768xf32, #tpu.memory_space<vmem>>, vector<16xf32>,
          %swap3A_253 = arith.index_cast %select_n3A_211 : i32 to index
          %swap3A_254 = arith.constant 160 : index
          %swap3A_255 = tpu.vector_load %arg12[%swap3A_253, %swap3A_254] {strides = array<i32>} : memref<16x768xf32, #tpu.memory_space<vmem>>, vector<16xf32>,
          tpu.vector_store %arg12[%swap3A_253, %swap3A_254], %while3A_220#10 {add = true, strides = array<i32>} : memref<16x768xf32, #tpu.memory_space<vmem>>, vector<16xf32>,
          %swap3A_256 = arith.index_cast %select_n3A_211 : i32 to index
          %swap3A_257 = arith.constant 176 : index
          %swap3A_258 = tpu.vector_load %arg12[%swap3A_256, %swap3A_257] {strides = array<i32>} : memref<16x768xf32, #tpu.memory_space<vmem>>, vector<16xf32>,
          tpu.vector_store %arg12[%swap3A_256, %swap3A_257], %while3A_220#11 {add = true, strides = array<i32>} : memref<16x768xf32, #tpu.memory_space<vmem>>, vector<16xf32>,
          %swap3A_259 = arith.index_cast %select_n3A_211 : i32 to index
          %swap3A_260 = arith.constant 192 : index
          %swap3A_261 = tpu.vector_load %arg12[%swap3A_259, %swap3A_260] {strides = array<i32>} : memref<16x768xf32, #tpu.memory_space<vmem>>, vector<16xf32>,
          tpu.vector_store %arg12[%swap3A_259, %swap3A_260], %while3A_220#12 {add = true, strides = array<i32>} : memref<16x768xf32, #tpu.memory_space<vmem>>, vector<16xf32>,
          %swap3A_262 = arith.index_cast %select_n3A_211 : i32 to index
          %swap3A_263 = arith.constant 208 : index
          %swap3A_264 = tpu.vector_load %arg12[%swap3A_262, %swap3A_263] {strides = array<i32>} : memref<16x768xf32, #tpu.memory_space<vmem>>, vector<16xf32>,
          tpu.vector_store %arg12[%swap3A_262, %swap3A_263], %while3A_220#13 {add = true, strides = array<i32>} : memref<16x768xf32, #tpu.memory_space<vmem>>, vector<16xf32>,
          %swap3A_265 = arith.index_cast %select_n3A_211 : i32 to index
          %swap3A_266 = arith.constant 224 : index
          %swap3A_267 = tpu.vector_load %arg12[%swap3A_265, %swap3A_266] {strides = array<i32>} : memref<16x768xf32, #tpu.memory_space<vmem>>, vector<16xf32>,
          tpu.vector_store %arg12[%swap3A_265, %swap3A_266], %while3A_220#14 {add = true, strides = array<i32>} : memref<16x768xf32, #tpu.memory_space<vmem>>, vector<16xf32>,
          %swap3A_268 = arith.index_cast %select_n3A_211 : i32 to index
          %swap3A_269 = arith.constant 240 : index
          %swap3A_270 = tpu.vector_load %arg12[%swap3A_268, %swap3A_269] {strides = array<i32>} : memref<16x768xf32, #tpu.memory_space<vmem>>, vector<16xf32>,
          tpu.vector_store %arg12[%swap3A_268, %swap3A_269], %while3A_220#15 {add = true, strides = array<i32>} : memref<16x768xf32, #tpu.memory_space<vmem>>, vector<16xf32>,
          %swap3A_271 = arith.index_cast %select_n3A_211 : i32 to index
          %swap3A_272 = arith.constant 256 : index
          %swap3A_273 = tpu.vector_load %arg12[%swap3A_271, %swap3A_272] {strides = array<i32>} : memref<16x768xf32, #tpu.memory_space<vmem>>, vector<16xf32>,
          tpu.vector_store %arg12[%swap3A_271, %swap3A_272], %while3A_220#16 {add = true, strides = array<i32>} : memref<16x768xf32, #tpu.memory_space<vmem>>, vector<16xf32>,
          %swap3A_274 = arith.index_cast %select_n3A_211 : i32 to index
          %swap3A_275 = arith.constant 272 : index
          %swap3A_276 = tpu.vector_load %arg12[%swap3A_274, %swap3A_275] {strides = array<i32>} : memref<16x768xf32, #tpu.memory_space<vmem>>, vector<16xf32>,
          tpu.vector_store %arg12[%swap3A_274, %swap3A_275], %while3A_220#17 {add = true, strides = array<i32>} : memref<16x768xf32, #tpu.memory_space<vmem>>, vector<16xf32>,
          %swap3A_277 = arith.index_cast %select_n3A_211 : i32 to index
          %swap3A_278 = arith.constant 288 : index
          %swap3A_279 = tpu.vector_load %arg12[%swap3A_277, %swap3A_278] {strides = array<i32>} : memref<16x768xf32, #tpu.memory_space<vmem>>, vector<16xf32>,
          tpu.vector_store %arg12[%swap3A_277, %swap3A_278], %while3A_220#18 {add = true, strides = array<i32>} : memref<16x768xf32, #tpu.memory_space<vmem>>, vector<16xf32>,
          %swap3A_280 = arith.index_cast %select_n3A_211 : i32 to index
          %swap3A_281 = arith.constant 304 : index
          %swap3A_282 = tpu.vector_load %arg12[%swap3A_280, %swap3A_281] {strides = array<i32>} : memref<16x768xf32, #tpu.memory_space<vmem>>, vector<16xf32>,
          tpu.vector_store %arg12[%swap3A_280, %swap3A_281], %while3A_220#19 {add = true, strides = array<i32>} : memref<16x768xf32, #tpu.memory_space<vmem>>, vector<16xf32>,
          %swap3A_283 = arith.index_cast %select_n3A_211 : i32 to index
          %swap3A_284 = arith.constant 320 : index
          %swap3A_285 = tpu.vector_load %arg12[%swap3A_283, %swap3A_284] {strides = array<i32>} : memref<16x768xf32, #tpu.memory_space<vmem>>, vector<16xf32>,
          tpu.vector_store %arg12[%swap3A_283, %swap3A_284], %while3A_220#20 {add = true, strides = array<i32>} : memref<16x768xf32, #tpu.memory_space<vmem>>, vector<16xf32>,
          %swap3A_286 = arith.index_cast %select_n3A_211 : i32 to index
          %swap3A_287 = arith.constant 336 : index
          %swap3A_288 = tpu.vector_load %arg12[%swap3A_286, %swap3A_287] {strides = array<i32>} : memref<16x768xf32, #tpu.memory_space<vmem>>, vector<16xf32>,
          tpu.vector_store %arg12[%swap3A_286, %swap3A_287], %while3A_220#21 {add = true, strides = array<i32>} : memref<16x768xf32, #tpu.memory_space<vmem>>, vector<16xf32>,
          %swap3A_289 = arith.index_cast %select_n3A_211 : i32 to index
          %swap3A_290 = arith.constant 352 : index
          %swap3A_291 = tpu.vector_load %arg12[%swap3A_289, %swap3A_290] {strides = array<i32>} : memref<16x768xf32, #tpu.memory_space<vmem>>, vector<16xf32>,
          tpu.vector_store %arg12[%swap3A_289, %swap3A_290], %while3A_220#22 {add = true, strides = array<i32>} : memref<16x768xf32, #tpu.memory_space<vmem>>, vector<16xf32>,
          %swap3A_292 = arith.index_cast %select_n3A_211 : i32 to index
          %swap3A_293 = arith.constant 368 : index
          %swap3A_294 = tpu.vector_load %arg12[%swap3A_292, %swap3A_293] {strides = array<i32>} : memref<16x768xf32, #tpu.memory_space<vmem>>, vector<16xf32>,
          tpu.vector_store %arg12[%swap3A_292, %swap3A_293], %while3A_220#23 {add = true, strides = array<i32>} : memref<16x768xf32, #tpu.memory_space<vmem>>, vector<16xf32>,
          %swap3A_295 = arith.index_cast %select_n3A_211 : i32 to index
          %swap3A_296 = arith.constant 384 : index
          %swap3A_297 = tpu.vector_load %arg12[%swap3A_295, %swap3A_296] {strides = array<i32>} : memref<16x768xf32, #tpu.memory_space<vmem>>, vector<16xf32>,
          tpu.vector_store %arg12[%swap3A_295, %swap3A_296], %while3A_220#24 {add = true, strides = array<i32>} : memref<16x768xf32, #tpu.memory_space<vmem>>, vector<16xf32>,
          %swap3A_298 = arith.index_cast %select_n3A_211 : i32 to index
          %swap3A_299 = arith.constant 400 : index
          %swap3A_300 = tpu.vector_load %arg12[%swap3A_298, %swap3A_299] {strides = array<i32>} : memref<16x768xf32, #tpu.memory_space<vmem>>, vector<16xf32>,
          tpu.vector_store %arg12[%swap3A_298, %swap3A_299], %while3A_220#25 {add = true, strides = array<i32>} : memref<16x768xf32, #tpu.memory_space<vmem>>, vector<16xf32>,
          %swap3A_301 = arith.index_cast %select_n3A_211 : i32 to index
          %swap3A_302 = arith.constant 416 : index
          %swap3A_303 = tpu.vector_load %arg12[%swap3A_301, %swap3A_302] {strides = array<i32>} : memref<16x768xf32, #tpu.memory_space<vmem>>, vector<16xf32>,
          tpu.vector_store %arg12[%swap3A_301, %swap3A_302], %while3A_220#26 {add = true, strides = array<i32>} : memref<16x768xf32, #tpu.memory_space<vmem>>, vector<16xf32>,
          %swap3A_304 = arith.index_cast %select_n3A_211 : i32 to index
          %swap3A_305 = arith.constant 432 : index
          %swap3A_306 = tpu.vector_load %arg12[%swap3A_304, %swap3A_305] {strides = array<i32>} : memref<16x768xf32, #tpu.memory_space<vmem>>, vector<16xf32>,
          tpu.vector_store %arg12[%swap3A_304, %swap3A_305], %while3A_220#27 {add = true, strides = array<i32>} : memref<16x768xf32, #tpu.memory_space<vmem>>, vector<16xf32>,
          %swap3A_307 = arith.index_cast %select_n3A_211 : i32 to index
          %swap3A_308 = arith.constant 448 : index
          %swap3A_309 = tpu.vector_load %arg12[%swap3A_307, %swap3A_308] {strides = array<i32>} : memref<16x768xf32, #tpu.memory_space<vmem>>, vector<16xf32>,
          tpu.vector_store %arg12[%swap3A_307, %swap3A_308], %while3A_220#28 {add = true, strides = array<i32>} : memref<16x768xf32, #tpu.memory_space<vmem>>, vector<16xf32>,
          %swap3A_310 = arith.index_cast %select_n3A_211 : i32 to index
          %swap3A_311 = arith.constant 464 : index
          %swap3A_312 = tpu.vector_load %arg12[%swap3A_310, %swap3A_311] {strides = array<i32>} : memref<16x768xf32, #tpu.memory_space<vmem>>, vector<16xf32>,
          tpu.vector_store %arg12[%swap3A_310, %swap3A_311], %while3A_220#29 {add = true, strides = array<i32>} : memref<16x768xf32, #tpu.memory_space<vmem>>, vector<16xf32>,
          %swap3A_313 = arith.index_cast %select_n3A_211 : i32 to index
          %swap3A_314 = arith.constant 480 : index
          %swap3A_315 = tpu.vector_load %arg12[%swap3A_313, %swap3A_314] {strides = array<i32>} : memref<16x768xf32, #tpu.memory_space<vmem>>, vector<16xf32>,
          tpu.vector_store %arg12[%swap3A_313, %swap3A_314], %while3A_220#30 {add = true, strides = array<i32>} : memref<16x768xf32, #tpu.memory_space<vmem>>, vector<16xf32>,
          %swap3A_316 = arith.index_cast %select_n3A_211 : i32 to index
          %swap3A_317 = arith.constant 496 : index
          %swap3A_318 = tpu.vector_load %arg12[%swap3A_316, %swap3A_317] {strides = array<i32>} : memref<16x768xf32, #tpu.memory_space<vmem>>, vector<16xf32>,
          tpu.vector_store %arg12[%swap3A_316, %swap3A_317], %while3A_220#31 {add = true, strides = array<i32>} : memref<16x768xf32, #tpu.memory_space<vmem>>, vector<16xf32>,
          %swap3A_319 = arith.index_cast %select_n3A_211 : i32 to index
          %swap3A_320 = arith.constant 512 : index
          %swap3A_321 = tpu.vector_load %arg12[%swap3A_319, %swap3A_320] {strides = array<i32>} : memref<16x768xf32, #tpu.memory_space<vmem>>, vector<16xf32>,
          tpu.vector_store %arg12[%swap3A_319, %swap3A_320], %while3A_220#32 {add = true, strides = array<i32>} : memref<16x768xf32, #tpu.memory_space<vmem>>, vector<16xf32>,
          %swap3A_322 = arith.index_cast %select_n3A_211 : i32 to index
          %swap3A_323 = arith.constant 528 : index
          %swap3A_324 = tpu.vector_load %arg12[%swap3A_322, %swap3A_323] {strides = array<i32>} : memref<16x768xf32, #tpu.memory_space<vmem>>, vector<16xf32>,
          tpu.vector_store %arg12[%swap3A_322, %swap3A_323], %while3A_220#33 {add = true, strides = array<i32>} : memref<16x768xf32, #tpu.memory_space<vmem>>, vector<16xf32>,
          %swap3A_325 = arith.index_cast %select_n3A_211 : i32 to index
          %swap3A_326 = arith.constant 544 : index
          %swap3A_327 = tpu.vector_load %arg12[%swap3A_325, %swap3A_326] {strides = array<i32>} : memref<16x768xf32, #tpu.memory_space<vmem>>, vector<16xf32>,
          tpu.vector_store %arg12[%swap3A_325, %swap3A_326], %while3A_220#34 {add = true, strides = array<i32>} : memref<16x768xf32, #tpu.memory_space<vmem>>, vector<16xf32>,
          %swap3A_328 = arith.index_cast %select_n3A_211 : i32 to index
          %swap3A_329 = arith.constant 560 : index
          %swap3A_330 = tpu.vector_load %arg12[%swap3A_328, %swap3A_329] {strides = array<i32>} : memref<16x768xf32, #tpu.memory_space<vmem>>, vector<16xf32>,
          tpu.vector_store %arg12[%swap3A_328, %swap3A_329], %while3A_220#35 {add = true, strides = array<i32>} : memref<16x768xf32, #tpu.memory_space<vmem>>, vector<16xf32>,
          %swap3A_331 = arith.index_cast %select_n3A_211 : i32 to index
          %swap3A_332 = arith.constant 576 : index
          %swap3A_333 = tpu.vector_load %arg12[%swap3A_331, %swap3A_332] {strides = array<i32>} : memref<16x768xf32, #tpu.memory_space<vmem>>, vector<16xf32>,
          tpu.vector_store %arg12[%swap3A_331, %swap3A_332], %while3A_220#36 {add = true, strides = array<i32>} : memref<16x768xf32, #tpu.memory_space<vmem>>, vector<16xf32>,
          %swap3A_334 = arith.index_cast %select_n3A_211 : i32 to index
          %swap3A_335 = arith.constant 592 : index
          %swap3A_336 = tpu.vector_load %arg12[%swap3A_334, %swap3A_335] {strides = array<i32>} : memref<16x768xf32, #tpu.memory_space<vmem>>, vector<16xf32>,
          tpu.vector_store %arg12[%swap3A_334, %swap3A_335], %while3A_220#37 {add = true, strides = array<i32>} : memref<16x768xf32, #tpu.memory_space<vmem>>, vector<16xf32>,
          %swap3A_337 = arith.index_cast %select_n3A_211 : i32 to index
          %swap3A_338 = arith.constant 608 : index
          %swap3A_339 = tpu.vector_load %arg12[%swap3A_337, %swap3A_338] {strides = array<i32>} : memref<16x768xf32, #tpu.memory_space<vmem>>, vector<16xf32>,
          tpu.vector_store %arg12[%swap3A_337, %swap3A_338], %while3A_220#38 {add = true, strides = array<i32>} : memref<16x768xf32, #tpu.memory_space<vmem>>, vector<16xf32>,
          %swap3A_340 = arith.index_cast %select_n3A_211 : i32 to index
          %swap3A_341 = arith.constant 624 : index
          %swap3A_342 = tpu.vector_load %arg12[%swap3A_340, %swap3A_341] {strides = array<i32>} : memref<16x768xf32, #tpu.memory_space<vmem>>, vector<16xf32>,
          tpu.vector_store %arg12[%swap3A_340, %swap3A_341], %while3A_220#39 {add = true, strides = array<i32>} : memref<16x768xf32, #tpu.memory_space<vmem>>, vector<16xf32>,
          %swap3A_343 = arith.index_cast %select_n3A_211 : i32 to index
          %swap3A_344 = arith.constant 640 : index
          %swap3A_345 = tpu.vector_load %arg12[%swap3A_343, %swap3A_344] {strides = array<i32>} : memref<16x768xf32, #tpu.memory_space<vmem>>, vector<16xf32>,
          tpu.vector_store %arg12[%swap3A_343, %swap3A_344], %while3A_220#40 {add = true, strides = array<i32>} : memref<16x768xf32, #tpu.memory_space<vmem>>, vector<16xf32>,
          %swap3A_346 = arith.index_cast %select_n3A_211 : i32 to index
          %swap3A_347 = arith.constant 656 : index
          %swap3A_348 = tpu.vector_load %arg12[%swap3A_346, %swap3A_347] {strides = array<i32>} : memref<16x768xf32, #tpu.memory_space<vmem>>, vector<16xf32>,
          tpu.vector_store %arg12[%swap3A_346, %swap3A_347], %while3A_220#41 {add = true, strides = array<i32>} : memref<16x768xf32, #tpu.memory_space<vmem>>, vector<16xf32>,
          %swap3A_349 = arith.index_cast %select_n3A_211 : i32 to index
          %swap3A_350 = arith.constant 672 : index
          %swap3A_351 = tpu.vector_load %arg12[%swap3A_349, %swap3A_350] {strides = array<i32>} : memref<16x768xf32, #tpu.memory_space<vmem>>, vector<16xf32>,
          tpu.vector_store %arg12[%swap3A_349, %swap3A_350], %while3A_220#42 {add = true, strides = array<i32>} : memref<16x768xf32, #tpu.memory_space<vmem>>, vector<16xf32>,
          %swap3A_352 = arith.index_cast %select_n3A_211 : i32 to index
          %swap3A_353 = arith.constant 688 : index
          %swap3A_354 = tpu.vector_load %arg12[%swap3A_352, %swap3A_353] {strides = array<i32>} : memref<16x768xf32, #tpu.memory_space<vmem>>, vector<16xf32>,
          tpu.vector_store %arg12[%swap3A_352, %swap3A_353], %while3A_220#43 {add = true, strides = array<i32>} : memref<16x768xf32, #tpu.memory_space<vmem>>, vector<16xf32>,
          %swap3A_355 = arith.index_cast %select_n3A_211 : i32 to index
          %swap3A_356 = arith.constant 704 : index
          %swap3A_357 = tpu.vector_load %arg12[%swap3A_355, %swap3A_356] {strides = array<i32>} : memref<16x768xf32, #tpu.memory_space<vmem>>, vector<16xf32>,
          tpu.vector_store %arg12[%swap3A_355, %swap3A_356], %while3A_220#44 {add = true, strides = array<i32>} : memref<16x768xf32, #tpu.memory_space<vmem>>, vector<16xf32>,
          %swap3A_358 = arith.index_cast %select_n3A_211 : i32 to index
          %swap3A_359 = arith.constant 720 : index
          %swap3A_360 = tpu.vector_load %arg12[%swap3A_358, %swap3A_359] {strides = array<i32>} : memref<16x768xf32, #tpu.memory_space<vmem>>, vector<16xf32>,
          tpu.vector_store %arg12[%swap3A_358, %swap3A_359], %while3A_220#45 {add = true, strides = array<i32>} : memref<16x768xf32, #tpu.memory_space<vmem>>, vector<16xf32>,
          %swap3A_361 = arith.index_cast %select_n3A_211 : i32 to index
          %swap3A_362 = arith.constant 736 : index
          %swap3A_363 = tpu.vector_load %arg12[%swap3A_361, %swap3A_362] {strides = array<i32>} : memref<16x768xf32, #tpu.memory_space<vmem>>, vector<16xf32>,
          tpu.vector_store %arg12[%swap3A_361, %swap3A_362], %while3A_220#46 {add = true, strides = array<i32>} : memref<16x768xf32, #tpu.memory_space<vmem>>, vector<16xf32>,
          %swap3A_364 = arith.index_cast %select_n3A_211 : i32 to index
          %swap3A_365 = arith.constant 752 : index
          %swap3A_366 = tpu.vector_load %arg12[%swap3A_364, %swap3A_365] {strides = array<i32>} : memref<16x768xf32, #tpu.memory_space<vmem>>, vector<16xf32>,
          tpu.vector_store %arg12[%swap3A_364, %swap3A_365], %while3A_220#47 {add = true, strides = array<i32>} : memref<16x768xf32, #tpu.memory_space<vmem>>, vector<16xf32>,
        } else {
        }
      }
      %scan3A_171 = arith.constant 9 : i32
    }
    %scan3A_82 = arith.constant 8 : i32
    %dma_wait3A_83 = arith.constant 0 : i32
    %dma_wait3A_84 = arith.constant 0 : i32
    %dma_wait3A_85 = tpu.memref_slice %arg3[%arg1, %dma_wait3A_83, %dma_wait3A_84] : memref<16x64x768xf32, #tpu.memory_space<hbm>> -> memref<1x64x768xf32, #tpu.memory_space<hbm>>
    %dma_wait3A_86 = tpu.memref_squeeze %dma_wait3A_85 : memref<1x64x768xf32, #tpu.memory_space<hbm>> -> memref<64x768xf32, #tpu.memory_space<hbm>>
    %dma_wait3A_87 = arith.constant 0 : i32
    %dma_wait3A_88 = arith.constant 0 : i32
    %dma_wait3A_89 = tpu.memref_slice %arg3[%arg1, %dma_wait3A_87, %dma_wait3A_88] : memref<16x64x768xf32, #tpu.memory_space<hbm>> -> memref<1x64x768xf32, #tpu.memory_space<hbm>>
    %dma_wait3A_90 = tpu.memref_squeeze %dma_wait3A_89 : memref<1x64x768xf32, #tpu.memory_space<hbm>> -> memref<64x768xf32, #tpu.memory_space<hbm>>
    tpu.wait_dma2 semaphore(%arg14 : memref<!tpu.dma_semaphore, #tpu.memory_space<semaphore_mem>>) src(%dma_wait3A_90 : memref<64x768xf32, #tpu.memory_space<hbm>>) dst(%arg9 : memref<64x768xf32, #tpu.memory_space<vmem>>)
    %eq3A_91 = arith.constant 0 : i32
    %eq3A_92 = arith.cmpi eq, %arg0, %eq3A_91 : i32
    %convert_element_type3A = arith.extui %eq3A_92 : i1 to i32
    %cond3A = arith.constant 0 : i32
    %cond3A_93 = arith.cmpi ne, %convert_element_type3A, %cond3A : i32
    scf.if %cond3A_93 {
      %add3A_105 = arith.constant 1024 : i32
      %add3A_106 = arith.addi %multiple_of3A, %add3A_105 : i32
      %add3A_107 = arith.constant 64 : i32
      %add3A_108 = arith.addi %add3A_106, %add3A_107 : i32
      %scan3A_109 = arith.constant 0 : i32
      %scan3A_110 = arith.constant 0 : i32
      %scan3A_111 = arith.constant 9 : i32
      %scan3A_112 = arith.addi %scan3A_110, %scan3A_111 : i32
      %scan3A_113 = arith.constant 1 : i32
      scf.for %scan3A_115 = %scan3A_110 to %scan3A_112 step %scan3A_113  : i32 {
        %eq3A_116 = arith.constant 0 : i32
        %eq3A_117 = arith.cmpi eq, %scan3A_115, %eq3A_116 : i32
        %eq3A_118 = vector.broadcast %scan3A_115 : i32 to vector<16xi32>
        %eq3A_119 = arith.cmpi eq, %iota3A, %eq3A_118 : vector<16xi32>
        %jit3A = arith.constant 0 : i32
        %broadcast_in_dim3A_120 = vector.broadcast %jit3A : i32 to vector<16xi32>
        %select_n3A_121 = arith.select %eq3A_119, %select_n3A_68, %broadcast_in_dim3A_120 : vector<16xi1>, vector<16xi32>
        %reduce_max3A = arith.constant true
        %reduce_max3A_122 = vector.broadcast %reduce_max3A : i1 to vector<16xi1>
        %reduce_max3A_123 = arith.constant -2147483648 : i32
        %reduce_max3A_124 = vector.broadcast %reduce_max3A_123 : i32 to vector<16xi32>
        %reduce_max3A_125 = arith.xori %select_n3A_121, %reduce_max3A_124 : vector<16xi32>
        %reduce_max3A_126 = tpu.scan <max>, %reduce_max3A_125 masked %reduce_max3A_122 : vector<16xi32>, vector<16xi1> -> vector<16xi32>
        %reduce_max3A_127 = arith.xori %reduce_max3A_126, %reduce_max3A_124 : vector<16xi32>
        %reduce_max3A_128 = vector.extract %reduce_max3A_127[15] : i32 from vector<16xi32>
        %jit3A_129 = arith.constant 0 : i32
        %select_n3A_130 = arith.select %eq3A_117, %jit3A_129, %reduce_max3A_128 : i32
        %eq3A_131 = arith.constant 0 : i32
        %eq3A_132 = arith.cmpi eq, %scan3A_115, %eq3A_131 : i32
        %add3A_133 = arith.constant 1 : i32
        %add3A_134 = arith.addi %scan3A_115, %add3A_133 : i32
        %eq3A_135 = vector.broadcast %add3A_134 : i32 to vector<16xi32>
        %eq3A_136 = arith.cmpi eq, %iota3A, %eq3A_135 : vector<16xi32>
        %jit3A_137 = arith.constant 0 : i32
        %broadcast_in_dim3A_138 = vector.broadcast %jit3A_137 : i32 to vector<16xi32>
        %select_n3A_139 = arith.select %eq3A_136, %select_n3A_68, %broadcast_in_dim3A_138 : vector<16xi1>, vector<16xi32>
        %reduce_max3A_140 = arith.constant true
        %reduce_max3A_141 = vector.broadcast %reduce_max3A_140 : i1 to vector<16xi1>
        %reduce_max3A_142 = arith.constant -2147483648 : i32
        %reduce_max3A_143 = vector.broadcast %reduce_max3A_142 : i32 to vector<16xi32>
        %reduce_max3A_144 = arith.xori %select_n3A_139, %reduce_max3A_143 : vector<16xi32>
        %reduce_max3A_145 = tpu.scan <max>, %reduce_max3A_144 masked %reduce_max3A_141 : vector<16xi32>, vector<16xi1> -> vector<16xi32>
        %reduce_max3A_146 = arith.xori %reduce_max3A_145, %reduce_max3A_143 : vector<16xi32>
        %reduce_max3A_147 = vector.extract %reduce_max3A_146[15] : i32 from vector<16xi32>
        %jit3A_148 = arith.constant 100 : i32
        %select_n3A_149 = arith.select %eq3A_132, %jit3A_148, %reduce_max3A_147 : i32
        %eq3A_150 = arith.constant 0 : i32
        %eq3A_151 = arith.cmpi eq, %scan3A_115, %eq3A_150 : i32
        %sub3A = arith.constant 1 : i32
        %sub3A_152 = arith.subi %scan3A_115, %sub3A : i32
        %jit3A_153 = arith.constant 8 : i32
        %select_n3A_154 = arith.select %eq3A_151, %jit3A_153, %sub3A_152 : i32
        %max3A = arith.maxsi %select_n3A_130, %add3A_106 : i32
        %min3A = arith.minsi %select_n3A_149, %add3A_108 : i32
        %while3A = arith.subi %min3A, %max3A : i32
        %while3A_155 = arith.addi %max3A, %while3A : i32
        %while3A_156 = arith.constant 1 : i32
        %while3A_157 = arith.divsi %while3A, %while3A_156 : i32
        %while3A_158 = arith.muli %while3A_157, %while3A_156 : i32
        %while3A_159 = arith.addi %max3A, %while3A_158 : i32
        %while3A_160 = arith.constant 1 : i32
        %while3A_161:48 = scf.for %while3A_167 = %max3A to %while3A_159 step %while3A_160 iter_args(%while3A_168 = %broadcast_in_dim3A_15, %while3A_169 = %broadcast_in_dim3A_15, %while3A_170 = %broadcast_in_dim3A_15, %while3A_171 = %broadcast_in_dim3A_15, %while3A_172 = %broadcast_in_dim3A_15, %while3A_173 = %broadcast_in_dim3A_15, %while3A_174 = %broadcast_in_dim3A_15, %while3A_175 = %broadcast_in_dim3A_15, %while3A_176 = %broadcast_in_dim3A_15, %while3A_177 = %broadcast_in_dim3A_15, %while3A_178 = %broadcast_in_dim3A_15, %while3A_179 = %broadcast_in_dim3A_15, %while3A_180 = %broadcast_in_dim3A_15, %while3A_181 = %broadcast_in_dim3A_15, %while3A_182 = %broadcast_in_dim3A_15, %while3A_183 = %broadcast_in_dim3A_15, %while3A_184 = %broadcast_in_dim3A_15, %while3A_185 = %broadcast_in_dim3A_15, %while3A_186 = %broadcast_in_dim3A_15, %while3A_187 = %broadcast_in_dim3A_15, %while3A_188 = %broadcast_in_dim3A_15, %while3A_189 = %broadcast_in_dim3A_15, %while3A_190 = %broadcast_in_dim3A_15, %while3A_191 = %broadcast_in_dim3A_15, %while3A_192 = %broadcast_in_dim3A_15, %while3A_193 = %broadcast_in_dim3A_15, %while3A_194 = %broadcast_in_dim3A_15, %while3A_195 = %broadcast_in_dim3A_15, %while3A_196 = %broadcast_in_dim3A_15, %while3A_197 = %broadcast_in_dim3A_15, %while3A_198 = %broadcast_in_dim3A_15, %while3A_199 = %broadcast_in_dim3A_15, %while3A_200 = %broadcast_in_dim3A_15, %while3A_201 = %broadcast_in_dim3A_15, %while3A_202 = %broadcast_in_dim3A_15, %while3A_203 = %broadcast_in_dim3A_15, %while3A_204 = %broadcast_in_dim3A_15, %while3A_205 = %broadcast_in_dim3A_15, %while3A_206 = %broadcast_in_dim3A_15, %while3A_207 = %broadcast_in_dim3A_15, %while3A_208 = %broadcast_in_dim3A_15, %while3A_209 = %broadcast_in_dim3A_15, %while3A_210 = %broadcast_in_dim3A_15, %while3A_211 = %broadcast_in_dim3A_15, %while3A_212 = %broadcast_in_dim3A_15, %while3A_213 = %broadcast_in_dim3A_15, %while3A_214 = %broadcast_in_dim3A_15, %while3A_215 = %broadcast_in_dim3A_15) -> (vector<16xf32>, vector<16xf32>, vector<16xf32>, vector<16xf32>, vector<16xf32>, vector<16xf32>, vector<16xf32>, vector<16xf32>, vector<16xf32>, vector<16xf32>, vector<16xf32>, vector<16xf32>, vector<16xf32>, vector<16xf32>, vector<16xf32>, vector<16xf32>, vector<16xf32>, vector<16xf32>, vector<16xf32>, vector<16xf32>, vector<16xf32>, vector<16xf32>, vector<16xf32>, vector<16xf32>, vector<16xf32>, vector<16xf32>, vector<16xf32>, vector<16xf32>, vector<16xf32>, vector<16xf32>, vector<16xf32>, vector<16xf32>, vector<16xf32>, vector<16xf32>, vector<16xf32>, vector<16xf32>, vector<16xf32>, vector<16xf32>, vector<16xf32>, vector<16xf32>, vector<16xf32>, vector<16xf32>, vector<16xf32>, vector<16xf32>, vector<16xf32>, vector<16xf32>, vector<16xf32>, vector<16xf32>)  : i32 {
          %sub3A_216 = arith.subi %while3A_167, %add3A_106 : i32
          %get3A = arith.index_cast %sub3A_216 : i32 to index
          %get3A_217 = arith.constant 0 : index
          %get3A_218 = tpu.vector_load %arg9[%get3A, %get3A_217] {strides = array<i32>} : memref<64x768xf32, #tpu.memory_space<vmem>>, vector<16xf32>,
          %add3A_219 = arith.addf %while3A_168, %get3A_218 : vector<16xf32>
          %get3A_220 = arith.index_cast %sub3A_216 : i32 to index
          %get3A_221 = arith.constant 16 : index
          %get3A_222 = tpu.vector_load %arg9[%get3A_220, %get3A_221] {strides = array<i32>} : memref<64x768xf32, #tpu.memory_space<vmem>>, vector<16xf32>,
          %add3A_223 = arith.addf %while3A_169, %get3A_222 : vector<16xf32>
          %get3A_224 = arith.index_cast %sub3A_216 : i32 to index
          %get3A_225 = arith.constant 32 : index
          %get3A_226 = tpu.vector_load %arg9[%get3A_224, %get3A_225] {strides = array<i32>} : memref<64x768xf32, #tpu.memory_space<vmem>>, vector<16xf32>,
          %add3A_227 = arith.addf %while3A_170, %get3A_226 : vector<16xf32>
          %get3A_228 = arith.index_cast %sub3A_216 : i32 to index
          %get3A_229 = arith.constant 48 : index
          %get3A_230 = tpu.vector_load %arg9[%get3A_228, %get3A_229] {strides = array<i32>} : memref<64x768xf32, #tpu.memory_space<vmem>>, vector<16xf32>,
          %add3A_231 = arith.addf %while3A_171, %get3A_230 : vector<16xf32>
          %get3A_232 = arith.index_cast %sub3A_216 : i32 to index
          %get3A_233 = arith.constant 64 : index
          %get3A_234 = tpu.vector_load %arg9[%get3A_232, %get3A_233] {strides = array<i32>} : memref<64x768xf32, #tpu.memory_space<vmem>>, vector<16xf32>,
          %add3A_235 = arith.addf %while3A_172, %get3A_234 : vector<16xf32>
          %get3A_236 = arith.index_cast %sub3A_216 : i32 to index
          %get3A_237 = arith.constant 80 : index
          %get3A_238 = tpu.vector_load %arg9[%get3A_236, %get3A_237] {strides = array<i32>} : memref<64x768xf32, #tpu.memory_space<vmem>>, vector<16xf32>,
          %add3A_239 = arith.addf %while3A_173, %get3A_238 : vector<16xf32>
          %get3A_240 = arith.index_cast %sub3A_216 : i32 to index
          %get3A_241 = arith.constant 96 : index
          %get3A_242 = tpu.vector_load %arg9[%get3A_240, %get3A_241] {strides = array<i32>} : memref<64x768xf32, #tpu.memory_space<vmem>>, vector<16xf32>,
          %add3A_243 = arith.addf %while3A_174, %get3A_242 : vector<16xf32>
          %get3A_244 = arith.index_cast %sub3A_216 : i32 to index
          %get3A_245 = arith.constant 112 : index
          %get3A_246 = tpu.vector_load %arg9[%get3A_244, %get3A_245] {strides = array<i32>} : memref<64x768xf32, #tpu.memory_space<vmem>>, vector<16xf32>,
          %add3A_247 = arith.addf %while3A_175, %get3A_246 : vector<16xf32>
          %get3A_248 = arith.index_cast %sub3A_216 : i32 to index
          %get3A_249 = arith.constant 128 : index
          %get3A_250 = tpu.vector_load %arg9[%get3A_248, %get3A_249] {strides = array<i32>} : memref<64x768xf32, #tpu.memory_space<vmem>>, vector<16xf32>,
          %add3A_251 = arith.addf %while3A_176, %get3A_250 : vector<16xf32>
          %get3A_252 = arith.index_cast %sub3A_216 : i32 to index
          %get3A_253 = arith.constant 144 : index
          %get3A_254 = tpu.vector_load %arg9[%get3A_252, %get3A_253] {strides = array<i32>} : memref<64x768xf32, #tpu.memory_space<vmem>>, vector<16xf32>,
          %add3A_255 = arith.addf %while3A_177, %get3A_254 : vector<16xf32>
          %get3A_256 = arith.index_cast %sub3A_216 : i32 to index
          %get3A_257 = arith.constant 160 : index
          %get3A_258 = tpu.vector_load %arg9[%get3A_256, %get3A_257] {strides = array<i32>} : memref<64x768xf32, #tpu.memory_space<vmem>>, vector<16xf32>,
          %add3A_259 = arith.addf %while3A_178, %get3A_258 : vector<16xf32>
          %get3A_260 = arith.index_cast %sub3A_216 : i32 to index
          %get3A_261 = arith.constant 176 : index
          %get3A_262 = tpu.vector_load %arg9[%get3A_260, %get3A_261] {strides = array<i32>} : memref<64x768xf32, #tpu.memory_space<vmem>>, vector<16xf32>,
          %add3A_263 = arith.addf %while3A_179, %get3A_262 : vector<16xf32>
          %get3A_264 = arith.index_cast %sub3A_216 : i32 to index
          %get3A_265 = arith.constant 192 : index
          %get3A_266 = tpu.vector_load %arg9[%get3A_264, %get3A_265] {strides = array<i32>} : memref<64x768xf32, #tpu.memory_space<vmem>>, vector<16xf32>,
          %add3A_267 = arith.addf %while3A_180, %get3A_266 : vector<16xf32>
          %get3A_268 = arith.index_cast %sub3A_216 : i32 to index
          %get3A_269 = arith.constant 208 : index
          %get3A_270 = tpu.vector_load %arg9[%get3A_268, %get3A_269] {strides = array<i32>} : memref<64x768xf32, #tpu.memory_space<vmem>>, vector<16xf32>,
          %add3A_271 = arith.addf %while3A_181, %get3A_270 : vector<16xf32>
          %get3A_272 = arith.index_cast %sub3A_216 : i32 to index
          %get3A_273 = arith.constant 224 : index
          %get3A_274 = tpu.vector_load %arg9[%get3A_272, %get3A_273] {strides = array<i32>} : memref<64x768xf32, #tpu.memory_space<vmem>>, vector<16xf32>,
          %add3A_275 = arith.addf %while3A_182, %get3A_274 : vector<16xf32>
          %get3A_276 = arith.index_cast %sub3A_216 : i32 to index
          %get3A_277 = arith.constant 240 : index
          %get3A_278 = tpu.vector_load %arg9[%get3A_276, %get3A_277] {strides = array<i32>} : memref<64x768xf32, #tpu.memory_space<vmem>>, vector<16xf32>,
          %add3A_279 = arith.addf %while3A_183, %get3A_278 : vector<16xf32>
          %get3A_280 = arith.index_cast %sub3A_216 : i32 to index
          %get3A_281 = arith.constant 256 : index
          %get3A_282 = tpu.vector_load %arg9[%get3A_280, %get3A_281] {strides = array<i32>} : memref<64x768xf32, #tpu.memory_space<vmem>>, vector<16xf32>,
          %add3A_283 = arith.addf %while3A_184, %get3A_282 : vector<16xf32>
          %get3A_284 = arith.index_cast %sub3A_216 : i32 to index
          %get3A_285 = arith.constant 272 : index
          %get3A_286 = tpu.vector_load %arg9[%get3A_284, %get3A_285] {strides = array<i32>} : memref<64x768xf32, #tpu.memory_space<vmem>>, vector<16xf32>,
          %add3A_287 = arith.addf %while3A_185, %get3A_286 : vector<16xf32>
          %get3A_288 = arith.index_cast %sub3A_216 : i32 to index
          %get3A_289 = arith.constant 288 : index
          %get3A_290 = tpu.vector_load %arg9[%get3A_288, %get3A_289] {strides = array<i32>} : memref<64x768xf32, #tpu.memory_space<vmem>>, vector<16xf32>,
          %add3A_291 = arith.addf %while3A_186, %get3A_290 : vector<16xf32>
          %get3A_292 = arith.index_cast %sub3A_216 : i32 to index
          %get3A_293 = arith.constant 304 : index
          %get3A_294 = tpu.vector_load %arg9[%get3A_292, %get3A_293] {strides = array<i32>} : memref<64x768xf32, #tpu.memory_space<vmem>>, vector<16xf32>,
          %add3A_295 = arith.addf %while3A_187, %get3A_294 : vector<16xf32>
          %get3A_296 = arith.index_cast %sub3A_216 : i32 to index
          %get3A_297 = arith.constant 320 : index
          %get3A_298 = tpu.vector_load %arg9[%get3A_296, %get3A_297] {strides = array<i32>} : memref<64x768xf32, #tpu.memory_space<vmem>>, vector<16xf32>,
          %add3A_299 = arith.addf %while3A_188, %get3A_298 : vector<16xf32>
          %get3A_300 = arith.index_cast %sub3A_216 : i32 to index
          %get3A_301 = arith.constant 336 : index
          %get3A_302 = tpu.vector_load %arg9[%get3A_300, %get3A_301] {strides = array<i32>} : memref<64x768xf32, #tpu.memory_space<vmem>>, vector<16xf32>,
          %add3A_303 = arith.addf %while3A_189, %get3A_302 : vector<16xf32>
          %get3A_304 = arith.index_cast %sub3A_216 : i32 to index
          %get3A_305 = arith.constant 352 : index
          %get3A_306 = tpu.vector_load %arg9[%get3A_304, %get3A_305] {strides = array<i32>} : memref<64x768xf32, #tpu.memory_space<vmem>>, vector<16xf32>,
          %add3A_307 = arith.addf %while3A_190, %get3A_306 : vector<16xf32>
          %get3A_308 = arith.index_cast %sub3A_216 : i32 to index
          %get3A_309 = arith.constant 368 : index
          %get3A_310 = tpu.vector_load %arg9[%get3A_308, %get3A_309] {strides = array<i32>} : memref<64x768xf32, #tpu.memory_space<vmem>>, vector<16xf32>,
          %add3A_311 = arith.addf %while3A_191, %get3A_310 : vector<16xf32>
          %get3A_312 = arith.index_cast %sub3A_216 : i32 to index
          %get3A_313 = arith.constant 384 : index
          %get3A_314 = tpu.vector_load %arg9[%get3A_312, %get3A_313] {strides = array<i32>} : memref<64x768xf32, #tpu.memory_space<vmem>>, vector<16xf32>,
          %add3A_315 = arith.addf %while3A_192, %get3A_314 : vector<16xf32>
          %get3A_316 = arith.index_cast %sub3A_216 : i32 to index
          %get3A_317 = arith.constant 400 : index
          %get3A_318 = tpu.vector_load %arg9[%get3A_316, %get3A_317] {strides = array<i32>} : memref<64x768xf32, #tpu.memory_space<vmem>>, vector<16xf32>,
          %add3A_319 = arith.addf %while3A_193, %get3A_318 : vector<16xf32>
          %get3A_320 = arith.index_cast %sub3A_216 : i32 to index
          %get3A_321 = arith.constant 416 : index
          %get3A_322 = tpu.vector_load %arg9[%get3A_320, %get3A_321] {strides = array<i32>} : memref<64x768xf32, #tpu.memory_space<vmem>>, vector<16xf32>,
          %add3A_323 = arith.addf %while3A_194, %get3A_322 : vector<16xf32>
          %get3A_324 = arith.index_cast %sub3A_216 : i32 to index
          %get3A_325 = arith.constant 432 : index
          %get3A_326 = tpu.vector_load %arg9[%get3A_324, %get3A_325] {strides = array<i32>} : memref<64x768xf32, #tpu.memory_space<vmem>>, vector<16xf32>,
          %add3A_327 = arith.addf %while3A_195, %get3A_326 : vector<16xf32>
          %get3A_328 = arith.index_cast %sub3A_216 : i32 to index
          %get3A_329 = arith.constant 448 : index
          %get3A_330 = tpu.vector_load %arg9[%get3A_328, %get3A_329] {strides = array<i32>} : memref<64x768xf32, #tpu.memory_space<vmem>>, vector<16xf32>,
          %add3A_331 = arith.addf %while3A_196, %get3A_330 : vector<16xf32>
          %get3A_332 = arith.index_cast %sub3A_216 : i32 to index
          %get3A_333 = arith.constant 464 : index
          %get3A_334 = tpu.vector_load %arg9[%get3A_332, %get3A_333] {strides = array<i32>} : memref<64x768xf32, #tpu.memory_space<vmem>>, vector<16xf32>,
          %add3A_335 = arith.addf %while3A_197, %get3A_334 : vector<16xf32>
          %get3A_336 = arith.index_cast %sub3A_216 : i32 to index
          %get3A_337 = arith.constant 480 : index
          %get3A_338 = tpu.vector_load %arg9[%get3A_336, %get3A_337] {strides = array<i32>} : memref<64x768xf32, #tpu.memory_space<vmem>>, vector<16xf32>,
          %add3A_339 = arith.addf %while3A_198, %get3A_338 : vector<16xf32>
          %get3A_340 = arith.index_cast %sub3A_216 : i32 to index
          %get3A_341 = arith.constant 496 : index
          %get3A_342 = tpu.vector_load %arg9[%get3A_340, %get3A_341] {strides = array<i32>} : memref<64x768xf32, #tpu.memory_space<vmem>>, vector<16xf32>,
          %add3A_343 = arith.addf %while3A_199, %get3A_342 : vector<16xf32>
          %get3A_344 = arith.index_cast %sub3A_216 : i32 to index
          %get3A_345 = arith.constant 512 : index
          %get3A_346 = tpu.vector_load %arg9[%get3A_344, %get3A_345] {strides = array<i32>} : memref<64x768xf32, #tpu.memory_space<vmem>>, vector<16xf32>,
          %add3A_347 = arith.addf %while3A_200, %get3A_346 : vector<16xf32>
          %get3A_348 = arith.index_cast %sub3A_216 : i32 to index
          %get3A_349 = arith.constant 528 : index
          %get3A_350 = tpu.vector_load %arg9[%get3A_348, %get3A_349] {strides = array<i32>} : memref<64x768xf32, #tpu.memory_space<vmem>>, vector<16xf32>,
          %add3A_351 = arith.addf %while3A_201, %get3A_350 : vector<16xf32>
          %get3A_352 = arith.index_cast %sub3A_216 : i32 to index
          %get3A_353 = arith.constant 544 : index
          %get3A_354 = tpu.vector_load %arg9[%get3A_352, %get3A_353] {strides = array<i32>} : memref<64x768xf32, #tpu.memory_space<vmem>>, vector<16xf32>,
          %add3A_355 = arith.addf %while3A_202, %get3A_354 : vector<16xf32>
          %get3A_356 = arith.index_cast %sub3A_216 : i32 to index
          %get3A_357 = arith.constant 560 : index
          %get3A_358 = tpu.vector_load %arg9[%get3A_356, %get3A_357] {strides = array<i32>} : memref<64x768xf32, #tpu.memory_space<vmem>>, vector<16xf32>,
          %add3A_359 = arith.addf %while3A_203, %get3A_358 : vector<16xf32>
          %get3A_360 = arith.index_cast %sub3A_216 : i32 to index
          %get3A_361 = arith.constant 576 : index
          %get3A_362 = tpu.vector_load %arg9[%get3A_360, %get3A_361] {strides = array<i32>} : memref<64x768xf32, #tpu.memory_space<vmem>>, vector<16xf32>,
          %add3A_363 = arith.addf %while3A_204, %get3A_362 : vector<16xf32>
          %get3A_364 = arith.index_cast %sub3A_216 : i32 to index
          %get3A_365 = arith.constant 592 : index
          %get3A_366 = tpu.vector_load %arg9[%get3A_364, %get3A_365] {strides = array<i32>} : memref<64x768xf32, #tpu.memory_space<vmem>>, vector<16xf32>,
          %add3A_367 = arith.addf %while3A_205, %get3A_366 : vector<16xf32>
          %get3A_368 = arith.index_cast %sub3A_216 : i32 to index
          %get3A_369 = arith.constant 608 : index
          %get3A_370 = tpu.vector_load %arg9[%get3A_368, %get3A_369] {strides = array<i32>} : memref<64x768xf32, #tpu.memory_space<vmem>>, vector<16xf32>,
          %add3A_371 = arith.addf %while3A_206, %get3A_370 : vector<16xf32>
          %get3A_372 = arith.index_cast %sub3A_216 : i32 to index
          %get3A_373 = arith.constant 624 : index
          %get3A_374 = tpu.vector_load %arg9[%get3A_372, %get3A_373] {strides = array<i32>} : memref<64x768xf32, #tpu.memory_space<vmem>>, vector<16xf32>,
          %add3A_375 = arith.addf %while3A_207, %get3A_374 : vector<16xf32>
          %get3A_376 = arith.index_cast %sub3A_216 : i32 to index
          %get3A_377 = arith.constant 640 : index
          %get3A_378 = tpu.vector_load %arg9[%get3A_376, %get3A_377] {strides = array<i32>} : memref<64x768xf32, #tpu.memory_space<vmem>>, vector<16xf32>,
          %add3A_379 = arith.addf %while3A_208, %get3A_378 : vector<16xf32>
          %get3A_380 = arith.index_cast %sub3A_216 : i32 to index
          %get3A_381 = arith.constant 656 : index
          %get3A_382 = tpu.vector_load %arg9[%get3A_380, %get3A_381] {strides = array<i32>} : memref<64x768xf32, #tpu.memory_space<vmem>>, vector<16xf32>,
          %add3A_383 = arith.addf %while3A_209, %get3A_382 : vector<16xf32>
          %get3A_384 = arith.index_cast %sub3A_216 : i32 to index
          %get3A_385 = arith.constant 672 : index
          %get3A_386 = tpu.vector_load %arg9[%get3A_384, %get3A_385] {strides = array<i32>} : memref<64x768xf32, #tpu.memory_space<vmem>>, vector<16xf32>,
          %add3A_387 = arith.addf %while3A_210, %get3A_386 : vector<16xf32>
          %get3A_388 = arith.index_cast %sub3A_216 : i32 to index
          %get3A_389 = arith.constant 688 : index
          %get3A_390 = tpu.vector_load %arg9[%get3A_388, %get3A_389] {strides = array<i32>} : memref<64x768xf32, #tpu.memory_space<vmem>>, vector<16xf32>,
          %add3A_391 = arith.addf %while3A_211, %get3A_390 : vector<16xf32>
          %get3A_392 = arith.index_cast %sub3A_216 : i32 to index
          %get3A_393 = arith.constant 704 : index
          %get3A_394 = tpu.vector_load %arg9[%get3A_392, %get3A_393] {strides = array<i32>} : memref<64x768xf32, #tpu.memory_space<vmem>>, vector<16xf32>,
          %add3A_395 = arith.addf %while3A_212, %get3A_394 : vector<16xf32>
          %get3A_396 = arith.index_cast %sub3A_216 : i32 to index
          %get3A_397 = arith.constant 720 : index
          %get3A_398 = tpu.vector_load %arg9[%get3A_396, %get3A_397] {strides = array<i32>} : memref<64x768xf32, #tpu.memory_space<vmem>>, vector<16xf32>,
          %add3A_399 = arith.addf %while3A_213, %get3A_398 : vector<16xf32>
          %get3A_400 = arith.index_cast %sub3A_216 : i32 to index
          %get3A_401 = arith.constant 736 : index
          %get3A_402 = tpu.vector_load %arg9[%get3A_400, %get3A_401] {strides = array<i32>} : memref<64x768xf32, #tpu.memory_space<vmem>>, vector<16xf32>,
          %add3A_403 = arith.addf %while3A_214, %get3A_402 : vector<16xf32>
          %get3A_404 = arith.index_cast %sub3A_216 : i32 to index
          %get3A_405 = arith.constant 752 : index
          %get3A_406 = tpu.vector_load %arg9[%get3A_404, %get3A_405] {strides = array<i32>} : memref<64x768xf32, #tpu.memory_space<vmem>>, vector<16xf32>,
          %add3A_407 = arith.addf %while3A_215, %get3A_406 : vector<16xf32>
          scf.yield %add3A_219, %add3A_223, %add3A_227, %add3A_231, %add3A_235, %add3A_239, %add3A_243, %add3A_247, %add3A_251, %add3A_255, %add3A_259, %add3A_263, %add3A_267, %add3A_271, %add3A_275, %add3A_279, %add3A_283, %add3A_287, %add3A_291, %add3A_295, %add3A_299, %add3A_303, %add3A_307, %add3A_311, %add3A_315, %add3A_319, %add3A_323, %add3A_327, %add3A_331, %add3A_335, %add3A_339, %add3A_343, %add3A_347, %add3A_351, %add3A_355, %add3A_359, %add3A_363, %add3A_367, %add3A_371, %add3A_375, %add3A_379, %add3A_383, %add3A_387, %add3A_391, %add3A_395, %add3A_399, %add3A_403, %add3A_407 : vector<16xf32>, vector<16xf32>, vector<16xf32>, vector<16xf32>, vector<16xf32>, vector<16xf32>, vector<16xf32>, vector<16xf32>, vector<16xf32>, vector<16xf32>, vector<16xf32>, vector<16xf32>, vector<16xf32>, vector<16xf32>, vector<16xf32>, vector<16xf32>, vector<16xf32>, vector<16xf32>, vector<16xf32>, vector<16xf32>, vector<16xf32>, vector<16xf32>, vector<16xf32>, vector<16xf32>, vector<16xf32>, vector<16xf32>, vector<16xf32>, vector<16xf32>, vector<16xf32>, vector<16xf32>, vector<16xf32>, vector<16xf32>, vector<16xf32>, vector<16xf32>, vector<16xf32>, vector<16xf32>, vector<16xf32>, vector<16xf32>, vector<16xf32>, vector<16xf32>, vector<16xf32>, vector<16xf32>, vector<16xf32>, vector<16xf32>, vector<16xf32>, vector<16xf32>, vector<16xf32>, vector<16xf32>
        }
        %while3A_162 = arith.constant 1 : i32
        %while3A_163:48 = scf.for %while3A_167 = %while3A_159 to %while3A_155 step %while3A_162 iter_args(%while3A_168 = %while3A_161#0, %while3A_169 = %while3A_161#1, %while3A_170 = %while3A_161#2, %while3A_171 = %while3A_161#3, %while3A_172 = %while3A_161#4, %while3A_173 = %while3A_161#5, %while3A_174 = %while3A_161#6, %while3A_175 = %while3A_161#7, %while3A_176 = %while3A_161#8, %while3A_177 = %while3A_161#9, %while3A_178 = %while3A_161#10, %while3A_179 = %while3A_161#11, %while3A_180 = %while3A_161#12, %while3A_181 = %while3A_161#13, %while3A_182 = %while3A_161#14, %while3A_183 = %while3A_161#15, %while3A_184 = %while3A_161#16, %while3A_185 = %while3A_161#17, %while3A_186 = %while3A_161#18, %while3A_187 = %while3A_161#19, %while3A_188 = %while3A_161#20, %while3A_189 = %while3A_161#21, %while3A_190 = %while3A_161#22, %while3A_191 = %while3A_161#23, %while3A_192 = %while3A_161#24, %while3A_193 = %while3A_161#25, %while3A_194 = %while3A_161#26, %while3A_195 = %while3A_161#27, %while3A_196 = %while3A_161#28, %while3A_197 = %while3A_161#29, %while3A_198 = %while3A_161#30, %while3A_199 = %while3A_161#31, %while3A_200 = %while3A_161#32, %while3A_201 = %while3A_161#33, %while3A_202 = %while3A_161#34, %while3A_203 = %while3A_161#35, %while3A_204 = %while3A_161#36, %while3A_205 = %while3A_161#37, %while3A_206 = %while3A_161#38, %while3A_207 = %while3A_161#39, %while3A_208 = %while3A_161#40, %while3A_209 = %while3A_161#41, %while3A_210 = %while3A_161#42, %while3A_211 = %while3A_161#43, %while3A_212 = %while3A_161#44, %while3A_213 = %while3A_161#45, %while3A_214 = %while3A_161#46, %while3A_215 = %while3A_161#47) -> (vector<16xf32>, vector<16xf32>, vector<16xf32>, vector<16xf32>, vector<16xf32>, vector<16xf32>, vector<16xf32>, vector<16xf32>, vector<16xf32>, vector<16xf32>, vector<16xf32>, vector<16xf32>, vector<16xf32>, vector<16xf32>, vector<16xf32>, vector<16xf32>, vector<16xf32>, vector<16xf32>, vector<16xf32>, vector<16xf32>, vector<16xf32>, vector<16xf32>, vector<16xf32>, vector<16xf32>, vector<16xf32>, vector<16xf32>, vector<16xf32>, vector<16xf32>, vector<16xf32>, vector<16xf32>, vector<16xf32>, vector<16xf32>, vector<16xf32>, vector<16xf32>, vector<16xf32>, vector<16xf32>, vector<16xf32>, vector<16xf32>, vector<16xf32>, vector<16xf32>, vector<16xf32>, vector<16xf32>, vector<16xf32>, vector<16xf32>, vector<16xf32>, vector<16xf32>, vector<16xf32>, vector<16xf32>)  : i32 {
          %sub3A_216 = arith.subi %while3A_167, %add3A_106 : i32
          %get3A = arith.index_cast %sub3A_216 : i32 to index
          %get3A_217 = arith.constant 0 : index
          %get3A_218 = tpu.vector_load %arg9[%get3A, %get3A_217] {strides = array<i32>} : memref<64x768xf32, #tpu.memory_space<vmem>>, vector<16xf32>,
          %add3A_219 = arith.addf %while3A_168, %get3A_218 : vector<16xf32>
          %get3A_220 = arith.index_cast %sub3A_216 : i32 to index
          %get3A_221 = arith.constant 16 : index
          %get3A_222 = tpu.vector_load %arg9[%get3A_220, %get3A_221] {strides = array<i32>} : memref<64x768xf32, #tpu.memory_space<vmem>>, vector<16xf32>,
          %add3A_223 = arith.addf %while3A_169, %get3A_222 : vector<16xf32>
          %get3A_224 = arith.index_cast %sub3A_216 : i32 to index
          %get3A_225 = arith.constant 32 : index
          %get3A_226 = tpu.vector_load %arg9[%get3A_224, %get3A_225] {strides = array<i32>} : memref<64x768xf32, #tpu.memory_space<vmem>>, vector<16xf32>,
          %add3A_227 = arith.addf %while3A_170, %get3A_226 : vector<16xf32>
          %get3A_228 = arith.index_cast %sub3A_216 : i32 to index
          %get3A_229 = arith.constant 48 : index
          %get3A_230 = tpu.vector_load %arg9[%get3A_228, %get3A_229] {strides = array<i32>} : memref<64x768xf32, #tpu.memory_space<vmem>>, vector<16xf32>,
          %add3A_231 = arith.addf %while3A_171, %get3A_230 : vector<16xf32>
          %get3A_232 = arith.index_cast %sub3A_216 : i32 to index
          %get3A_233 = arith.constant 64 : index
          %get3A_234 = tpu.vector_load %arg9[%get3A_232, %get3A_233] {strides = array<i32>} : memref<64x768xf32, #tpu.memory_space<vmem>>, vector<16xf32>,
          %add3A_235 = arith.addf %while3A_172, %get3A_234 : vector<16xf32>
          %get3A_236 = arith.index_cast %sub3A_216 : i32 to index
          %get3A_237 = arith.constant 80 : index
          %get3A_238 = tpu.vector_load %arg9[%get3A_236, %get3A_237] {strides = array<i32>} : memref<64x768xf32, #tpu.memory_space<vmem>>, vector<16xf32>,
          %add3A_239 = arith.addf %while3A_173, %get3A_238 : vector<16xf32>
          %get3A_240 = arith.index_cast %sub3A_216 : i32 to index
          %get3A_241 = arith.constant 96 : index
          %get3A_242 = tpu.vector_load %arg9[%get3A_240, %get3A_241] {strides = array<i32>} : memref<64x768xf32, #tpu.memory_space<vmem>>, vector<16xf32>,
          %add3A_243 = arith.addf %while3A_174, %get3A_242 : vector<16xf32>
          %get3A_244 = arith.index_cast %sub3A_216 : i32 to index
          %get3A_245 = arith.constant 112 : index
          %get3A_246 = tpu.vector_load %arg9[%get3A_244, %get3A_245] {strides = array<i32>} : memref<64x768xf32, #tpu.memory_space<vmem>>, vector<16xf32>,
          %add3A_247 = arith.addf %while3A_175, %get3A_246 : vector<16xf32>
          %get3A_248 = arith.index_cast %sub3A_216 : i32 to index
          %get3A_249 = arith.constant 128 : index
          %get3A_250 = tpu.vector_load %arg9[%get3A_248, %get3A_249] {strides = array<i32>} : memref<64x768xf32, #tpu.memory_space<vmem>>, vector<16xf32>,
          %add3A_251 = arith.addf %while3A_176, %get3A_250 : vector<16xf32>
          %get3A_252 = arith.index_cast %sub3A_216 : i32 to index
          %get3A_253 = arith.constant 144 : index
          %get3A_254 = tpu.vector_load %arg9[%get3A_252, %get3A_253] {strides = array<i32>} : memref<64x768xf32, #tpu.memory_space<vmem>>, vector<16xf32>,
          %add3A_255 = arith.addf %while3A_177, %get3A_254 : vector<16xf32>
          %get3A_256 = arith.index_cast %sub3A_216 : i32 to index
          %get3A_257 = arith.constant 160 : index
          %get3A_258 = tpu.vector_load %arg9[%get3A_256, %get3A_257] {strides = array<i32>} : memref<64x768xf32, #tpu.memory_space<vmem>>, vector<16xf32>,
          %add3A_259 = arith.addf %while3A_178, %get3A_258 : vector<16xf32>
          %get3A_260 = arith.index_cast %sub3A_216 : i32 to index
          %get3A_261 = arith.constant 176 : index
          %get3A_262 = tpu.vector_load %arg9[%get3A_260, %get3A_261] {strides = array<i32>} : memref<64x768xf32, #tpu.memory_space<vmem>>, vector<16xf32>,
          %add3A_263 = arith.addf %while3A_179, %get3A_262 : vector<16xf32>
          %get3A_264 = arith.index_cast %sub3A_216 : i32 to index
          %get3A_265 = arith.constant 192 : index
          %get3A_266 = tpu.vector_load %arg9[%get3A_264, %get3A_265] {strides = array<i32>} : memref<64x768xf32, #tpu.memory_space<vmem>>, vector<16xf32>,
          %add3A_267 = arith.addf %while3A_180, %get3A_266 : vector<16xf32>
          %get3A_268 = arith.index_cast %sub3A_216 : i32 to index
          %get3A_269 = arith.constant 208 : index
          %get3A_270 = tpu.vector_load %arg9[%get3A_268, %get3A_269] {strides = array<i32>} : memref<64x768xf32, #tpu.memory_space<vmem>>, vector<16xf32>,
          %add3A_271 = arith.addf %while3A_181, %get3A_270 : vector<16xf32>
          %get3A_272 = arith.index_cast %sub3A_216 : i32 to index
          %get3A_273 = arith.constant 224 : index
          %get3A_274 = tpu.vector_load %arg9[%get3A_272, %get3A_273] {strides = array<i32>} : memref<64x768xf32, #tpu.memory_space<vmem>>, vector<16xf32>,
          %add3A_275 = arith.addf %while3A_182, %get3A_274 : vector<16xf32>
          %get3A_276 = arith.index_cast %sub3A_216 : i32 to index
          %get3A_277 = arith.constant 240 : index
          %get3A_278 = tpu.vector_load %arg9[%get3A_276, %get3A_277] {strides = array<i32>} : memref<64x768xf32, #tpu.memory_space<vmem>>, vector<16xf32>,
          %add3A_279 = arith.addf %while3A_183, %get3A_278 : vector<16xf32>
          %get3A_280 = arith.index_cast %sub3A_216 : i32 to index
          %get3A_281 = arith.constant 256 : index
          %get3A_282 = tpu.vector_load %arg9[%get3A_280, %get3A_281] {strides = array<i32>} : memref<64x768xf32, #tpu.memory_space<vmem>>, vector<16xf32>,
          %add3A_283 = arith.addf %while3A_184, %get3A_282 : vector<16xf32>
          %get3A_284 = arith.index_cast %sub3A_216 : i32 to index
          %get3A_285 = arith.constant 272 : index
          %get3A_286 = tpu.vector_load %arg9[%get3A_284, %get3A_285] {strides = array<i32>} : memref<64x768xf32, #tpu.memory_space<vmem>>, vector<16xf32>,
          %add3A_287 = arith.addf %while3A_185, %get3A_286 : vector<16xf32>
          %get3A_288 = arith.index_cast %sub3A_216 : i32 to index
          %get3A_289 = arith.constant 288 : index
          %get3A_290 = tpu.vector_load %arg9[%get3A_288, %get3A_289] {strides = array<i32>} : memref<64x768xf32, #tpu.memory_space<vmem>>, vector<16xf32>,
          %add3A_291 = arith.addf %while3A_186, %get3A_290 : vector<16xf32>
          %get3A_292 = arith.index_cast %sub3A_216 : i32 to index
          %get3A_293 = arith.constant 304 : index
          %get3A_294 = tpu.vector_load %arg9[%get3A_292, %get3A_293] {strides = array<i32>} : memref<64x768xf32, #tpu.memory_space<vmem>>, vector<16xf32>,
          %add3A_295 = arith.addf %while3A_187, %get3A_294 : vector<16xf32>
          %get3A_296 = arith.index_cast %sub3A_216 : i32 to index
          %get3A_297 = arith.constant 320 : index
          %get3A_298 = tpu.vector_load %arg9[%get3A_296, %get3A_297] {strides = array<i32>} : memref<64x768xf32, #tpu.memory_space<vmem>>, vector<16xf32>,
          %add3A_299 = arith.addf %while3A_188, %get3A_298 : vector<16xf32>
          %get3A_300 = arith.index_cast %sub3A_216 : i32 to index
          %get3A_301 = arith.constant 336 : index
          %get3A_302 = tpu.vector_load %arg9[%get3A_300, %get3A_301] {strides = array<i32>} : memref<64x768xf32, #tpu.memory_space<vmem>>, vector<16xf32>,
          %add3A_303 = arith.addf %while3A_189, %get3A_302 : vector<16xf32>
          %get3A_304 = arith.index_cast %sub3A_216 : i32 to index
          %get3A_305 = arith.constant 352 : index
          %get3A_306 = tpu.vector_load %arg9[%get3A_304, %get3A_305] {strides = array<i32>} : memref<64x768xf32, #tpu.memory_space<vmem>>, vector<16xf32>,
          %add3A_307 = arith.addf %while3A_190, %get3A_306 : vector<16xf32>
          %get3A_308 = arith.index_cast %sub3A_216 : i32 to index
          %get3A_309 = arith.constant 368 : index
          %get3A_310 = tpu.vector_load %arg9[%get3A_308, %get3A_309] {strides = array<i32>} : memref<64x768xf32, #tpu.memory_space<vmem>>, vector<16xf32>,
          %add3A_311 = arith.addf %while3A_191, %get3A_310 : vector<16xf32>
          %get3A_312 = arith.index_cast %sub3A_216 : i32 to index
          %get3A_313 = arith.constant 384 : index
          %get3A_314 = tpu.vector_load %arg9[%get3A_312, %get3A_313] {strides = array<i32>} : memref<64x768xf32, #tpu.memory_space<vmem>>, vector<16xf32>,
          %add3A_315 = arith.addf %while3A_192, %get3A_314 : vector<16xf32>
          %get3A_316 = arith.index_cast %sub3A_216 : i32 to index
          %get3A_317 = arith.constant 400 : index
          %get3A_318 = tpu.vector_load %arg9[%get3A_316, %get3A_317] {strides = array<i32>} : memref<64x768xf32, #tpu.memory_space<vmem>>, vector<16xf32>,
          %add3A_319 = arith.addf %while3A_193, %get3A_318 : vector<16xf32>
          %get3A_320 = arith.index_cast %sub3A_216 : i32 to index
          %get3A_321 = arith.constant 416 : index
          %get3A_322 = tpu.vector_load %arg9[%get3A_320, %get3A_321] {strides = array<i32>} : memref<64x768xf32, #tpu.memory_space<vmem>>, vector<16xf32>,
          %add3A_323 = arith.addf %while3A_194, %get3A_322 : vector<16xf32>
          %get3A_324 = arith.index_cast %sub3A_216 : i32 to index
          %get3A_325 = arith.constant 432 : index
          %get3A_326 = tpu.vector_load %arg9[%get3A_324, %get3A_325] {strides = array<i32>} : memref<64x768xf32, #tpu.memory_space<vmem>>, vector<16xf32>,
          %add3A_327 = arith.addf %while3A_195, %get3A_326 : vector<16xf32>
          %get3A_328 = arith.index_cast %sub3A_216 : i32 to index
          %get3A_329 = arith.constant 448 : index
          %get3A_330 = tpu.vector_load %arg9[%get3A_328, %get3A_329] {strides = array<i32>} : memref<64x768xf32, #tpu.memory_space<vmem>>, vector<16xf32>,
          %add3A_331 = arith.addf %while3A_196, %get3A_330 : vector<16xf32>
          %get3A_332 = arith.index_cast %sub3A_216 : i32 to index
          %get3A_333 = arith.constant 464 : index
          %get3A_334 = tpu.vector_load %arg9[%get3A_332, %get3A_333] {strides = array<i32>} : memref<64x768xf32, #tpu.memory_space<vmem>>, vector<16xf32>,
          %add3A_335 = arith.addf %while3A_197, %get3A_334 : vector<16xf32>
          %get3A_336 = arith.index_cast %sub3A_216 : i32 to index
          %get3A_337 = arith.constant 480 : index
          %get3A_338 = tpu.vector_load %arg9[%get3A_336, %get3A_337] {strides = array<i32>} : memref<64x768xf32, #tpu.memory_space<vmem>>, vector<16xf32>,
          %add3A_339 = arith.addf %while3A_198, %get3A_338 : vector<16xf32>
          %get3A_340 = arith.index_cast %sub3A_216 : i32 to index
          %get3A_341 = arith.constant 496 : index
          %get3A_342 = tpu.vector_load %arg9[%get3A_340, %get3A_341] {strides = array<i32>} : memref<64x768xf32, #tpu.memory_space<vmem>>, vector<16xf32>,
          %add3A_343 = arith.addf %while3A_199, %get3A_342 : vector<16xf32>
          %get3A_344 = arith.index_cast %sub3A_216 : i32 to index
          %get3A_345 = arith.constant 512 : index
          %get3A_346 = tpu.vector_load %arg9[%get3A_344, %get3A_345] {strides = array<i32>} : memref<64x768xf32, #tpu.memory_space<vmem>>, vector<16xf32>,
          %add3A_347 = arith.addf %while3A_200, %get3A_346 : vector<16xf32>
          %get3A_348 = arith.index_cast %sub3A_216 : i32 to index
          %get3A_349 = arith.constant 528 : index
          %get3A_350 = tpu.vector_load %arg9[%get3A_348, %get3A_349] {strides = array<i32>} : memref<64x768xf32, #tpu.memory_space<vmem>>, vector<16xf32>,
          %add3A_351 = arith.addf %while3A_201, %get3A_350 : vector<16xf32>
          %get3A_352 = arith.index_cast %sub3A_216 : i32 to index
          %get3A_353 = arith.constant 544 : index
          %get3A_354 = tpu.vector_load %arg9[%get3A_352, %get3A_353] {strides = array<i32>} : memref<64x768xf32, #tpu.memory_space<vmem>>, vector<16xf32>,
          %add3A_355 = arith.addf %while3A_202, %get3A_354 : vector<16xf32>
          %get3A_356 = arith.index_cast %sub3A_216 : i32 to index
          %get3A_357 = arith.constant 560 : index
          %get3A_358 = tpu.vector_load %arg9[%get3A_356, %get3A_357] {strides = array<i32>} : memref<64x768xf32, #tpu.memory_space<vmem>>, vector<16xf32>,
          %add3A_359 = arith.addf %while3A_203, %get3A_358 : vector<16xf32>
          %get3A_360 = arith.index_cast %sub3A_216 : i32 to index
          %get3A_361 = arith.constant 576 : index
          %get3A_362 = tpu.vector_load %arg9[%get3A_360, %get3A_361] {strides = array<i32>} : memref<64x768xf32, #tpu.memory_space<vmem>>, vector<16xf32>,
          %add3A_363 = arith.addf %while3A_204, %get3A_362 : vector<16xf32>
          %get3A_364 = arith.index_cast %sub3A_216 : i32 to index
          %get3A_365 = arith.constant 592 : index
          %get3A_366 = tpu.vector_load %arg9[%get3A_364, %get3A_365] {strides = array<i32>} : memref<64x768xf32, #tpu.memory_space<vmem>>, vector<16xf32>,
          %add3A_367 = arith.addf %while3A_205, %get3A_366 : vector<16xf32>
          %get3A_368 = arith.index_cast %sub3A_216 : i32 to index
          %get3A_369 = arith.constant 608 : index
          %get3A_370 = tpu.vector_load %arg9[%get3A_368, %get3A_369] {strides = array<i32>} : memref<64x768xf32, #tpu.memory_space<vmem>>, vector<16xf32>,
          %add3A_371 = arith.addf %while3A_206, %get3A_370 : vector<16xf32>
          %get3A_372 = arith.index_cast %sub3A_216 : i32 to index
          %get3A_373 = arith.constant 624 : index
          %get3A_374 = tpu.vector_load %arg9[%get3A_372, %get3A_373] {strides = array<i32>} : memref<64x768xf32, #tpu.memory_space<vmem>>, vector<16xf32>,
          %add3A_375 = arith.addf %while3A_207, %get3A_374 : vector<16xf32>
          %get3A_376 = arith.index_cast %sub3A_216 : i32 to index
          %get3A_377 = arith.constant 640 : index
          %get3A_378 = tpu.vector_load %arg9[%get3A_376, %get3A_377] {strides = array<i32>} : memref<64x768xf32, #tpu.memory_space<vmem>>, vector<16xf32>,
          %add3A_379 = arith.addf %while3A_208, %get3A_378 : vector<16xf32>
          %get3A_380 = arith.index_cast %sub3A_216 : i32 to index
          %get3A_381 = arith.constant 656 : index
          %get3A_382 = tpu.vector_load %arg9[%get3A_380, %get3A_381] {strides = array<i32>} : memref<64x768xf32, #tpu.memory_space<vmem>>, vector<16xf32>,
          %add3A_383 = arith.addf %while3A_209, %get3A_382 : vector<16xf32>
          %get3A_384 = arith.index_cast %sub3A_216 : i32 to index
          %get3A_385 = arith.constant 672 : index
          %get3A_386 = tpu.vector_load %arg9[%get3A_384, %get3A_385] {strides = array<i32>} : memref<64x768xf32, #tpu.memory_space<vmem>>, vector<16xf32>,
          %add3A_387 = arith.addf %while3A_210, %get3A_386 : vector<16xf32>
          %get3A_388 = arith.index_cast %sub3A_216 : i32 to index
          %get3A_389 = arith.constant 688 : index
          %get3A_390 = tpu.vector_load %arg9[%get3A_388, %get3A_389] {strides = array<i32>} : memref<64x768xf32, #tpu.memory_space<vmem>>, vector<16xf32>,
          %add3A_391 = arith.addf %while3A_211, %get3A_390 : vector<16xf32>
          %get3A_392 = arith.index_cast %sub3A_216 : i32 to index
          %get3A_393 = arith.constant 704 : index
          %get3A_394 = tpu.vector_load %arg9[%get3A_392, %get3A_393] {strides = array<i32>} : memref<64x768xf32, #tpu.memory_space<vmem>>, vector<16xf32>,
          %add3A_395 = arith.addf %while3A_212, %get3A_394 : vector<16xf32>
          %get3A_396 = arith.index_cast %sub3A_216 : i32 to index
          %get3A_397 = arith.constant 720 : index
          %get3A_398 = tpu.vector_load %arg9[%get3A_396, %get3A_397] {strides = array<i32>} : memref<64x768xf32, #tpu.memory_space<vmem>>, vector<16xf32>,
          %add3A_399 = arith.addf %while3A_213, %get3A_398 : vector<16xf32>
          %get3A_400 = arith.index_cast %sub3A_216 : i32 to index
          %get3A_401 = arith.constant 736 : index
          %get3A_402 = tpu.vector_load %arg9[%get3A_400, %get3A_401] {strides = array<i32>} : memref<64x768xf32, #tpu.memory_space<vmem>>, vector<16xf32>,
          %add3A_403 = arith.addf %while3A_214, %get3A_402 : vector<16xf32>
          %get3A_404 = arith.index_cast %sub3A_216 : i32 to index
          %get3A_405 = arith.constant 752 : index
          %get3A_406 = tpu.vector_load %arg9[%get3A_404, %get3A_405] {strides = array<i32>} : memref<64x768xf32, #tpu.memory_space<vmem>>, vector<16xf32>,
          %add3A_407 = arith.addf %while3A_215, %get3A_406 : vector<16xf32>
          scf.yield %add3A_219, %add3A_223, %add3A_227, %add3A_231, %add3A_235, %add3A_239, %add3A_243, %add3A_247, %add3A_251, %add3A_255, %add3A_259, %add3A_263, %add3A_267, %add3A_271, %add3A_275, %add3A_279, %add3A_283, %add3A_287, %add3A_291, %add3A_295, %add3A_299, %add3A_303, %add3A_307, %add3A_311, %add3A_315, %add3A_319, %add3A_323, %add3A_327, %add3A_331, %add3A_335, %add3A_339, %add3A_343, %add3A_347, %add3A_351, %add3A_355, %add3A_359, %add3A_363, %add3A_367, %add3A_371, %add3A_375, %add3A_379, %add3A_383, %add3A_387, %add3A_391, %add3A_395, %add3A_399, %add3A_403, %add3A_407 : vector<16xf32>, vector<16xf32>, vector<16xf32>, vector<16xf32>, vector<16xf32>, vector<16xf32>, vector<16xf32>, vector<16xf32>, vector<16xf32>, vector<16xf32>, vector<16xf32>, vector<16xf32>, vector<16xf32>, vector<16xf32>, vector<16xf32>, vector<16xf32>, vector<16xf32>, vector<16xf32>, vector<16xf32>, vector<16xf32>, vector<16xf32>, vector<16xf32>, vector<16xf32>, vector<16xf32>, vector<16xf32>, vector<16xf32>, vector<16xf32>, vector<16xf32>, vector<16xf32>, vector<16xf32>, vector<16xf32>, vector<16xf32>, vector<16xf32>, vector<16xf32>, vector<16xf32>, vector<16xf32>, vector<16xf32>, vector<16xf32>, vector<16xf32>, vector<16xf32>, vector<16xf32>, vector<16xf32>, vector<16xf32>, vector<16xf32>, vector<16xf32>, vector<16xf32>, vector<16xf32>, vector<16xf32>
        }
        %gt3A = arith.cmpi sgt, %min3A, %max3A : i32
        %convert_element_type3A_164 = arith.extui %gt3A : i1 to i32
        %cond3A_165 = arith.constant 0 : i32
        %cond3A_166 = arith.cmpi ne, %convert_element_type3A_164, %cond3A_165 : i32
        scf.if %cond3A_166 {
          %swap3A = arith.index_cast %select_n3A_154 : i32 to index
          %swap3A_167 = arith.constant 0 : index
          %swap3A_168 = tpu.vector_load %arg12[%swap3A, %swap3A_167] {strides = array<i32>} : memref<16x768xf32, #tpu.memory_space<vmem>>, vector<16xf32>,
          tpu.vector_store %arg12[%swap3A, %swap3A_167], %while3A_163#0 {add = true, strides = array<i32>} : memref<16x768xf32, #tpu.memory_space<vmem>>, vector<16xf32>,
          %swap3A_169 = arith.index_cast %select_n3A_154 : i32 to index
          %swap3A_170 = arith.constant 16 : index
          %swap3A_171 = tpu.vector_load %arg12[%swap3A_169, %swap3A_170] {strides = array<i32>} : memref<16x768xf32, #tpu.memory_space<vmem>>, vector<16xf32>,
          tpu.vector_store %arg12[%swap3A_169, %swap3A_170], %while3A_163#1 {add = true, strides = array<i32>} : memref<16x768xf32, #tpu.memory_space<vmem>>, vector<16xf32>,
          %swap3A_172 = arith.index_cast %select_n3A_154 : i32 to index
          %swap3A_173 = arith.constant 32 : index
          %swap3A_174 = tpu.vector_load %arg12[%swap3A_172, %swap3A_173] {strides = array<i32>} : memref<16x768xf32, #tpu.memory_space<vmem>>, vector<16xf32>,
          tpu.vector_store %arg12[%swap3A_172, %swap3A_173], %while3A_163#2 {add = true, strides = array<i32>} : memref<16x768xf32, #tpu.memory_space<vmem>>, vector<16xf32>,
          %swap3A_175 = arith.index_cast %select_n3A_154 : i32 to index
          %swap3A_176 = arith.constant 48 : index
          %swap3A_177 = tpu.vector_load %arg12[%swap3A_175, %swap3A_176] {strides = array<i32>} : memref<16x768xf32, #tpu.memory_space<vmem>>, vector<16xf32>,
          tpu.vector_store %arg12[%swap3A_175, %swap3A_176], %while3A_163#3 {add = true, strides = array<i32>} : memref<16x768xf32, #tpu.memory_space<vmem>>, vector<16xf32>,
          %swap3A_178 = arith.index_cast %select_n3A_154 : i32 to index
          %swap3A_179 = arith.constant 64 : index
          %swap3A_180 = tpu.vector_load %arg12[%swap3A_178, %swap3A_179] {strides = array<i32>} : memref<16x768xf32, #tpu.memory_space<vmem>>, vector<16xf32>,
          tpu.vector_store %arg12[%swap3A_178, %swap3A_179], %while3A_163#4 {add = true, strides = array<i32>} : memref<16x768xf32, #tpu.memory_space<vmem>>, vector<16xf32>,
          %swap3A_181 = arith.index_cast %select_n3A_154 : i32 to index
          %swap3A_182 = arith.constant 80 : index
          %swap3A_183 = tpu.vector_load %arg12[%swap3A_181, %swap3A_182] {strides = array<i32>} : memref<16x768xf32, #tpu.memory_space<vmem>>, vector<16xf32>,
          tpu.vector_store %arg12[%swap3A_181, %swap3A_182], %while3A_163#5 {add = true, strides = array<i32>} : memref<16x768xf32, #tpu.memory_space<vmem>>, vector<16xf32>,
          %swap3A_184 = arith.index_cast %select_n3A_154 : i32 to index
          %swap3A_185 = arith.constant 96 : index
          %swap3A_186 = tpu.vector_load %arg12[%swap3A_184, %swap3A_185] {strides = array<i32>} : memref<16x768xf32, #tpu.memory_space<vmem>>, vector<16xf32>,
          tpu.vector_store %arg12[%swap3A_184, %swap3A_185], %while3A_163#6 {add = true, strides = array<i32>} : memref<16x768xf32, #tpu.memory_space<vmem>>, vector<16xf32>,
          %swap3A_187 = arith.index_cast %select_n3A_154 : i32 to index
          %swap3A_188 = arith.constant 112 : index
          %swap3A_189 = tpu.vector_load %arg12[%swap3A_187, %swap3A_188] {strides = array<i32>} : memref<16x768xf32, #tpu.memory_space<vmem>>, vector<16xf32>,
          tpu.vector_store %arg12[%swap3A_187, %swap3A_188], %while3A_163#7 {add = true, strides = array<i32>} : memref<16x768xf32, #tpu.memory_space<vmem>>, vector<16xf32>,
          %swap3A_190 = arith.index_cast %select_n3A_154 : i32 to index
          %swap3A_191 = arith.constant 128 : index
          %swap3A_192 = tpu.vector_load %arg12[%swap3A_190, %swap3A_191] {strides = array<i32>} : memref<16x768xf32, #tpu.memory_space<vmem>>, vector<16xf32>,
          tpu.vector_store %arg12[%swap3A_190, %swap3A_191], %while3A_163#8 {add = true, strides = array<i32>} : memref<16x768xf32, #tpu.memory_space<vmem>>, vector<16xf32>,
          %swap3A_193 = arith.index_cast %select_n3A_154 : i32 to index
          %swap3A_194 = arith.constant 144 : index
          %swap3A_195 = tpu.vector_load %arg12[%swap3A_193, %swap3A_194] {strides = array<i32>} : memref<16x768xf32, #tpu.memory_space<vmem>>, vector<16xf32>,
          tpu.vector_store %arg12[%swap3A_193, %swap3A_194], %while3A_163#9 {add = true, strides = array<i32>} : memref<16x768xf32, #tpu.memory_space<vmem>>, vector<16xf32>,
          %swap3A_196 = arith.index_cast %select_n3A_154 : i32 to index
          %swap3A_197 = arith.constant 160 : index
          %swap3A_198 = tpu.vector_load %arg12[%swap3A_196, %swap3A_197] {strides = array<i32>} : memref<16x768xf32, #tpu.memory_space<vmem>>, vector<16xf32>,
          tpu.vector_store %arg12[%swap3A_196, %swap3A_197], %while3A_163#10 {add = true, strides = array<i32>} : memref<16x768xf32, #tpu.memory_space<vmem>>, vector<16xf32>,
          %swap3A_199 = arith.index_cast %select_n3A_154 : i32 to index
          %swap3A_200 = arith.constant 176 : index
          %swap3A_201 = tpu.vector_load %arg12[%swap3A_199, %swap3A_200] {strides = array<i32>} : memref<16x768xf32, #tpu.memory_space<vmem>>, vector<16xf32>,
          tpu.vector_store %arg12[%swap3A_199, %swap3A_200], %while3A_163#11 {add = true, strides = array<i32>} : memref<16x768xf32, #tpu.memory_space<vmem>>, vector<16xf32>,
          %swap3A_202 = arith.index_cast %select_n3A_154 : i32 to index
          %swap3A_203 = arith.constant 192 : index
          %swap3A_204 = tpu.vector_load %arg12[%swap3A_202, %swap3A_203] {strides = array<i32>} : memref<16x768xf32, #tpu.memory_space<vmem>>, vector<16xf32>,
          tpu.vector_store %arg12[%swap3A_202, %swap3A_203], %while3A_163#12 {add = true, strides = array<i32>} : memref<16x768xf32, #tpu.memory_space<vmem>>, vector<16xf32>,
          %swap3A_205 = arith.index_cast %select_n3A_154 : i32 to index
          %swap3A_206 = arith.constant 208 : index
          %swap3A_207 = tpu.vector_load %arg12[%swap3A_205, %swap3A_206] {strides = array<i32>} : memref<16x768xf32, #tpu.memory_space<vmem>>, vector<16xf32>,
          tpu.vector_store %arg12[%swap3A_205, %swap3A_206], %while3A_163#13 {add = true, strides = array<i32>} : memref<16x768xf32, #tpu.memory_space<vmem>>, vector<16xf32>,
          %swap3A_208 = arith.index_cast %select_n3A_154 : i32 to index
          %swap3A_209 = arith.constant 224 : index
          %swap3A_210 = tpu.vector_load %arg12[%swap3A_208, %swap3A_209] {strides = array<i32>} : memref<16x768xf32, #tpu.memory_space<vmem>>, vector<16xf32>,
          tpu.vector_store %arg12[%swap3A_208, %swap3A_209], %while3A_163#14 {add = true, strides = array<i32>} : memref<16x768xf32, #tpu.memory_space<vmem>>, vector<16xf32>,
          %swap3A_211 = arith.index_cast %select_n3A_154 : i32 to index
          %swap3A_212 = arith.constant 240 : index
          %swap3A_213 = tpu.vector_load %arg12[%swap3A_211, %swap3A_212] {strides = array<i32>} : memref<16x768xf32, #tpu.memory_space<vmem>>, vector<16xf32>,
          tpu.vector_store %arg12[%swap3A_211, %swap3A_212], %while3A_163#15 {add = true, strides = array<i32>} : memref<16x768xf32, #tpu.memory_space<vmem>>, vector<16xf32>,
          %swap3A_214 = arith.index_cast %select_n3A_154 : i32 to index
          %swap3A_215 = arith.constant 256 : index
          %swap3A_216 = tpu.vector_load %arg12[%swap3A_214, %swap3A_215] {strides = array<i32>} : memref<16x768xf32, #tpu.memory_space<vmem>>, vector<16xf32>,
          tpu.vector_store %arg12[%swap3A_214, %swap3A_215], %while3A_163#16 {add = true, strides = array<i32>} : memref<16x768xf32, #tpu.memory_space<vmem>>, vector<16xf32>,
          %swap3A_217 = arith.index_cast %select_n3A_154 : i32 to index
          %swap3A_218 = arith.constant 272 : index
          %swap3A_219 = tpu.vector_load %arg12[%swap3A_217, %swap3A_218] {strides = array<i32>} : memref<16x768xf32, #tpu.memory_space<vmem>>, vector<16xf32>,
          tpu.vector_store %arg12[%swap3A_217, %swap3A_218], %while3A_163#17 {add = true, strides = array<i32>} : memref<16x768xf32, #tpu.memory_space<vmem>>, vector<16xf32>,
          %swap3A_220 = arith.index_cast %select_n3A_154 : i32 to index
          %swap3A_221 = arith.constant 288 : index
          %swap3A_222 = tpu.vector_load %arg12[%swap3A_220, %swap3A_221] {strides = array<i32>} : memref<16x768xf32, #tpu.memory_space<vmem>>, vector<16xf32>,
          tpu.vector_store %arg12[%swap3A_220, %swap3A_221], %while3A_163#18 {add = true, strides = array<i32>} : memref<16x768xf32, #tpu.memory_space<vmem>>, vector<16xf32>,
          %swap3A_223 = arith.index_cast %select_n3A_154 : i32 to index
          %swap3A_224 = arith.constant 304 : index
          %swap3A_225 = tpu.vector_load %arg12[%swap3A_223, %swap3A_224] {strides = array<i32>} : memref<16x768xf32, #tpu.memory_space<vmem>>, vector<16xf32>,
          tpu.vector_store %arg12[%swap3A_223, %swap3A_224], %while3A_163#19 {add = true, strides = array<i32>} : memref<16x768xf32, #tpu.memory_space<vmem>>, vector<16xf32>,
          %swap3A_226 = arith.index_cast %select_n3A_154 : i32 to index
          %swap3A_227 = arith.constant 320 : index
          %swap3A_228 = tpu.vector_load %arg12[%swap3A_226, %swap3A_227] {strides = array<i32>} : memref<16x768xf32, #tpu.memory_space<vmem>>, vector<16xf32>,
          tpu.vector_store %arg12[%swap3A_226, %swap3A_227], %while3A_163#20 {add = true, strides = array<i32>} : memref<16x768xf32, #tpu.memory_space<vmem>>, vector<16xf32>,
          %swap3A_229 = arith.index_cast %select_n3A_154 : i32 to index
          %swap3A_230 = arith.constant 336 : index
          %swap3A_231 = tpu.vector_load %arg12[%swap3A_229, %swap3A_230] {strides = array<i32>} : memref<16x768xf32, #tpu.memory_space<vmem>>, vector<16xf32>,
          tpu.vector_store %arg12[%swap3A_229, %swap3A_230], %while3A_163#21 {add = true, strides = array<i32>} : memref<16x768xf32, #tpu.memory_space<vmem>>, vector<16xf32>,
          %swap3A_232 = arith.index_cast %select_n3A_154 : i32 to index
          %swap3A_233 = arith.constant 352 : index
          %swap3A_234 = tpu.vector_load %arg12[%swap3A_232, %swap3A_233] {strides = array<i32>} : memref<16x768xf32, #tpu.memory_space<vmem>>, vector<16xf32>,
          tpu.vector_store %arg12[%swap3A_232, %swap3A_233], %while3A_163#22 {add = true, strides = array<i32>} : memref<16x768xf32, #tpu.memory_space<vmem>>, vector<16xf32>,
          %swap3A_235 = arith.index_cast %select_n3A_154 : i32 to index
          %swap3A_236 = arith.constant 368 : index
          %swap3A_237 = tpu.vector_load %arg12[%swap3A_235, %swap3A_236] {strides = array<i32>} : memref<16x768xf32, #tpu.memory_space<vmem>>, vector<16xf32>,
          tpu.vector_store %arg12[%swap3A_235, %swap3A_236], %while3A_163#23 {add = true, strides = array<i32>} : memref<16x768xf32, #tpu.memory_space<vmem>>, vector<16xf32>,
          %swap3A_238 = arith.index_cast %select_n3A_154 : i32 to index
          %swap3A_239 = arith.constant 384 : index
          %swap3A_240 = tpu.vector_load %arg12[%swap3A_238, %swap3A_239] {strides = array<i32>} : memref<16x768xf32, #tpu.memory_space<vmem>>, vector<16xf32>,
          tpu.vector_store %arg12[%swap3A_238, %swap3A_239], %while3A_163#24 {add = true, strides = array<i32>} : memref<16x768xf32, #tpu.memory_space<vmem>>, vector<16xf32>,
          %swap3A_241 = arith.index_cast %select_n3A_154 : i32 to index
          %swap3A_242 = arith.constant 400 : index
          %swap3A_243 = tpu.vector_load %arg12[%swap3A_241, %swap3A_242] {strides = array<i32>} : memref<16x768xf32, #tpu.memory_space<vmem>>, vector<16xf32>,
          tpu.vector_store %arg12[%swap3A_241, %swap3A_242], %while3A_163#25 {add = true, strides = array<i32>} : memref<16x768xf32, #tpu.memory_space<vmem>>, vector<16xf32>,
          %swap3A_244 = arith.index_cast %select_n3A_154 : i32 to index
          %swap3A_245 = arith.constant 416 : index
          %swap3A_246 = tpu.vector_load %arg12[%swap3A_244, %swap3A_245] {strides = array<i32>} : memref<16x768xf32, #tpu.memory_space<vmem>>, vector<16xf32>,
          tpu.vector_store %arg12[%swap3A_244, %swap3A_245], %while3A_163#26 {add = true, strides = array<i32>} : memref<16x768xf32, #tpu.memory_space<vmem>>, vector<16xf32>,
          %swap3A_247 = arith.index_cast %select_n3A_154 : i32 to index
          %swap3A_248 = arith.constant 432 : index
          %swap3A_249 = tpu.vector_load %arg12[%swap3A_247, %swap3A_248] {strides = array<i32>} : memref<16x768xf32, #tpu.memory_space<vmem>>, vector<16xf32>,
          tpu.vector_store %arg12[%swap3A_247, %swap3A_248], %while3A_163#27 {add = true, strides = array<i32>} : memref<16x768xf32, #tpu.memory_space<vmem>>, vector<16xf32>,
          %swap3A_250 = arith.index_cast %select_n3A_154 : i32 to index
          %swap3A_251 = arith.constant 448 : index
          %swap3A_252 = tpu.vector_load %arg12[%swap3A_250, %swap3A_251] {strides = array<i32>} : memref<16x768xf32, #tpu.memory_space<vmem>>, vector<16xf32>,
          tpu.vector_store %arg12[%swap3A_250, %swap3A_251], %while3A_163#28 {add = true, strides = array<i32>} : memref<16x768xf32, #tpu.memory_space<vmem>>, vector<16xf32>,
          %swap3A_253 = arith.index_cast %select_n3A_154 : i32 to index
          %swap3A_254 = arith.constant 464 : index
          %swap3A_255 = tpu.vector_load %arg12[%swap3A_253, %swap3A_254] {strides = array<i32>} : memref<16x768xf32, #tpu.memory_space<vmem>>, vector<16xf32>,
          tpu.vector_store %arg12[%swap3A_253, %swap3A_254], %while3A_163#29 {add = true, strides = array<i32>} : memref<16x768xf32, #tpu.memory_space<vmem>>, vector<16xf32>,
          %swap3A_256 = arith.index_cast %select_n3A_154 : i32 to index
          %swap3A_257 = arith.constant 480 : index
          %swap3A_258 = tpu.vector_load %arg12[%swap3A_256, %swap3A_257] {strides = array<i32>} : memref<16x768xf32, #tpu.memory_space<vmem>>, vector<16xf32>,
          tpu.vector_store %arg12[%swap3A_256, %swap3A_257], %while3A_163#30 {add = true, strides = array<i32>} : memref<16x768xf32, #tpu.memory_space<vmem>>, vector<16xf32>,
          %swap3A_259 = arith.index_cast %select_n3A_154 : i32 to index
          %swap3A_260 = arith.constant 496 : index
          %swap3A_261 = tpu.vector_load %arg12[%swap3A_259, %swap3A_260] {strides = array<i32>} : memref<16x768xf32, #tpu.memory_space<vmem>>, vector<16xf32>,
          tpu.vector_store %arg12[%swap3A_259, %swap3A_260], %while3A_163#31 {add = true, strides = array<i32>} : memref<16x768xf32, #tpu.memory_space<vmem>>, vector<16xf32>,
          %swap3A_262 = arith.index_cast %select_n3A_154 : i32 to index
          %swap3A_263 = arith.constant 512 : index
          %swap3A_264 = tpu.vector_load %arg12[%swap3A_262, %swap3A_263] {strides = array<i32>} : memref<16x768xf32, #tpu.memory_space<vmem>>, vector<16xf32>,
          tpu.vector_store %arg12[%swap3A_262, %swap3A_263], %while3A_163#32 {add = true, strides = array<i32>} : memref<16x768xf32, #tpu.memory_space<vmem>>, vector<16xf32>,
          %swap3A_265 = arith.index_cast %select_n3A_154 : i32 to index
          %swap3A_266 = arith.constant 528 : index
          %swap3A_267 = tpu.vector_load %arg12[%swap3A_265, %swap3A_266] {strides = array<i32>} : memref<16x768xf32, #tpu.memory_space<vmem>>, vector<16xf32>,
          tpu.vector_store %arg12[%swap3A_265, %swap3A_266], %while3A_163#33 {add = true, strides = array<i32>} : memref<16x768xf32, #tpu.memory_space<vmem>>, vector<16xf32>,
          %swap3A_268 = arith.index_cast %select_n3A_154 : i32 to index
          %swap3A_269 = arith.constant 544 : index
          %swap3A_270 = tpu.vector_load %arg12[%swap3A_268, %swap3A_269] {strides = array<i32>} : memref<16x768xf32, #tpu.memory_space<vmem>>, vector<16xf32>,
          tpu.vector_store %arg12[%swap3A_268, %swap3A_269], %while3A_163#34 {add = true, strides = array<i32>} : memref<16x768xf32, #tpu.memory_space<vmem>>, vector<16xf32>,
          %swap3A_271 = arith.index_cast %select_n3A_154 : i32 to index
          %swap3A_272 = arith.constant 560 : index
          %swap3A_273 = tpu.vector_load %arg12[%swap3A_271, %swap3A_272] {strides = array<i32>} : memref<16x768xf32, #tpu.memory_space<vmem>>, vector<16xf32>,
          tpu.vector_store %arg12[%swap3A_271, %swap3A_272], %while3A_163#35 {add = true, strides = array<i32>} : memref<16x768xf32, #tpu.memory_space<vmem>>, vector<16xf32>,
          %swap3A_274 = arith.index_cast %select_n3A_154 : i32 to index
          %swap3A_275 = arith.constant 576 : index
          %swap3A_276 = tpu.vector_load %arg12[%swap3A_274, %swap3A_275] {strides = array<i32>} : memref<16x768xf32, #tpu.memory_space<vmem>>, vector<16xf32>,
          tpu.vector_store %arg12[%swap3A_274, %swap3A_275], %while3A_163#36 {add = true, strides = array<i32>} : memref<16x768xf32, #tpu.memory_space<vmem>>, vector<16xf32>,
          %swap3A_277 = arith.index_cast %select_n3A_154 : i32 to index
          %swap3A_278 = arith.constant 592 : index
          %swap3A_279 = tpu.vector_load %arg12[%swap3A_277, %swap3A_278] {strides = array<i32>} : memref<16x768xf32, #tpu.memory_space<vmem>>, vector<16xf32>,
          tpu.vector_store %arg12[%swap3A_277, %swap3A_278], %while3A_163#37 {add = true, strides = array<i32>} : memref<16x768xf32, #tpu.memory_space<vmem>>, vector<16xf32>,
          %swap3A_280 = arith.index_cast %select_n3A_154 : i32 to index
          %swap3A_281 = arith.constant 608 : index
          %swap3A_282 = tpu.vector_load %arg12[%swap3A_280, %swap3A_281] {strides = array<i32>} : memref<16x768xf32, #tpu.memory_space<vmem>>, vector<16xf32>,
          tpu.vector_store %arg12[%swap3A_280, %swap3A_281], %while3A_163#38 {add = true, strides = array<i32>} : memref<16x768xf32, #tpu.memory_space<vmem>>, vector<16xf32>,
          %swap3A_283 = arith.index_cast %select_n3A_154 : i32 to index
          %swap3A_284 = arith.constant 624 : index
          %swap3A_285 = tpu.vector_load %arg12[%swap3A_283, %swap3A_284] {strides = array<i32>} : memref<16x768xf32, #tpu.memory_space<vmem>>, vector<16xf32>,
          tpu.vector_store %arg12[%swap3A_283, %swap3A_284], %while3A_163#39 {add = true, strides = array<i32>} : memref<16x768xf32, #tpu.memory_space<vmem>>, vector<16xf32>,
          %swap3A_286 = arith.index_cast %select_n3A_154 : i32 to index
          %swap3A_287 = arith.constant 640 : index
          %swap3A_288 = tpu.vector_load %arg12[%swap3A_286, %swap3A_287] {strides = array<i32>} : memref<16x768xf32, #tpu.memory_space<vmem>>, vector<16xf32>,
          tpu.vector_store %arg12[%swap3A_286, %swap3A_287], %while3A_163#40 {add = true, strides = array<i32>} : memref<16x768xf32, #tpu.memory_space<vmem>>, vector<16xf32>,
          %swap3A_289 = arith.index_cast %select_n3A_154 : i32 to index
          %swap3A_290 = arith.constant 656 : index
          %swap3A_291 = tpu.vector_load %arg12[%swap3A_289, %swap3A_290] {strides = array<i32>} : memref<16x768xf32, #tpu.memory_space<vmem>>, vector<16xf32>,
          tpu.vector_store %arg12[%swap3A_289, %swap3A_290], %while3A_163#41 {add = true, strides = array<i32>} : memref<16x768xf32, #tpu.memory_space<vmem>>, vector<16xf32>,
          %swap3A_292 = arith.index_cast %select_n3A_154 : i32 to index
          %swap3A_293 = arith.constant 672 : index
          %swap3A_294 = tpu.vector_load %arg12[%swap3A_292, %swap3A_293] {strides = array<i32>} : memref<16x768xf32, #tpu.memory_space<vmem>>, vector<16xf32>,
          tpu.vector_store %arg12[%swap3A_292, %swap3A_293], %while3A_163#42 {add = true, strides = array<i32>} : memref<16x768xf32, #tpu.memory_space<vmem>>, vector<16xf32>,
          %swap3A_295 = arith.index_cast %select_n3A_154 : i32 to index
          %swap3A_296 = arith.constant 688 : index
          %swap3A_297 = tpu.vector_load %arg12[%swap3A_295, %swap3A_296] {strides = array<i32>} : memref<16x768xf32, #tpu.memory_space<vmem>>, vector<16xf32>,
          tpu.vector_store %arg12[%swap3A_295, %swap3A_296], %while3A_163#43 {add = true, strides = array<i32>} : memref<16x768xf32, #tpu.memory_space<vmem>>, vector<16xf32>,
          %swap3A_298 = arith.index_cast %select_n3A_154 : i32 to index
          %swap3A_299 = arith.constant 704 : index
          %swap3A_300 = tpu.vector_load %arg12[%swap3A_298, %swap3A_299] {strides = array<i32>} : memref<16x768xf32, #tpu.memory_space<vmem>>, vector<16xf32>,
          tpu.vector_store %arg12[%swap3A_298, %swap3A_299], %while3A_163#44 {add = true, strides = array<i32>} : memref<16x768xf32, #tpu.memory_space<vmem>>, vector<16xf32>,
          %swap3A_301 = arith.index_cast %select_n3A_154 : i32 to index
          %swap3A_302 = arith.constant 720 : index
          %swap3A_303 = tpu.vector_load %arg12[%swap3A_301, %swap3A_302] {strides = array<i32>} : memref<16x768xf32, #tpu.memory_space<vmem>>, vector<16xf32>,
          tpu.vector_store %arg12[%swap3A_301, %swap3A_302], %while3A_163#45 {add = true, strides = array<i32>} : memref<16x768xf32, #tpu.memory_space<vmem>>, vector<16xf32>,
          %swap3A_304 = arith.index_cast %select_n3A_154 : i32 to index
          %swap3A_305 = arith.constant 736 : index
          %swap3A_306 = tpu.vector_load %arg12[%swap3A_304, %swap3A_305] {strides = array<i32>} : memref<16x768xf32, #tpu.memory_space<vmem>>, vector<16xf32>,
          tpu.vector_store %arg12[%swap3A_304, %swap3A_305], %while3A_163#46 {add = true, strides = array<i32>} : memref<16x768xf32, #tpu.memory_space<vmem>>, vector<16xf32>,
          %swap3A_307 = arith.index_cast %select_n3A_154 : i32 to index
          %swap3A_308 = arith.constant 752 : index
          %swap3A_309 = tpu.vector_load %arg12[%swap3A_307, %swap3A_308] {strides = array<i32>} : memref<16x768xf32, #tpu.memory_space<vmem>>, vector<16xf32>,
          tpu.vector_store %arg12[%swap3A_307, %swap3A_308], %while3A_163#47 {add = true, strides = array<i32>} : memref<16x768xf32, #tpu.memory_space<vmem>>, vector<16xf32>,
        } else {
        }
      }
      %scan3A_114 = arith.constant 9 : i32
    } else {
    }
    %ne3A = arith.constant 0 : i32
    %ne3A_94 = arith.cmpi ne, %arg0, %ne3A : i32
    %convert_element_type3A_95 = arith.extui %ne3A_94 : i1 to i32
    %cond3A_96 = arith.constant 0 : i32
    %cond3A_97 = arith.cmpi ne, %convert_element_type3A_95, %cond3A_96 : i32
    scf.if %cond3A_97 {
      %scan3A_105 = arith.constant 0 : i32
      %scan3A_106 = arith.constant 0 : i32
      %scan3A_107 = arith.constant 9 : i32
      %scan3A_108 = arith.addi %scan3A_106, %scan3A_107 : i32
      %scan3A_109 = arith.constant 1 : i32
      scf.for %scan3A_111 = %scan3A_106 to %scan3A_108 step %scan3A_109  : i32 {
        %eq3A_112 = arith.constant 0 : i32
        %eq3A_113 = arith.cmpi eq, %scan3A_111, %eq3A_112 : i32
        %eq3A_114 = vector.broadcast %scan3A_111 : i32 to vector<16xi32>
        %eq3A_115 = arith.cmpi eq, %iota3A, %eq3A_114 : vector<16xi32>
        %jit3A = arith.constant 0 : i32
        %broadcast_in_dim3A_116 = vector.broadcast %jit3A : i32 to vector<16xi32>
        %select_n3A_117 = arith.select %eq3A_115, %select_n3A_68, %broadcast_in_dim3A_116 : vector<16xi1>, vector<16xi32>
        %reduce_max3A = arith.constant true
        %reduce_max3A_118 = vector.broadcast %reduce_max3A : i1 to vector<16xi1>
        %reduce_max3A_119 = arith.constant -2147483648 : i32
        %reduce_max3A_120 = vector.broadcast %reduce_max3A_119 : i32 to vector<16xi32>
        %reduce_max3A_121 = arith.xori %select_n3A_117, %reduce_max3A_120 : vector<16xi32>
        %reduce_max3A_122 = tpu.scan <max>, %reduce_max3A_121 masked %reduce_max3A_118 : vector<16xi32>, vector<16xi1> -> vector<16xi32>
        %reduce_max3A_123 = arith.xori %reduce_max3A_122, %reduce_max3A_120 : vector<16xi32>
        %reduce_max3A_124 = vector.extract %reduce_max3A_123[15] : i32 from vector<16xi32>
        %jit3A_125 = arith.constant 0 : i32
        %select_n3A_126 = arith.select %eq3A_113, %jit3A_125, %reduce_max3A_124 : i32
        %eq3A_127 = arith.constant 0 : i32
        %eq3A_128 = arith.cmpi eq, %scan3A_111, %eq3A_127 : i32
        %add3A_129 = arith.constant 1 : i32
        %add3A_130 = arith.addi %scan3A_111, %add3A_129 : i32
        %eq3A_131 = vector.broadcast %add3A_130 : i32 to vector<16xi32>
        %eq3A_132 = arith.cmpi eq, %iota3A, %eq3A_131 : vector<16xi32>
        %jit3A_133 = arith.constant 0 : i32
        %broadcast_in_dim3A_134 = vector.broadcast %jit3A_133 : i32 to vector<16xi32>
        %select_n3A_135 = arith.select %eq3A_132, %select_n3A_68, %broadcast_in_dim3A_134 : vector<16xi1>, vector<16xi32>
        %reduce_max3A_136 = arith.constant true
        %reduce_max3A_137 = vector.broadcast %reduce_max3A_136 : i1 to vector<16xi1>
        %reduce_max3A_138 = arith.constant -2147483648 : i32
        %reduce_max3A_139 = vector.broadcast %reduce_max3A_138 : i32 to vector<16xi32>
        %reduce_max3A_140 = arith.xori %select_n3A_135, %reduce_max3A_139 : vector<16xi32>
        %reduce_max3A_141 = tpu.scan <max>, %reduce_max3A_140 masked %reduce_max3A_137 : vector<16xi32>, vector<16xi1> -> vector<16xi32>
        %reduce_max3A_142 = arith.xori %reduce_max3A_141, %reduce_max3A_139 : vector<16xi32>
        %reduce_max3A_143 = vector.extract %reduce_max3A_142[15] : i32 from vector<16xi32>
        %jit3A_144 = arith.constant 100 : i32
        %select_n3A_145 = arith.select %eq3A_128, %jit3A_144, %reduce_max3A_143 : i32
        %eq3A_146 = arith.constant 0 : i32
        %eq3A_147 = arith.cmpi eq, %scan3A_111, %eq3A_146 : i32
        %sub3A = arith.constant 1 : i32
        %sub3A_148 = arith.subi %scan3A_111, %sub3A : i32
        %jit3A_149 = arith.constant 8 : i32
        %select_n3A_150 = arith.select %eq3A_147, %jit3A_149, %sub3A_148 : i32
        %max3A = arith.constant 2112 : i32
        %max3A_151 = arith.maxsi %select_n3A_126, %max3A : i32
        %min3A = arith.constant 2148 : i32
        %min3A_152 = arith.minsi %select_n3A_145, %min3A : i32
        %while3A = arith.subi %min3A_152, %max3A_151 : i32
        %while3A_153 = arith.addi %max3A_151, %while3A : i32
        %while3A_154 = arith.constant 1 : i32
        %while3A_155 = arith.divsi %while3A, %while3A_154 : i32
        %while3A_156 = arith.muli %while3A_155, %while3A_154 : i32
        %while3A_157 = arith.addi %max3A_151, %while3A_156 : i32
        %while3A_158 = arith.constant 1 : i32
        %while3A_159:48 = scf.for %while3A_165 = %max3A_151 to %while3A_157 step %while3A_158 iter_args(%while3A_166 = %broadcast_in_dim3A_15, %while3A_167 = %broadcast_in_dim3A_15, %while3A_168 = %broadcast_in_dim3A_15, %while3A_169 = %broadcast_in_dim3A_15, %while3A_170 = %broadcast_in_dim3A_15, %while3A_171 = %broadcast_in_dim3A_15, %while3A_172 = %broadcast_in_dim3A_15, %while3A_173 = %broadcast_in_dim3A_15, %while3A_174 = %broadcast_in_dim3A_15, %while3A_175 = %broadcast_in_dim3A_15, %while3A_176 = %broadcast_in_dim3A_15, %while3A_177 = %broadcast_in_dim3A_15, %while3A_178 = %broadcast_in_dim3A_15, %while3A_179 = %broadcast_in_dim3A_15, %while3A_180 = %broadcast_in_dim3A_15, %while3A_181 = %broadcast_in_dim3A_15, %while3A_182 = %broadcast_in_dim3A_15, %while3A_183 = %broadcast_in_dim3A_15, %while3A_184 = %broadcast_in_dim3A_15, %while3A_185 = %broadcast_in_dim3A_15, %while3A_186 = %broadcast_in_dim3A_15, %while3A_187 = %broadcast_in_dim3A_15, %while3A_188 = %broadcast_in_dim3A_15, %while3A_189 = %broadcast_in_dim3A_15, %while3A_190 = %broadcast_in_dim3A_15, %while3A_191 = %broadcast_in_dim3A_15, %while3A_192 = %broadcast_in_dim3A_15, %while3A_193 = %broadcast_in_dim3A_15, %while3A_194 = %broadcast_in_dim3A_15, %while3A_195 = %broadcast_in_dim3A_15, %while3A_196 = %broadcast_in_dim3A_15, %while3A_197 = %broadcast_in_dim3A_15, %while3A_198 = %broadcast_in_dim3A_15, %while3A_199 = %broadcast_in_dim3A_15, %while3A_200 = %broadcast_in_dim3A_15, %while3A_201 = %broadcast_in_dim3A_15, %while3A_202 = %broadcast_in_dim3A_15, %while3A_203 = %broadcast_in_dim3A_15, %while3A_204 = %broadcast_in_dim3A_15, %while3A_205 = %broadcast_in_dim3A_15, %while3A_206 = %broadcast_in_dim3A_15, %while3A_207 = %broadcast_in_dim3A_15, %while3A_208 = %broadcast_in_dim3A_15, %while3A_209 = %broadcast_in_dim3A_15, %while3A_210 = %broadcast_in_dim3A_15, %while3A_211 = %broadcast_in_dim3A_15, %while3A_212 = %broadcast_in_dim3A_15, %while3A_213 = %broadcast_in_dim3A_15) -> (vector<16xf32>, vector<16xf32>, vector<16xf32>, vector<16xf32>, vector<16xf32>, vector<16xf32>, vector<16xf32>, vector<16xf32>, vector<16xf32>, vector<16xf32>, vector<16xf32>, vector<16xf32>, vector<16xf32>, vector<16xf32>, vector<16xf32>, vector<16xf32>, vector<16xf32>, vector<16xf32>, vector<16xf32>, vector<16xf32>, vector<16xf32>, vector<16xf32>, vector<16xf32>, vector<16xf32>, vector<16xf32>, vector<16xf32>, vector<16xf32>, vector<16xf32>, vector<16xf32>, vector<16xf32>, vector<16xf32>, vector<16xf32>, vector<16xf32>, vector<16xf32>, vector<16xf32>, vector<16xf32>, vector<16xf32>, vector<16xf32>, vector<16xf32>, vector<16xf32>, vector<16xf32>, vector<16xf32>, vector<16xf32>, vector<16xf32>, vector<16xf32>, vector<16xf32>, vector<16xf32>, vector<16xf32>)  : i32 {
          %sub3A_214 = arith.constant 2084 : i32
          %sub3A_215 = arith.subi %while3A_165, %sub3A_214 : i32
          %get3A = arith.index_cast %sub3A_215 : i32 to index
          %get3A_216 = arith.constant 0 : index
          %get3A_217 = tpu.vector_load %arg9[%get3A, %get3A_216] {strides = array<i32>} : memref<64x768xf32, #tpu.memory_space<vmem>>, vector<16xf32>,
          %add3A_218 = arith.addf %while3A_166, %get3A_217 : vector<16xf32>
          %get3A_219 = arith.index_cast %sub3A_215 : i32 to index
          %get3A_220 = arith.constant 16 : index
          %get3A_221 = tpu.vector_load %arg9[%get3A_219, %get3A_220] {strides = array<i32>} : memref<64x768xf32, #tpu.memory_space<vmem>>, vector<16xf32>,
          %add3A_222 = arith.addf %while3A_167, %get3A_221 : vector<16xf32>
          %get3A_223 = arith.index_cast %sub3A_215 : i32 to index
          %get3A_224 = arith.constant 32 : index
          %get3A_225 = tpu.vector_load %arg9[%get3A_223, %get3A_224] {strides = array<i32>} : memref<64x768xf32, #tpu.memory_space<vmem>>, vector<16xf32>,
          %add3A_226 = arith.addf %while3A_168, %get3A_225 : vector<16xf32>
          %get3A_227 = arith.index_cast %sub3A_215 : i32 to index
          %get3A_228 = arith.constant 48 : index
          %get3A_229 = tpu.vector_load %arg9[%get3A_227, %get3A_228] {strides = array<i32>} : memref<64x768xf32, #tpu.memory_space<vmem>>, vector<16xf32>,
          %add3A_230 = arith.addf %while3A_169, %get3A_229 : vector<16xf32>
          %get3A_231 = arith.index_cast %sub3A_215 : i32 to index
          %get3A_232 = arith.constant 64 : index
          %get3A_233 = tpu.vector_load %arg9[%get3A_231, %get3A_232] {strides = array<i32>} : memref<64x768xf32, #tpu.memory_space<vmem>>, vector<16xf32>,
          %add3A_234 = arith.addf %while3A_170, %get3A_233 : vector<16xf32>
          %get3A_235 = arith.index_cast %sub3A_215 : i32 to index
          %get3A_236 = arith.constant 80 : index
          %get3A_237 = tpu.vector_load %arg9[%get3A_235, %get3A_236] {strides = array<i32>} : memref<64x768xf32, #tpu.memory_space<vmem>>, vector<16xf32>,
          %add3A_238 = arith.addf %while3A_171, %get3A_237 : vector<16xf32>
          %get3A_239 = arith.index_cast %sub3A_215 : i32 to index
          %get3A_240 = arith.constant 96 : index
          %get3A_241 = tpu.vector_load %arg9[%get3A_239, %get3A_240] {strides = array<i32>} : memref<64x768xf32, #tpu.memory_space<vmem>>, vector<16xf32>,
          %add3A_242 = arith.addf %while3A_172, %get3A_241 : vector<16xf32>
          %get3A_243 = arith.index_cast %sub3A_215 : i32 to index
          %get3A_244 = arith.constant 112 : index
          %get3A_245 = tpu.vector_load %arg9[%get3A_243, %get3A_244] {strides = array<i32>} : memref<64x768xf32, #tpu.memory_space<vmem>>, vector<16xf32>,
          %add3A_246 = arith.addf %while3A_173, %get3A_245 : vector<16xf32>
          %get3A_247 = arith.index_cast %sub3A_215 : i32 to index
          %get3A_248 = arith.constant 128 : index
          %get3A_249 = tpu.vector_load %arg9[%get3A_247, %get3A_248] {strides = array<i32>} : memref<64x768xf32, #tpu.memory_space<vmem>>, vector<16xf32>,
          %add3A_250 = arith.addf %while3A_174, %get3A_249 : vector<16xf32>
          %get3A_251 = arith.index_cast %sub3A_215 : i32 to index
          %get3A_252 = arith.constant 144 : index
          %get3A_253 = tpu.vector_load %arg9[%get3A_251, %get3A_252] {strides = array<i32>} : memref<64x768xf32, #tpu.memory_space<vmem>>, vector<16xf32>,
          %add3A_254 = arith.addf %while3A_175, %get3A_253 : vector<16xf32>
          %get3A_255 = arith.index_cast %sub3A_215 : i32 to index
          %get3A_256 = arith.constant 160 : index
          %get3A_257 = tpu.vector_load %arg9[%get3A_255, %get3A_256] {strides = array<i32>} : memref<64x768xf32, #tpu.memory_space<vmem>>, vector<16xf32>,
          %add3A_258 = arith.addf %while3A_176, %get3A_257 : vector<16xf32>
          %get3A_259 = arith.index_cast %sub3A_215 : i32 to index
          %get3A_260 = arith.constant 176 : index
          %get3A_261 = tpu.vector_load %arg9[%get3A_259, %get3A_260] {strides = array<i32>} : memref<64x768xf32, #tpu.memory_space<vmem>>, vector<16xf32>,
          %add3A_262 = arith.addf %while3A_177, %get3A_261 : vector<16xf32>
          %get3A_263 = arith.index_cast %sub3A_215 : i32 to index
          %get3A_264 = arith.constant 192 : index
          %get3A_265 = tpu.vector_load %arg9[%get3A_263, %get3A_264] {strides = array<i32>} : memref<64x768xf32, #tpu.memory_space<vmem>>, vector<16xf32>,
          %add3A_266 = arith.addf %while3A_178, %get3A_265 : vector<16xf32>
          %get3A_267 = arith.index_cast %sub3A_215 : i32 to index
          %get3A_268 = arith.constant 208 : index
          %get3A_269 = tpu.vector_load %arg9[%get3A_267, %get3A_268] {strides = array<i32>} : memref<64x768xf32, #tpu.memory_space<vmem>>, vector<16xf32>,
          %add3A_270 = arith.addf %while3A_179, %get3A_269 : vector<16xf32>
          %get3A_271 = arith.index_cast %sub3A_215 : i32 to index
          %get3A_272 = arith.constant 224 : index
          %get3A_273 = tpu.vector_load %arg9[%get3A_271, %get3A_272] {strides = array<i32>} : memref<64x768xf32, #tpu.memory_space<vmem>>, vector<16xf32>,
          %add3A_274 = arith.addf %while3A_180, %get3A_273 : vector<16xf32>
          %get3A_275 = arith.index_cast %sub3A_215 : i32 to index
          %get3A_276 = arith.constant 240 : index
          %get3A_277 = tpu.vector_load %arg9[%get3A_275, %get3A_276] {strides = array<i32>} : memref<64x768xf32, #tpu.memory_space<vmem>>, vector<16xf32>,
          %add3A_278 = arith.addf %while3A_181, %get3A_277 : vector<16xf32>
          %get3A_279 = arith.index_cast %sub3A_215 : i32 to index
          %get3A_280 = arith.constant 256 : index
          %get3A_281 = tpu.vector_load %arg9[%get3A_279, %get3A_280] {strides = array<i32>} : memref<64x768xf32, #tpu.memory_space<vmem>>, vector<16xf32>,
          %add3A_282 = arith.addf %while3A_182, %get3A_281 : vector<16xf32>
          %get3A_283 = arith.index_cast %sub3A_215 : i32 to index
          %get3A_284 = arith.constant 272 : index
          %get3A_285 = tpu.vector_load %arg9[%get3A_283, %get3A_284] {strides = array<i32>} : memref<64x768xf32, #tpu.memory_space<vmem>>, vector<16xf32>,
          %add3A_286 = arith.addf %while3A_183, %get3A_285 : vector<16xf32>
          %get3A_287 = arith.index_cast %sub3A_215 : i32 to index
          %get3A_288 = arith.constant 288 : index
          %get3A_289 = tpu.vector_load %arg9[%get3A_287, %get3A_288] {strides = array<i32>} : memref<64x768xf32, #tpu.memory_space<vmem>>, vector<16xf32>,
          %add3A_290 = arith.addf %while3A_184, %get3A_289 : vector<16xf32>
          %get3A_291 = arith.index_cast %sub3A_215 : i32 to index
          %get3A_292 = arith.constant 304 : index
          %get3A_293 = tpu.vector_load %arg9[%get3A_291, %get3A_292] {strides = array<i32>} : memref<64x768xf32, #tpu.memory_space<vmem>>, vector<16xf32>,
          %add3A_294 = arith.addf %while3A_185, %get3A_293 : vector<16xf32>
          %get3A_295 = arith.index_cast %sub3A_215 : i32 to index
          %get3A_296 = arith.constant 320 : index
          %get3A_297 = tpu.vector_load %arg9[%get3A_295, %get3A_296] {strides = array<i32>} : memref<64x768xf32, #tpu.memory_space<vmem>>, vector<16xf32>,
          %add3A_298 = arith.addf %while3A_186, %get3A_297 : vector<16xf32>
          %get3A_299 = arith.index_cast %sub3A_215 : i32 to index
          %get3A_300 = arith.constant 336 : index
          %get3A_301 = tpu.vector_load %arg9[%get3A_299, %get3A_300] {strides = array<i32>} : memref<64x768xf32, #tpu.memory_space<vmem>>, vector<16xf32>,
          %add3A_302 = arith.addf %while3A_187, %get3A_301 : vector<16xf32>
          %get3A_303 = arith.index_cast %sub3A_215 : i32 to index
          %get3A_304 = arith.constant 352 : index
          %get3A_305 = tpu.vector_load %arg9[%get3A_303, %get3A_304] {strides = array<i32>} : memref<64x768xf32, #tpu.memory_space<vmem>>, vector<16xf32>,
          %add3A_306 = arith.addf %while3A_188, %get3A_305 : vector<16xf32>
          %get3A_307 = arith.index_cast %sub3A_215 : i32 to index
          %get3A_308 = arith.constant 368 : index
          %get3A_309 = tpu.vector_load %arg9[%get3A_307, %get3A_308] {strides = array<i32>} : memref<64x768xf32, #tpu.memory_space<vmem>>, vector<16xf32>,
          %add3A_310 = arith.addf %while3A_189, %get3A_309 : vector<16xf32>
          %get3A_311 = arith.index_cast %sub3A_215 : i32 to index
          %get3A_312 = arith.constant 384 : index
          %get3A_313 = tpu.vector_load %arg9[%get3A_311, %get3A_312] {strides = array<i32>} : memref<64x768xf32, #tpu.memory_space<vmem>>, vector<16xf32>,
          %add3A_314 = arith.addf %while3A_190, %get3A_313 : vector<16xf32>
          %get3A_315 = arith.index_cast %sub3A_215 : i32 to index
          %get3A_316 = arith.constant 400 : index
          %get3A_317 = tpu.vector_load %arg9[%get3A_315, %get3A_316] {strides = array<i32>} : memref<64x768xf32, #tpu.memory_space<vmem>>, vector<16xf32>,
          %add3A_318 = arith.addf %while3A_191, %get3A_317 : vector<16xf32>
          %get3A_319 = arith.index_cast %sub3A_215 : i32 to index
          %get3A_320 = arith.constant 416 : index
          %get3A_321 = tpu.vector_load %arg9[%get3A_319, %get3A_320] {strides = array<i32>} : memref<64x768xf32, #tpu.memory_space<vmem>>, vector<16xf32>,
          %add3A_322 = arith.addf %while3A_192, %get3A_321 : vector<16xf32>
          %get3A_323 = arith.index_cast %sub3A_215 : i32 to index
          %get3A_324 = arith.constant 432 : index
          %get3A_325 = tpu.vector_load %arg9[%get3A_323, %get3A_324] {strides = array<i32>} : memref<64x768xf32, #tpu.memory_space<vmem>>, vector<16xf32>,
          %add3A_326 = arith.addf %while3A_193, %get3A_325 : vector<16xf32>
          %get3A_327 = arith.index_cast %sub3A_215 : i32 to index
          %get3A_328 = arith.constant 448 : index
          %get3A_329 = tpu.vector_load %arg9[%get3A_327, %get3A_328] {strides = array<i32>} : memref<64x768xf32, #tpu.memory_space<vmem>>, vector<16xf32>,
          %add3A_330 = arith.addf %while3A_194, %get3A_329 : vector<16xf32>
          %get3A_331 = arith.index_cast %sub3A_215 : i32 to index
          %get3A_332 = arith.constant 464 : index
          %get3A_333 = tpu.vector_load %arg9[%get3A_331, %get3A_332] {strides = array<i32>} : memref<64x768xf32, #tpu.memory_space<vmem>>, vector<16xf32>,
          %add3A_334 = arith.addf %while3A_195, %get3A_333 : vector<16xf32>
          %get3A_335 = arith.index_cast %sub3A_215 : i32 to index
          %get3A_336 = arith.constant 480 : index
          %get3A_337 = tpu.vector_load %arg9[%get3A_335, %get3A_336] {strides = array<i32>} : memref<64x768xf32, #tpu.memory_space<vmem>>, vector<16xf32>,
          %add3A_338 = arith.addf %while3A_196, %get3A_337 : vector<16xf32>
          %get3A_339 = arith.index_cast %sub3A_215 : i32 to index
          %get3A_340 = arith.constant 496 : index
          %get3A_341 = tpu.vector_load %arg9[%get3A_339, %get3A_340] {strides = array<i32>} : memref<64x768xf32, #tpu.memory_space<vmem>>, vector<16xf32>,
          %add3A_342 = arith.addf %while3A_197, %get3A_341 : vector<16xf32>
          %get3A_343 = arith.index_cast %sub3A_215 : i32 to index
          %get3A_344 = arith.constant 512 : index
          %get3A_345 = tpu.vector_load %arg9[%get3A_343, %get3A_344] {strides = array<i32>} : memref<64x768xf32, #tpu.memory_space<vmem>>, vector<16xf32>,
          %add3A_346 = arith.addf %while3A_198, %get3A_345 : vector<16xf32>
          %get3A_347 = arith.index_cast %sub3A_215 : i32 to index
          %get3A_348 = arith.constant 528 : index
          %get3A_349 = tpu.vector_load %arg9[%get3A_347, %get3A_348] {strides = array<i32>} : memref<64x768xf32, #tpu.memory_space<vmem>>, vector<16xf32>,
          %add3A_350 = arith.addf %while3A_199, %get3A_349 : vector<16xf32>
          %get3A_351 = arith.index_cast %sub3A_215 : i32 to index
          %get3A_352 = arith.constant 544 : index
          %get3A_353 = tpu.vector_load %arg9[%get3A_351, %get3A_352] {strides = array<i32>} : memref<64x768xf32, #tpu.memory_space<vmem>>, vector<16xf32>,
          %add3A_354 = arith.addf %while3A_200, %get3A_353 : vector<16xf32>
          %get3A_355 = arith.index_cast %sub3A_215 : i32 to index
          %get3A_356 = arith.constant 560 : index
          %get3A_357 = tpu.vector_load %arg9[%get3A_355, %get3A_356] {strides = array<i32>} : memref<64x768xf32, #tpu.memory_space<vmem>>, vector<16xf32>,
          %add3A_358 = arith.addf %while3A_201, %get3A_357 : vector<16xf32>
          %get3A_359 = arith.index_cast %sub3A_215 : i32 to index
          %get3A_360 = arith.constant 576 : index
          %get3A_361 = tpu.vector_load %arg9[%get3A_359, %get3A_360] {strides = array<i32>} : memref<64x768xf32, #tpu.memory_space<vmem>>, vector<16xf32>,
          %add3A_362 = arith.addf %while3A_202, %get3A_361 : vector<16xf32>
          %get3A_363 = arith.index_cast %sub3A_215 : i32 to index
          %get3A_364 = arith.constant 592 : index
          %get3A_365 = tpu.vector_load %arg9[%get3A_363, %get3A_364] {strides = array<i32>} : memref<64x768xf32, #tpu.memory_space<vmem>>, vector<16xf32>,
          %add3A_366 = arith.addf %while3A_203, %get3A_365 : vector<16xf32>
          %get3A_367 = arith.index_cast %sub3A_215 : i32 to index
          %get3A_368 = arith.constant 608 : index
          %get3A_369 = tpu.vector_load %arg9[%get3A_367, %get3A_368] {strides = array<i32>} : memref<64x768xf32, #tpu.memory_space<vmem>>, vector<16xf32>,
          %add3A_370 = arith.addf %while3A_204, %get3A_369 : vector<16xf32>
          %get3A_371 = arith.index_cast %sub3A_215 : i32 to index
          %get3A_372 = arith.constant 624 : index
          %get3A_373 = tpu.vector_load %arg9[%get3A_371, %get3A_372] {strides = array<i32>} : memref<64x768xf32, #tpu.memory_space<vmem>>, vector<16xf32>,
          %add3A_374 = arith.addf %while3A_205, %get3A_373 : vector<16xf32>
          %get3A_375 = arith.index_cast %sub3A_215 : i32 to index
          %get3A_376 = arith.constant 640 : index
          %get3A_377 = tpu.vector_load %arg9[%get3A_375, %get3A_376] {strides = array<i32>} : memref<64x768xf32, #tpu.memory_space<vmem>>, vector<16xf32>,
          %add3A_378 = arith.addf %while3A_206, %get3A_377 : vector<16xf32>
          %get3A_379 = arith.index_cast %sub3A_215 : i32 to index
          %get3A_380 = arith.constant 656 : index
          %get3A_381 = tpu.vector_load %arg9[%get3A_379, %get3A_380] {strides = array<i32>} : memref<64x768xf32, #tpu.memory_space<vmem>>, vector<16xf32>,
          %add3A_382 = arith.addf %while3A_207, %get3A_381 : vector<16xf32>
          %get3A_383 = arith.index_cast %sub3A_215 : i32 to index
          %get3A_384 = arith.constant 672 : index
          %get3A_385 = tpu.vector_load %arg9[%get3A_383, %get3A_384] {strides = array<i32>} : memref<64x768xf32, #tpu.memory_space<vmem>>, vector<16xf32>,
          %add3A_386 = arith.addf %while3A_208, %get3A_385 : vector<16xf32>
          %get3A_387 = arith.index_cast %sub3A_215 : i32 to index
          %get3A_388 = arith.constant 688 : index
          %get3A_389 = tpu.vector_load %arg9[%get3A_387, %get3A_388] {strides = array<i32>} : memref<64x768xf32, #tpu.memory_space<vmem>>, vector<16xf32>,
          %add3A_390 = arith.addf %while3A_209, %get3A_389 : vector<16xf32>
          %get3A_391 = arith.index_cast %sub3A_215 : i32 to index
          %get3A_392 = arith.constant 704 : index
          %get3A_393 = tpu.vector_load %arg9[%get3A_391, %get3A_392] {strides = array<i32>} : memref<64x768xf32, #tpu.memory_space<vmem>>, vector<16xf32>,
          %add3A_394 = arith.addf %while3A_210, %get3A_393 : vector<16xf32>
          %get3A_395 = arith.index_cast %sub3A_215 : i32 to index
          %get3A_396 = arith.constant 720 : index
          %get3A_397 = tpu.vector_load %arg9[%get3A_395, %get3A_396] {strides = array<i32>} : memref<64x768xf32, #tpu.memory_space<vmem>>, vector<16xf32>,
          %add3A_398 = arith.addf %while3A_211, %get3A_397 : vector<16xf32>
          %get3A_399 = arith.index_cast %sub3A_215 : i32 to index
          %get3A_400 = arith.constant 736 : index
          %get3A_401 = tpu.vector_load %arg9[%get3A_399, %get3A_400] {strides = array<i32>} : memref<64x768xf32, #tpu.memory_space<vmem>>, vector<16xf32>,
          %add3A_402 = arith.addf %while3A_212, %get3A_401 : vector<16xf32>
          %get3A_403 = arith.index_cast %sub3A_215 : i32 to index
          %get3A_404 = arith.constant 752 : index
          %get3A_405 = tpu.vector_load %arg9[%get3A_403, %get3A_404] {strides = array<i32>} : memref<64x768xf32, #tpu.memory_space<vmem>>, vector<16xf32>,
          %add3A_406 = arith.addf %while3A_213, %get3A_405 : vector<16xf32>
          scf.yield %add3A_218, %add3A_222, %add3A_226, %add3A_230, %add3A_234, %add3A_238, %add3A_242, %add3A_246, %add3A_250, %add3A_254, %add3A_258, %add3A_262, %add3A_266, %add3A_270, %add3A_274, %add3A_278, %add3A_282, %add3A_286, %add3A_290, %add3A_294, %add3A_298, %add3A_302, %add3A_306, %add3A_310, %add3A_314, %add3A_318, %add3A_322, %add3A_326, %add3A_330, %add3A_334, %add3A_338, %add3A_342, %add3A_346, %add3A_350, %add3A_354, %add3A_358, %add3A_362, %add3A_366, %add3A_370, %add3A_374, %add3A_378, %add3A_382, %add3A_386, %add3A_390, %add3A_394, %add3A_398, %add3A_402, %add3A_406 : vector<16xf32>, vector<16xf32>, vector<16xf32>, vector<16xf32>, vector<16xf32>, vector<16xf32>, vector<16xf32>, vector<16xf32>, vector<16xf32>, vector<16xf32>, vector<16xf32>, vector<16xf32>, vector<16xf32>, vector<16xf32>, vector<16xf32>, vector<16xf32>, vector<16xf32>, vector<16xf32>, vector<16xf32>, vector<16xf32>, vector<16xf32>, vector<16xf32>, vector<16xf32>, vector<16xf32>, vector<16xf32>, vector<16xf32>, vector<16xf32>, vector<16xf32>, vector<16xf32>, vector<16xf32>, vector<16xf32>, vector<16xf32>, vector<16xf32>, vector<16xf32>, vector<16xf32>, vector<16xf32>, vector<16xf32>, vector<16xf32>, vector<16xf32>, vector<16xf32>, vector<16xf32>, vector<16xf32>, vector<16xf32>, vector<16xf32>, vector<16xf32>, vector<16xf32>, vector<16xf32>, vector<16xf32>
        }
        %while3A_160 = arith.constant 1 : i32
        %while3A_161:48 = scf.for %while3A_165 = %while3A_157 to %while3A_153 step %while3A_160 iter_args(%while3A_166 = %while3A_159#0, %while3A_167 = %while3A_159#1, %while3A_168 = %while3A_159#2, %while3A_169 = %while3A_159#3, %while3A_170 = %while3A_159#4, %while3A_171 = %while3A_159#5, %while3A_172 = %while3A_159#6, %while3A_173 = %while3A_159#7, %while3A_174 = %while3A_159#8, %while3A_175 = %while3A_159#9, %while3A_176 = %while3A_159#10, %while3A_177 = %while3A_159#11, %while3A_178 = %while3A_159#12, %while3A_179 = %while3A_159#13, %while3A_180 = %while3A_159#14, %while3A_181 = %while3A_159#15, %while3A_182 = %while3A_159#16, %while3A_183 = %while3A_159#17, %while3A_184 = %while3A_159#18, %while3A_185 = %while3A_159#19, %while3A_186 = %while3A_159#20, %while3A_187 = %while3A_159#21, %while3A_188 = %while3A_159#22, %while3A_189 = %while3A_159#23, %while3A_190 = %while3A_159#24, %while3A_191 = %while3A_159#25, %while3A_192 = %while3A_159#26, %while3A_193 = %while3A_159#27, %while3A_194 = %while3A_159#28, %while3A_195 = %while3A_159#29, %while3A_196 = %while3A_159#30, %while3A_197 = %while3A_159#31, %while3A_198 = %while3A_159#32, %while3A_199 = %while3A_159#33, %while3A_200 = %while3A_159#34, %while3A_201 = %while3A_159#35, %while3A_202 = %while3A_159#36, %while3A_203 = %while3A_159#37, %while3A_204 = %while3A_159#38, %while3A_205 = %while3A_159#39, %while3A_206 = %while3A_159#40, %while3A_207 = %while3A_159#41, %while3A_208 = %while3A_159#42, %while3A_209 = %while3A_159#43, %while3A_210 = %while3A_159#44, %while3A_211 = %while3A_159#45, %while3A_212 = %while3A_159#46, %while3A_213 = %while3A_159#47) -> (vector<16xf32>, vector<16xf32>, vector<16xf32>, vector<16xf32>, vector<16xf32>, vector<16xf32>, vector<16xf32>, vector<16xf32>, vector<16xf32>, vector<16xf32>, vector<16xf32>, vector<16xf32>, vector<16xf32>, vector<16xf32>, vector<16xf32>, vector<16xf32>, vector<16xf32>, vector<16xf32>, vector<16xf32>, vector<16xf32>, vector<16xf32>, vector<16xf32>, vector<16xf32>, vector<16xf32>, vector<16xf32>, vector<16xf32>, vector<16xf32>, vector<16xf32>, vector<16xf32>, vector<16xf32>, vector<16xf32>, vector<16xf32>, vector<16xf32>, vector<16xf32>, vector<16xf32>, vector<16xf32>, vector<16xf32>, vector<16xf32>, vector<16xf32>, vector<16xf32>, vector<16xf32>, vector<16xf32>, vector<16xf32>, vector<16xf32>, vector<16xf32>, vector<16xf32>, vector<16xf32>, vector<16xf32>)  : i32 {
          %sub3A_214 = arith.constant 2084 : i32
          %sub3A_215 = arith.subi %while3A_165, %sub3A_214 : i32
          %get3A = arith.index_cast %sub3A_215 : i32 to index
          %get3A_216 = arith.constant 0 : index
          %get3A_217 = tpu.vector_load %arg9[%get3A, %get3A_216] {strides = array<i32>} : memref<64x768xf32, #tpu.memory_space<vmem>>, vector<16xf32>,
          %add3A_218 = arith.addf %while3A_166, %get3A_217 : vector<16xf32>
          %get3A_219 = arith.index_cast %sub3A_215 : i32 to index
          %get3A_220 = arith.constant 16 : index
          %get3A_221 = tpu.vector_load %arg9[%get3A_219, %get3A_220] {strides = array<i32>} : memref<64x768xf32, #tpu.memory_space<vmem>>, vector<16xf32>,
          %add3A_222 = arith.addf %while3A_167, %get3A_221 : vector<16xf32>
          %get3A_223 = arith.index_cast %sub3A_215 : i32 to index
          %get3A_224 = arith.constant 32 : index
          %get3A_225 = tpu.vector_load %arg9[%get3A_223, %get3A_224] {strides = array<i32>} : memref<64x768xf32, #tpu.memory_space<vmem>>, vector<16xf32>,
          %add3A_226 = arith.addf %while3A_168, %get3A_225 : vector<16xf32>
          %get3A_227 = arith.index_cast %sub3A_215 : i32 to index
          %get3A_228 = arith.constant 48 : index
          %get3A_229 = tpu.vector_load %arg9[%get3A_227, %get3A_228] {strides = array<i32>} : memref<64x768xf32, #tpu.memory_space<vmem>>, vector<16xf32>,
          %add3A_230 = arith.addf %while3A_169, %get3A_229 : vector<16xf32>
          %get3A_231 = arith.index_cast %sub3A_215 : i32 to index
          %get3A_232 = arith.constant 64 : index
          %get3A_233 = tpu.vector_load %arg9[%get3A_231, %get3A_232] {strides = array<i32>} : memref<64x768xf32, #tpu.memory_space<vmem>>, vector<16xf32>,
          %add3A_234 = arith.addf %while3A_170, %get3A_233 : vector<16xf32>
          %get3A_235 = arith.index_cast %sub3A_215 : i32 to index
          %get3A_236 = arith.constant 80 : index
          %get3A_237 = tpu.vector_load %arg9[%get3A_235, %get3A_236] {strides = array<i32>} : memref<64x768xf32, #tpu.memory_space<vmem>>, vector<16xf32>,
          %add3A_238 = arith.addf %while3A_171, %get3A_237 : vector<16xf32>
          %get3A_239 = arith.index_cast %sub3A_215 : i32 to index
          %get3A_240 = arith.constant 96 : index
          %get3A_241 = tpu.vector_load %arg9[%get3A_239, %get3A_240] {strides = array<i32>} : memref<64x768xf32, #tpu.memory_space<vmem>>, vector<16xf32>,
          %add3A_242 = arith.addf %while3A_172, %get3A_241 : vector<16xf32>
          %get3A_243 = arith.index_cast %sub3A_215 : i32 to index
          %get3A_244 = arith.constant 112 : index
          %get3A_245 = tpu.vector_load %arg9[%get3A_243, %get3A_244] {strides = array<i32>} : memref<64x768xf32, #tpu.memory_space<vmem>>, vector<16xf32>,
          %add3A_246 = arith.addf %while3A_173, %get3A_245 : vector<16xf32>
          %get3A_247 = arith.index_cast %sub3A_215 : i32 to index
          %get3A_248 = arith.constant 128 : index
          %get3A_249 = tpu.vector_load %arg9[%get3A_247, %get3A_248] {strides = array<i32>} : memref<64x768xf32, #tpu.memory_space<vmem>>, vector<16xf32>,
          %add3A_250 = arith.addf %while3A_174, %get3A_249 : vector<16xf32>
          %get3A_251 = arith.index_cast %sub3A_215 : i32 to index
          %get3A_252 = arith.constant 144 : index
          %get3A_253 = tpu.vector_load %arg9[%get3A_251, %get3A_252] {strides = array<i32>} : memref<64x768xf32, #tpu.memory_space<vmem>>, vector<16xf32>,
          %add3A_254 = arith.addf %while3A_175, %get3A_253 : vector<16xf32>
          %get3A_255 = arith.index_cast %sub3A_215 : i32 to index
          %get3A_256 = arith.constant 160 : index
          %get3A_257 = tpu.vector_load %arg9[%get3A_255, %get3A_256] {strides = array<i32>} : memref<64x768xf32, #tpu.memory_space<vmem>>, vector<16xf32>,
          %add3A_258 = arith.addf %while3A_176, %get3A_257 : vector<16xf32>
          %get3A_259 = arith.index_cast %sub3A_215 : i32 to index
          %get3A_260 = arith.constant 176 : index
          %get3A_261 = tpu.vector_load %arg9[%get3A_259, %get3A_260] {strides = array<i32>} : memref<64x768xf32, #tpu.memory_space<vmem>>, vector<16xf32>,
          %add3A_262 = arith.addf %while3A_177, %get3A_261 : vector<16xf32>
          %get3A_263 = arith.index_cast %sub3A_215 : i32 to index
          %get3A_264 = arith.constant 192 : index
          %get3A_265 = tpu.vector_load %arg9[%get3A_263, %get3A_264] {strides = array<i32>} : memref<64x768xf32, #tpu.memory_space<vmem>>, vector<16xf32>,
          %add3A_266 = arith.addf %while3A_178, %get3A_265 : vector<16xf32>
          %get3A_267 = arith.index_cast %sub3A_215 : i32 to index
          %get3A_268 = arith.constant 208 : index
          %get3A_269 = tpu.vector_load %arg9[%get3A_267, %get3A_268] {strides = array<i32>} : memref<64x768xf32, #tpu.memory_space<vmem>>, vector<16xf32>,
          %add3A_270 = arith.addf %while3A_179, %get3A_269 : vector<16xf32>
          %get3A_271 = arith.index_cast %sub3A_215 : i32 to index
          %get3A_272 = arith.constant 224 : index
          %get3A_273 = tpu.vector_load %arg9[%get3A_271, %get3A_272] {strides = array<i32>} : memref<64x768xf32, #tpu.memory_space<vmem>>, vector<16xf32>,
          %add3A_274 = arith.addf %while3A_180, %get3A_273 : vector<16xf32>
          %get3A_275 = arith.index_cast %sub3A_215 : i32 to index
          %get3A_276 = arith.constant 240 : index
          %get3A_277 = tpu.vector_load %arg9[%get3A_275, %get3A_276] {strides = array<i32>} : memref<64x768xf32, #tpu.memory_space<vmem>>, vector<16xf32>,
          %add3A_278 = arith.addf %while3A_181, %get3A_277 : vector<16xf32>
          %get3A_279 = arith.index_cast %sub3A_215 : i32 to index
          %get3A_280 = arith.constant 256 : index
          %get3A_281 = tpu.vector_load %arg9[%get3A_279, %get3A_280] {strides = array<i32>} : memref<64x768xf32, #tpu.memory_space<vmem>>, vector<16xf32>,
          %add3A_282 = arith.addf %while3A_182, %get3A_281 : vector<16xf32>
          %get3A_283 = arith.index_cast %sub3A_215 : i32 to index
          %get3A_284 = arith.constant 272 : index
          %get3A_285 = tpu.vector_load %arg9[%get3A_283, %get3A_284] {strides = array<i32>} : memref<64x768xf32, #tpu.memory_space<vmem>>, vector<16xf32>,
          %add3A_286 = arith.addf %while3A_183, %get3A_285 : vector<16xf32>
          %get3A_287 = arith.index_cast %sub3A_215 : i32 to index
          %get3A_288 = arith.constant 288 : index
          %get3A_289 = tpu.vector_load %arg9[%get3A_287, %get3A_288] {strides = array<i32>} : memref<64x768xf32, #tpu.memory_space<vmem>>, vector<16xf32>,
          %add3A_290 = arith.addf %while3A_184, %get3A_289 : vector<16xf32>
          %get3A_291 = arith.index_cast %sub3A_215 : i32 to index
          %get3A_292 = arith.constant 304 : index
          %get3A_293 = tpu.vector_load %arg9[%get3A_291, %get3A_292] {strides = array<i32>} : memref<64x768xf32, #tpu.memory_space<vmem>>, vector<16xf32>,
          %add3A_294 = arith.addf %while3A_185, %get3A_293 : vector<16xf32>
          %get3A_295 = arith.index_cast %sub3A_215 : i32 to index
          %get3A_296 = arith.constant 320 : index
          %get3A_297 = tpu.vector_load %arg9[%get3A_295, %get3A_296] {strides = array<i32>} : memref<64x768xf32, #tpu.memory_space<vmem>>, vector<16xf32>,
          %add3A_298 = arith.addf %while3A_186, %get3A_297 : vector<16xf32>
          %get3A_299 = arith.index_cast %sub3A_215 : i32 to index
          %get3A_300 = arith.constant 336 : index
          %get3A_301 = tpu.vector_load %arg9[%get3A_299, %get3A_300] {strides = array<i32>} : memref<64x768xf32, #tpu.memory_space<vmem>>, vector<16xf32>,
          %add3A_302 = arith.addf %while3A_187, %get3A_301 : vector<16xf32>
          %get3A_303 = arith.index_cast %sub3A_215 : i32 to index
          %get3A_304 = arith.constant 352 : index
          %get3A_305 = tpu.vector_load %arg9[%get3A_303, %get3A_304] {strides = array<i32>} : memref<64x768xf32, #tpu.memory_space<vmem>>, vector<16xf32>,
          %add3A_306 = arith.addf %while3A_188, %get3A_305 : vector<16xf32>
          %get3A_307 = arith.index_cast %sub3A_215 : i32 to index
          %get3A_308 = arith.constant 368 : index
          %get3A_309 = tpu.vector_load %arg9[%get3A_307, %get3A_308] {strides = array<i32>} : memref<64x768xf32, #tpu.memory_space<vmem>>, vector<16xf32>,
          %add3A_310 = arith.addf %while3A_189, %get3A_309 : vector<16xf32>
          %get3A_311 = arith.index_cast %sub3A_215 : i32 to index
          %get3A_312 = arith.constant 384 : index
          %get3A_313 = tpu.vector_load %arg9[%get3A_311, %get3A_312] {strides = array<i32>} : memref<64x768xf32, #tpu.memory_space<vmem>>, vector<16xf32>,
          %add3A_314 = arith.addf %while3A_190, %get3A_313 : vector<16xf32>
          %get3A_315 = arith.index_cast %sub3A_215 : i32 to index
          %get3A_316 = arith.constant 400 : index
          %get3A_317 = tpu.vector_load %arg9[%get3A_315, %get3A_316] {strides = array<i32>} : memref<64x768xf32, #tpu.memory_space<vmem>>, vector<16xf32>,
          %add3A_318 = arith.addf %while3A_191, %get3A_317 : vector<16xf32>
          %get3A_319 = arith.index_cast %sub3A_215 : i32 to index
          %get3A_320 = arith.constant 416 : index
          %get3A_321 = tpu.vector_load %arg9[%get3A_319, %get3A_320] {strides = array<i32>} : memref<64x768xf32, #tpu.memory_space<vmem>>, vector<16xf32>,
          %add3A_322 = arith.addf %while3A_192, %get3A_321 : vector<16xf32>
          %get3A_323 = arith.index_cast %sub3A_215 : i32 to index
          %get3A_324 = arith.constant 432 : index
          %get3A_325 = tpu.vector_load %arg9[%get3A_323, %get3A_324] {strides = array<i32>} : memref<64x768xf32, #tpu.memory_space<vmem>>, vector<16xf32>,
          %add3A_326 = arith.addf %while3A_193, %get3A_325 : vector<16xf32>
          %get3A_327 = arith.index_cast %sub3A_215 : i32 to index
          %get3A_328 = arith.constant 448 : index
          %get3A_329 = tpu.vector_load %arg9[%get3A_327, %get3A_328] {strides = array<i32>} : memref<64x768xf32, #tpu.memory_space<vmem>>, vector<16xf32>,
          %add3A_330 = arith.addf %while3A_194, %get3A_329 : vector<16xf32>
          %get3A_331 = arith.index_cast %sub3A_215 : i32 to index
          %get3A_332 = arith.constant 464 : index
          %get3A_333 = tpu.vector_load %arg9[%get3A_331, %get3A_332] {strides = array<i32>} : memref<64x768xf32, #tpu.memory_space<vmem>>, vector<16xf32>,
          %add3A_334 = arith.addf %while3A_195, %get3A_333 : vector<16xf32>
          %get3A_335 = arith.index_cast %sub3A_215 : i32 to index
          %get3A_336 = arith.constant 480 : index
          %get3A_337 = tpu.vector_load %arg9[%get3A_335, %get3A_336] {strides = array<i32>} : memref<64x768xf32, #tpu.memory_space<vmem>>, vector<16xf32>,
          %add3A_338 = arith.addf %while3A_196, %get3A_337 : vector<16xf32>
          %get3A_339 = arith.index_cast %sub3A_215 : i32 to index
          %get3A_340 = arith.constant 496 : index
          %get3A_341 = tpu.vector_load %arg9[%get3A_339, %get3A_340] {strides = array<i32>} : memref<64x768xf32, #tpu.memory_space<vmem>>, vector<16xf32>,
          %add3A_342 = arith.addf %while3A_197, %get3A_341 : vector<16xf32>
          %get3A_343 = arith.index_cast %sub3A_215 : i32 to index
          %get3A_344 = arith.constant 512 : index
          %get3A_345 = tpu.vector_load %arg9[%get3A_343, %get3A_344] {strides = array<i32>} : memref<64x768xf32, #tpu.memory_space<vmem>>, vector<16xf32>,
          %add3A_346 = arith.addf %while3A_198, %get3A_345 : vector<16xf32>
          %get3A_347 = arith.index_cast %sub3A_215 : i32 to index
          %get3A_348 = arith.constant 528 : index
          %get3A_349 = tpu.vector_load %arg9[%get3A_347, %get3A_348] {strides = array<i32>} : memref<64x768xf32, #tpu.memory_space<vmem>>, vector<16xf32>,
          %add3A_350 = arith.addf %while3A_199, %get3A_349 : vector<16xf32>
          %get3A_351 = arith.index_cast %sub3A_215 : i32 to index
          %get3A_352 = arith.constant 544 : index
          %get3A_353 = tpu.vector_load %arg9[%get3A_351, %get3A_352] {strides = array<i32>} : memref<64x768xf32, #tpu.memory_space<vmem>>, vector<16xf32>,
          %add3A_354 = arith.addf %while3A_200, %get3A_353 : vector<16xf32>
          %get3A_355 = arith.index_cast %sub3A_215 : i32 to index
          %get3A_356 = arith.constant 560 : index
          %get3A_357 = tpu.vector_load %arg9[%get3A_355, %get3A_356] {strides = array<i32>} : memref<64x768xf32, #tpu.memory_space<vmem>>, vector<16xf32>,
          %add3A_358 = arith.addf %while3A_201, %get3A_357 : vector<16xf32>
          %get3A_359 = arith.index_cast %sub3A_215 : i32 to index
          %get3A_360 = arith.constant 576 : index
          %get3A_361 = tpu.vector_load %arg9[%get3A_359, %get3A_360] {strides = array<i32>} : memref<64x768xf32, #tpu.memory_space<vmem>>, vector<16xf32>,
          %add3A_362 = arith.addf %while3A_202, %get3A_361 : vector<16xf32>
          %get3A_363 = arith.index_cast %sub3A_215 : i32 to index
          %get3A_364 = arith.constant 592 : index
          %get3A_365 = tpu.vector_load %arg9[%get3A_363, %get3A_364] {strides = array<i32>} : memref<64x768xf32, #tpu.memory_space<vmem>>, vector<16xf32>,
          %add3A_366 = arith.addf %while3A_203, %get3A_365 : vector<16xf32>
          %get3A_367 = arith.index_cast %sub3A_215 : i32 to index
          %get3A_368 = arith.constant 608 : index
          %get3A_369 = tpu.vector_load %arg9[%get3A_367, %get3A_368] {strides = array<i32>} : memref<64x768xf32, #tpu.memory_space<vmem>>, vector<16xf32>,
          %add3A_370 = arith.addf %while3A_204, %get3A_369 : vector<16xf32>
          %get3A_371 = arith.index_cast %sub3A_215 : i32 to index
          %get3A_372 = arith.constant 624 : index
          %get3A_373 = tpu.vector_load %arg9[%get3A_371, %get3A_372] {strides = array<i32>} : memref<64x768xf32, #tpu.memory_space<vmem>>, vector<16xf32>,
          %add3A_374 = arith.addf %while3A_205, %get3A_373 : vector<16xf32>
          %get3A_375 = arith.index_cast %sub3A_215 : i32 to index
          %get3A_376 = arith.constant 640 : index
          %get3A_377 = tpu.vector_load %arg9[%get3A_375, %get3A_376] {strides = array<i32>} : memref<64x768xf32, #tpu.memory_space<vmem>>, vector<16xf32>,
          %add3A_378 = arith.addf %while3A_206, %get3A_377 : vector<16xf32>
          %get3A_379 = arith.index_cast %sub3A_215 : i32 to index
          %get3A_380 = arith.constant 656 : index
          %get3A_381 = tpu.vector_load %arg9[%get3A_379, %get3A_380] {strides = array<i32>} : memref<64x768xf32, #tpu.memory_space<vmem>>, vector<16xf32>,
          %add3A_382 = arith.addf %while3A_207, %get3A_381 : vector<16xf32>
          %get3A_383 = arith.index_cast %sub3A_215 : i32 to index
          %get3A_384 = arith.constant 672 : index
          %get3A_385 = tpu.vector_load %arg9[%get3A_383, %get3A_384] {strides = array<i32>} : memref<64x768xf32, #tpu.memory_space<vmem>>, vector<16xf32>,
          %add3A_386 = arith.addf %while3A_208, %get3A_385 : vector<16xf32>
          %get3A_387 = arith.index_cast %sub3A_215 : i32 to index
          %get3A_388 = arith.constant 688 : index
          %get3A_389 = tpu.vector_load %arg9[%get3A_387, %get3A_388] {strides = array<i32>} : memref<64x768xf32, #tpu.memory_space<vmem>>, vector<16xf32>,
          %add3A_390 = arith.addf %while3A_209, %get3A_389 : vector<16xf32>
          %get3A_391 = arith.index_cast %sub3A_215 : i32 to index
          %get3A_392 = arith.constant 704 : index
          %get3A_393 = tpu.vector_load %arg9[%get3A_391, %get3A_392] {strides = array<i32>} : memref<64x768xf32, #tpu.memory_space<vmem>>, vector<16xf32>,
          %add3A_394 = arith.addf %while3A_210, %get3A_393 : vector<16xf32>
          %get3A_395 = arith.index_cast %sub3A_215 : i32 to index
          %get3A_396 = arith.constant 720 : index
          %get3A_397 = tpu.vector_load %arg9[%get3A_395, %get3A_396] {strides = array<i32>} : memref<64x768xf32, #tpu.memory_space<vmem>>, vector<16xf32>,
          %add3A_398 = arith.addf %while3A_211, %get3A_397 : vector<16xf32>
          %get3A_399 = arith.index_cast %sub3A_215 : i32 to index
          %get3A_400 = arith.constant 736 : index
          %get3A_401 = tpu.vector_load %arg9[%get3A_399, %get3A_400] {strides = array<i32>} : memref<64x768xf32, #tpu.memory_space<vmem>>, vector<16xf32>,
          %add3A_402 = arith.addf %while3A_212, %get3A_401 : vector<16xf32>
          %get3A_403 = arith.index_cast %sub3A_215 : i32 to index
          %get3A_404 = arith.constant 752 : index
          %get3A_405 = tpu.vector_load %arg9[%get3A_403, %get3A_404] {strides = array<i32>} : memref<64x768xf32, #tpu.memory_space<vmem>>, vector<16xf32>,
          %add3A_406 = arith.addf %while3A_213, %get3A_405 : vector<16xf32>
          scf.yield %add3A_218, %add3A_222, %add3A_226, %add3A_230, %add3A_234, %add3A_238, %add3A_242, %add3A_246, %add3A_250, %add3A_254, %add3A_258, %add3A_262, %add3A_266, %add3A_270, %add3A_274, %add3A_278, %add3A_282, %add3A_286, %add3A_290, %add3A_294, %add3A_298, %add3A_302, %add3A_306, %add3A_310, %add3A_314, %add3A_318, %add3A_322, %add3A_326, %add3A_330, %add3A_334, %add3A_338, %add3A_342, %add3A_346, %add3A_350, %add3A_354, %add3A_358, %add3A_362, %add3A_366, %add3A_370, %add3A_374, %add3A_378, %add3A_382, %add3A_386, %add3A_390, %add3A_394, %add3A_398, %add3A_402, %add3A_406 : vector<16xf32>, vector<16xf32>, vector<16xf32>, vector<16xf32>, vector<16xf32>, vector<16xf32>, vector<16xf32>, vector<16xf32>, vector<16xf32>, vector<16xf32>, vector<16xf32>, vector<16xf32>, vector<16xf32>, vector<16xf32>, vector<16xf32>, vector<16xf32>, vector<16xf32>, vector<16xf32>, vector<16xf32>, vector<16xf32>, vector<16xf32>, vector<16xf32>, vector<16xf32>, vector<16xf32>, vector<16xf32>, vector<16xf32>, vector<16xf32>, vector<16xf32>, vector<16xf32>, vector<16xf32>, vector<16xf32>, vector<16xf32>, vector<16xf32>, vector<16xf32>, vector<16xf32>, vector<16xf32>, vector<16xf32>, vector<16xf32>, vector<16xf32>, vector<16xf32>, vector<16xf32>, vector<16xf32>, vector<16xf32>, vector<16xf32>, vector<16xf32>, vector<16xf32>, vector<16xf32>, vector<16xf32>
        }
        %gt3A = arith.cmpi sgt, %min3A_152, %max3A_151 : i32
        %convert_element_type3A_162 = arith.extui %gt3A : i1 to i32
        %cond3A_163 = arith.constant 0 : i32
        %cond3A_164 = arith.cmpi ne, %convert_element_type3A_162, %cond3A_163 : i32
        scf.if %cond3A_164 {
          %swap3A = arith.index_cast %select_n3A_150 : i32 to index
          %swap3A_165 = arith.constant 0 : index
          %swap3A_166 = tpu.vector_load %arg12[%swap3A, %swap3A_165] {strides = array<i32>} : memref<16x768xf32, #tpu.memory_space<vmem>>, vector<16xf32>,
          tpu.vector_store %arg12[%swap3A, %swap3A_165], %while3A_161#0 {add = true, strides = array<i32>} : memref<16x768xf32, #tpu.memory_space<vmem>>, vector<16xf32>,
          %swap3A_167 = arith.index_cast %select_n3A_150 : i32 to index
          %swap3A_168 = arith.constant 16 : index
          %swap3A_169 = tpu.vector_load %arg12[%swap3A_167, %swap3A_168] {strides = array<i32>} : memref<16x768xf32, #tpu.memory_space<vmem>>, vector<16xf32>,
          tpu.vector_store %arg12[%swap3A_167, %swap3A_168], %while3A_161#1 {add = true, strides = array<i32>} : memref<16x768xf32, #tpu.memory_space<vmem>>, vector<16xf32>,
          %swap3A_170 = arith.index_cast %select_n3A_150 : i32 to index
          %swap3A_171 = arith.constant 32 : index
          %swap3A_172 = tpu.vector_load %arg12[%swap3A_170, %swap3A_171] {strides = array<i32>} : memref<16x768xf32, #tpu.memory_space<vmem>>, vector<16xf32>,
          tpu.vector_store %arg12[%swap3A_170, %swap3A_171], %while3A_161#2 {add = true, strides = array<i32>} : memref<16x768xf32, #tpu.memory_space<vmem>>, vector<16xf32>,
          %swap3A_173 = arith.index_cast %select_n3A_150 : i32 to index
          %swap3A_174 = arith.constant 48 : index
          %swap3A_175 = tpu.vector_load %arg12[%swap3A_173, %swap3A_174] {strides = array<i32>} : memref<16x768xf32, #tpu.memory_space<vmem>>, vector<16xf32>,
          tpu.vector_store %arg12[%swap3A_173, %swap3A_174], %while3A_161#3 {add = true, strides = array<i32>} : memref<16x768xf32, #tpu.memory_space<vmem>>, vector<16xf32>,
          %swap3A_176 = arith.index_cast %select_n3A_150 : i32 to index
          %swap3A_177 = arith.constant 64 : index
          %swap3A_178 = tpu.vector_load %arg12[%swap3A_176, %swap3A_177] {strides = array<i32>} : memref<16x768xf32, #tpu.memory_space<vmem>>, vector<16xf32>,
          tpu.vector_store %arg12[%swap3A_176, %swap3A_177], %while3A_161#4 {add = true, strides = array<i32>} : memref<16x768xf32, #tpu.memory_space<vmem>>, vector<16xf32>,
          %swap3A_179 = arith.index_cast %select_n3A_150 : i32 to index
          %swap3A_180 = arith.constant 80 : index
          %swap3A_181 = tpu.vector_load %arg12[%swap3A_179, %swap3A_180] {strides = array<i32>} : memref<16x768xf32, #tpu.memory_space<vmem>>, vector<16xf32>,
          tpu.vector_store %arg12[%swap3A_179, %swap3A_180], %while3A_161#5 {add = true, strides = array<i32>} : memref<16x768xf32, #tpu.memory_space<vmem>>, vector<16xf32>,
          %swap3A_182 = arith.index_cast %select_n3A_150 : i32 to index
          %swap3A_183 = arith.constant 96 : index
          %swap3A_184 = tpu.vector_load %arg12[%swap3A_182, %swap3A_183] {strides = array<i32>} : memref<16x768xf32, #tpu.memory_space<vmem>>, vector<16xf32>,
          tpu.vector_store %arg12[%swap3A_182, %swap3A_183], %while3A_161#6 {add = true, strides = array<i32>} : memref<16x768xf32, #tpu.memory_space<vmem>>, vector<16xf32>,
          %swap3A_185 = arith.index_cast %select_n3A_150 : i32 to index
          %swap3A_186 = arith.constant 112 : index
          %swap3A_187 = tpu.vector_load %arg12[%swap3A_185, %swap3A_186] {strides = array<i32>} : memref<16x768xf32, #tpu.memory_space<vmem>>, vector<16xf32>,
          tpu.vector_store %arg12[%swap3A_185, %swap3A_186], %while3A_161#7 {add = true, strides = array<i32>} : memref<16x768xf32, #tpu.memory_space<vmem>>, vector<16xf32>,
          %swap3A_188 = arith.index_cast %select_n3A_150 : i32 to index
          %swap3A_189 = arith.constant 128 : index
          %swap3A_190 = tpu.vector_load %arg12[%swap3A_188, %swap3A_189] {strides = array<i32>} : memref<16x768xf32, #tpu.memory_space<vmem>>, vector<16xf32>,
          tpu.vector_store %arg12[%swap3A_188, %swap3A_189], %while3A_161#8 {add = true, strides = array<i32>} : memref<16x768xf32, #tpu.memory_space<vmem>>, vector<16xf32>,
          %swap3A_191 = arith.index_cast %select_n3A_150 : i32 to index
          %swap3A_192 = arith.constant 144 : index
          %swap3A_193 = tpu.vector_load %arg12[%swap3A_191, %swap3A_192] {strides = array<i32>} : memref<16x768xf32, #tpu.memory_space<vmem>>, vector<16xf32>,
          tpu.vector_store %arg12[%swap3A_191, %swap3A_192], %while3A_161#9 {add = true, strides = array<i32>} : memref<16x768xf32, #tpu.memory_space<vmem>>, vector<16xf32>,
          %swap3A_194 = arith.index_cast %select_n3A_150 : i32 to index
          %swap3A_195 = arith.constant 160 : index
          %swap3A_196 = tpu.vector_load %arg12[%swap3A_194, %swap3A_195] {strides = array<i32>} : memref<16x768xf32, #tpu.memory_space<vmem>>, vector<16xf32>,
          tpu.vector_store %arg12[%swap3A_194, %swap3A_195], %while3A_161#10 {add = true, strides = array<i32>} : memref<16x768xf32, #tpu.memory_space<vmem>>, vector<16xf32>,
          %swap3A_197 = arith.index_cast %select_n3A_150 : i32 to index
          %swap3A_198 = arith.constant 176 : index
          %swap3A_199 = tpu.vector_load %arg12[%swap3A_197, %swap3A_198] {strides = array<i32>} : memref<16x768xf32, #tpu.memory_space<vmem>>, vector<16xf32>,
          tpu.vector_store %arg12[%swap3A_197, %swap3A_198], %while3A_161#11 {add = true, strides = array<i32>} : memref<16x768xf32, #tpu.memory_space<vmem>>, vector<16xf32>,
          %swap3A_200 = arith.index_cast %select_n3A_150 : i32 to index
          %swap3A_201 = arith.constant 192 : index
          %swap3A_202 = tpu.vector_load %arg12[%swap3A_200, %swap3A_201] {strides = array<i32>} : memref<16x768xf32, #tpu.memory_space<vmem>>, vector<16xf32>,
          tpu.vector_store %arg12[%swap3A_200, %swap3A_201], %while3A_161#12 {add = true, strides = array<i32>} : memref<16x768xf32, #tpu.memory_space<vmem>>, vector<16xf32>,
          %swap3A_203 = arith.index_cast %select_n3A_150 : i32 to index
          %swap3A_204 = arith.constant 208 : index
          %swap3A_205 = tpu.vector_load %arg12[%swap3A_203, %swap3A_204] {strides = array<i32>} : memref<16x768xf32, #tpu.memory_space<vmem>>, vector<16xf32>,
          tpu.vector_store %arg12[%swap3A_203, %swap3A_204], %while3A_161#13 {add = true, strides = array<i32>} : memref<16x768xf32, #tpu.memory_space<vmem>>, vector<16xf32>,
          %swap3A_206 = arith.index_cast %select_n3A_150 : i32 to index
          %swap3A_207 = arith.constant 224 : index
          %swap3A_208 = tpu.vector_load %arg12[%swap3A_206, %swap3A_207] {strides = array<i32>} : memref<16x768xf32, #tpu.memory_space<vmem>>, vector<16xf32>,
          tpu.vector_store %arg12[%swap3A_206, %swap3A_207], %while3A_161#14 {add = true, strides = array<i32>} : memref<16x768xf32, #tpu.memory_space<vmem>>, vector<16xf32>,
          %swap3A_209 = arith.index_cast %select_n3A_150 : i32 to index
          %swap3A_210 = arith.constant 240 : index
          %swap3A_211 = tpu.vector_load %arg12[%swap3A_209, %swap3A_210] {strides = array<i32>} : memref<16x768xf32, #tpu.memory_space<vmem>>, vector<16xf32>,
          tpu.vector_store %arg12[%swap3A_209, %swap3A_210], %while3A_161#15 {add = true, strides = array<i32>} : memref<16x768xf32, #tpu.memory_space<vmem>>, vector<16xf32>,
          %swap3A_212 = arith.index_cast %select_n3A_150 : i32 to index
          %swap3A_213 = arith.constant 256 : index
          %swap3A_214 = tpu.vector_load %arg12[%swap3A_212, %swap3A_213] {strides = array<i32>} : memref<16x768xf32, #tpu.memory_space<vmem>>, vector<16xf32>,
          tpu.vector_store %arg12[%swap3A_212, %swap3A_213], %while3A_161#16 {add = true, strides = array<i32>} : memref<16x768xf32, #tpu.memory_space<vmem>>, vector<16xf32>,
          %swap3A_215 = arith.index_cast %select_n3A_150 : i32 to index
          %swap3A_216 = arith.constant 272 : index
          %swap3A_217 = tpu.vector_load %arg12[%swap3A_215, %swap3A_216] {strides = array<i32>} : memref<16x768xf32, #tpu.memory_space<vmem>>, vector<16xf32>,
          tpu.vector_store %arg12[%swap3A_215, %swap3A_216], %while3A_161#17 {add = true, strides = array<i32>} : memref<16x768xf32, #tpu.memory_space<vmem>>, vector<16xf32>,
          %swap3A_218 = arith.index_cast %select_n3A_150 : i32 to index
          %swap3A_219 = arith.constant 288 : index
          %swap3A_220 = tpu.vector_load %arg12[%swap3A_218, %swap3A_219] {strides = array<i32>} : memref<16x768xf32, #tpu.memory_space<vmem>>, vector<16xf32>,
          tpu.vector_store %arg12[%swap3A_218, %swap3A_219], %while3A_161#18 {add = true, strides = array<i32>} : memref<16x768xf32, #tpu.memory_space<vmem>>, vector<16xf32>,
          %swap3A_221 = arith.index_cast %select_n3A_150 : i32 to index
          %swap3A_222 = arith.constant 304 : index
          %swap3A_223 = tpu.vector_load %arg12[%swap3A_221, %swap3A_222] {strides = array<i32>} : memref<16x768xf32, #tpu.memory_space<vmem>>, vector<16xf32>,
          tpu.vector_store %arg12[%swap3A_221, %swap3A_222], %while3A_161#19 {add = true, strides = array<i32>} : memref<16x768xf32, #tpu.memory_space<vmem>>, vector<16xf32>,
          %swap3A_224 = arith.index_cast %select_n3A_150 : i32 to index
          %swap3A_225 = arith.constant 320 : index
          %swap3A_226 = tpu.vector_load %arg12[%swap3A_224, %swap3A_225] {strides = array<i32>} : memref<16x768xf32, #tpu.memory_space<vmem>>, vector<16xf32>,
          tpu.vector_store %arg12[%swap3A_224, %swap3A_225], %while3A_161#20 {add = true, strides = array<i32>} : memref<16x768xf32, #tpu.memory_space<vmem>>, vector<16xf32>,
          %swap3A_227 = arith.index_cast %select_n3A_150 : i32 to index
          %swap3A_228 = arith.constant 336 : index
          %swap3A_229 = tpu.vector_load %arg12[%swap3A_227, %swap3A_228] {strides = array<i32>} : memref<16x768xf32, #tpu.memory_space<vmem>>, vector<16xf32>,
          tpu.vector_store %arg12[%swap3A_227, %swap3A_228], %while3A_161#21 {add = true, strides = array<i32>} : memref<16x768xf32, #tpu.memory_space<vmem>>, vector<16xf32>,
          %swap3A_230 = arith.index_cast %select_n3A_150 : i32 to index
          %swap3A_231 = arith.constant 352 : index
          %swap3A_232 = tpu.vector_load %arg12[%swap3A_230, %swap3A_231] {strides = array<i32>} : memref<16x768xf32, #tpu.memory_space<vmem>>, vector<16xf32>,
          tpu.vector_store %arg12[%swap3A_230, %swap3A_231], %while3A_161#22 {add = true, strides = array<i32>} : memref<16x768xf32, #tpu.memory_space<vmem>>, vector<16xf32>,
          %swap3A_233 = arith.index_cast %select_n3A_150 : i32 to index
          %swap3A_234 = arith.constant 368 : index
          %swap3A_235 = tpu.vector_load %arg12[%swap3A_233, %swap3A_234] {strides = array<i32>} : memref<16x768xf32, #tpu.memory_space<vmem>>, vector<16xf32>,
          tpu.vector_store %arg12[%swap3A_233, %swap3A_234], %while3A_161#23 {add = true, strides = array<i32>} : memref<16x768xf32, #tpu.memory_space<vmem>>, vector<16xf32>,
          %swap3A_236 = arith.index_cast %select_n3A_150 : i32 to index
          %swap3A_237 = arith.constant 384 : index
          %swap3A_238 = tpu.vector_load %arg12[%swap3A_236, %swap3A_237] {strides = array<i32>} : memref<16x768xf32, #tpu.memory_space<vmem>>, vector<16xf32>,
          tpu.vector_store %arg12[%swap3A_236, %swap3A_237], %while3A_161#24 {add = true, strides = array<i32>} : memref<16x768xf32, #tpu.memory_space<vmem>>, vector<16xf32>,
          %swap3A_239 = arith.index_cast %select_n3A_150 : i32 to index
          %swap3A_240 = arith.constant 400 : index
          %swap3A_241 = tpu.vector_load %arg12[%swap3A_239, %swap3A_240] {strides = array<i32>} : memref<16x768xf32, #tpu.memory_space<vmem>>, vector<16xf32>,
          tpu.vector_store %arg12[%swap3A_239, %swap3A_240], %while3A_161#25 {add = true, strides = array<i32>} : memref<16x768xf32, #tpu.memory_space<vmem>>, vector<16xf32>,
          %swap3A_242 = arith.index_cast %select_n3A_150 : i32 to index
          %swap3A_243 = arith.constant 416 : index
          %swap3A_244 = tpu.vector_load %arg12[%swap3A_242, %swap3A_243] {strides = array<i32>} : memref<16x768xf32, #tpu.memory_space<vmem>>, vector<16xf32>,
          tpu.vector_store %arg12[%swap3A_242, %swap3A_243], %while3A_161#26 {add = true, strides = array<i32>} : memref<16x768xf32, #tpu.memory_space<vmem>>, vector<16xf32>,
          %swap3A_245 = arith.index_cast %select_n3A_150 : i32 to index
          %swap3A_246 = arith.constant 432 : index
          %swap3A_247 = tpu.vector_load %arg12[%swap3A_245, %swap3A_246] {strides = array<i32>} : memref<16x768xf32, #tpu.memory_space<vmem>>, vector<16xf32>,
          tpu.vector_store %arg12[%swap3A_245, %swap3A_246], %while3A_161#27 {add = true, strides = array<i32>} : memref<16x768xf32, #tpu.memory_space<vmem>>, vector<16xf32>,
          %swap3A_248 = arith.index_cast %select_n3A_150 : i32 to index
          %swap3A_249 = arith.constant 448 : index
          %swap3A_250 = tpu.vector_load %arg12[%swap3A_248, %swap3A_249] {strides = array<i32>} : memref<16x768xf32, #tpu.memory_space<vmem>>, vector<16xf32>,
          tpu.vector_store %arg12[%swap3A_248, %swap3A_249], %while3A_161#28 {add = true, strides = array<i32>} : memref<16x768xf32, #tpu.memory_space<vmem>>, vector<16xf32>,
          %swap3A_251 = arith.index_cast %select_n3A_150 : i32 to index
          %swap3A_252 = arith.constant 464 : index
          %swap3A_253 = tpu.vector_load %arg12[%swap3A_251, %swap3A_252] {strides = array<i32>} : memref<16x768xf32, #tpu.memory_space<vmem>>, vector<16xf32>,
          tpu.vector_store %arg12[%swap3A_251, %swap3A_252], %while3A_161#29 {add = true, strides = array<i32>} : memref<16x768xf32, #tpu.memory_space<vmem>>, vector<16xf32>,
          %swap3A_254 = arith.index_cast %select_n3A_150 : i32 to index
          %swap3A_255 = arith.constant 480 : index
          %swap3A_256 = tpu.vector_load %arg12[%swap3A_254, %swap3A_255] {strides = array<i32>} : memref<16x768xf32, #tpu.memory_space<vmem>>, vector<16xf32>,
          tpu.vector_store %arg12[%swap3A_254, %swap3A_255], %while3A_161#30 {add = true, strides = array<i32>} : memref<16x768xf32, #tpu.memory_space<vmem>>, vector<16xf32>,
          %swap3A_257 = arith.index_cast %select_n3A_150 : i32 to index
          %swap3A_258 = arith.constant 496 : index
          %swap3A_259 = tpu.vector_load %arg12[%swap3A_257, %swap3A_258] {strides = array<i32>} : memref<16x768xf32, #tpu.memory_space<vmem>>, vector<16xf32>,
          tpu.vector_store %arg12[%swap3A_257, %swap3A_258], %while3A_161#31 {add = true, strides = array<i32>} : memref<16x768xf32, #tpu.memory_space<vmem>>, vector<16xf32>,
          %swap3A_260 = arith.index_cast %select_n3A_150 : i32 to index
          %swap3A_261 = arith.constant 512 : index
          %swap3A_262 = tpu.vector_load %arg12[%swap3A_260, %swap3A_261] {strides = array<i32>} : memref<16x768xf32, #tpu.memory_space<vmem>>, vector<16xf32>,
          tpu.vector_store %arg12[%swap3A_260, %swap3A_261], %while3A_161#32 {add = true, strides = array<i32>} : memref<16x768xf32, #tpu.memory_space<vmem>>, vector<16xf32>,
          %swap3A_263 = arith.index_cast %select_n3A_150 : i32 to index
          %swap3A_264 = arith.constant 528 : index
          %swap3A_265 = tpu.vector_load %arg12[%swap3A_263, %swap3A_264] {strides = array<i32>} : memref<16x768xf32, #tpu.memory_space<vmem>>, vector<16xf32>,
          tpu.vector_store %arg12[%swap3A_263, %swap3A_264], %while3A_161#33 {add = true, strides = array<i32>} : memref<16x768xf32, #tpu.memory_space<vmem>>, vector<16xf32>,
          %swap3A_266 = arith.index_cast %select_n3A_150 : i32 to index
          %swap3A_267 = arith.constant 544 : index
          %swap3A_268 = tpu.vector_load %arg12[%swap3A_266, %swap3A_267] {strides = array<i32>} : memref<16x768xf32, #tpu.memory_space<vmem>>, vector<16xf32>,
          tpu.vector_store %arg12[%swap3A_266, %swap3A_267], %while3A_161#34 {add = true, strides = array<i32>} : memref<16x768xf32, #tpu.memory_space<vmem>>, vector<16xf32>,
          %swap3A_269 = arith.index_cast %select_n3A_150 : i32 to index
          %swap3A_270 = arith.constant 560 : index
          %swap3A_271 = tpu.vector_load %arg12[%swap3A_269, %swap3A_270] {strides = array<i32>} : memref<16x768xf32, #tpu.memory_space<vmem>>, vector<16xf32>,
          tpu.vector_store %arg12[%swap3A_269, %swap3A_270], %while3A_161#35 {add = true, strides = array<i32>} : memref<16x768xf32, #tpu.memory_space<vmem>>, vector<16xf32>,
          %swap3A_272 = arith.index_cast %select_n3A_150 : i32 to index
          %swap3A_273 = arith.constant 576 : index
          %swap3A_274 = tpu.vector_load %arg12[%swap3A_272, %swap3A_273] {strides = array<i32>} : memref<16x768xf32, #tpu.memory_space<vmem>>, vector<16xf32>,
          tpu.vector_store %arg12[%swap3A_272, %swap3A_273], %while3A_161#36 {add = true, strides = array<i32>} : memref<16x768xf32, #tpu.memory_space<vmem>>, vector<16xf32>,
          %swap3A_275 = arith.index_cast %select_n3A_150 : i32 to index
          %swap3A_276 = arith.constant 592 : index
          %swap3A_277 = tpu.vector_load %arg12[%swap3A_275, %swap3A_276] {strides = array<i32>} : memref<16x768xf32, #tpu.memory_space<vmem>>, vector<16xf32>,
          tpu.vector_store %arg12[%swap3A_275, %swap3A_276], %while3A_161#37 {add = true, strides = array<i32>} : memref<16x768xf32, #tpu.memory_space<vmem>>, vector<16xf32>,
          %swap3A_278 = arith.index_cast %select_n3A_150 : i32 to index
          %swap3A_279 = arith.constant 608 : index
          %swap3A_280 = tpu.vector_load %arg12[%swap3A_278, %swap3A_279] {strides = array<i32>} : memref<16x768xf32, #tpu.memory_space<vmem>>, vector<16xf32>,
          tpu.vector_store %arg12[%swap3A_278, %swap3A_279], %while3A_161#38 {add = true, strides = array<i32>} : memref<16x768xf32, #tpu.memory_space<vmem>>, vector<16xf32>,
          %swap3A_281 = arith.index_cast %select_n3A_150 : i32 to index
          %swap3A_282 = arith.constant 624 : index
          %swap3A_283 = tpu.vector_load %arg12[%swap3A_281, %swap3A_282] {strides = array<i32>} : memref<16x768xf32, #tpu.memory_space<vmem>>, vector<16xf32>,
          tpu.vector_store %arg12[%swap3A_281, %swap3A_282], %while3A_161#39 {add = true, strides = array<i32>} : memref<16x768xf32, #tpu.memory_space<vmem>>, vector<16xf32>,
          %swap3A_284 = arith.index_cast %select_n3A_150 : i32 to index
          %swap3A_285 = arith.constant 640 : index
          %swap3A_286 = tpu.vector_load %arg12[%swap3A_284, %swap3A_285] {strides = array<i32>} : memref<16x768xf32, #tpu.memory_space<vmem>>, vector<16xf32>,
          tpu.vector_store %arg12[%swap3A_284, %swap3A_285], %while3A_161#40 {add = true, strides = array<i32>} : memref<16x768xf32, #tpu.memory_space<vmem>>, vector<16xf32>,
          %swap3A_287 = arith.index_cast %select_n3A_150 : i32 to index
          %swap3A_288 = arith.constant 656 : index
          %swap3A_289 = tpu.vector_load %arg12[%swap3A_287, %swap3A_288] {strides = array<i32>} : memref<16x768xf32, #tpu.memory_space<vmem>>, vector<16xf32>,
          tpu.vector_store %arg12[%swap3A_287, %swap3A_288], %while3A_161#41 {add = true, strides = array<i32>} : memref<16x768xf32, #tpu.memory_space<vmem>>, vector<16xf32>,
          %swap3A_290 = arith.index_cast %select_n3A_150 : i32 to index
          %swap3A_291 = arith.constant 672 : index
          %swap3A_292 = tpu.vector_load %arg12[%swap3A_290, %swap3A_291] {strides = array<i32>} : memref<16x768xf32, #tpu.memory_space<vmem>>, vector<16xf32>,
          tpu.vector_store %arg12[%swap3A_290, %swap3A_291], %while3A_161#42 {add = true, strides = array<i32>} : memref<16x768xf32, #tpu.memory_space<vmem>>, vector<16xf32>,
          %swap3A_293 = arith.index_cast %select_n3A_150 : i32 to index
          %swap3A_294 = arith.constant 688 : index
          %swap3A_295 = tpu.vector_load %arg12[%swap3A_293, %swap3A_294] {strides = array<i32>} : memref<16x768xf32, #tpu.memory_space<vmem>>, vector<16xf32>,
          tpu.vector_store %arg12[%swap3A_293, %swap3A_294], %while3A_161#43 {add = true, strides = array<i32>} : memref<16x768xf32, #tpu.memory_space<vmem>>, vector<16xf32>,
          %swap3A_296 = arith.index_cast %select_n3A_150 : i32 to index
          %swap3A_297 = arith.constant 704 : index
          %swap3A_298 = tpu.vector_load %arg12[%swap3A_296, %swap3A_297] {strides = array<i32>} : memref<16x768xf32, #tpu.memory_space<vmem>>, vector<16xf32>,
          tpu.vector_store %arg12[%swap3A_296, %swap3A_297], %while3A_161#44 {add = true, strides = array<i32>} : memref<16x768xf32, #tpu.memory_space<vmem>>, vector<16xf32>,
          %swap3A_299 = arith.index_cast %select_n3A_150 : i32 to index
          %swap3A_300 = arith.constant 720 : index
          %swap3A_301 = tpu.vector_load %arg12[%swap3A_299, %swap3A_300] {strides = array<i32>} : memref<16x768xf32, #tpu.memory_space<vmem>>, vector<16xf32>,
          tpu.vector_store %arg12[%swap3A_299, %swap3A_300], %while3A_161#45 {add = true, strides = array<i32>} : memref<16x768xf32, #tpu.memory_space<vmem>>, vector<16xf32>,
          %swap3A_302 = arith.index_cast %select_n3A_150 : i32 to index
          %swap3A_303 = arith.constant 736 : index
          %swap3A_304 = tpu.vector_load %arg12[%swap3A_302, %swap3A_303] {strides = array<i32>} : memref<16x768xf32, #tpu.memory_space<vmem>>, vector<16xf32>,
          tpu.vector_store %arg12[%swap3A_302, %swap3A_303], %while3A_161#46 {add = true, strides = array<i32>} : memref<16x768xf32, #tpu.memory_space<vmem>>, vector<16xf32>,
          %swap3A_305 = arith.index_cast %select_n3A_150 : i32 to index
          %swap3A_306 = arith.constant 752 : index
          %swap3A_307 = tpu.vector_load %arg12[%swap3A_305, %swap3A_306] {strides = array<i32>} : memref<16x768xf32, #tpu.memory_space<vmem>>, vector<16xf32>,
          tpu.vector_store %arg12[%swap3A_305, %swap3A_306], %while3A_161#47 {add = true, strides = array<i32>} : memref<16x768xf32, #tpu.memory_space<vmem>>, vector<16xf32>,
        } else {
        }
      }
      %scan3A_110 = arith.constant 9 : i32
    } else {
    }
    %eq3A_98 = arith.constant 0 : i32
    %eq3A_99 = arith.cmpi eq, %arg0, %eq3A_98 : i32
    %convert_element_type3A_100 = arith.extui %eq3A_99 : i1 to i32
    %cond3A_101 = arith.constant 0 : i32
    %cond3A_102 = arith.cmpi ne, %convert_element_type3A_100, %cond3A_101 : i32
    scf.if %cond3A_102 {
      %convert_element_type3A_105 = arith.sitofp %parallel_loop3A_20#1 : vector<16xi32> to vector<16xf32>
      %max3A = arith.constant 1.000000e+00 : f32
      %max3A_106 = vector.broadcast %max3A : f32 to vector<16xf32>
      %max3A_107 = arith.maximumf %convert_element_type3A_105, %max3A_106 : vector<16xf32>
      %div3A = arith.constant 1.000000e+00 : f32
      %div3A_108 = vector.broadcast %div3A : f32 to vector<16xf32>
      %div3A_109 = arith.divf %div3A_108, %max3A_107 : vector<16xf32>
      %swap3A = arith.constant 0 : i32
      %swap3A_110 = arith.index_cast %swap3A : i32 to index
      %swap3A_111 = arith.constant 0 : index
      %swap3A_112 = tpu.vector_load %arg13[%swap3A_110, %swap3A_111] {strides = array<i32>} : memref<8x128xf32, #tpu.memory_space<vmem>>, vector<16xf32>,
      tpu.vector_store %arg13[%swap3A_110, %swap3A_111], %div3A_109 {strides = array<i32>} : memref<8x128xf32, #tpu.memory_space<vmem>>, vector<16xf32>,
      %swap3A_113 = arith.constant 0 : i32
      %swap3A_114 = arith.index_cast %swap3A_113 : i32 to index
      %swap3A_115 = arith.constant 16 : index
      %swap3A_116 = tpu.vector_load %arg13[%swap3A_114, %swap3A_115] {strides = array<i32>} : memref<8x128xf32, #tpu.memory_space<vmem>>, vector<16xf32>,
      tpu.vector_store %arg13[%swap3A_114, %swap3A_115], %div3A_109 {strides = array<i32>} : memref<8x128xf32, #tpu.memory_space<vmem>>, vector<16xf32>,
      %swap3A_117 = arith.constant 0 : i32
      %swap3A_118 = arith.index_cast %swap3A_117 : i32 to index
      %swap3A_119 = arith.constant 32 : index
      %swap3A_120 = tpu.vector_load %arg13[%swap3A_118, %swap3A_119] {strides = array<i32>} : memref<8x128xf32, #tpu.memory_space<vmem>>, vector<16xf32>,
      tpu.vector_store %arg13[%swap3A_118, %swap3A_119], %div3A_109 {strides = array<i32>} : memref<8x128xf32, #tpu.memory_space<vmem>>, vector<16xf32>,
      %swap3A_121 = arith.constant 0 : i32
      %swap3A_122 = arith.index_cast %swap3A_121 : i32 to index
      %swap3A_123 = arith.constant 48 : index
      %swap3A_124 = tpu.vector_load %arg13[%swap3A_122, %swap3A_123] {strides = array<i32>} : memref<8x128xf32, #tpu.memory_space<vmem>>, vector<16xf32>,
      tpu.vector_store %arg13[%swap3A_122, %swap3A_123], %div3A_109 {strides = array<i32>} : memref<8x128xf32, #tpu.memory_space<vmem>>, vector<16xf32>,
      %swap3A_125 = arith.constant 0 : i32
      %swap3A_126 = arith.index_cast %swap3A_125 : i32 to index
      %swap3A_127 = arith.constant 64 : index
      %swap3A_128 = tpu.vector_load %arg13[%swap3A_126, %swap3A_127] {strides = array<i32>} : memref<8x128xf32, #tpu.memory_space<vmem>>, vector<16xf32>,
      tpu.vector_store %arg13[%swap3A_126, %swap3A_127], %div3A_109 {strides = array<i32>} : memref<8x128xf32, #tpu.memory_space<vmem>>, vector<16xf32>,
      %swap3A_129 = arith.constant 0 : i32
      %swap3A_130 = arith.index_cast %swap3A_129 : i32 to index
      %swap3A_131 = arith.constant 80 : index
      %swap3A_132 = tpu.vector_load %arg13[%swap3A_130, %swap3A_131] {strides = array<i32>} : memref<8x128xf32, #tpu.memory_space<vmem>>, vector<16xf32>,
      tpu.vector_store %arg13[%swap3A_130, %swap3A_131], %div3A_109 {strides = array<i32>} : memref<8x128xf32, #tpu.memory_space<vmem>>, vector<16xf32>,
      %swap3A_133 = arith.constant 0 : i32
      %swap3A_134 = arith.index_cast %swap3A_133 : i32 to index
      %swap3A_135 = arith.constant 96 : index
      %swap3A_136 = tpu.vector_load %arg13[%swap3A_134, %swap3A_135] {strides = array<i32>} : memref<8x128xf32, #tpu.memory_space<vmem>>, vector<16xf32>,
      tpu.vector_store %arg13[%swap3A_134, %swap3A_135], %div3A_109 {strides = array<i32>} : memref<8x128xf32, #tpu.memory_space<vmem>>, vector<16xf32>,
      %swap3A_137 = arith.constant 0 : i32
      %swap3A_138 = arith.index_cast %swap3A_137 : i32 to index
      %swap3A_139 = arith.constant 112 : index
      %swap3A_140 = tpu.vector_load %arg13[%swap3A_138, %swap3A_139] {strides = array<i32>} : memref<8x128xf32, #tpu.memory_space<vmem>>, vector<16xf32>,
      tpu.vector_store %arg13[%swap3A_138, %swap3A_139], %div3A_109 {strides = array<i32>} : memref<8x128xf32, #tpu.memory_space<vmem>>, vector<16xf32>,
      %convert_element_type3A_141 = arith.sitofp %parallel_loop3A_20#2 : vector<16xi32> to vector<16xf32>
      %max3A_142 = arith.constant 1.000000e+00 : f32
      %max3A_143 = vector.broadcast %max3A_142 : f32 to vector<16xf32>
      %max3A_144 = arith.maximumf %convert_element_type3A_141, %max3A_143 : vector<16xf32>
      %div3A_145 = arith.constant 1.000000e+00 : f32
      %div3A_146 = vector.broadcast %div3A_145 : f32 to vector<16xf32>
      %div3A_147 = arith.divf %div3A_146, %max3A_144 : vector<16xf32>
      %swap3A_148 = arith.constant 1 : i32
      %swap3A_149 = arith.index_cast %swap3A_148 : i32 to index
      %swap3A_150 = arith.constant 0 : index
      %swap3A_151 = tpu.vector_load %arg13[%swap3A_149, %swap3A_150] {strides = array<i32>} : memref<8x128xf32, #tpu.memory_space<vmem>>, vector<16xf32>,
      tpu.vector_store %arg13[%swap3A_149, %swap3A_150], %div3A_147 {strides = array<i32>} : memref<8x128xf32, #tpu.memory_space<vmem>>, vector<16xf32>,
      %swap3A_152 = arith.constant 1 : i32
      %swap3A_153 = arith.index_cast %swap3A_152 : i32 to index
      %swap3A_154 = arith.constant 16 : index
      %swap3A_155 = tpu.vector_load %arg13[%swap3A_153, %swap3A_154] {strides = array<i32>} : memref<8x128xf32, #tpu.memory_space<vmem>>, vector<16xf32>,
      tpu.vector_store %arg13[%swap3A_153, %swap3A_154], %div3A_147 {strides = array<i32>} : memref<8x128xf32, #tpu.memory_space<vmem>>, vector<16xf32>,
      %swap3A_156 = arith.constant 1 : i32
      %swap3A_157 = arith.index_cast %swap3A_156 : i32 to index
      %swap3A_158 = arith.constant 32 : index
      %swap3A_159 = tpu.vector_load %arg13[%swap3A_157, %swap3A_158] {strides = array<i32>} : memref<8x128xf32, #tpu.memory_space<vmem>>, vector<16xf32>,
      tpu.vector_store %arg13[%swap3A_157, %swap3A_158], %div3A_147 {strides = array<i32>} : memref<8x128xf32, #tpu.memory_space<vmem>>, vector<16xf32>,
      %swap3A_160 = arith.constant 1 : i32
      %swap3A_161 = arith.index_cast %swap3A_160 : i32 to index
      %swap3A_162 = arith.constant 48 : index
      %swap3A_163 = tpu.vector_load %arg13[%swap3A_161, %swap3A_162] {strides = array<i32>} : memref<8x128xf32, #tpu.memory_space<vmem>>, vector<16xf32>,
      tpu.vector_store %arg13[%swap3A_161, %swap3A_162], %div3A_147 {strides = array<i32>} : memref<8x128xf32, #tpu.memory_space<vmem>>, vector<16xf32>,
      %swap3A_164 = arith.constant 1 : i32
      %swap3A_165 = arith.index_cast %swap3A_164 : i32 to index
      %swap3A_166 = arith.constant 64 : index
      %swap3A_167 = tpu.vector_load %arg13[%swap3A_165, %swap3A_166] {strides = array<i32>} : memref<8x128xf32, #tpu.memory_space<vmem>>, vector<16xf32>,
      tpu.vector_store %arg13[%swap3A_165, %swap3A_166], %div3A_147 {strides = array<i32>} : memref<8x128xf32, #tpu.memory_space<vmem>>, vector<16xf32>,
      %swap3A_168 = arith.constant 1 : i32
      %swap3A_169 = arith.index_cast %swap3A_168 : i32 to index
      %swap3A_170 = arith.constant 80 : index
      %swap3A_171 = tpu.vector_load %arg13[%swap3A_169, %swap3A_170] {strides = array<i32>} : memref<8x128xf32, #tpu.memory_space<vmem>>, vector<16xf32>,
      tpu.vector_store %arg13[%swap3A_169, %swap3A_170], %div3A_147 {strides = array<i32>} : memref<8x128xf32, #tpu.memory_space<vmem>>, vector<16xf32>,
      %swap3A_172 = arith.constant 1 : i32
      %swap3A_173 = arith.index_cast %swap3A_172 : i32 to index
      %swap3A_174 = arith.constant 96 : index
      %swap3A_175 = tpu.vector_load %arg13[%swap3A_173, %swap3A_174] {strides = array<i32>} : memref<8x128xf32, #tpu.memory_space<vmem>>, vector<16xf32>,
      tpu.vector_store %arg13[%swap3A_173, %swap3A_174], %div3A_147 {strides = array<i32>} : memref<8x128xf32, #tpu.memory_space<vmem>>, vector<16xf32>,
      %swap3A_176 = arith.constant 1 : i32
      %swap3A_177 = arith.index_cast %swap3A_176 : i32 to index
      %swap3A_178 = arith.constant 112 : index
      %swap3A_179 = tpu.vector_load %arg13[%swap3A_177, %swap3A_178] {strides = array<i32>} : memref<8x128xf32, #tpu.memory_space<vmem>>, vector<16xf32>,
      tpu.vector_store %arg13[%swap3A_177, %swap3A_178], %div3A_147 {strides = array<i32>} : memref<8x128xf32, #tpu.memory_space<vmem>>, vector<16xf32>,
      %convert_element_type3A_180 = arith.sitofp %parallel_loop3A_20#3 : vector<16xi32> to vector<16xf32>
      %max3A_181 = arith.constant 1.000000e+00 : f32
      %max3A_182 = vector.broadcast %max3A_181 : f32 to vector<16xf32>
      %max3A_183 = arith.maximumf %convert_element_type3A_180, %max3A_182 : vector<16xf32>
      %div3A_184 = arith.constant 1.000000e+00 : f32
      %div3A_185 = vector.broadcast %div3A_184 : f32 to vector<16xf32>
      %div3A_186 = arith.divf %div3A_185, %max3A_183 : vector<16xf32>
      %swap3A_187 = arith.constant 2 : i32
      %swap3A_188 = arith.index_cast %swap3A_187 : i32 to index
      %swap3A_189 = arith.constant 0 : index
      %swap3A_190 = tpu.vector_load %arg13[%swap3A_188, %swap3A_189] {strides = array<i32>} : memref<8x128xf32, #tpu.memory_space<vmem>>, vector<16xf32>,
      tpu.vector_store %arg13[%swap3A_188, %swap3A_189], %div3A_186 {strides = array<i32>} : memref<8x128xf32, #tpu.memory_space<vmem>>, vector<16xf32>,
      %swap3A_191 = arith.constant 2 : i32
      %swap3A_192 = arith.index_cast %swap3A_191 : i32 to index
      %swap3A_193 = arith.constant 16 : index
      %swap3A_194 = tpu.vector_load %arg13[%swap3A_192, %swap3A_193] {strides = array<i32>} : memref<8x128xf32, #tpu.memory_space<vmem>>, vector<16xf32>,
      tpu.vector_store %arg13[%swap3A_192, %swap3A_193], %div3A_186 {strides = array<i32>} : memref<8x128xf32, #tpu.memory_space<vmem>>, vector<16xf32>,
      %swap3A_195 = arith.constant 2 : i32
      %swap3A_196 = arith.index_cast %swap3A_195 : i32 to index
      %swap3A_197 = arith.constant 32 : index
      %swap3A_198 = tpu.vector_load %arg13[%swap3A_196, %swap3A_197] {strides = array<i32>} : memref<8x128xf32, #tpu.memory_space<vmem>>, vector<16xf32>,
      tpu.vector_store %arg13[%swap3A_196, %swap3A_197], %div3A_186 {strides = array<i32>} : memref<8x128xf32, #tpu.memory_space<vmem>>, vector<16xf32>,
      %swap3A_199 = arith.constant 2 : i32
      %swap3A_200 = arith.index_cast %swap3A_199 : i32 to index
      %swap3A_201 = arith.constant 48 : index
      %swap3A_202 = tpu.vector_load %arg13[%swap3A_200, %swap3A_201] {strides = array<i32>} : memref<8x128xf32, #tpu.memory_space<vmem>>, vector<16xf32>,
      tpu.vector_store %arg13[%swap3A_200, %swap3A_201], %div3A_186 {strides = array<i32>} : memref<8x128xf32, #tpu.memory_space<vmem>>, vector<16xf32>,
      %swap3A_203 = arith.constant 2 : i32
      %swap3A_204 = arith.index_cast %swap3A_203 : i32 to index
      %swap3A_205 = arith.constant 64 : index
      %swap3A_206 = tpu.vector_load %arg13[%swap3A_204, %swap3A_205] {strides = array<i32>} : memref<8x128xf32, #tpu.memory_space<vmem>>, vector<16xf32>,
      tpu.vector_store %arg13[%swap3A_204, %swap3A_205], %div3A_186 {strides = array<i32>} : memref<8x128xf32, #tpu.memory_space<vmem>>, vector<16xf32>,
      %swap3A_207 = arith.constant 2 : i32
      %swap3A_208 = arith.index_cast %swap3A_207 : i32 to index
      %swap3A_209 = arith.constant 80 : index
      %swap3A_210 = tpu.vector_load %arg13[%swap3A_208, %swap3A_209] {strides = array<i32>} : memref<8x128xf32, #tpu.memory_space<vmem>>, vector<16xf32>,
      tpu.vector_store %arg13[%swap3A_208, %swap3A_209], %div3A_186 {strides = array<i32>} : memref<8x128xf32, #tpu.memory_space<vmem>>, vector<16xf32>,
      %swap3A_211 = arith.constant 2 : i32
      %swap3A_212 = arith.index_cast %swap3A_211 : i32 to index
      %swap3A_213 = arith.constant 96 : index
      %swap3A_214 = tpu.vector_load %arg13[%swap3A_212, %swap3A_213] {strides = array<i32>} : memref<8x128xf32, #tpu.memory_space<vmem>>, vector<16xf32>,
      tpu.vector_store %arg13[%swap3A_212, %swap3A_213], %div3A_186 {strides = array<i32>} : memref<8x128xf32, #tpu.memory_space<vmem>>, vector<16xf32>,
      %swap3A_215 = arith.constant 2 : i32
      %swap3A_216 = arith.index_cast %swap3A_215 : i32 to index
      %swap3A_217 = arith.constant 112 : index
      %swap3A_218 = tpu.vector_load %arg13[%swap3A_216, %swap3A_217] {strides = array<i32>} : memref<8x128xf32, #tpu.memory_space<vmem>>, vector<16xf32>,
      tpu.vector_store %arg13[%swap3A_216, %swap3A_217], %div3A_186 {strides = array<i32>} : memref<8x128xf32, #tpu.memory_space<vmem>>, vector<16xf32>,
      %convert_element_type3A_219 = arith.sitofp %parallel_loop3A_20#4 : vector<16xi32> to vector<16xf32>
      %max3A_220 = arith.constant 1.000000e+00 : f32
      %max3A_221 = vector.broadcast %max3A_220 : f32 to vector<16xf32>
      %max3A_222 = arith.maximumf %convert_element_type3A_219, %max3A_221 : vector<16xf32>
      %div3A_223 = arith.constant 1.000000e+00 : f32
      %div3A_224 = vector.broadcast %div3A_223 : f32 to vector<16xf32>
      %div3A_225 = arith.divf %div3A_224, %max3A_222 : vector<16xf32>
      %swap3A_226 = arith.constant 3 : i32
      %swap3A_227 = arith.index_cast %swap3A_226 : i32 to index
      %swap3A_228 = arith.constant 0 : index
      %swap3A_229 = tpu.vector_load %arg13[%swap3A_227, %swap3A_228] {strides = array<i32>} : memref<8x128xf32, #tpu.memory_space<vmem>>, vector<16xf32>,
      tpu.vector_store %arg13[%swap3A_227, %swap3A_228], %div3A_225 {strides = array<i32>} : memref<8x128xf32, #tpu.memory_space<vmem>>, vector<16xf32>,
      %swap3A_230 = arith.constant 3 : i32
      %swap3A_231 = arith.index_cast %swap3A_230 : i32 to index
      %swap3A_232 = arith.constant 16 : index
      %swap3A_233 = tpu.vector_load %arg13[%swap3A_231, %swap3A_232] {strides = array<i32>} : memref<8x128xf32, #tpu.memory_space<vmem>>, vector<16xf32>,
      tpu.vector_store %arg13[%swap3A_231, %swap3A_232], %div3A_225 {strides = array<i32>} : memref<8x128xf32, #tpu.memory_space<vmem>>, vector<16xf32>,
      %swap3A_234 = arith.constant 3 : i32
      %swap3A_235 = arith.index_cast %swap3A_234 : i32 to index
      %swap3A_236 = arith.constant 32 : index
      %swap3A_237 = tpu.vector_load %arg13[%swap3A_235, %swap3A_236] {strides = array<i32>} : memref<8x128xf32, #tpu.memory_space<vmem>>, vector<16xf32>,
      tpu.vector_store %arg13[%swap3A_235, %swap3A_236], %div3A_225 {strides = array<i32>} : memref<8x128xf32, #tpu.memory_space<vmem>>, vector<16xf32>,
      %swap3A_238 = arith.constant 3 : i32
      %swap3A_239 = arith.index_cast %swap3A_238 : i32 to index
      %swap3A_240 = arith.constant 48 : index
      %swap3A_241 = tpu.vector_load %arg13[%swap3A_239, %swap3A_240] {strides = array<i32>} : memref<8x128xf32, #tpu.memory_space<vmem>>, vector<16xf32>,
      tpu.vector_store %arg13[%swap3A_239, %swap3A_240], %div3A_225 {strides = array<i32>} : memref<8x128xf32, #tpu.memory_space<vmem>>, vector<16xf32>,
      %swap3A_242 = arith.constant 3 : i32
      %swap3A_243 = arith.index_cast %swap3A_242 : i32 to index
      %swap3A_244 = arith.constant 64 : index
      %swap3A_245 = tpu.vector_load %arg13[%swap3A_243, %swap3A_244] {strides = array<i32>} : memref<8x128xf32, #tpu.memory_space<vmem>>, vector<16xf32>,
      tpu.vector_store %arg13[%swap3A_243, %swap3A_244], %div3A_225 {strides = array<i32>} : memref<8x128xf32, #tpu.memory_space<vmem>>, vector<16xf32>,
      %swap3A_246 = arith.constant 3 : i32
      %swap3A_247 = arith.index_cast %swap3A_246 : i32 to index
      %swap3A_248 = arith.constant 80 : index
      %swap3A_249 = tpu.vector_load %arg13[%swap3A_247, %swap3A_248] {strides = array<i32>} : memref<8x128xf32, #tpu.memory_space<vmem>>, vector<16xf32>,
      tpu.vector_store %arg13[%swap3A_247, %swap3A_248], %div3A_225 {strides = array<i32>} : memref<8x128xf32, #tpu.memory_space<vmem>>, vector<16xf32>,
      %swap3A_250 = arith.constant 3 : i32
      %swap3A_251 = arith.index_cast %swap3A_250 : i32 to index
      %swap3A_252 = arith.constant 96 : index
      %swap3A_253 = tpu.vector_load %arg13[%swap3A_251, %swap3A_252] {strides = array<i32>} : memref<8x128xf32, #tpu.memory_space<vmem>>, vector<16xf32>,
      tpu.vector_store %arg13[%swap3A_251, %swap3A_252], %div3A_225 {strides = array<i32>} : memref<8x128xf32, #tpu.memory_space<vmem>>, vector<16xf32>,
      %swap3A_254 = arith.constant 3 : i32
      %swap3A_255 = arith.index_cast %swap3A_254 : i32 to index
      %swap3A_256 = arith.constant 112 : index
      %swap3A_257 = tpu.vector_load %arg13[%swap3A_255, %swap3A_256] {strides = array<i32>} : memref<8x128xf32, #tpu.memory_space<vmem>>, vector<16xf32>,
      tpu.vector_store %arg13[%swap3A_255, %swap3A_256], %div3A_225 {strides = array<i32>} : memref<8x128xf32, #tpu.memory_space<vmem>>, vector<16xf32>,
      %convert_element_type3A_258 = arith.sitofp %parallel_loop3A_20#5 : vector<16xi32> to vector<16xf32>
      %max3A_259 = arith.constant 1.000000e+00 : f32
      %max3A_260 = vector.broadcast %max3A_259 : f32 to vector<16xf32>
      %max3A_261 = arith.maximumf %convert_element_type3A_258, %max3A_260 : vector<16xf32>
      %div3A_262 = arith.constant 1.000000e+00 : f32
      %div3A_263 = vector.broadcast %div3A_262 : f32 to vector<16xf32>
      %div3A_264 = arith.divf %div3A_263, %max3A_261 : vector<16xf32>
      %swap3A_265 = arith.constant 4 : i32
      %swap3A_266 = arith.index_cast %swap3A_265 : i32 to index
      %swap3A_267 = arith.constant 0 : index
      %swap3A_268 = tpu.vector_load %arg13[%swap3A_266, %swap3A_267] {strides = array<i32>} : memref<8x128xf32, #tpu.memory_space<vmem>>, vector<16xf32>,
      tpu.vector_store %arg13[%swap3A_266, %swap3A_267], %div3A_264 {strides = array<i32>} : memref<8x128xf32, #tpu.memory_space<vmem>>, vector<16xf32>,
      %swap3A_269 = arith.constant 4 : i32
      %swap3A_270 = arith.index_cast %swap3A_269 : i32 to index
      %swap3A_271 = arith.constant 16 : index
      %swap3A_272 = tpu.vector_load %arg13[%swap3A_270, %swap3A_271] {strides = array<i32>} : memref<8x128xf32, #tpu.memory_space<vmem>>, vector<16xf32>,
      tpu.vector_store %arg13[%swap3A_270, %swap3A_271], %div3A_264 {strides = array<i32>} : memref<8x128xf32, #tpu.memory_space<vmem>>, vector<16xf32>,
      %swap3A_273 = arith.constant 4 : i32
      %swap3A_274 = arith.index_cast %swap3A_273 : i32 to index
      %swap3A_275 = arith.constant 32 : index
      %swap3A_276 = tpu.vector_load %arg13[%swap3A_274, %swap3A_275] {strides = array<i32>} : memref<8x128xf32, #tpu.memory_space<vmem>>, vector<16xf32>,
      tpu.vector_store %arg13[%swap3A_274, %swap3A_275], %div3A_264 {strides = array<i32>} : memref<8x128xf32, #tpu.memory_space<vmem>>, vector<16xf32>,
      %swap3A_277 = arith.constant 4 : i32
      %swap3A_278 = arith.index_cast %swap3A_277 : i32 to index
      %swap3A_279 = arith.constant 48 : index
      %swap3A_280 = tpu.vector_load %arg13[%swap3A_278, %swap3A_279] {strides = array<i32>} : memref<8x128xf32, #tpu.memory_space<vmem>>, vector<16xf32>,
      tpu.vector_store %arg13[%swap3A_278, %swap3A_279], %div3A_264 {strides = array<i32>} : memref<8x128xf32, #tpu.memory_space<vmem>>, vector<16xf32>,
      %swap3A_281 = arith.constant 4 : i32
      %swap3A_282 = arith.index_cast %swap3A_281 : i32 to index
      %swap3A_283 = arith.constant 64 : index
      %swap3A_284 = tpu.vector_load %arg13[%swap3A_282, %swap3A_283] {strides = array<i32>} : memref<8x128xf32, #tpu.memory_space<vmem>>, vector<16xf32>,
      tpu.vector_store %arg13[%swap3A_282, %swap3A_283], %div3A_264 {strides = array<i32>} : memref<8x128xf32, #tpu.memory_space<vmem>>, vector<16xf32>,
      %swap3A_285 = arith.constant 4 : i32
      %swap3A_286 = arith.index_cast %swap3A_285 : i32 to index
      %swap3A_287 = arith.constant 80 : index
      %swap3A_288 = tpu.vector_load %arg13[%swap3A_286, %swap3A_287] {strides = array<i32>} : memref<8x128xf32, #tpu.memory_space<vmem>>, vector<16xf32>,
      tpu.vector_store %arg13[%swap3A_286, %swap3A_287], %div3A_264 {strides = array<i32>} : memref<8x128xf32, #tpu.memory_space<vmem>>, vector<16xf32>,
      %swap3A_289 = arith.constant 4 : i32
      %swap3A_290 = arith.index_cast %swap3A_289 : i32 to index
      %swap3A_291 = arith.constant 96 : index
      %swap3A_292 = tpu.vector_load %arg13[%swap3A_290, %swap3A_291] {strides = array<i32>} : memref<8x128xf32, #tpu.memory_space<vmem>>, vector<16xf32>,
      tpu.vector_store %arg13[%swap3A_290, %swap3A_291], %div3A_264 {strides = array<i32>} : memref<8x128xf32, #tpu.memory_space<vmem>>, vector<16xf32>,
      %swap3A_293 = arith.constant 4 : i32
      %swap3A_294 = arith.index_cast %swap3A_293 : i32 to index
      %swap3A_295 = arith.constant 112 : index
      %swap3A_296 = tpu.vector_load %arg13[%swap3A_294, %swap3A_295] {strides = array<i32>} : memref<8x128xf32, #tpu.memory_space<vmem>>, vector<16xf32>,
      tpu.vector_store %arg13[%swap3A_294, %swap3A_295], %div3A_264 {strides = array<i32>} : memref<8x128xf32, #tpu.memory_space<vmem>>, vector<16xf32>,
      %convert_element_type3A_297 = arith.sitofp %parallel_loop3A_20#6 : vector<16xi32> to vector<16xf32>
      %max3A_298 = arith.constant 1.000000e+00 : f32
      %max3A_299 = vector.broadcast %max3A_298 : f32 to vector<16xf32>
      %max3A_300 = arith.maximumf %convert_element_type3A_297, %max3A_299 : vector<16xf32>
      %div3A_301 = arith.constant 1.000000e+00 : f32
      %div3A_302 = vector.broadcast %div3A_301 : f32 to vector<16xf32>
      %div3A_303 = arith.divf %div3A_302, %max3A_300 : vector<16xf32>
      %swap3A_304 = arith.constant 5 : i32
      %swap3A_305 = arith.index_cast %swap3A_304 : i32 to index
      %swap3A_306 = arith.constant 0 : index
      %swap3A_307 = tpu.vector_load %arg13[%swap3A_305, %swap3A_306] {strides = array<i32>} : memref<8x128xf32, #tpu.memory_space<vmem>>, vector<16xf32>,
      tpu.vector_store %arg13[%swap3A_305, %swap3A_306], %div3A_303 {strides = array<i32>} : memref<8x128xf32, #tpu.memory_space<vmem>>, vector<16xf32>,
      %swap3A_308 = arith.constant 5 : i32
      %swap3A_309 = arith.index_cast %swap3A_308 : i32 to index
      %swap3A_310 = arith.constant 16 : index
      %swap3A_311 = tpu.vector_load %arg13[%swap3A_309, %swap3A_310] {strides = array<i32>} : memref<8x128xf32, #tpu.memory_space<vmem>>, vector<16xf32>,
      tpu.vector_store %arg13[%swap3A_309, %swap3A_310], %div3A_303 {strides = array<i32>} : memref<8x128xf32, #tpu.memory_space<vmem>>, vector<16xf32>,
      %swap3A_312 = arith.constant 5 : i32
      %swap3A_313 = arith.index_cast %swap3A_312 : i32 to index
      %swap3A_314 = arith.constant 32 : index
      %swap3A_315 = tpu.vector_load %arg13[%swap3A_313, %swap3A_314] {strides = array<i32>} : memref<8x128xf32, #tpu.memory_space<vmem>>, vector<16xf32>,
      tpu.vector_store %arg13[%swap3A_313, %swap3A_314], %div3A_303 {strides = array<i32>} : memref<8x128xf32, #tpu.memory_space<vmem>>, vector<16xf32>,
      %swap3A_316 = arith.constant 5 : i32
      %swap3A_317 = arith.index_cast %swap3A_316 : i32 to index
      %swap3A_318 = arith.constant 48 : index
      %swap3A_319 = tpu.vector_load %arg13[%swap3A_317, %swap3A_318] {strides = array<i32>} : memref<8x128xf32, #tpu.memory_space<vmem>>, vector<16xf32>,
      tpu.vector_store %arg13[%swap3A_317, %swap3A_318], %div3A_303 {strides = array<i32>} : memref<8x128xf32, #tpu.memory_space<vmem>>, vector<16xf32>,
      %swap3A_320 = arith.constant 5 : i32
      %swap3A_321 = arith.index_cast %swap3A_320 : i32 to index
      %swap3A_322 = arith.constant 64 : index
      %swap3A_323 = tpu.vector_load %arg13[%swap3A_321, %swap3A_322] {strides = array<i32>} : memref<8x128xf32, #tpu.memory_space<vmem>>, vector<16xf32>,
      tpu.vector_store %arg13[%swap3A_321, %swap3A_322], %div3A_303 {strides = array<i32>} : memref<8x128xf32, #tpu.memory_space<vmem>>, vector<16xf32>,
      %swap3A_324 = arith.constant 5 : i32
      %swap3A_325 = arith.index_cast %swap3A_324 : i32 to index
      %swap3A_326 = arith.constant 80 : index
      %swap3A_327 = tpu.vector_load %arg13[%swap3A_325, %swap3A_326] {strides = array<i32>} : memref<8x128xf32, #tpu.memory_space<vmem>>, vector<16xf32>,
      tpu.vector_store %arg13[%swap3A_325, %swap3A_326], %div3A_303 {strides = array<i32>} : memref<8x128xf32, #tpu.memory_space<vmem>>, vector<16xf32>,
      %swap3A_328 = arith.constant 5 : i32
      %swap3A_329 = arith.index_cast %swap3A_328 : i32 to index
      %swap3A_330 = arith.constant 96 : index
      %swap3A_331 = tpu.vector_load %arg13[%swap3A_329, %swap3A_330] {strides = array<i32>} : memref<8x128xf32, #tpu.memory_space<vmem>>, vector<16xf32>,
      tpu.vector_store %arg13[%swap3A_329, %swap3A_330], %div3A_303 {strides = array<i32>} : memref<8x128xf32, #tpu.memory_space<vmem>>, vector<16xf32>,
      %swap3A_332 = arith.constant 5 : i32
      %swap3A_333 = arith.index_cast %swap3A_332 : i32 to index
      %swap3A_334 = arith.constant 112 : index
      %swap3A_335 = tpu.vector_load %arg13[%swap3A_333, %swap3A_334] {strides = array<i32>} : memref<8x128xf32, #tpu.memory_space<vmem>>, vector<16xf32>,
      tpu.vector_store %arg13[%swap3A_333, %swap3A_334], %div3A_303 {strides = array<i32>} : memref<8x128xf32, #tpu.memory_space<vmem>>, vector<16xf32>,
      %convert_element_type3A_336 = arith.sitofp %parallel_loop3A_20#7 : vector<16xi32> to vector<16xf32>
      %max3A_337 = arith.constant 1.000000e+00 : f32
      %max3A_338 = vector.broadcast %max3A_337 : f32 to vector<16xf32>
      %max3A_339 = arith.maximumf %convert_element_type3A_336, %max3A_338 : vector<16xf32>
      %div3A_340 = arith.constant 1.000000e+00 : f32
      %div3A_341 = vector.broadcast %div3A_340 : f32 to vector<16xf32>
      %div3A_342 = arith.divf %div3A_341, %max3A_339 : vector<16xf32>
      %swap3A_343 = arith.constant 6 : i32
      %swap3A_344 = arith.index_cast %swap3A_343 : i32 to index
      %swap3A_345 = arith.constant 0 : index
      %swap3A_346 = tpu.vector_load %arg13[%swap3A_344, %swap3A_345] {strides = array<i32>} : memref<8x128xf32, #tpu.memory_space<vmem>>, vector<16xf32>,
      tpu.vector_store %arg13[%swap3A_344, %swap3A_345], %div3A_342 {strides = array<i32>} : memref<8x128xf32, #tpu.memory_space<vmem>>, vector<16xf32>,
      %swap3A_347 = arith.constant 6 : i32
      %swap3A_348 = arith.index_cast %swap3A_347 : i32 to index
      %swap3A_349 = arith.constant 16 : index
      %swap3A_350 = tpu.vector_load %arg13[%swap3A_348, %swap3A_349] {strides = array<i32>} : memref<8x128xf32, #tpu.memory_space<vmem>>, vector<16xf32>,
      tpu.vector_store %arg13[%swap3A_348, %swap3A_349], %div3A_342 {strides = array<i32>} : memref<8x128xf32, #tpu.memory_space<vmem>>, vector<16xf32>,
      %swap3A_351 = arith.constant 6 : i32
      %swap3A_352 = arith.index_cast %swap3A_351 : i32 to index
      %swap3A_353 = arith.constant 32 : index
      %swap3A_354 = tpu.vector_load %arg13[%swap3A_352, %swap3A_353] {strides = array<i32>} : memref<8x128xf32, #tpu.memory_space<vmem>>, vector<16xf32>,
      tpu.vector_store %arg13[%swap3A_352, %swap3A_353], %div3A_342 {strides = array<i32>} : memref<8x128xf32, #tpu.memory_space<vmem>>, vector<16xf32>,
      %swap3A_355 = arith.constant 6 : i32
      %swap3A_356 = arith.index_cast %swap3A_355 : i32 to index
      %swap3A_357 = arith.constant 48 : index
      %swap3A_358 = tpu.vector_load %arg13[%swap3A_356, %swap3A_357] {strides = array<i32>} : memref<8x128xf32, #tpu.memory_space<vmem>>, vector<16xf32>,
      tpu.vector_store %arg13[%swap3A_356, %swap3A_357], %div3A_342 {strides = array<i32>} : memref<8x128xf32, #tpu.memory_space<vmem>>, vector<16xf32>,
      %swap3A_359 = arith.constant 6 : i32
      %swap3A_360 = arith.index_cast %swap3A_359 : i32 to index
      %swap3A_361 = arith.constant 64 : index
      %swap3A_362 = tpu.vector_load %arg13[%swap3A_360, %swap3A_361] {strides = array<i32>} : memref<8x128xf32, #tpu.memory_space<vmem>>, vector<16xf32>,
      tpu.vector_store %arg13[%swap3A_360, %swap3A_361], %div3A_342 {strides = array<i32>} : memref<8x128xf32, #tpu.memory_space<vmem>>, vector<16xf32>,
      %swap3A_363 = arith.constant 6 : i32
      %swap3A_364 = arith.index_cast %swap3A_363 : i32 to index
      %swap3A_365 = arith.constant 80 : index
      %swap3A_366 = tpu.vector_load %arg13[%swap3A_364, %swap3A_365] {strides = array<i32>} : memref<8x128xf32, #tpu.memory_space<vmem>>, vector<16xf32>,
      tpu.vector_store %arg13[%swap3A_364, %swap3A_365], %div3A_342 {strides = array<i32>} : memref<8x128xf32, #tpu.memory_space<vmem>>, vector<16xf32>,
      %swap3A_367 = arith.constant 6 : i32
      %swap3A_368 = arith.index_cast %swap3A_367 : i32 to index
      %swap3A_369 = arith.constant 96 : index
      %swap3A_370 = tpu.vector_load %arg13[%swap3A_368, %swap3A_369] {strides = array<i32>} : memref<8x128xf32, #tpu.memory_space<vmem>>, vector<16xf32>,
      tpu.vector_store %arg13[%swap3A_368, %swap3A_369], %div3A_342 {strides = array<i32>} : memref<8x128xf32, #tpu.memory_space<vmem>>, vector<16xf32>,
      %swap3A_371 = arith.constant 6 : i32
      %swap3A_372 = arith.index_cast %swap3A_371 : i32 to index
      %swap3A_373 = arith.constant 112 : index
      %swap3A_374 = tpu.vector_load %arg13[%swap3A_372, %swap3A_373] {strides = array<i32>} : memref<8x128xf32, #tpu.memory_space<vmem>>, vector<16xf32>,
      tpu.vector_store %arg13[%swap3A_372, %swap3A_373], %div3A_342 {strides = array<i32>} : memref<8x128xf32, #tpu.memory_space<vmem>>, vector<16xf32>,
      %convert_element_type3A_375 = arith.sitofp %parallel_loop3A_20#8 : vector<16xi32> to vector<16xf32>
      %max3A_376 = arith.constant 1.000000e+00 : f32
      %max3A_377 = vector.broadcast %max3A_376 : f32 to vector<16xf32>
      %max3A_378 = arith.maximumf %convert_element_type3A_375, %max3A_377 : vector<16xf32>
      %div3A_379 = arith.constant 1.000000e+00 : f32
      %div3A_380 = vector.broadcast %div3A_379 : f32 to vector<16xf32>
      %div3A_381 = arith.divf %div3A_380, %max3A_378 : vector<16xf32>
      %swap3A_382 = arith.constant 7 : i32
      %swap3A_383 = arith.index_cast %swap3A_382 : i32 to index
      %swap3A_384 = arith.constant 0 : index
      %swap3A_385 = tpu.vector_load %arg13[%swap3A_383, %swap3A_384] {strides = array<i32>} : memref<8x128xf32, #tpu.memory_space<vmem>>, vector<16xf32>,
      tpu.vector_store %arg13[%swap3A_383, %swap3A_384], %div3A_381 {strides = array<i32>} : memref<8x128xf32, #tpu.memory_space<vmem>>, vector<16xf32>,
      %swap3A_386 = arith.constant 7 : i32
      %swap3A_387 = arith.index_cast %swap3A_386 : i32 to index
      %swap3A_388 = arith.constant 16 : index
      %swap3A_389 = tpu.vector_load %arg13[%swap3A_387, %swap3A_388] {strides = array<i32>} : memref<8x128xf32, #tpu.memory_space<vmem>>, vector<16xf32>,
      tpu.vector_store %arg13[%swap3A_387, %swap3A_388], %div3A_381 {strides = array<i32>} : memref<8x128xf32, #tpu.memory_space<vmem>>, vector<16xf32>,
      %swap3A_390 = arith.constant 7 : i32
      %swap3A_391 = arith.index_cast %swap3A_390 : i32 to index
      %swap3A_392 = arith.constant 32 : index
      %swap3A_393 = tpu.vector_load %arg13[%swap3A_391, %swap3A_392] {strides = array<i32>} : memref<8x128xf32, #tpu.memory_space<vmem>>, vector<16xf32>,
      tpu.vector_store %arg13[%swap3A_391, %swap3A_392], %div3A_381 {strides = array<i32>} : memref<8x128xf32, #tpu.memory_space<vmem>>, vector<16xf32>,
      %swap3A_394 = arith.constant 7 : i32
      %swap3A_395 = arith.index_cast %swap3A_394 : i32 to index
      %swap3A_396 = arith.constant 48 : index
      %swap3A_397 = tpu.vector_load %arg13[%swap3A_395, %swap3A_396] {strides = array<i32>} : memref<8x128xf32, #tpu.memory_space<vmem>>, vector<16xf32>,
      tpu.vector_store %arg13[%swap3A_395, %swap3A_396], %div3A_381 {strides = array<i32>} : memref<8x128xf32, #tpu.memory_space<vmem>>, vector<16xf32>,
      %swap3A_398 = arith.constant 7 : i32
      %swap3A_399 = arith.index_cast %swap3A_398 : i32 to index
      %swap3A_400 = arith.constant 64 : index
      %swap3A_401 = tpu.vector_load %arg13[%swap3A_399, %swap3A_400] {strides = array<i32>} : memref<8x128xf32, #tpu.memory_space<vmem>>, vector<16xf32>,
      tpu.vector_store %arg13[%swap3A_399, %swap3A_400], %div3A_381 {strides = array<i32>} : memref<8x128xf32, #tpu.memory_space<vmem>>, vector<16xf32>,
      %swap3A_402 = arith.constant 7 : i32
      %swap3A_403 = arith.index_cast %swap3A_402 : i32 to index
      %swap3A_404 = arith.constant 80 : index
      %swap3A_405 = tpu.vector_load %arg13[%swap3A_403, %swap3A_404] {strides = array<i32>} : memref<8x128xf32, #tpu.memory_space<vmem>>, vector<16xf32>,
      tpu.vector_store %arg13[%swap3A_403, %swap3A_404], %div3A_381 {strides = array<i32>} : memref<8x128xf32, #tpu.memory_space<vmem>>, vector<16xf32>,
      %swap3A_406 = arith.constant 7 : i32
      %swap3A_407 = arith.index_cast %swap3A_406 : i32 to index
      %swap3A_408 = arith.constant 96 : index
      %swap3A_409 = tpu.vector_load %arg13[%swap3A_407, %swap3A_408] {strides = array<i32>} : memref<8x128xf32, #tpu.memory_space<vmem>>, vector<16xf32>,
      tpu.vector_store %arg13[%swap3A_407, %swap3A_408], %div3A_381 {strides = array<i32>} : memref<8x128xf32, #tpu.memory_space<vmem>>, vector<16xf32>,
      %swap3A_410 = arith.constant 7 : i32
      %swap3A_411 = arith.index_cast %swap3A_410 : i32 to index
      %swap3A_412 = arith.constant 112 : index
      %swap3A_413 = tpu.vector_load %arg13[%swap3A_411, %swap3A_412] {strides = array<i32>} : memref<8x128xf32, #tpu.memory_space<vmem>>, vector<16xf32>,
      tpu.vector_store %arg13[%swap3A_411, %swap3A_412], %div3A_381 {strides = array<i32>} : memref<8x128xf32, #tpu.memory_space<vmem>>, vector<16xf32>,
      %mul3A_414 = arith.constant 8 : i32
      %mul3A_415 = arith.muli %arg1, %mul3A_414 : i32
      "tpu.region"() ({
        %run_scoped3A = tpu.sem_alloc : memref<!tpu.dma_semaphore, #tpu.memory_space<semaphore_mem>>
        %dma_start3A_416 = arith.constant 0 : i32
        %dma_start3A_417 = tpu.memref_slice %arg8[%mul3A_415, %dma_start3A_416] : memref<128x128xf32, #tpu.memory_space<hbm>> -> memref<8x128xf32, #tpu.memory_space<hbm>>
        %dma_start3A_418 = arith.constant 0 : i32
        %dma_start3A_419 = tpu.memref_slice %arg8[%mul3A_415, %dma_start3A_418] : memref<128x128xf32, #tpu.memory_space<hbm>> -> memref<8x128xf32, #tpu.memory_space<hbm>>
        tpu.enqueue_dma source(%arg13 : memref<8x128xf32, #tpu.memory_space<vmem>>) target(%dma_start3A_419 : memref<8x128xf32, #tpu.memory_space<hbm>>) target_semaphore(%run_scoped3A : memref<!tpu.dma_semaphore, #tpu.memory_space<semaphore_mem>>)
        %dma_wait3A_420 = arith.constant 0 : i32
        %dma_wait3A_421 = tpu.memref_slice %arg8[%mul3A_415, %dma_wait3A_420] : memref<128x128xf32, #tpu.memory_space<hbm>> -> memref<8x128xf32, #tpu.memory_space<hbm>>
        %dma_wait3A_422 = arith.constant 0 : i32
        %dma_wait3A_423 = tpu.memref_slice %arg8[%mul3A_415, %dma_wait3A_422] : memref<128x128xf32, #tpu.memory_space<hbm>> -> memref<8x128xf32, #tpu.memory_space<hbm>>
        tpu.wait_dma2 semaphore(%run_scoped3A : memref<!tpu.dma_semaphore, #tpu.memory_space<semaphore_mem>>) src(%arg13 : memref<8x128xf32, #tpu.memory_space<vmem>>) dst(%dma_wait3A_423 : memref<8x128xf32, #tpu.memory_space<hbm>>)
        tpu.yield
      }) : () -> ()
    } else {
    }
    %mul3A_103 = arith.constant 8 : i32
    %mul3A_104 = arith.muli %arg1, %mul3A_103 : i32
    "tpu.region"() ({
      %run_scoped3A = tpu.sem_alloc : memref<!tpu.dma_semaphore, #tpu.memory_space<semaphore_mem>>
      %dma_start3A_105 = arith.constant 0 : i32
      %dma_start3A_106 = arith.constant 0 : i32
      %dma_start3A_107 = tpu.memref_slice %arg12[%dma_start3A_105, %dma_start3A_106] : memref<16x768xf32, #tpu.memory_space<vmem>> -> memref<8x768xf32, #tpu.memory_space<vmem>>
      %dma_start3A_108 = arith.constant 0 : i32
      %dma_start3A_109 = tpu.memref_slice %arg6[%arg0, %mul3A_104, %dma_start3A_108] : memref<2x128x768xf32, #tpu.memory_space<hbm>> -> memref<1x8x768xf32, #tpu.memory_space<hbm>>
      %dma_start3A_110 = tpu.memref_squeeze %dma_start3A_109 : memref<1x8x768xf32, #tpu.memory_space<hbm>> -> memref<8x768xf32, #tpu.memory_space<hbm>>
      %dma_start3A_111 = arith.constant 0 : i32
      %dma_start3A_112 = tpu.memref_slice %arg6[%arg0, %mul3A_104, %dma_start3A_111] : memref<2x128x768xf32, #tpu.memory_space<hbm>> -> memref<1x8x768xf32, #tpu.memory_space<hbm>>
      %dma_start3A_113 = tpu.memref_squeeze %dma_start3A_112 : memref<1x8x768xf32, #tpu.memory_space<hbm>> -> memref<8x768xf32, #tpu.memory_space<hbm>>
      %dma_start3A_114 = arith.constant 0 : i32
      %dma_start3A_115 = arith.constant 0 : i32
      %dma_start3A_116 = tpu.memref_slice %arg12[%dma_start3A_114, %dma_start3A_115] : memref<16x768xf32, #tpu.memory_space<vmem>> -> memref<8x768xf32, #tpu.memory_space<vmem>>
      tpu.enqueue_dma source(%dma_start3A_116 : memref<8x768xf32, #tpu.memory_space<vmem>>) target(%dma_start3A_113 : memref<8x768xf32, #tpu.memory_space<hbm>>) target_semaphore(%run_scoped3A : memref<!tpu.dma_semaphore, #tpu.memory_space<semaphore_mem>>)
      %dma_wait3A_117 = arith.constant 0 : i32
      %dma_wait3A_118 = arith.constant 0 : i32
      %dma_wait3A_119 = tpu.memref_slice %arg12[%dma_wait3A_117, %dma_wait3A_118] : memref<16x768xf32, #tpu.memory_space<vmem>> -> memref<8x768xf32, #tpu.memory_space<vmem>>
      %dma_wait3A_120 = arith.constant 0 : i32
      %dma_wait3A_121 = tpu.memref_slice %arg6[%arg0, %mul3A_104, %dma_wait3A_120] : memref<2x128x768xf32, #tpu.memory_space<hbm>> -> memref<1x8x768xf32, #tpu.memory_space<hbm>>
      %dma_wait3A_122 = tpu.memref_squeeze %dma_wait3A_121 : memref<1x8x768xf32, #tpu.memory_space<hbm>> -> memref<8x768xf32, #tpu.memory_space<hbm>>
      %dma_wait3A_123 = arith.constant 0 : i32
      %dma_wait3A_124 = tpu.memref_slice %arg6[%arg0, %mul3A_104, %dma_wait3A_123] : memref<2x128x768xf32, #tpu.memory_space<hbm>> -> memref<1x8x768xf32, #tpu.memory_space<hbm>>
      %dma_wait3A_125 = tpu.memref_squeeze %dma_wait3A_124 : memref<1x8x768xf32, #tpu.memory_space<hbm>> -> memref<8x768xf32, #tpu.memory_space<hbm>>
      %dma_wait3A_126 = arith.constant 0 : i32
      %dma_wait3A_127 = arith.constant 0 : i32
      %dma_wait3A_128 = tpu.memref_slice %arg12[%dma_wait3A_126, %dma_wait3A_127] : memref<16x768xf32, #tpu.memory_space<vmem>> -> memref<8x768xf32, #tpu.memory_space<vmem>>
      tpu.wait_dma2 semaphore(%run_scoped3A : memref<!tpu.dma_semaphore, #tpu.memory_space<semaphore_mem>>) src(%dma_wait3A_128 : memref<8x768xf32, #tpu.memory_space<vmem>>) dst(%dma_wait3A_125 : memref<8x768xf32, #tpu.memory_space<hbm>>)
      tpu.yield
    }) : () -> ()
    "tpu.region"() ({
      %run_scoped3A = tpu.sem_alloc : memref<!tpu.dma_semaphore, #tpu.memory_space<semaphore_mem>>
      %dma_start3A_105 = arith.constant 8 : i32
      %dma_start3A_106 = arith.constant 0 : i32
      %dma_start3A_107 = tpu.memref_slice %arg12[%dma_start3A_105, %dma_start3A_106] : memref<16x768xf32, #tpu.memory_space<vmem>> -> memref<8x768xf32, #tpu.memory_space<vmem>>
      %dma_start3A_108 = arith.constant 0 : i32
      %dma_start3A_109 = arith.constant 0 : i32
      %dma_start3A_110 = tpu.memref_slice %arg7[%arg0, %arg1, %dma_start3A_108, %dma_start3A_109] : memref<2x16x8x768xf32, #tpu.memory_space<hbm>> -> memref<1x1x8x768xf32, #tpu.memory_space<hbm>>
      %dma_start3A_111 = tpu.memref_squeeze %dma_start3A_110 : memref<1x1x8x768xf32, #tpu.memory_space<hbm>> -> memref<8x768xf32, #tpu.memory_space<hbm>>
      %dma_start3A_112 = arith.constant 0 : i32
      %dma_start3A_113 = arith.constant 0 : i32
      %dma_start3A_114 = tpu.memref_slice %arg7[%arg0, %arg1, %dma_start3A_112, %dma_start3A_113] : memref<2x16x8x768xf32, #tpu.memory_space<hbm>> -> memref<1x1x8x768xf32, #tpu.memory_space<hbm>>
      %dma_start3A_115 = tpu.memref_squeeze %dma_start3A_114 : memref<1x1x8x768xf32, #tpu.memory_space<hbm>> -> memref<8x768xf32, #tpu.memory_space<hbm>>
      %dma_start3A_116 = arith.constant 8 : i32
      %dma_start3A_117 = arith.constant 0 : i32
      %dma_start3A_118 = tpu.memref_slice %arg12[%dma_start3A_116, %dma_start3A_117] : memref<16x768xf32, #tpu.memory_space<vmem>> -> memref<8x768xf32, #tpu.memory_space<vmem>>
      tpu.enqueue_dma source(%dma_start3A_118 : memref<8x768xf32, #tpu.memory_space<vmem>>) target(%dma_start3A_115 : memref<8x768xf32, #tpu.memory_space<hbm>>) target_semaphore(%run_scoped3A : memref<!tpu.dma_semaphore, #tpu.memory_space<semaphore_mem>>)
      %dma_wait3A_119 = arith.constant 8 : i32
      %dma_wait3A_120 = arith.constant 0 : i32
      %dma_wait3A_121 = tpu.memref_slice %arg12[%dma_wait3A_119, %dma_wait3A_120] : memref<16x768xf32, #tpu.memory_space<vmem>> -> memref<8x768xf32, #tpu.memory_space<vmem>>
      %dma_wait3A_122 = arith.constant 0 : i32
      %dma_wait3A_123 = arith.constant 0 : i32
      %dma_wait3A_124 = tpu.memref_slice %arg7[%arg0, %arg1, %dma_wait3A_122, %dma_wait3A_123] : memref<2x16x8x768xf32, #tpu.memory_space<hbm>> -> memref<1x1x8x768xf32, #tpu.memory_space<hbm>>
      %dma_wait3A_125 = tpu.memref_squeeze %dma_wait3A_124 : memref<1x1x8x768xf32, #tpu.memory_space<hbm>> -> memref<8x768xf32, #tpu.memory_space<hbm>>
      %dma_wait3A_126 = arith.constant 0 : i32
      %dma_wait3A_127 = arith.constant 0 : i32
      %dma_wait3A_128 = tpu.memref_slice %arg7[%arg0, %arg1, %dma_wait3A_126, %dma_wait3A_127] : memref<2x16x8x768xf32, #tpu.memory_space<hbm>> -> memref<1x1x8x768xf32, #tpu.memory_space<hbm>>
      %dma_wait3A_129 = tpu.memref_squeeze %dma_wait3A_128 : memref<1x1x8x768xf32, #tpu.memory_space<hbm>> -> memref<8x768xf32, #tpu.memory_space<hbm>>
      %dma_wait3A_130 = arith.constant 8 : i32
      %dma_wait3A_131 = arith.constant 0 : i32
      %dma_wait3A_132 = tpu.memref_slice %arg12[%dma_wait3A_130, %dma_wait3A_131] : memref<16x768xf32, #tpu.memory_space<vmem>> -> memref<8x768xf32, #tpu.memory_space<vmem>>
      tpu.wait_dma2 semaphore(%run_scoped3A : memref<!tpu.dma_semaphore, #tpu.memory_space<semaphore_mem>>) src(%dma_wait3A_132 : memref<8x768xf32, #tpu.memory_space<vmem>>) dst(%dma_wait3A_129 : memref<8x768xf32, #tpu.memory_space<hbm>>)
      tpu.yield
    }) : () -> ()
    return
  }
}

module attributes {stable_mosaic.version = 14 : i64} {
  func.func @_tc_body(%arg0: memref<2x128x768xf32, #tpu.memory_space<vmem>>, %arg1: memref<2x16x8x768xf32, #tpu.memory_space<vmem>>, %arg2: memref<128x128xf32, #tpu.memory_space<vmem>>, %arg3: memref<1536x768xf32, #tpu.memory_space<vmem>>, %arg4: memref<1x768xf32, #tpu.memory_space<vmem>>, %arg5: memref<128x768xf32, #tpu.memory_space<vmem>>) attributes {dimension_semantics = [], scalar_prefetch = 0 : i64, scratch_operands = 0 : i64, tpu.core_type = #tpu.core_type<tc>} {
    %get3A = arith.constant 0 : index
    %get3A_0 = arith.constant 0 : index
    %get3A_1 = arith.constant 0 : index
    %get3A_2 = vector.load %arg0[%get3A, %get3A_0, %get3A_1] : memref<2x128x768xf32, #tpu.memory_space<vmem>>, vector<1x128x768xf32>
    %get3A_3 = vector.shape_cast %get3A_2 : vector<1x128x768xf32> to vector<128x768xf32>
    %get3A_4 = arith.constant 1 : index
    %get3A_5 = arith.constant 0 : index
    %get3A_6 = arith.constant 0 : index
    %get3A_7 = vector.load %arg0[%get3A_4, %get3A_5, %get3A_6] : memref<2x128x768xf32, #tpu.memory_space<vmem>>, vector<1x128x768xf32>
    %get3A_8 = vector.shape_cast %get3A_7 : vector<1x128x768xf32> to vector<128x768xf32>
    %add3A = arith.addf %get3A_3, %get3A_8 : vector<128x768xf32>
    %get3A_9 = arith.constant 0 : index
    %get3A_10 = arith.constant 0 : index
    %get3A_11 = vector.load %arg2[%get3A_9, %get3A_10] : memref<128x128xf32, #tpu.memory_space<vmem>>, vector<128x1xf32>
    %mul3A = vector.broadcast %get3A_11 : vector<128x1xf32> to vector<128x768xf32>
    %mul3A_12 = arith.mulf %add3A, %mul3A : vector<128x768xf32>
    %get3A_13 = arith.constant 0 : index
    %get3A_14 = arith.constant 0 : index
    %get3A_15 = arith.constant 0 : index
    %get3A_16 = arith.constant 0 : index
    %get3A_17 = vector.load %arg1[%get3A_13, %get3A_14, %get3A_15, %get3A_16] : memref<2x16x8x768xf32, #tpu.memory_space<vmem>>, vector<1x16x1x768xf32>
    %get3A_18 = vector.shape_cast %get3A_17 : vector<1x16x1x768xf32> to vector<16x768xf32>
    %get3A_19 = arith.constant 1 : index
    %get3A_20 = arith.constant 0 : index
    %get3A_21 = arith.constant 0 : index
    %get3A_22 = arith.constant 0 : index
    %get3A_23 = vector.load %arg1[%get3A_19, %get3A_20, %get3A_21, %get3A_22] : memref<2x16x8x768xf32, #tpu.memory_space<vmem>>, vector<1x16x1x768xf32>
    %get3A_24 = vector.shape_cast %get3A_23 : vector<1x16x1x768xf32> to vector<16x768xf32>
    %add3A_25 = arith.addf %get3A_18, %get3A_24 : vector<16x768xf32>
    %iota3A = tpu.iota {dimensions = array<i32: 0>} : vector<128x16xi32>
    %shift_right_arithmetic3A = arith.constant 3 : i32
    %shift_right_arithmetic3A_26 = vector.broadcast %shift_right_arithmetic3A : i32 to vector<128x16xi32>
    %shift_right_arithmetic3A_27 = arith.shrsi %iota3A, %shift_right_arithmetic3A_26 : vector<128x16xi32>
    %iota3A_28 = tpu.iota {dimensions = array<i32: 1>} : vector<128x16xi32>
    %eq3A = arith.cmpi eq, %shift_right_arithmetic3A_27, %iota3A_28 : vector<128x16xi32>
    %jit3A = arith.constant 0.00999999977 : f32
    %jit3A_29 = arith.constant 0.000000e+00 : f32
    %broadcast_in_dim3A = vector.broadcast %jit3A : f32 to vector<128x16xf32>
    %broadcast_in_dim3A_30 = vector.broadcast %jit3A_29 : f32 to vector<128x16xf32>
    %select_n3A = arith.select %eq3A, %broadcast_in_dim3A, %broadcast_in_dim3A_30 : vector<128x16xi1>, vector<128x16xf32>
    %get3A_31 = arith.constant 0 : index
    %get3A_32 = arith.constant 0 : index
    %get3A_33 = vector.load %arg3[%get3A_31, %get3A_32] : memref<1536x768xf32, #tpu.memory_space<vmem>>, vector<768x768xf32>
    %get3A_34 = arith.constant 768 : index
    %get3A_35 = arith.constant 0 : index
    %get3A_36 = vector.load %arg3[%get3A_34, %get3A_35] : memref<1536x768xf32, #tpu.memory_space<vmem>>, vector<768x768xf32>
    %dot_general3A = arith.constant dense<0.000000e+00> : vector<16x768xf32>
    %dot_general3A_37 = tpu.matmul %add3A_25, %get3A_36, %dot_general3A {dimension_numbers = #tpu.dot_dimension_numbers<[1], [0], [0], [1], [0, 0, 1, 1], [], []>, precision = #tpu.contract_precision<fp32>, transpose_lhs_hint = false} : vector<16x768xf32>, vector<768x768xf32>, vector<16x768xf32> -> vector<16x768xf32>
    %dot_general3A_38 = arith.constant dense<0.000000e+00> : vector<128x768xf32>
    %dot_general3A_39 = tpu.matmul %select_n3A, %dot_general3A_37, %dot_general3A_38 {dimension_numbers = #tpu.dot_dimension_numbers<[1], [0], [0], [1], [0, 0, 1, 1], [], []>, precision = #tpu.contract_precision<fp32>, transpose_lhs_hint = false} : vector<128x16xf32>, vector<16x768xf32>, vector<128x768xf32> -> vector<128x768xf32>
    %dot_general3A_40 = arith.constant dense<0.000000e+00> : vector<128x768xf32>
    %dot_general3A_41 = tpu.matmul %mul3A_12, %get3A_33, %dot_general3A_40 {dimension_numbers = #tpu.dot_dimension_numbers<[1], [0], [0], [1], [0, 0, 1, 1], [], []>, precision = #tpu.contract_precision<fp32>, transpose_lhs_hint = false} : vector<128x768xf32>, vector<768x768xf32>, vector<128x768xf32> -> vector<128x768xf32>
    %add3A_42 = arith.addf %dot_general3A_41, %dot_general3A_39 : vector<128x768xf32>
    %get3A_43 = arith.constant 0 : index
    %get3A_44 = arith.constant 0 : index
    %get3A_45 = vector.load %arg4[%get3A_43, %get3A_44] : memref<1x768xf32, #tpu.memory_space<vmem>>, vector<1x768xf32>
    %add3A_46 = vector.broadcast %get3A_45 : vector<1x768xf32> to vector<128x768xf32>
    %add3A_47 = arith.addf %add3A_42, %add3A_46 : vector<128x768xf32>
    %swap3A = arith.constant 0 : index
    %swap3A_48 = arith.constant 0 : index
    %swap3A_49 = vector.load %arg5[%swap3A, %swap3A_48] : memref<128x768xf32, #tpu.memory_space<vmem>>, vector<128x768xf32>
    tpu.vector_store %arg5[%swap3A, %swap3A_48], %add3A_47 {strides = array<i32>} : memref<128x768xf32, #tpu.memory_space<vmem>>, vector<128x768xf32>,
    return
  }
}

</mosaic_0001>

<sc_bundles>
// kernel: kernel.4.cloned.1.call-start
scs
__scs_entry_jumppad:
0x0: {  	(pc) =	sbr.rel $0x88, $3  }
0x1: {  	(tag) =	ssettag $0x0;
	lr =	simm.s32 $0x1  }
0x2: {  	[smem:$0x3F9D] =	sst lr;
	_ =	strace $0xD0000000  }
0x3: {  	_ = 	snop  }
0x4: {  	_ = 	snop  }
0x5: {  	_ = 	snop  }
0x6: {  	_ = 	snop  }
0x7: {  	_ = 	snop  }
__scs_overlays_trampoline_lowered:
0x8: {  	[smem:$0x3FAC] =	sst s0  }
0x9: {  	[smem:$0x3FAD] =	sst s1  }
0xa: {  	[smem:$0x3FAE] =	sst s2  }
0xb: {  	[smem:$0x3FAF] =	sst s3  }
0xc: {  	[smem:$0x3FB0] =	sst s4  }
0xd: {  	[smem:$0x3FB1] =	sst s5  }
0xe: {  	[smem:$0x3FB2] =	sst s6  }
0xf: {  	[smem:$0x3FB3] =	sst s7  }
0x10: {  	[smem:$0x3FB4] =	sst s8  }
0x11: {  	[smem:$0x3FB5] =	sst s9;
	s0 =	simm.s32 @!p0 $0x0  }
0x12: {  	s1 =	sld [smem:$0x3F9B];
	s0 =	simm.s32 @p0 $0x1  }
0x13: {  	[smem:$0x3FB6] =	sst s0;
	s0 =	simm.s32 @!p1 $0x0  }
0x14: {  	s2 =	sld [smem:$0x3F9A];
	s0 =	simm.s32 @p1 $0x1  }
0x15: {  	[smem:$0x3FB7] =	sst s0;
	s0 =	simm.s32 @!p2 $0x0  }
0x16: {  	s3 =	sld [smem:$0x3FDB];
	s0 =	simm.s32 @p2 $0x1  }
0x17: {  	s4 =	simm.s32 $0x1BF5;
	[smem:$0x3FB9] =	sst s0  }
0x18: {  	s0 =	sld [smem:$0x3F9C];
	_ =	swait.ge [sflag:s4], $0x0  }
0x19: {  	s7 =	sld [smem:$0x3F9D]  }
0x1a: {  	s8 =	sadd.s32 $0xFFFFE003, lr  }
0x1b: {  	s9 =	sadd.s32 $0xFFFFFEF7, lr;
	s5 =	simm.s32 $0xFFFFFFFF;
	p2 =	slt.u32 s8, $0xFFFFF086  }
0x1c: {  	p1 =	slt.u32 s9, $0xF7A;
	s5 =	simm.s32 @!p2 $0x0  }
0x1d: {  	s5 =	simm.s32 @p1 $0x1;
	p0 =	seq.s32 s7, s2  }
0x1e: {  	s7 =	smul.u32 @!p0 $0xF7A, s2;
	p2 =	seq.s32 @!p0 s5, $0x0  }
0x1f: {  	s9 =	smul.u32 $0xF7A, s1;
	s8 =	simm.s32 @!p0 $0x1BF5;
	p2 =	por !p2, p0  }
0x20: {  	[sflag:s8] =	ssyncset.s32 @!p0 $0xFFFFF086;
	s6 =	sadd.s32 @!p0 s3, s7;
	s7 =	simm.s32 @!p0 $0x108  }
0x21: {  	s3 =	sadd.s32 s3, s9;
	s6 =	sadd.s32 @!p0 $0x88, s6;
	s7 =	simm.s32 @p2 $0x1082  }
0x22: {  	[simem:s7], [sflag:s8] =	dma.local @!p0 [hbm:s6], $0xF7A  }
0x23: {  	s9 =	sor.u32 $0xD0000000, s2;
	s6 =	simm.s32 $0x108;
	_ =	swait.ge @!p0 [sflag:s8], $0x0  }
0x24: {  	s3 =	sadd.s32 $0x88, s3;
	s6 =	simm.s32 @!p1 $0x1082;
	[sflag:s4] =	ssyncset.s32 $0xFFFFF086  }
0x25: {  	[simem:s6], [sflag:s4] =	dma.local [hbm:s3], $0xF7A  }
0x26: {  	[smem:$0x3F9D] =	sst s1;
	(tag) =	ssettag s2;
	_ =	strace s9  }
0x27: {  	s1 =	sld [smem:$0x3FAD]  }
0x28: {  	s2 =	sld [smem:$0x3FAE]  }
0x29: {  	s4 =	sld [smem:$0x3FB0]  }
0x2a: {  	p0 =	seq.s32 s5, $0x0;
	s5 =	sld [smem:$0x3FB1]  }
0x2b: {  	s6 =	sld [smem:$0x3FB2]  }
0x2c: {  	s7 =	sld [smem:$0x3FB3]  }
0x2d: {  	s3 =	simm.s32 $0x108;
	s8 =	sld [smem:$0x3FB4]  }
0x2e: {  	s3 =	simm.s32 @!p0 $0x1082;
	s9 =	sld [smem:$0x3FB5]  }
0x2f: {  	lr =	sadd.s32 s0, s3;
	s0 =	sld [smem:$0x3FAC]  }
0x30: {  	s3 =	sld [smem:$0x3FAF]  }
0x31: {  	[smem:$0x3FB8] =	sst s10  }
0x32: {  	s10 =	sld [smem:$0x3FB6];
	_ =	sdelay $0x3  }
0x33: {  	p0 =	seq.s32 s10, $0x1;
	s10 =	sld [smem:$0x3FB8];
	_ =	sdelay $0x3  }
0x34: {  	[smem:$0x3FB8] =	sst s10  }
0x35: {  	s10 =	sld [smem:$0x3FB7];
	_ =	sdelay $0x3  }
0x36: {  	p1 =	seq.s32 s10, $0x1;
	s10 =	sld [smem:$0x3FB8];
	_ =	sdelay $0x3  }
0x37: {  	[smem:$0x3FB8] =	sst s10  }
0x38: {  	s10 =	sld [smem:$0x3FB9]  }
0x39: {  	_ = 	snop;
	(pc) =	sbr.ind lr, $3  }
0x3a: {  	_ = 	snop  }
0x3b: {  	_ = 	snop  }
0x3c: {  	p2 =	seq.s32 s10, $0x1;
	s10 =	sld [smem:$0x3FB8]  }
0x3d: {  	_ =	shalt  }
0x3e: {  	_ =	shalt  }
0x3f: {  	_ =	shalt  }
0x40: {  	_ =	shalt  }
0x41: {  	_ =	shalt  }
0x42: {  	_ =	shalt  }
0x43: {  	_ =	shalt  }
0x44: {  	_ =	shalt  }
0x45: {  	_ =	shalt  }
0x46: {  	_ =	shalt  }
0x47: {  	_ =	shalt  }
0x48: {  	_ =	shalt  }
0x49: {  	_ =	shalt  }
0x4a: {  	_ =	shalt  }
0x4b: {  	_ =	shalt  }
0x4c: {  	_ =	shalt  }
0x4d: {  	_ =	shalt  }
0x4e: {  	_ =	shalt  }
0x4f: {  	_ =	shalt  }
0x50: {  	_ =	shalt  }
0x51: {  	_ =	shalt  }
0x52: {  	_ =	shalt  }
0x53: {  	_ =	shalt  }
0x54: {  	_ =	shalt  }
0x55: {  	_ =	shalt  }
0x56: {  	_ =	shalt  }
0x57: {  	_ =	shalt  }
0x58: {  	_ =	shalt  }
0x59: {  	_ =	shalt  }
0x5a: {  	_ =	shalt  }
0x5b: {  	_ =	shalt  }
0x5c: {  	_ =	shalt  }
0x5d: {  	_ =	shalt  }
0x5e: {  	_ =	shalt  }
0x5f: {  	_ =	shalt  }
0x60: {  	_ =	shalt  }
0x61: {  	_ =	shalt  }
0x62: {  	_ =	shalt  }
0x63: {  	_ =	shalt  }
0x64: {  	_ =	shalt  }
0x65: {  	_ =	shalt  }
0x66: {  	_ =	shalt  }
0x67: {  	_ =	shalt  }
0x68: {  	_ =	shalt  }
0x69: {  	_ =	shalt  }
0x6a: {  	_ =	shalt  }
0x6b: {  	_ =	shalt  }
0x6c: {  	_ =	shalt  }
0x6d: {  	_ =	shalt  }
0x6e: {  	_ =	shalt  }
0x6f: {  	_ =	shalt  }
0x70: {  	_ =	shalt  }
0x71: {  	_ =	shalt  }
0x72: {  	_ =	shalt  }
0x73: {  	_ =	shalt  }
0x74: {  	_ =	shalt  }
0x75: {  	_ =	shalt  }
0x76: {  	_ =	shalt  }
0x77: {  	_ =	shalt  }
0x78: {  	_ =	shalt  }
0x79: {  	_ =	shalt  }
0x7a: {  	_ =	shalt  }
0x7b: {  	_ =	shalt  }
0x7c: {  	_ =	shalt  }
0x7d: {  	_ =	shalt  }
0x7e: {  	_ =	shalt  }
0x7f: {  	_ =	shalt  }
0x80: {  	_ =	shalt  }
0x81: {  	_ =	shalt  }
0x82: {  	_ =	shalt  }
0x83: {  	_ =	shalt  }
0x84: {  	_ =	shalt  }
0x85: {  	_ =	shalt  }
0x86: {  	_ =	shalt  }
0x87: {  	_ =	shalt  }
.Lfunc_end0:
.L_simem_size_0:
called_computation_lowered:
.L_overlay_start_0:
0x88: {  	s2 =	sld [smem:$0x3FD9]  }
0x89: {  	s3 =	sld [smem:$0x3FFE];
	_ =	sdelay $0x1  }
0x8a: {  	s1 =	srdreg.scid  }
0x8b: {  	s0 =	sand.u32 $0x1, s1  }
0x8c: {  	s17 =	sshll.u32 s0, $0xA;
	s2 =	sadd.s32 s3, s2  }
0x8d: {  	s2 =	sadd.s32 s2, s17  }
0x8e: {  	[smem:$0x3FC4] =	sst s2  }
0x8f: {  	_ = 	snop  }
0x90: {  	s2 =	sld [smem:$0x3FD0];
	(tm) =	ssettm $0x1  }
0x91: {  	s18 =	sld [smem:$0x3FFB];
	_ =	sdelay $0x3  }
0x92: {  	_ =	strace s18  }
0x93: {  	s3 =	sld [smem:$0x3FFC];
	_ =	sdelay $0x3  }
0x94: {  	_ =	strace s3  }
0x95: {  	s3 =	sld [smem:$0x3FFD];
	_ =	sdelay $0x3  }
0x96: {  	_ =	strace s3  }
0x97: {  	_ =	strace $0x8FFFFFFF  }
0x98: {  	s19 =	sld [smem:$0x3FDB];
	_ =	sdelay $0x1  }
0x99: {  	s4 =	simm.s32 $_scs_section_size  }
0x9a: {  	s5 =	simm.s32 $_size__tile_overlayer_lowered;
	s6 =	simm.s32 $_tile_overlayer_lowered  }
0x9b: {  	s22 =	simm.s32 $0x1BFF;
	s21 =	sshll.u32 s6, $0x1;
	s3 =	sadd.s32 s4, s19  }
0x9c: {  	s7 =	simm.s32 $0x0;
	s20 =	sshll.u32 s5, $0x1;
	s5 =	sadd.s32 s21, s3  }
0x9d: {  	[timem:s7], [sflag:s22] =	dma.local [hbm:s5], s20  }
0x9e: {  	_ =	swait.ge [sflag:s22], s20  }
0x9f: {  	s4 =	ssub.s32 $0x0, s20;
	[sflag:s22] =	ssyncset.done $0x0  }
0xa0: {  	[sflag:s22] =	ssyncadd.s32 s4;
	_ =	sdelay $0x1  }
0xa1: {  	s23 =	simm.s32 $0x1B8B  }
0xa2: {  	_ =	swait.ge [sflag:s23], $0x1  }
0xa3: {  	[sflag:s23] =	ssyncset.done $0x0  }
0xa4: {  	s25 =	simm.s32 $0x1B8E;
	s24 =	sld [smem:$0x3FFE];
	[sflag:s23] =	ssyncadd.s32 $0xFFFFFFFF  }
0xa5: {  	s26 =	simm.s32 $execute0_lowered;
	[smem:$0x3FD2] =	sst s25  }
0xa6: {  	s5 =	sshll.u32 s26, $0x1;
	_ =	strace $0x80000046;
	[dreg:$0x1] =	wrdreg $0xFFFFFFFF  }
0xa7: {  	s28 =	simm.s32 $_size_execute0_lowered;
	s3 =	sadd.s32 s3, s5;
	[dreg:$0x0] =	wrdreg $0x0  }
0xa8: {  	s5 =	sshll.u32 s28, $0x1;
	[dreg:$0x2] =	wrdreg s3  }
0xa9: {  	[dreg:$0x3] =	wrdreg s5  }
0xaa: {  	[dreg:$0x4] =	wrdreg $0xC0  }
0xab: {  	_ =	task [dreg:s7], $0x5FFFF  }
0xac: {  	[dreg:$0x1] =	wrdreg $0xFFFFFFFF  }
0xad: {  	[dreg:$0x0] =	wrdreg $0x60  }
0xae: {  	[dreg:$0x2] =	wrdreg s24  }
0xaf: {  	[dreg:$0x3] =	wrdreg s2  }
0xb0: {  	[dreg:$0x4] =	wrdreg $0x9  }
0xb1: {  	_ =	task.clear_ibuf [dreg:s7], $0x5FFFF;
	_ =	strace $0x90000046  }
0xb2: {  	s29 =	simm.s32 $0x9;
	_ =	strace $0x80000048  }
0xb3: {  	_ =	swait.ge [sflag:s29], $0x1  }
0xb4: {  	[sflag:s29] =	ssyncadd.s32 $0xFFFFFFFF  }
0xb5: {  	_ =	strace $0x90000048  }
0xb6: {  	_ =	sfence  }
0xb7: {  	s30 =	sld [smem:$0x0];
	_ =	sdelay $0x2  }
0xb8: {  	s31 =	sshll.u32 s1, $0xD;
	s1 =	sshrl.u32 s1, $0x2  }
0xb9: {  	s3 =	sand.u32 $0x4000, s31;
	s1 =	sadd.s32 s1, s30  }
0xba: {  	s0 =	sor.u32 s3, s0;
	s1 =	sshll.u32 s1, $0x11  }
0xbb: {  	s0 =	sor.u32 s1, s0  }
0xbc: {  	s0 =	sadd.s32 $0x8F2B, s0  }
0xbd: {  	[sflag:s0] =	ssyncadd.remote.s32 $0x1  }
0xbe: {  	_ =	sfence.sel $0xFFFF  }
0xbf: {  	[dreg:$0x0] =	wrdreg $0xFFFFFFFF;
	(pc) =	sbr.abs _section_cstart, $3  }
0xc0: {  	[dreg:$0x1] =	wrdreg $0xFFFFFFFF  }
0xc1: {  	_ =	task.clear_ibuf [dreg:s7], $0x2FFFF;
	_ =	strace $0x9FFFFFFF  }
0xc2: {  	(tm) =	ssettm $0x7FFFFFFF  }
0xc3: {  	_ =	shalt  }
tec
execute0_lowered:
.L_overlay_start_1:
0x0: {  	(tag) =	ssettag $0x1  }
0x1: {  	s0 =	rddreg [dreg:$0x0]  }
0x2: {  	s1 =	rddreg [dreg:$0x1]  }
0x3: {  	s13 =	stileid.u32;
	s3 =	srdreg.scid;
	s2 =	simm.s32 $0x0  }
0x4: {  	s30 =	simm.s32 $0x0;
	s31 =	simm.s32 $0x0;
	s6 =	smul.u32 $0x1800, s13  }
0x5: {  	s3 =	sand.u32 $0x1, s3;
	[smem:$0x7FF] =	sst s2;
	s5 =	sadd.s32 $0x1A00, s0  }
0x6: {  	s9 =	sadd.s32 $0x340A00, s0;
	s11 =	sshll.u32 s13, $0x7;
	s7 =	smul.u32 $0x18000, s3  }
0x7: {  	s19 =	sshll.u32 s13, $0x8;
	_ =	strace $0x80000047;
	s4 =	smul.u32 $0x440, s3  }
0x8: {  	[dreg:$0x3] =	wrdreg s9;
	s10 =	ssub.s32 $0x2, s3;
	s1 =	sadd.s32 s1, s19  }
0x9: {  	s26 =	smul.u32 $0xFFFFFBC0, s3;
	p0 =	sne.s32 s3, $0x0;
	s8 =	sadd.s32 s6, s0  }
0xa: {  	s12 =	sshrl.u32 s10, $0x1;
	[dreg:$0x4] =	wrdreg s1;
	s6 =	sadd.s32 s6, s7  }
0xb: {  	s7 =	smul.u32 $0x193800, s13;
	s17 =	sshrl.u32 s4, $0x3;
	s18 =	ssub.s32 s10, s12  }
0xc: {  	s10 =	sadd.s32 $0x328A00, s8;
	[dreg:$0xa] =	wrdreg s26;
	s28 =	sadd.s32 $0x80, s4  }
0xd: {  	s29 =	sxor.u32 $0xFFFFFFC0, s4;
	s26 =	simm.s32 $0x2;
	s6 =	sshrl.u32 s6, $0x3  }
0xe: {  	s9 =	smul.u32 $0x1800, s17;
	s25 =	smax.u32 s18, $0x1;
	[dreg:$0xb] =	wrdreg s28  }
0xf: {  	[dreg:$0xc] =	wrdreg s29;
	s6 =	sadd.s32 s6, s0;
	s0 =	sadd.s32 s11, s0  }
0x10: {  	s20 =	sshrl.u32 s7, $0x3;
	[dreg:$0x9] =	wrdreg s25;
	s25 =	simm.s32 $0xC000  }
0x11: {  	s9 =	sadd.s32 s7, s9;
	s22 =	sadd.s32 s5, s20;
	s20 =	sadd.s32 $0x40, s4  }
.Ltmp0:
0x12: {  	s0 =	sadd.s32 $0x34D000, s0;
	s23 =	sadd.s32 $0x341000, s6;
	(pc) =	sbr.rel .LBB2_1-.Ltmp0, $4  }
0x13: {  	s24 =	sadd.s32 $0x347000, s6;
	s6 =	simm.s32 $0x18800;
	[dreg:$0x6] =	wrdreg s0  }
0x14: {  	v0 =	vimm.s32 $0x0;
	vm0 =	vcmask $0x300;
	s9 =	sshrl.u32 s9, $0x3;
	s12 =	sadd.s32 $0x18000, s22;
	[dreg:$0x7] =	wrdreg s23  }
0x15: {  	v0 =	vsel vm0, $0x64, v0;
	[dreg:$0x8] =	wrdreg s24;
	s22 =	simm.s32 $0x4;
	s21 =	sadd.s32 s5, s9  }
0x16: {  	[tilespmem:$0x1FFF0] =	vst v0;
	s23 =	simm.s32 $0x3;
	s24 =	simm.s32 $0x1;
	[dreg:$0x5] =	wrdreg s21  }
.LBB2_29:
0x17: {  	v0 =	vcvt.s32.f32 v3;
	_ =	sdelay $0x1  }
0x18: {  	v0 =	vmax.f32 v0, $1.000000000e+00  }
0x19: {  	(erf) = vrcp.f32 v0;
	_ =	sdelay $0x4  }
0x1a: {  	v50 =	vcvt.s32.f32 v2;
	_ =	sdelay $0x1  }
0x1b: {  	v0 =	vmax.f32 v50, $1.000000000e+00  }
0x1c: {  	v1 =	vld [tilespmem:$0x1FC90];
	(erf) = vrcp.f32 v0  }
0x1d: {  	v51 =	vpop (erf)  }
0x1e: {  	[tilespmem:$0x1B800] =	vst v51  }
0x1f: {  	[tilespmem:$0x1B810] =	vst v51  }
0x20: {  	[tilespmem:$0x1B820] =	vst v51  }
0x21: {  	v1 =	vcvt.s32.f32 v1;
	[tilespmem:$0x1B830] =	vst v51  }
0x22: {  	[tilespmem:$0x1B840] =	vst v51  }
0x23: {  	v1 =	vmax.f32 v1, $1.000000000e+00;
	[tilespmem:$0x1B850] =	vst v51  }
0x24: {  	v53 =	vld [tilespmem:$0x1FCA0];
	(erf) = vrcp.f32 v1;
	[tilespmem:$0x1B860] =	vst v51  }
0x25: {  	[tilespmem:$0x1B870] =	vst v51;
	v52 =	vpop (erf)  }
0x26: {  	[tilespmem:$0x1B880] =	vst v52  }
0x27: {  	[tilespmem:$0x1B890] =	vst v52  }
0x28: {  	[tilespmem:$0x1B8A0] =	vst v52  }
0x29: {  	v1 =	vcvt.s32.f32 v53;
	[tilespmem:$0x1B8B0] =	vst v52  }
0x2a: {  	[tilespmem:$0x1B8C0] =	vst v52  }
0x2b: {  	[tilespmem:$0x1B8D0] =	vst v52;
	v1 =	vmax.f32 v1, $1.000000000e+00  }
0x2c: {  	v55 =	vld [tilespmem:$0x1FCB0];
	[tilespmem:$0x1B8E0] =	vst v52;
	(erf) = vrcp.f32 v1  }
0x2d: {  	[tilespmem:$0x1B8F0] =	vst v52;
	v54 =	vpop (erf)  }
0x2e: {  	[tilespmem:$0x1B900] =	vst v54  }
0x2f: {  	[tilespmem:$0x1B910] =	vst v54  }
0x30: {  	[tilespmem:$0x1B920] =	vst v54  }
0x31: {  	v1 =	vcvt.s32.f32 v55;
	[tilespmem:$0x1B930] =	vst v54  }
0x32: {  	[tilespmem:$0x1B940] =	vst v54  }
0x33: {  	v1 =	vmax.f32 v1, $1.000000000e+00;
	[tilespmem:$0x1B950] =	vst v54  }
0x34: {  	v57 =	vld [tilespmem:$0x1FCC0];
	(erf) = vrcp.f32 v1;
	[tilespmem:$0x1B960] =	vst v54  }
0x35: {  	[tilespmem:$0x1B970] =	vst v54;
	v56 =	vpop (erf)  }
0x36: {  	[tilespmem:$0x1B980] =	vst v56  }
0x37: {  	[tilespmem:$0x1B990] =	vst v56  }
0x38: {  	[tilespmem:$0x1B9A0] =	vst v56  }
0x39: {  	v1 =	vcvt.s32.f32 v57;
	[tilespmem:$0x1B9B0] =	vst v56  }
0x3a: {  	[tilespmem:$0x1B9C0] =	vst v56  }
0x3b: {  	v1 =	vmax.f32 v1, $1.000000000e+00;
	[tilespmem:$0x1B9D0] =	vst v56  }
0x3c: {  	v59 =	vld [tilespmem:$0x1FCD0];
	(erf) = vrcp.f32 v1;
	[tilespmem:$0x1B9E0] =	vst v56  }
0x3d: {  	[tilespmem:$0x1B9F0] =	vst v56;
	v58 =	vpop (erf)  }
0x3e: {  	[tilespmem:$0x1BA00] =	vst v58  }
0x3f: {  	[tilespmem:$0x1BA10] =	vst v58  }
0x40: {  	[tilespmem:$0x1BA20] =	vst v58  }
0x41: {  	v1 =	vcvt.s32.f32 v59;
	[tilespmem:$0x1BA30] =	vst v58  }
0x42: {  	[tilespmem:$0x1BA40] =	vst v58  }
0x43: {  	v1 =	vmax.f32 v1, $1.000000000e+00;
	[tilespmem:$0x1BA50] =	vst v58  }
0x44: {  	v61 =	vld [tilespmem:$0x1FCE0];
	(erf) = vrcp.f32 v1;
	[tilespmem:$0x1BA60] =	vst v58  }
0x45: {  	[tilespmem:$0x1BA70] =	vst v58;
	v60 =	vpop (erf)  }
0x46: {  	[tilespmem:$0x1BA80] =	vst v60  }
0x47: {  	[tilespmem:$0x1BA90] =	vst v60  }
0x48: {  	[tilespmem:$0x1BAA0] =	vst v60  }
0x49: {  	v1 =	vcvt.s32.f32 v61;
	[tilespmem:$0x1BAB0] =	vst v60  }
0x4a: {  	[tilespmem:$0x1BAC0] =	vst v60  }
0x4b: {  	v1 =	vmax.f32 v1, $1.000000000e+00;
	[tilespmem:$0x1BAD0] =	vst v60  }
0x4c: {  	(erf) = vrcp.f32 v1;
	[tilespmem:$0x1BAE0] =	vst v60  }
0x4d: {  	[tilespmem:$0x1BAF0] =	vst v60;
	v62 =	vpop (erf)  }
0x4e: {  	[tilespmem:$0x1BB00] =	vst v62  }
0x4f: {  	[tilespmem:$0x1BB10] =	vst v62  }
0x50: {  	[tilespmem:$0x1BB20] =	vst v62  }
0x51: {  	[tilespmem:$0x1BB30] =	vst v62  }
0x52: {  	[tilespmem:$0x1BB40] =	vst v62  }
0x53: {  	[tilespmem:$0x1BB50] =	vst v62  }
0x54: {  	[tilespmem:$0x1BB60] =	vst v62  }
0x55: {  	[tilespmem:$0x1BB70] =	vst v62;
	v63 =	vpop (erf)  }
0x56: {  	[tilespmem:$0x1BB80] =	vst v63  }
0x57: {  	[tilespmem:$0x1BB90] =	vst v63  }
0x58: {  	[tilespmem:$0x1BBA0] =	vst v63  }
0x59: {  	[tilespmem:$0x1BBB0] =	vst v63  }
0x5a: {  	[tilespmem:$0x1BBC0] =	vst v63  }
0x5b: {  	[tilespmem:$0x1BBD0] =	vst v63  }
0x5c: {  	[tilespmem:$0x1BBE0] =	vst v63  }
0x5d: {  	s0 =	rddreg [dreg:$0x6];
	s1 =	simm.s32 $0x1B800;
	[tilespmem:$0x1BBF0] =	vst v63  }
0x5e: {  	[hbm4b:s0+s2] =	stream.linear.scatter [tilespmem:s1], [sflag:$0x4], $0x400, $0x38;
	[tilespmem:$0x1BC00] =	vst v63  }
0x5f: {  	_ =	swait.ge [sflag:s22], $0x400  }
0x60: {  	[sflag:s22] =	ssyncset.done $0x0  }
0x61: {  	[sflag:s22] =	ssyncadd.s32 $0xFFFFFC00  }
.LBB2_35:
0x62: {  	s0 =	rddreg [dreg:$0x7];
	s6 =	simm.s32 $0x18800  }
0x63: {  	[hbm4b:s0+s2] =	stream.linear.scatter [tilespmem:s6], [sflag:$0x4], $0x1800, $0x38;
	[tilespmem:$0x1BC00] =	vst v63  }
0x64: {  	_ =	swait.ge [sflag:s22], $0x1800  }
0x65: {  	[sflag:s22] =	ssyncset.done $0x0  }
0x66: {  	s1 =	simm.s32 $0x1A000;
	s28 =	rddreg [dreg:$0x8];
	[sflag:s22] =	ssyncadd.s32 $0xFFFFE800  }
0x67: {  	[hbm4b:s28+s2] =	stream.linear.scatter [tilespmem:s1], [sflag:$0x4], $0x1800, $0x38;
	[tilespmem:$0x1BC00] =	vst v63  }
0x68: {  	_ =	swait.ge [sflag:s22], $0x1800  }
0x69: {  	s30 =	sadd.s32 $0x1, s30;
	s29 =	rddreg [dreg:$0x9]  }
0x6a: {  	p1 =	sne.s32 s30, s29  }
.Ltmp1:
0x6b: {  	_ = 	snop;
	(pc) =	sbr.rel @!p1 .LBB2_36-.Ltmp1, $3  }
0x6c: {  	_ =	sdelay $0x1  }
0x6d: {  	[sflag:s22] =	ssyncset.done $0x0  }
0x6e: {  	[sflag:s22] =	ssyncadd.s32 $0xFFFFE800  }
.LBB2_1:
0x6f: {  	s0 =	rddreg [dreg:$0x4];
	s1 =	simm.s32 $0x18000  }
0x70: {  	[tilespmem:s1], [sflag:$0x3] =	stream.linear.gather [hbm4b:s0+s2], $0x800, $0x38;
	[tilespmem:$0x1BC00] =	vst v63  }
0x71: {  	s28 =	rddreg [dreg:$0x3]  }
0x72: {  	[tilespmem:s6], [sflag:$0x4] =	stream.linear.gather [hbm4b:s28+s2], $0x3000, $0x38;
	[tilespmem:$0x1BC00] =	vst v63  }
0x73: {  	_ =	swait.ge [sflag:s22], $0x3000  }
0x74: {  	[sflag:s22] =	ssyncset.done $0x0  }
0x75: {  	[sflag:s22] =	ssyncadd.s32 $0xFFFFD000  }
0x76: {  	_ =	swait.ge [sflag:s23], $0x800  }
0x77: {  	[sflag:s23] =	ssyncset.done $0x0  }
0x78: {  	s29 =	simm.s32 $0x0;
	[sflag:s23] =	ssyncadd.s32 $0xFFFFF800  }
0x79: {  	v0 =	vld [tilespmem:s29+$0x18070];
	_ =	sdelay $0x2  }
0x7a: {  	v1 =	vld [tilespmem:s29+$0x18060]  }
0x7b: {  	v15 =	vld [tilespmem:s29+$0x18050]  }
0x7c: {  	vm0 =	veq.s32 v0, $0x0  }
0x7d: {  	vm1 =	veq.s32 v0, $0x1;
	vm2 =	veq.s32 v0, $0x2;
	vm3 =	veq.s32 v0, $0x3  }
0x7e: {  	vm4 =	veq.s32 v0, $0x4;
	vm5 =	veq.s32 v0, $0x5;
	vm6 =	veq.s32 v0, $0x6  }
0x7f: {  	vm7 =	veq.s32 v1, $0x0;
	vm8 =	veq.s32 v0, $0x7;
	vm12 =	veq.s32 v1, $0x3  }
0x80: {  	vm13 =	veq.s32 v1, $0x4;
	vm14 =	veq.s32 v1, $0x5;
	vm15 =	veq.s32 v15, $0x0  }
0x81: {  	vm10 =	veq.s32 v1, $0x7;
	vm11 =	veq.s32 v1, $0x8;
	v2 =	vmpcnt.ones.xlane vm0  }
0x82: {  	vm0 =	veq.s32 v0, $0x8;
	v0 =	vmpcnt.ones.xlane vm1;
	v25 =	vmpcnt.ones.xlane vm2  }
0x83: {  	vm1 =	veq.s32 v1, $0x1;
	v17 =	vmpcnt.ones.xlane vm3;
	v18 =	vmpcnt.ones.xlane vm4  }
0x84: {  	vm2 =	veq.s32 v1, $0x2;
	v19 =	vmpcnt.ones.xlane vm5;
	v10 =	vmpcnt.ones.xlane vm6  }
0x85: {  	vm6 =	veq.s32 v1, $0x6;
	v9 =	vmpcnt.ones.xlane vm8;
	v5 =	vmpcnt.ones.xlane vm7  }
0x86: {  	v44 =	vmpcnt.ones.xlane vm12;
	vm12 =	veq.s32 v15, $0x3;
	v22 =	vmpcnt.ones.xlane vm13  }
0x87: {  	vm13 =	veq.s32 v15, $0x4;
	v23 =	vmpcnt.ones.xlane vm14;
	v16 =	vmpcnt.ones.xlane vm10  }
0x88: {  	vm14 =	veq.s32 v15, $0x5;
	v13 =	vmpcnt.ones.xlane vm11;
	v27 =	vmpcnt.ones.xlane vm15;
	[tilespmem:$0x1FFD0] =	vst v2  }
0x89: {  	vm15 =	veq.s32 v15, $0x8;
	v11 =	vmpcnt.ones.xlane vm0;
	v20 =	vmpcnt.ones.xlane vm1;
	[tilespmem:$0x1FFE0] =	vst v0  }
0x8a: {  	vm1 =	veq.s32 v15, $0x1;
	v26 =	vmpcnt.ones.xlane vm2;
	v12 =	vmpcnt.ones.xlane vm6;
	v0 =	vld [tilespmem:s29+$0x18040]  }
0x8b: {  	vm2 =	veq.s32 v15, $0x2;
	v28 =	vmpcnt.ones.xlane vm12;
	v53 =	vmpcnt.ones.xlane vm13  }
0x8c: {  	vm6 =	veq.s32 v15, $0x6;
	v24 =	vmpcnt.ones.xlane vm15;
	v30 =	vmpcnt.ones.xlane vm1;
	v1 =	vld [tilespmem:s29+$0x18030]  }
0x8d: {  	vm0 =	veq.s32 v15, $0x7;
	v31 =	vmpcnt.ones.xlane vm2;
	v2 =	vmpcnt.ones.xlane vm14  }
0x8e: {  	v8 =	vimm.s32 $0x0;
	v21 =	vmpcnt.ones.xlane vm6;
	v45 =	vmpcnt.ones.xlane vm0  }
0x8f: {  	vm7 =	veq.s32 v0, $0x0;
	vm1 =	veq.s32 v0, $0x1;
	vm2 =	veq.s32 v0, $0x2  }
0x90: {  	vm12 =	veq.s32 v0, $0x3;
	vm13 =	veq.s32 v0, $0x4;
	vm14 =	veq.s32 v0, $0x5  }
0x91: {  	vm6 =	veq.s32 v0, $0x6;
	vm0 =	veq.s32 v1, $0x0;
	vm15 =	veq.s32 v0, $0x8  }
0x92: {  	[tilespmem:$0x1FFC0] =	vst v2;
	v32 =	vmpcnt.ones.xlane vm7;
	vm7 =	veq.s32 v0, $0x7;
	v3 =	vmpcnt.ones.xlane vm1  }
0x93: {  	v38 =	vld [tilespmem:s29+$0x18020];
	vm1 =	veq.s32 v1, $0x1;
	v6 =	vmpcnt.ones.xlane vm2;
	vm2 =	veq.s32 v1, $0x2  }
0x94: {  	v34 =	vmpcnt.ones.xlane vm12;
	vm12 =	veq.s32 v1, $0x3;
	v36 =	vmpcnt.ones.xlane vm13  }
0x95: {  	vm13 =	veq.s32 v1, $0x4;
	v37 =	vmpcnt.ones.xlane vm14;
	vm14 =	veq.s32 v1, $0x5  }
0x96: {  	v52 =	vmpcnt.ones.xlane vm6;
	vm6 =	veq.s32 v1, $0x6;
	v54 =	vmpcnt.ones.xlane vm15  }
0x97: {  	vm15 =	veq.s32 v1, $0x8;
	v7 =	vmpcnt.ones.xlane vm0;
	v29 =	vmpcnt.ones.xlane vm7  }
0x98: {  	v50 =	vld [tilespmem:s29+$0x18000];
	vm7 =	veq.s32 v1, $0x7;
	vm11 =	veq.s32 v38, $0x0;
	v43 =	vmpcnt.ones.xlane vm1  }
0x99: {  	vm1 =	veq.s32 v38, $0x1;
	v14 =	vmpcnt.ones.xlane vm2;
	vm2 =	veq.s32 v38, $0x2  }
0x9a: {  	v49 =	vld [tilespmem:s29+$0x18010];
	v0 =	vmpcnt.ones.xlane vm12;
	vm12 =	veq.s32 v38, $0x3;
	v39 =	vmpcnt.ones.xlane vm13  }
0x9b: {  	vm13 =	veq.s32 v38, $0x4;
	v41 =	vmpcnt.ones.xlane vm14;
	vm14 =	veq.s32 v38, $0x5  }
0x9c: {  	v33 =	vmpcnt.ones.xlane vm6;
	vm6 =	veq.s32 v38, $0x6;
	vm0 =	veq.s32 v38, $0x8  }
0x9d: {  	vm10 =	veq.s32 v50, $0x1;
	vm3 =	veq.s32 v50, $0x3;
	vm4 =	veq.s32 v50, $0x4  }
0x9e: {  	v35 =	vmpcnt.ones.xlane vm7;
	vm7 =	veq.s32 v38, $0x7;
	v15 =	vmpcnt.ones.xlane vm11  }
0x9f: {  	v38 =	vmpcnt.ones.xlane vm15;
	vm15 =	veq.s32 v49, $0x0;
	v56 =	vmpcnt.ones.xlane vm1  }
0xa0: {  	vm1 =	veq.s32 v49, $0x1;
	v59 =	vmpcnt.ones.xlane vm2;
	vm2 =	veq.s32 v49, $0x2  }
0xa1: {  	v46 =	vmpcnt.ones.xlane vm12;
	vm12 =	veq.s32 v49, $0x3;
	v47 =	vmpcnt.ones.xlane vm13  }
0xa2: {  	vm13 =	veq.s32 v49, $0x4;
	v48 =	vmpcnt.ones.xlane vm14;
	vm14 =	veq.s32 v49, $0x5  }
0xa3: {  	v1 =	vmpcnt.ones.xlane vm6;
	vm6 =	veq.s32 v49, $0x6;
	v42 =	vmpcnt.ones.xlane vm0  }
0xa4: {  	vm0 =	veq.s32 v49, $0x8;
	v51 =	vmpcnt.ones.xlane vm15;
	vm15 =	veq.s32 v50, $0x0  }
0xa5: {  	v40 =	vmpcnt.ones.xlane vm7;
	vm7 =	veq.s32 v49, $0x7;
	v49 =	vmpcnt.ones.xlane vm15  }
0xa6: {  	vm11 =	veq.s32 v50, $0x2;
	v62 =	vmpcnt.ones.xlane vm10;
	v60 =	vmpcnt.ones.xlane vm1  }
0xa7: {  	v61 =	vmpcnt.ones.xlane vm2;
	v55 =	vmpcnt.ones.xlane vm12;
	v2 =	vadd.s32 v8, v49  }
0xa8: {  	v63 =	vmpcnt.ones.xlane vm11;
	v4 =	vadd.s32 v51, v2;
	v51 =	vadd.s32 v8, v62  }
0xa9: {  	v57 =	vmpcnt.ones.xlane vm13;
	v58 =	vmpcnt.ones.xlane vm14;
	v60 =	vadd.s32 v60, v51  }
0xaa: {  	v62 =	vadd.s32 v8, v63;
	v4 =	vadd.s32 v15, v4;
	v8 =	vadd.s32 v56, v60  }
0xab: {  	vm12 =	veq.s32 v50, $0x5;
	v4 =	vadd.s32 v7, v4;
	v7 =	vadd.s32 v43, v8  }
0xac: {  	vm13 =	veq.s32 v50, $0x6;
	vm14 =	veq.s32 v50, $0x7;
	v43 =	vadd.s32 v3, v7;
	v3 =	vld [tilespmem:$0x1FFD0]  }
0xad: {  	vm15 =	veq.s32 v50, $0x8;
	v50 =	vmpcnt.ones.xlane vm7;
	v49 =	vmpcnt.ones.xlane vm6  }
0xae: {  	v63 =	vmpcnt.ones.xlane vm12;
	v51 =	vmpcnt.ones.xlane vm0;
	v4 =	vadd.s32 v32, v4  }
0xaf: {  	v2 =	vadd.s32 v61, v62;
	v61 =	vmpcnt.ones.xlane vm3;
	v4 =	vadd.s32 v27, v4  }
0xb0: {  	v2 =	vadd.s32 v59, v2;
	v27 =	vadd.s32 v30, v43;
	v4 =	vadd.s32 v5, v4  }
0xb1: {  	v2 =	vadd.s32 v14, v2;
	v5 =	vadd.s32 v20, v27;
	v20 =	vadd.s32 v3, v4;
	v3 =	vld [tilespmem:$0x1FFE0]  }
0xb2: {  	v62 =	vmpcnt.ones.xlane vm4;
	v15 =	vimm.s32 $0x0;
	v2 =	vadd.s32 v6, v2  }
0xb3: {  	v56 =	vmpcnt.ones.xlane vm13;
	v59 =	vmpcnt.ones.xlane vm14;
	v2 =	vadd.s32 v31, v2  }
0xb4: {  	v60 =	vmpcnt.ones.xlane vm15;
	v2 =	vadd.s32 v26, v2;
	v26 =	vimm.s32 $0x0  }
0xb5: {  	v8 =	vadd.s32 v25, v2;
	v2 =	vimm.s32 $0x0;
	v25 =	vimm.s32 $0x0  }
0xb6: {  	s6 =	simm.s32 $0x200;
	v14 =	vadd.s32 v3, v5;
	v3 =	vimm.s32 $0x0;
	v5 =	vimm.s32 $0x0  }
.LBB2_2:
0xb7: {  	_ =	sdelay $0x2  }
0xb8: {  	v2 =	vadd.s32 v2, v61  }
0xb9: {  	v4 =	vadd.s32 v3, v62;
	v2 =	vadd.s32 v55, v2  }
0xba: {  	v5 =	vadd.s32 v5, v63;
	v3 =	vld [tilespmem:$0x1FFC0];
	v4 =	vadd.s32 v57, v4;
	v2 =	vadd.s32 v46, v2  }
0xbb: {  	v5 =	vadd.s32 v58, v5;
	v4 =	vadd.s32 v47, v4;
	v0 =	vadd.s32 v0, v2  }
0xbc: {  	v5 =	vadd.s32 v48, v5;
	v2 =	vadd.s32 v39, v4;
	v0 =	vadd.s32 v34, v0  }
0xbd: {  	v4 =	vadd.s32 v41, v5;
	v2 =	vadd.s32 v36, v2;
	v0 =	vadd.s32 v28, v0  }
0xbe: {  	v4 =	vadd.s32 v37, v4;
	v2 =	vadd.s32 v53, v2;
	v0 =	vadd.s32 v44, v0  }
0xbf: {  	v4 =	vadd.s32 v3, v4;
	v2 =	vadd.s32 v22, v2;
	v0 =	vadd.s32 v17, v0  }
0xc0: {  	v4 =	vadd.s32 v23, v4;
	[tilespmem:$0x1FF80] =	vst v0;
	v0 =	vadd.s32 v18, v2  }
0xc1: {  	[tilespmem:$0x1FFA0] =	vst v0;
	v0 =	vadd.s32 v19, v4  }
0xc2: {  	[tilespmem:$0x1FF30] =	vst v0;
	v0 =	vadd.s32 v15, v56  }
0xc3: {  	v2 =	vadd.s32 v25, v59;
	v0 =	vadd.s32 v49, v0  }
0xc4: {  	v4 =	vadd.s32 v26, v60;
	v2 =	vadd.s32 v50, v2;
	v0 =	vadd.s32 v1, v0  }
0xc5: {  	v4 =	vadd.s32 v51, v4;
	v1 =	vadd.s32 v40, v2;
	v0 =	vadd.s32 v33, v0  }
0xc6: {  	v2 =	vadd.s32 v42, v4;
	v1 =	vadd.s32 v35, v1;
	v0 =	vadd.s32 v52, v0  }
0xc7: {  	v2 =	vadd.s32 v38, v2;
	v1 =	vadd.s32 v29, v1;
	v0 =	vadd.s32 v21, v0  }
0xc8: {  	v2 =	vadd.s32 v54, v2;
	v1 =	vadd.s32 v45, v1;
	v0 =	vadd.s32 v12, v0  }
0xc9: {  	s8 =	sshra.s32 s6, $0x2;
	v2 =	vadd.s32 v24, v2;
	v1 =	vadd.s32 v16, v1;
	v0 =	vadd.s32 v10, v0  }
0xca: {  	v5 =	vld [tilespmem:s8+$0x18060];
	v2 =	vadd.s32 v13, v2;
	[tilespmem:$0x1FED0] =	vst v0;
	v0 =	vadd.s32 v9, v1  }
0xcb: {  	[tilespmem:$0x1FEC0] =	vst v0;
	v0 =	vadd.s32 v11, v2  }
0xcc: {  	[tilespmem:$0x1FEE0] =	vst v0;
	v0 =	vld [tilespmem:s8+$0x18050];
	_ =	sdelay $0x2  }
0xcd: {  	vm14 =	veq.s32 v5, $0x5;
	v2 =	vimm.s32 $0x0  }
0xce: {  	v2 =	vsel vm14, $0xFFFFFFFF, v2  }
0xcf: {  	[tilespmem:$0x1FD00] =	vst v2;
	v2 =	vimm.s32 $0x0;
	vm14 =	veq.s32 v0, $0x0  }
0xd0: {  	v2 =	vsel vm14, $0xFFFFFFFF, v2  }
0xd1: {  	vm14 =	veq.s32 v5, $0x7;
	[tilespmem:$0x1FD30] =	vst v2;
	v2 =	vimm.s32 $0x0  }
0xd2: {  	v2 =	vsel vm14, $0xFFFFFFFF, v2  }
0xd3: {  	vm14 =	veq.s32 v5, $0x8;
	[tilespmem:$0x1FD10] =	vst v2;
	v2 =	vimm.s32 $0x0  }
0xd4: {  	v3 =	vimm.s32 $0x0;
	v2 =	vsel vm14, $0xFFFFFFFF, v2;
	vm14 =	veq.s32 v0, $0x1  }
0xd5: {  	v3 =	vsel vm14, $0xFFFFFFFF, v3  }
0xd6: {  	vm14 =	veq.s32 v0, $0x2;
	[tilespmem:$0x1FD40] =	vst v3;
	v3 =	vimm.s32 $0x0  }
0xd7: {  	v3 =	vsel vm14, $0xFFFFFFFF, v3  }
0xd8: {  	vm14 =	veq.s32 v0, $0x3;
	[tilespmem:$0x1FD50] =	vst v3;
	v3 =	vimm.s32 $0x0  }
0xd9: {  	v3 =	vsel vm14, $0xFFFFFFFF, v3  }
0xda: {  	vm14 =	veq.s32 v0, $0x4;
	[tilespmem:$0x1FD60] =	vst v3;
	v3 =	vimm.s32 $0x0  }
0xdb: {  	v1 =	vld [tilespmem:s8+$0x18040];
	v3 =	vsel vm14, $0xFFFFFFFF, v3  }
0xdc: {  	vm14 =	veq.s32 v0, $0x5;
	[tilespmem:$0x1FD70] =	vst v3;
	v3 =	vimm.s32 $0x0  }
0xdd: {  	v3 =	vsel vm14, $0xFFFFFFFF, v3  }
0xde: {  	vm14 =	veq.s32 v0, $0x6;
	[tilespmem:$0x1FD80] =	vst v3;
	v3 =	vimm.s32 $0x0  }
0xdf: {  	v3 =	vsel vm14, $0xFFFFFFFF, v3  }
0xe0: {  	vm14 =	veq.s32 v1, $0x0;
	[tilespmem:$0x1FD90] =	vst v3;
	v3 =	vimm.s32 $0x0  }
0xe1: {  	v3 =	vsel vm14, $0xFFFFFFFF, v3  }
0xe2: {  	vm14 =	veq.s32 v0, $0x7;
	[tilespmem:$0x1FDB0] =	vst v3;
	v3 =	vimm.s32 $0x0  }
0xe3: {  	v3 =	vsel vm14, $0xFFFFFFFF, v3;
	vm14 =	veq.s32 v0, $0x8;
	v0 =	vimm.s32 $0x0  }
0xe4: {  	v0 =	vsel vm14, $0xFFFFFFFF, v0  }
0xe5: {  	vm14 =	veq.s32 v1, $0x1;
	[tilespmem:$0x1FDC0] =	vst v0;
	v0 =	vimm.s32 $0x0  }
0xe6: {  	v0 =	vsel vm14, $0xFFFFFFFF, v0  }
0xe7: {  	vm14 =	veq.s32 v1, $0x2;
	[tilespmem:$0x1FDD0] =	vst v0;
	v0 =	vimm.s32 $0x0  }
0xe8: {  	v0 =	vsel vm14, $0xFFFFFFFF, v0  }
0xe9: {  	vm14 =	veq.s32 v1, $0x3;
	[tilespmem:$0x1FDE0] =	vst v0;
	v0 =	vimm.s32 $0x0  }
0xea: {  	v0 =	vsel vm14, $0xFFFFFFFF, v0  }
0xeb: {  	vm14 =	veq.s32 v1, $0x4;
	[tilespmem:$0x1FDF0] =	vst v0;
	v0 =	vimm.s32 $0x0  }
0xec: {  	[tilespmem:$0x1FD20] =	vst v2;
	v2 =	vld [tilespmem:s8+$0x18030];
	v0 =	vsel vm14, $0xFFFFFFFF, v0  }
0xed: {  	vm14 =	veq.s32 v1, $0x5;
	[tilespmem:$0x1FE00] =	vst v0;
	v0 =	vimm.s32 $0x0  }
0xee: {  	v0 =	vsel vm14, $0xFFFFFFFF, v0  }
0xef: {  	vm14 =	veq.s32 v1, $0x6;
	[tilespmem:$0x1FE10] =	vst v0;
	v0 =	vimm.s32 $0x0  }
0xf0: {  	v0 =	vsel vm14, $0xFFFFFFFF, v0  }
0xf1: {  	v4 =	vld [tilespmem:s8+$0x18070];
	vm14 =	veq.s32 v2, $0x0;
	[tilespmem:$0x1FE20] =	vst v0;
	v0 =	vimm.s32 $0x0  }
0xf2: {  	v0 =	vsel vm14, $0xFFFFFFFF, v0  }
0xf3: {  	vm14 =	veq.s32 v1, $0x7;
	[tilespmem:$0x1FE50] =	vst v0;
	v0 =	vimm.s32 $0x0  }
0xf4: {  	v0 =	vsel vm14, $0xFFFFFFFF, v0  }
0xf5: {  	vm14 =	veq.s32 v1, $0x8;
	[tilespmem:$0x1FE30] =	vst v0;
	v0 =	vimm.s32 $0x0  }
0xf6: {  	vm3 =	veq.s32 v4, $0x0;
	v0 =	vsel vm14, $0xFFFFFFFF, v0  }
0xf7: {  	[tilespmem:$0x1FE40] =	vst v0;
	v0 =	vmpcnt.ones.xlane vm3  }
0xf8: {  	vm0 =	veq.s32 v4, $0x1  }
0xf9: {  	[tilespmem:$0x1FF70] =	vst v0;
	v0 =	vmpcnt.ones.xlane vm0;
	_ =	sdelay $0x1  }
0xfa: {  	vm0 =	veq.s32 v2, $0x2;
	[tilespmem:$0x1FF90] =	vst v0;
	v0 =	vimm.s32 $0x0  }
0xfb: {  	vm1 =	veq.s32 v4, $0x2;
	v0 =	vsel vm0, $0xFFFFFFFF, v0  }
0xfc: {  	[tilespmem:$0x1FE60] =	vst v0;
	v0 =	vmpcnt.ones.xlane vm1  }
0xfd: {  	vm2 =	veq.s32 v4, $0x3  }
0xfe: {  	[tilespmem:$0x1FFB0] =	vst v0;
	v0 =	vmpcnt.ones.xlane vm2;
	_ =	sdelay $0x1  }
0xff: {  	vm0 =	veq.s32 v2, $0x3;
	[tilespmem:$0x1FEF0] =	vst v0;
	v0 =	vimm.s32 $0x0  }
0x100: {  	vm4 =	veq.s32 v4, $0x4;
	v0 =	vsel vm0, $0xFFFFFFFF, v0  }
0x101: {  	[tilespmem:$0x1FE70] =	vst v0;
	v0 =	vmpcnt.ones.xlane vm4  }
0x102: {  	vm5 =	veq.s32 v4, $0x5  }
0x103: {  	v1 =	vimm.s32 $0x0;
	[tilespmem:$0x1FF00] =	vst v0;
	v0 =	vmpcnt.ones.xlane vm5;
	vm5 =	veq.s32 v2, $0x4  }
0x104: {  	vm6 =	veq.s32 v4, $0x7;
	v1 =	vsel vm5, $0xFFFFFFFF, v1  }
0x105: {  	[tilespmem:$0x1FE80] =	vst v1;
	v1 =	vmpcnt.ones.xlane vm6  }
0x106: {  	vm7 =	veq.s32 v4, $0x6  }
0x107: {  	v17 =	vmpcnt.ones.xlane vm7;
	vm7 =	veq.s32 v2, $0x5;
	[tilespmem:$0x1FF10] =	vst v1;
	v1 =	vimm.s32 $0x0  }
0x108: {  	vm12 =	veq.s32 v5, $0x0;
	v1 =	vsel vm7, $0xFFFFFFFF, v1  }
0x109: {  	[tilespmem:$0x1FE90] =	vst v1;
	v1 =	vmpcnt.ones.xlane vm12  }
0x10a: {  	vm8 =	veq.s32 v4, $0x8  }
0x10b: {  	v19 =	vmpcnt.ones.xlane vm8;
	vm8 =	veq.s32 v2, $0x6;
	[tilespmem:$0x1FF40] =	vst v1;
	v1 =	vimm.s32 $0x0  }
0x10c: {  	vm9 =	veq.s32 v5, $0x1;
	v1 =	vsel vm8, $0xFFFFFFFF, v1  }
0x10d: {  	[tilespmem:$0x1FEA0] =	vst v1;
	v1 =	vmpcnt.ones.xlane vm9  }
0x10e: {  	vm10 =	veq.s32 v5, $0x2  }
0x10f: {  	[tilespmem:$0x1FF50] =	vst v1;
	v1 =	vmpcnt.ones.xlane vm10;
	_ =	sdelay $0x1  }
0x110: {  	vm12 =	veq.s32 v2, $0x8;
	[tilespmem:$0x1FF60] =	vst v1;
	v1 =	vimm.s32 $0x0  }
0x111: {  	v1 =	vsel vm12, $0xFFFFFFFF, v1  }
0x112: {  	[tilespmem:$0x1FEB0] =	vst v1;
	v1 =	vld [tilespmem:$0x1FD00];
	_ =	sdelay $0x3  }
0x113: {  	vm13 =	veq.s32 v5, $0x3  }
0x114: {  	v30 =	vmpcnt.ones.xlane vm13;
	vm13 =	vnez.u8 v1;
	v1 =	vld [tilespmem:$0x1FD10];
	_ =	sdelay $0x4  }
0x115: {  	vm4 =	vnez.u8 v1;
	v1 =	vld [tilespmem:$0x1FD20];
	_ =	sdelay $0x4  }
0x116: {  	vm5 =	vnez.u8 v1;
	v1 =	vld [tilespmem:$0x1FD30];
	_ =	sdelay $0x4  }
0x117: {  	vm7 =	vnez.u8 v1;
	v1 =	vld [tilespmem:$0x1FD40];
	_ =	sdelay $0x4  }
0x118: {  	vm8 =	vnez.u8 v1;
	v1 =	vld [tilespmem:$0x1FD50];
	_ =	sdelay $0x4  }
0x119: {  	vm9 =	vnez.u8 v1;
	v1 =	vld [tilespmem:$0x1FD60];
	_ =	sdelay $0x4  }
0x11a: {  	vm10 =	vnez.u8 v1;
	v1 =	vld [tilespmem:$0x1FD70];
	_ =	sdelay $0x1  }
0x11b: {  	[tilespmem:$0x1FF20] =	vst v0;
	v0 =	vld [tilespmem:s8+$0x18020];
	_ =	sdelay $0x1  }
0x11c: {  	vm11 =	veq.s32 v5, $0x4  }
0x11d: {  	v25 =	vmpcnt.ones.xlane vm11;
	vm11 =	vnez.u8 v1;
	v1 =	vld [tilespmem:$0x1FD80]  }
0x11e: {  	vm15 =	veq.s32 v5, $0x6;
	v6 =	vld [tilespmem:$0x1FDC0];
	vm14 =	veq.s32 v2, $0x1  }
0x11f: {  	vm6 =	veq.s32 v2, $0x7;
	vm0 =	veq.s32 v0, $0x0;
	vm1 =	veq.s32 v0, $0x1  }
0x120: {  	vm2 =	veq.s32 v0, $0x2;
	vm3 =	veq.s32 v0, $0x3;
	v31 =	vmpcnt.ones.xlane vm4  }
0x121: {  	vm4 =	veq.s32 v0, $0x4;
	v2 =	vmpcnt.ones.xlane vm7;
	vm7 =	veq.s32 v0, $0x5  }
0x122: {  	[tilespmem:$0x1FDA0] =	vst v3;
	v3 =	vld [tilespmem:$0x1FD90];
	v4 =	vmpcnt.ones.xlane vm8;
	vm8 =	veq.s32 v0, $0x6;
	vm12 =	vnez.u8 v1  }
0x123: {  	v5 =	vmpcnt.ones.xlane vm9;
	v1 =	vmpcnt.ones.xlane vm12;
	vm12 =	vnez.u8 v6;
	v6 =	vld [tilespmem:$0x1FDD0]  }
0x124: {  	vm9 =	veq.s32 v0, $0x7;
	v28 =	vmpcnt.ones.xlane vm10;
	vm10 =	veq.s32 v0, $0x8;
	v0 =	vld [tilespmem:$0x1FE10];
	_ =	sdelay $0x2  }
0x125: {  	v23 =	vmpcnt.ones.xlane vm13;
	vm13 =	vnez.u8 v3;
	v3 =	vld [tilespmem:$0x1FDA0]  }
0x126: {  	v21 =	vmpcnt.ones.xlane vm13;
	vm13 =	vnez.u8 v6;
	v6 =	vld [tilespmem:$0x1FDE0]  }
0x127: {  	v7 =	vmpcnt.ones.xlane vm13;
	vm13 =	vnez.u8 v0;
	v0 =	vld [tilespmem:$0x1FE20];
	_ =	sdelay $0x2  }
0x128: {  	v18 =	vmpcnt.ones.xlane vm15;
	vm15 =	vnez.u8 v3;
	v3 =	vld [tilespmem:$0x1FDB0]  }
0x129: {  	v22 =	vmpcnt.ones.xlane vm15;
	vm15 =	vnez.u8 v6;
	v6 =	vld [tilespmem:$0x1FDF0]  }
0x12a: {  	v12 =	vmpcnt.ones.xlane vm15;
	vm15 =	vnez.u8 v0;
	v0 =	vld [tilespmem:$0x1FE30];
	_ =	sdelay $0x2  }
0x12b: {  	v32 =	vmpcnt.ones.xlane vm5;
	vm5 =	vnez.u8 v3  }
0x12c: {  	v3 =	vmpcnt.ones.xlane vm5;
	vm5 =	vnez.u8 v6  }
0x12d: {  	v34 =	vmpcnt.ones.xlane vm5;
	vm5 =	vnez.u8 v0;
	v0 =	vld [tilespmem:$0x1FE40];
	_ =	sdelay $0x4  }
0x12e: {  	v29 =	vmpcnt.ones.xlane vm5;
	vm5 =	vnez.u8 v0;
	v0 =	vld [tilespmem:$0x1FE50];
	_ =	sdelay $0x4  }
0x12f: {  	v54 =	vmpcnt.ones.xlane vm5;
	vm5 =	vnez.u8 v0;
	v0 =	vld [tilespmem:$0x1FE60]  }
0x130: {  	v6 =	vld [tilespmem:$0x1FE00];
	_ =	sdelay $0x3  }
0x131: {  	v26 =	vmpcnt.ones.xlane vm5;
	vm5 =	vnez.u8 v0;
	v0 =	vld [tilespmem:$0x1FE70]  }
0x132: {  	v24 =	vmpcnt.ones.xlane vm12;
	vm12 =	vnez.u8 v6;
	v6 =	vld [tilespmem:$0x1FE80];
	_ =	sdelay $0x1  }
0x133: {  	v59 =	vld [tilespmem:s8+$0x18000];
	_ =	sdelay $0x1  }
0x134: {  	v13 =	vmpcnt.ones.xlane vm5;
	vm5 =	vnez.u8 v0  }
0x135: {  	v0 =	vmpcnt.ones.xlane vm5;
	vm5 =	vnez.u8 v6;
	v6 =	vld [tilespmem:$0x1FE90]  }
0x136: {  	v10 =	vmpcnt.ones.xlane vm14  }
0x137: {  	v27 =	vmpcnt.ones.xlane vm2;
	v46 =	vmpcnt.ones.xlane vm3;
	vm3 =	veq.s32 v59, $0x0;
	[tilespmem:$0x1FFC0] =	vst v1;
	v1 =	vld [tilespmem:s8+$0x18010]  }
0x138: {  	v45 =	vmpcnt.ones.xlane vm3;
	v47 =	vmpcnt.ones.xlane vm4;
	vm4 =	veq.s32 v59, $0x1  }
0x139: {  	v11 =	vmpcnt.ones.xlane vm4;
	v40 =	vmpcnt.ones.xlane vm9  }
0x13a: {  	vm9 =	veq.s32 v59, $0x2;
	v39 =	vmpcnt.ones.xlane vm5;
	vm5 =	vnez.u8 v6;
	v6 =	vld [tilespmem:$0x1FEA0]  }
0x13b: {  	v20 =	vadd.s32 v20, v45;
	v9 =	vld [tilespmem:$0x1FEB0];
	v16 =	vmpcnt.ones.xlane vm9;
	v53 =	vmpcnt.ones.xlane vm11  }
0x13c: {  	v37 =	vmpcnt.ones.xlane vm13;
	vm11 =	veq.s32 v1, $0x0;
	vm13 =	veq.s32 v1, $0x2  }
0x13d: {  	v15 =	vmpcnt.ones.xlane vm11;
	v36 =	vmpcnt.ones.xlane vm12;
	vm12 =	veq.s32 v1, $0x1  }
0x13e: {  	v11 =	vadd.s32 v14, v11;
	v44 =	vmpcnt.ones.xlane vm13;
	v43 =	vmpcnt.ones.xlane vm12  }
0x13f: {  	v41 =	vmpcnt.ones.xlane vm5;
	vm5 =	vnez.u8 v6;
	v6 =	vmpcnt.ones.xlane vm0  }
0x140: {  	v33 =	vmpcnt.ones.xlane vm5;
	vm5 =	vnez.u8 v9;
	v9 =	vmpcnt.ones.xlane vm1  }
0x141: {  	v16 =	vadd.s32 v8, v16;
	v15 =	vadd.s32 v15, v20;
	v20 =	vadd.s32 v43, v11  }
0x142: {  	v8 =	vadd.s32 v44, v16;
	v6 =	vadd.s32 v6, v15;
	v9 =	vadd.s32 v9, v20  }
0x143: {  	v14 =	vadd.s32 v27, v8;
	v6 =	vadd.s32 v26, v6;
	v8 =	vadd.s32 v10, v9  }
0x144: {  	v3 =	vadd.s32 v3, v6;
	v6 =	vadd.s32 v7, v8  }
0x145: {  	v2 =	vadd.s32 v2, v3;
	v3 =	vadd.s32 v4, v6;
	v6 =	vld [tilespmem:$0x1FF40];
	_ =	sdelay $0x4  }
0x146: {  	v2 =	vadd.s32 v6, v2;
	v6 =	vld [tilespmem:$0x1FF50];
	_ =	sdelay $0x4  }
0x147: {  	v3 =	vadd.s32 v6, v3;
	v6 =	vld [tilespmem:$0x1FF60];
	_ =	sdelay $0x1  }
0x148: {  	v9 =	vadd.s32 v13, v14  }
0x149: {  	v7 =	vadd.s32 v12, v9  }
0x14a: {  	v4 =	vadd.s32 v5, v7  }
0x14b: {  	v4 =	vadd.s32 v6, v4;
	v6 =	vld [tilespmem:$0x1FF70];
	_ =	sdelay $0x3  }
0x14c: {  	v35 =	vmpcnt.ones.xlane vm6;
	v45 =	vmov v22;
	v22 =	vmov v25;
	v25 =	vld [tilespmem:$0x1FEC0]  }
0x14d: {  	v42 =	vmpcnt.ones.xlane vm10;
	vm10 =	veq.s32 v59, $0x3;
	v20 =	vadd.s32 v6, v2;
	v6 =	vld [tilespmem:$0x1FF90]  }
0x14e: {  	v48 =	vmpcnt.ones.xlane vm7;
	v61 =	vmpcnt.ones.xlane vm10;
	v11 =	vmov v19;
	v19 =	vld [tilespmem:$0x1FF20]  }
0x14f: {  	vm14 =	veq.s32 v1, $0x3;
	vm6 =	veq.s32 v1, $0x5;
	vm2 =	veq.s32 v1, $0x8;
	v15 =	vld [tilespmem:$0x1FED0]  }
0x150: {  	v55 =	vmpcnt.ones.xlane vm14;
	v58 =	vmpcnt.ones.xlane vm6;
	vm11 =	veq.s32 v59, $0x4;
	v26 =	vld [tilespmem:$0x1FEE0]  }
0x151: {  	v51 =	vmpcnt.ones.xlane vm2;
	vm13 =	veq.s32 v59, $0x6;
	vm14 =	veq.s32 v59, $0x7;
	v10 =	vmovc v17;
	v17 =	vld [tilespmem:$0x1FEF0]  }
0x152: {  	p1 =	sne.s32 s6, $0x1E00;
	v52 =	vmpcnt.ones.xlane vm15;
	vm15 =	veq.s32 v1, $0x4;
	v14 =	vadd.s32 v6, v3;
	v6 =	vld [tilespmem:$0x1FFB0]  }
.Ltmp2:
0x153: {  	v62 =	vmpcnt.ones.xlane vm11;
	v57 =	vmpcnt.ones.xlane vm15;
	vm15 =	veq.s32 v59, $0x8;
	v12 =	vmovc v18;
	v18 =	vld [tilespmem:$0x1FF00];
	(pc) =	sbr.rel @p1 .LBB2_2-.Ltmp2, $4  }
0x154: {  	v56 =	vmpcnt.ones.xlane vm13;
	v60 =	vmpcnt.ones.xlane vm15;
	vm12 =	veq.s32 v59, $0x5;
	v9 =	vld [tilespmem:$0x1FF10]  }
0x155: {  	v59 =	vmpcnt.ones.xlane vm14;
	v63 =	vmpcnt.ones.xlane vm12;
	vm0 =	veq.s32 v1, $0x6;
	v5 =	vld [tilespmem:$0x1FF30]  }
0x156: {  	v16 =	vmovc v31;
	vm1 =	veq.s32 v1, $0x7;
	v1 =	vmpcnt.ones.xlane vm8;
	v49 =	vmpcnt.ones.xlane vm0;
	v2 =	vld [tilespmem:$0x1FF80]  }
0x157: {  	s6 =	sadd.s32 $0x200, s6;
	v44 =	vmovc v30;
	v38 =	vmpcnt.ones.xlane vm5;
	v50 =	vmpcnt.ones.xlane vm1;
	v13 =	vmovc v32;
	v3 =	vld [tilespmem:$0x1FFA0];
	v8 =	vadd.s32 v6, v4  }
0x158: {  	vm0 =	vcmask $0x328;
	vm8 =	vcmask $0x728  }
0x159: {  	vm9 =	vcmask $0xB28;
	vm10 =	vcmask $0xF28;
	vm11 =	vcmask $0x1328  }
0x15a: {  	vm12 =	vcmask $0x1728;
	vm13 =	vcmask $0x1B28;
	v4 =	vadd.s32 v5, v63  }
0x15b: {  	vm14 =	vcmask $0x1F28;
	v2 =	vadd.s32 v2, v61;
	v4 =	vadd.s32 v58, v4  }
0x15c: {  	v58 =	vadd.s32 $0x64, v20;
	v3 =	vadd.s32 v3, v62;
	v2 =	vadd.s32 v55, v2  }
0x15d: {  	v4 =	vadd.s32 v48, v4;
	v3 =	vadd.s32 v57, v3;
	v2 =	vadd.s32 v46, v2;
	v46 =	vld [tilespmem:$0x1FFC0]  }
0x15e: {  	v48 =	vadd.s32 v15, v56;
	v3 =	vadd.s32 v47, v3;
	v0 =	vadd.s32 v0, v2  }
0x15f: {  	v55 =	vadd.s32 v26, v60;
	v39 =	vadd.s32 v39, v3;
	v0 =	vadd.s32 v34, v0  }
0x160: {  	v43 =	vadd.s32 v41, v4;
	v2 =	vadd.s32 v36, v39;
	v0 =	vadd.s32 v28, v0  }
0x161: {  	v3 =	vadd.s32 v37, v43;
	v2 =	vadd.s32 v53, v2;
	v0 =	vadd.s32 v44, v0  }
0x162: {  	v53 =	vadd.s32 v25, v59;
	v3 =	vadd.s32 v46, v3;
	v2 =	vadd.s32 v22, v2  }
0x163: {  	v59 =	vld [tilespmem:$0x1FFF0];
	v7 =	vadd.s32 v17, v0;
	v0 =	vadd.s32 v49, v48;
	v3 =	vadd.s32 v23, v3  }
0x164: {  	v6 =	vadd.s32 v18, v2;
	v2 =	vadd.s32 v50, v53;
	v0 =	vadd.s32 v1, v0  }
0x165: {  	v47 =	vadd.s32 v19, v3;
	v3 =	vadd.s32 v51, v55;
	v56 =	vadd.s32 v40, v2  }
0x166: {  	v0 =	vadd.s32 v33, v0;
	v57 =	vadd.s32 v42, v3;
	v1 =	vadd.s32 v35, v56  }
0x167: {  	v0 =	vadd.s32 v52, v0;
	v3 =	vadd.s32 v14, v58;
	v2 =	vadd.s32 v38, v57  }
0x168: {  	v1 =	vadd.s32 v29, v1;
	v0 =	vadd.s32 v21, v0;
	v4 =	vsel vm0, v59, v58  }
0x169: {  	v2 =	vadd.s32 v54, v2;
	v1 =	vadd.s32 v45, v1;
	v0 =	vadd.s32 v12, v0  }
0x16a: {  	[tilespmem:$0x1FC70] =	vst v14;
	v4 =	vsel vm8, v4, v3;
	v3 =	vadd.s32 v8, v3;
	v2 =	vadd.s32 v24, v2  }
0x16b: {  	[tilespmem:$0x1FC80] =	vst v8;
	s0 =	rddreg [dreg:$0x5];
	v1 =	vadd.s32 v16, v1;
	v4 =	vsel vm9, v4, v3;
	v3 =	vadd.s32 v7, v3  }
0x16c: {  	[tilespmem:s31], [sflag:$0x1] =	stream.linear.gather [hbm4b:s0+s31], $0xC000, $0x38;
	v60 =	vadd.s32 v10, v0;
	v4 =	vsel vm10, v4, v3;
	v3 =	vadd.s32 v6, v3;
	[tilespmem:$0x1BC00] =	vst v63  }
0x16d: {  	[tilespmem:$0x1FC90] =	vst v7;
	v2 =	vadd.s32 v13, v2;
	v61 =	vsel vm11, v4, v3;
	v3 =	vadd.s32 v47, v3  }
0x16e: {  	[tilespmem:$0x1FCA0] =	vst v6;
	v62 =	vadd.s32 v9, v1;
	v0 =	vsel vm12, v61, v3;
	v63 =	vadd.s32 v60, v3  }
.Ltmp3:
0x16f: {  	[tilespmem:$0x1FCB0] =	vst v47;
	v2 =	vadd.s32 v11, v2;
	v0 =	vsel vm13, v0, v63;
	v1 =	vadd.s32 v62, v63;
	(pc) =	sbr.rel .LBB2_4-.Ltmp3, $4  }
0x170: {  	vm15 =	vcmask $0x2328;
	[tilespmem:$0x1FCC0] =	vst v60;
	v0 =	vsel vm14, v0, v1;
	v1 =	vadd.s32 v2, v1  }
0x171: {  	s19 =	rddreg [dreg:$0xc];
	[tilespmem:$0x1FCD0] =	vst v62;
	v0 =	vsel vm15, v0, v1  }
0x172: {  	s18 =	rddreg [dreg:$0xb];
	[tilespmem:$0x1FCE0] =	vst v2;
	v61 =	vxor.u32 $0x80000000, v0  }
0x173: {  	s17 =	rddreg [dreg:$0xa];
	s11 =	smov.u32 s20;
	s29 =	simm.s32 $0x0;
	v60 =	vlaneseq.u32;
	[tilespmem:$0x1FCF0] =	vst v61  }
.LBB2_22:
0x174: {  	s29 =	sadd.s32 $0x1, s29  }
0x175: {  	p1 =	sne.s32 s29, $0x8  }
.Ltmp4:
0x176: {  	_ = 	snop;
	(pc) =	sbr.rel @!p1 .LBB2_23-.Ltmp4, $3  }
0x177: {  	_ =	sdelay $0x1  }
0x178: {  	s11 =	sadd.s32 $0x80, s11  }
0x179: {  	s17 =	sadd.s32 $0xFFFFFF80, s17;
	s18 =	sadd.s32 $0x80, s18;
	s19 =	sadd.s32 $0xFFFFFF80, s19  }
.LBB2_4:
0x17a: {  	s1 =	sshll.u32 s29, $0x7  }
0x17b: {  	s6 =	sadd.s32 s1, s20  }
0x17c: {  	s6 =	sshrl.u32 s6, $0x3  }
0x17d: {  	s6 =	smul.u32 $0x1800, s6  }
.Ltmp5:
0x17e: {  	_ =	swait.ge [sflag:s24], $0xC000;
	(pc) =	sbr.rel .LBB2_5-.Ltmp5, $4  }
0x17f: {  	[sflag:s24] =	ssyncset.done $0x0;
	s6 =	sadd.s32 s7, s6  }
0x180: {  	s21 =	sadd.s32 s4, s1;
	s1 =	simm.s32 $0x0;
	s6 =	sshrl.u32 s6, $0x3  }
0x181: {  	[sflag:s24] =	ssyncadd.s32 $0xFFFF4000;
	s13 =	sadd.s32 $0x40, s21;
	s6 =	sadd.s32 s5, s6  }
0x182: {  	[tilespmem:s25], [sflag:$0x2] =	stream.linear.gather [hbm4b:s6+s31], $0xC000, $0x38;
	[tilespmem:$0x1BC00] =	vst v63  }
.LBB2_7:
0x183: {  	v22 =	vimm.f32 $0.0e+00;
	v19 =	vimm.f32 $0.0e+00;
	v18 =	vimm.f32 $0.0e+00  }
0x184: {  	v20 =	vimm.f32 $0.0e+00;
	v16 =	vimm.f32 $0.0e+00;
	v14 =	vimm.f32 $0.0e+00  }
0x185: {  	v21 =	vimm.f32 $0.0e+00;
	v17 =	vimm.f32 $0.0e+00;
	v15 =	vimm.f32 $0.0e+00  }
0x186: {  	v13 =	vimm.f32 $0.0e+00;
	v60 =	vimm.f32 $0.0e+00;
	v58 =	vimm.f32 $0.0e+00  }
0x187: {  	v59 =	vimm.f32 $0.0e+00;
	v56 =	vimm.f32 $0.0e+00;
	v57 =	vimm.f32 $0.0e+00  }
0x188: {  	v54 =	vimm.f32 $0.0e+00;
	v55 =	vimm.f32 $0.0e+00;
	v52 =	vimm.f32 $0.0e+00  }
0x189: {  	v53 =	vimm.f32 $0.0e+00;
	v50 =	vimm.f32 $0.0e+00;
	v51 =	vimm.f32 $0.0e+00  }
0x18a: {  	v48 =	vimm.f32 $0.0e+00;
	v49 =	vimm.f32 $0.0e+00;
	v46 =	vimm.f32 $0.0e+00  }
0x18b: {  	v47 =	vimm.f32 $0.0e+00;
	v44 =	vimm.f32 $0.0e+00;
	v45 =	vimm.f32 $0.0e+00  }
0x18c: {  	v42 =	vimm.f32 $0.0e+00;
	v43 =	vimm.f32 $0.0e+00;
	v40 =	vimm.f32 $0.0e+00  }
0x18d: {  	v41 =	vimm.f32 $0.0e+00;
	v38 =	vimm.f32 $0.0e+00;
	v39 =	vimm.f32 $0.0e+00  }
0x18e: {  	v36 =	vimm.f32 $0.0e+00;
	v37 =	vimm.f32 $0.0e+00;
	v34 =	vimm.f32 $0.0e+00  }
0x18f: {  	v35 =	vimm.f32 $0.0e+00;
	v31 =	vimm.f32 $0.0e+00;
	v32 =	vimm.f32 $0.0e+00  }
0x190: {  	v29 =	vimm.f32 $0.0e+00;
	v28 =	vimm.f32 $0.0e+00;
	v26 =	vimm.f32 $0.0e+00  }
0x191: {  	v25 =	vimm.f32 $0.0e+00;
	v23 =	vimm.f32 $0.0e+00;
	v24 =	vimm.f32 $0.0e+00  }
0x192: {  	s9 =	smov.u32 s15;
	v33 =	vimm.f32 $0.0e+00;
	v30 =	vimm.f32 $0.0e+00;
	v27 =	vimm.f32 $0.0e+00  }
.LBB2_11:
0x193: {  	s0 =	smul.u32 $0x6000, s1;
	s1 =	sadd.s32 @p1 $0x80, s9  }
0x194: {  	s15 =	smov.u32 @p1 s1  }
0x195: {  	s1 =	sand.u32 $0x380, s15;
	s0 =	sshra.s32 s0, $0x2  }
0x196: {  	s0 =	sor.u32 s1, s0  }
0x197: {  	v11 =	vld [tilespmem:s0+$0x1470];
	_ =	sdelay $0x4  }
0x198: {  	[tilespmem:$0x1FC60] =	vst v11;
	v11 =	vld [tilespmem:s0+$0x410];
	_ =	sdelay $0x4  }
0x199: {  	[tilespmem:$0x1F9E0] =	vst v11;
	v11 =	vld [tilespmem:s0+$0x420];
	_ =	sdelay $0x4  }
0x19a: {  	[tilespmem:$0x1F9F0] =	vst v11;
	v11 =	vld [tilespmem:s0+$0x430];
	_ =	sdelay $0x4  }
0x19b: {  	[tilespmem:$0x1FA00] =	vst v11;
	v11 =	vld [tilespmem:s0+$0x440];
	_ =	sdelay $0x4  }
0x19c: {  	[tilespmem:$0x1FA10] =	vst v11;
	v11 =	vld [tilespmem:s0+$0x450];
	_ =	sdelay $0x4  }
0x19d: {  	[tilespmem:$0x1FA20] =	vst v11;
	v11 =	vld [tilespmem:s0+$0x460];
	_ =	sdelay $0x4  }
0x19e: {  	[tilespmem:$0x1FA30] =	vst v11;
	v11 =	vld [tilespmem:s0+$0x470];
	_ =	sdelay $0x4  }
0x19f: {  	[tilespmem:$0x1FA40] =	vst v11;
	v11 =	vld [tilespmem:s0+$0x800];
	_ =	sdelay $0x4  }
0x1a0: {  	[tilespmem:$0x1FA50] =	vst v11;
	v11 =	vld [tilespmem:s0+$0x810];
	_ =	sdelay $0x4  }
0x1a1: {  	[tilespmem:$0x1FA60] =	vst v11;
	v11 =	vld [tilespmem:s0+$0x820];
	_ =	sdelay $0x4  }
0x1a2: {  	[tilespmem:$0x1FA70] =	vst v11;
	v11 =	vld [tilespmem:s0+$0x830];
	_ =	sdelay $0x4  }
0x1a3: {  	[tilespmem:$0x1FA80] =	vst v11;
	v11 =	vld [tilespmem:s0+$0x840];
	_ =	sdelay $0x4  }
0x1a4: {  	[tilespmem:$0x1FA90] =	vst v11;
	v11 =	vld [tilespmem:s0+$0x850];
	_ =	sdelay $0x4  }
0x1a5: {  	[tilespmem:$0x1FAA0] =	vst v11;
	v11 =	vld [tilespmem:s0+$0x860];
	_ =	sdelay $0x4  }
0x1a6: {  	[tilespmem:$0x1FAB0] =	vst v11;
	v11 =	vld [tilespmem:s0+$0x870];
	_ =	sdelay $0x4  }
0x1a7: {  	[tilespmem:$0x1FAC0] =	vst v11;
	v11 =	vld [tilespmem:s0+$0xC00];
	_ =	sdelay $0x4  }
0x1a8: {  	[tilespmem:$0x1FAD0] =	vst v11;
	v11 =	vld [tilespmem:s0+$0xC10];
	_ =	sdelay $0x4  }
0x1a9: {  	[tilespmem:$0x1FAE0] =	vst v11;
	v11 =	vld [tilespmem:s0+$0xC20];
	_ =	sdelay $0x4  }
0x1aa: {  	[tilespmem:$0x1FAF0] =	vst v11;
	v11 =	vld [tilespmem:s0+$0xC30];
	_ =	sdelay $0x4  }
0x1ab: {  	[tilespmem:$0x1FB00] =	vst v11;
	v11 =	vld [tilespmem:s0+$0xC40];
	_ =	sdelay $0x4  }
0x1ac: {  	[tilespmem:$0x1FB10] =	vst v11;
	v11 =	vld [tilespmem:s0+$0xC50];
	_ =	sdelay $0x4  }
0x1ad: {  	[tilespmem:$0x1FB20] =	vst v11;
	v11 =	vld [tilespmem:s0+$0xC60];
	_ =	sdelay $0x4  }
0x1ae: {  	[tilespmem:$0x1FB30] =	vst v11;
	v11 =	vld [tilespmem:s0+$0xC70];
	_ =	sdelay $0x4  }
0x1af: {  	[tilespmem:$0x1FB40] =	vst v11;
	v11 =	vld [tilespmem:s0+$0x1000];
	_ =	sdelay $0x4  }
0x1b0: {  	[tilespmem:$0x1FB50] =	vst v11;
	v11 =	vld [tilespmem:s0+$0x1010];
	_ =	sdelay $0x4  }
0x1b1: {  	[tilespmem:$0x1FB60] =	vst v11;
	v11 =	vld [tilespmem:s0+$0x1020];
	_ =	sdelay $0x4  }
0x1b2: {  	[tilespmem:$0x1FB70] =	vst v11;
	v11 =	vld [tilespmem:s0+$0x1030];
	_ =	sdelay $0x4  }
0x1b3: {  	[tilespmem:$0x1FB80] =	vst v11;
	v11 =	vld [tilespmem:s0+$0x1040];
	_ =	sdelay $0x4  }
0x1b4: {  	[tilespmem:$0x1FB90] =	vst v11;
	v11 =	vld [tilespmem:s0+$0x1050];
	_ =	sdelay $0x1  }
0x1b5: {  	v2 =	vld @p1 [tilespmem:s14+$0x1430];
	_ =	sdelay $0x2  }
0x1b6: {  	[tilespmem:$0x1FBA0] =	vst v11;
	v11 =	vld [tilespmem:s0+$0x1060];
	_ =	sdelay $0x1  }
0x1b7: {  	[tilespmem:$0x1FBD0] =	vst v2;
	v2 =	vld @p1 [tilespmem:s14+$0x1440];
	_ =	sdelay $0x2  }
0x1b8: {  	[tilespmem:$0x1FBB0] =	vst v11;
	v11 =	vld [tilespmem:s0+$0x1070];
	_ =	sdelay $0x1  }
0x1b9: {  	[tilespmem:$0x1FBF0] =	vst v2;
	v2 =	vld @p1 [tilespmem:s14+$0x1450]  }
0x1ba: {  	v3 =	vld [tilespmem:s0+$0x10]  }
0x1bb: {  	v4 =	vld [tilespmem:s0+$0x20]  }
0x1bc: {  	[tilespmem:$0x1FBC0] =	vst v11;
	v11 =	vld [tilespmem:s0+$0x1400]  }
0x1bd: {  	v5 =	vld [tilespmem:s0+$0x30]  }
0x1be: {  	[tilespmem:$0x1FC10] =	vst v2;
	v2 =	vld @p1 [tilespmem:s14+$0x1460]  }
0x1bf: {  	v6 =	vld [tilespmem:s0+$0x40]  }
0x1c0: {  	v7 =	vld [tilespmem:s0+$0x50]  }
0x1c1: {  	[tilespmem:$0x1FBE0] =	vst v11;
	v11 =	vld [tilespmem:s0+$0x1410]  }
0x1c2: {  	v8 =	vld [tilespmem:s0+$0x60]  }
0x1c3: {  	[tilespmem:$0x1FC30] =	vst v2;
	v2 =	vld [tilespmem:s0+$0x0]  }
0x1c4: {  	v9 =	vld [tilespmem:s0+$0x70]  }
0x1c5: {  	v10 =	vld [tilespmem:s0+$0x400]  }
0x1c6: {  	[tilespmem:$0x1FC00] =	vst v11;
	v11 =	vld [tilespmem:s0+$0x1420]  }
0x1c7: {  	v3 =	vadd.f32 v3, v58;
	v58 =	vld [tilespmem:s0+$0x1460]  }
0x1c8: {  	v2 =	vadd.f32 v2, v60;
	v60 =	vld [tilespmem:s0+$0x1450]  }
0x1c9: {  	v9 =	vadd.f32 v9, v52;
	v52 =	vld [tilespmem:$0x1FA00]  }
0x1ca: {  	v10 =	vadd.f32 v10, v53;
	v53 =	vld [tilespmem:$0x1FA10]  }
0x1cb: {  	s9 =	sshrl.u32 s8, $0x3;
	[tilespmem:$0x1FC20] =	vst v11;
	v11 =	vld [tilespmem:s0+$0x1430]  }
0x1cc: {  	s1 =	smul.u32 $0x6000, s9;
	v4 =	vadd.f32 v4, v59;
	v59 =	vadd.f32 v7, v54;
	v54 =	vld [tilespmem:$0x1FA20]  }
0x1cd: {  	v8 =	vadd.f32 v8, v55;
	s14 =	sshll.u32 s8, $0x7;
	v55 =	vld [tilespmem:$0x1FA30]  }
0x1ce: {  	s1 =	sshra.s32 s1, $0x2;
	v57 =	vadd.f32 v6, v57;
	s8 =	sand.u32 $0x380, s14;
	v6 =	vld [tilespmem:$0x1FA70]  }
0x1cf: {  	s8 =	sor.u32 s8, s1;
	v7 =	vld [tilespmem:$0x1FA80]  }
0x1d0: {  	s1 =	sadd.s32 $0x18800, s8;
	[tilespmem:$0x1FC40] =	vst v11;
	v11 =	vld [tilespmem:s0+$0x1440]  }
0x1d1: {  	s15 =	sor.u32 $0x10, s1;
	[tilespmem:s8+$0x18800] =	vst.add.f32.msk $0xffff, v2  }
0x1d2: {  	s16 =	sor.u32 $0x20, s1;
	[tilespmem:s15+$0x0] =	vst.add.f32.msk $0xffff, v3  }
0x1d3: {  	[tilespmem:s16+$0x0] =	vst.add.f32.msk $0xffff, v4  }
0x1d4: {  	v56 =	vadd.f32 v5, v56;
	v4 =	vadd.f32 v52, v48;
	v48 =	vld [tilespmem:$0x1FB70]  }
0x1d5: {  	s28 =	sor.u32 $0x30, s1;
	v52 =	vld [tilespmem:$0x1FBB0]  }
0x1d6: {  	[tilespmem:s28+$0x0] =	vst.add.f32.msk $0xffff, v56  }
0x1d7: {  	s9 =	sor.u32 $0x40, s1;
	v56 =	vld [tilespmem:$0x1FA40]  }
0x1d8: {  	[tilespmem:s9+$0x0] =	vst.add.f32.msk $0xffff, v57  }
0x1d9: {  	s14 =	sor.u32 $0x50, s1;
	v57 =	vld [tilespmem:$0x1FA50]  }
0x1da: {  	[tilespmem:s14+$0x0] =	vst.add.f32.msk $0xffff, v59  }
0x1db: {  	[tilespmem:$0x1FC50] =	vst v11;
	v11 =	vld [tilespmem:$0x1F9E0]  }
0x1dc: {  	s15 =	sor.u32 $0x60, s1;
	v59 =	vld [tilespmem:$0x1FA60]  }
0x1dd: {  	[tilespmem:s15+$0x0] =	vst.add.f32.msk $0xffff, v8  }
0x1de: {  	s16 =	sor.u32 $0x70, s1;
	v8 =	vld [tilespmem:$0x1FA90]  }
0x1df: {  	[tilespmem:s16+$0x0] =	vst.add.f32.msk $0xffff, v9  }
0x1e0: {  	s28 =	sor.u32 $0x400, s1;
	v9 =	vld [tilespmem:$0x1FAA0]  }
0x1e1: {  	[tilespmem:s28+$0x0] =	vst.add.f32.msk $0xffff, v10  }
0x1e2: {  	v2 =	vadd.f32 v11, v50;
	v50 =	vld [tilespmem:$0x1F9F0]  }
0x1e3: {  	v10 =	vld [tilespmem:$0x1FAB0]  }
0x1e4: {  	s9 =	sor.u32 $0x410, s1;
	v11 =	vld [tilespmem:$0x1FAC0]  }
0x1e5: {  	[tilespmem:s9+$0x0] =	vst.add.f32.msk $0xffff, v2  }
0x1e6: {  	v2 =	vadd.f32 v53, v49;
	v49 =	vld [tilespmem:$0x1FB80]  }
0x1e7: {  	v3 =	vadd.f32 v50, v51;
	v50 =	vld [tilespmem:$0x1FB90]  }
0x1e8: {  	s14 =	sor.u32 $0x420, s1;
	v51 =	vld [tilespmem:$0x1FBA0]  }
0x1e9: {  	[tilespmem:s14+$0x0] =	vst.add.f32.msk $0xffff, v3  }
0x1ea: {  	v3 =	vadd.f32 v54, v46;
	v46 =	vld [tilespmem:$0x1FB50]  }
0x1eb: {  	s15 =	sor.u32 $0x430, s1;
	v54 =	vld [tilespmem:$0x1FBC0]  }
0x1ec: {  	[tilespmem:s15+$0x0] =	vst.add.f32.msk $0xffff, v4  }
0x1ed: {  	v4 =	vadd.f32 v55, v47;
	v47 =	vld [tilespmem:$0x1FB60]  }
0x1ee: {  	s16 =	sor.u32 $0x440, s1;
	v55 =	vld [tilespmem:$0x1FBE0]  }
0x1ef: {  	[tilespmem:s16+$0x0] =	vst.add.f32.msk $0xffff, v2  }
0x1f0: {  	v2 =	vadd.f32 v56, v44;
	v44 =	vld [tilespmem:$0x1FB30]  }
0x1f1: {  	s28 =	sor.u32 $0x450, s1;
	v56 =	vld [tilespmem:$0x1FC00]  }
0x1f2: {  	[tilespmem:s28+$0x0] =	vst.add.f32.msk $0xffff, v3  }
0x1f3: {  	v3 =	vadd.f32 v57, v45;
	v45 =	vld [tilespmem:$0x1FB40]  }
0x1f4: {  	s9 =	sor.u32 $0x460, s1;
	v57 =	vld [tilespmem:$0x1FC20]  }
0x1f5: {  	[tilespmem:s9+$0x0] =	vst.add.f32.msk $0xffff, v4  }
0x1f6: {  	v4 =	vadd.f32 v59, v42;
	v42 =	vld [tilespmem:$0x1FB10]  }
0x1f7: {  	s14 =	sor.u32 $0x470, s1;
	v59 =	vld [tilespmem:$0x1FC40]  }
0x1f8: {  	[tilespmem:s14+$0x0] =	vst.add.f32.msk $0xffff, v2  }
0x1f9: {  	v2 =	vadd.f32 v6, v43;
	v43 =	vld [tilespmem:$0x1FB20]  }
0x1fa: {  	s0 =	sadd.s32 $0x19000, s8;
	[tilespmem:s8+$0x19000] =	vst.add.f32.msk $0xffff, v3  }
0x1fb: {  	s15 =	sor.u32 $0x10, s0;
	v3 =	vadd.f32 v7, v40;
	v40 =	vld [tilespmem:$0x1FAF0]  }
0x1fc: {  	s16 =	sor.u32 $0x20, s0;
	[tilespmem:s15+$0x0] =	vst.add.f32.msk $0xffff, v4  }
0x1fd: {  	[tilespmem:s16+$0x0] =	vst.add.f32.msk $0xffff, v2  }
0x1fe: {  	s28 =	sor.u32 $0x30, s0;
	v2 =	vadd.f32 v9, v38;
	v38 =	vld [tilespmem:$0x1FAD0]  }
0x1ff: {  	[tilespmem:s28+$0x0] =	vst.add.f32.msk $0xffff, v3  }
0x200: {  	v4 =	vadd.f32 v8, v41;
	v3 =	vadd.f32 v10, v39;
	v39 =	vld [tilespmem:$0x1FAE0]  }
0x201: {  	s9 =	sor.u32 $0x40, s0;
	v41 =	vld [tilespmem:$0x1FB00]  }
0x202: {  	s14 =	sor.u32 $0x50, s0;
	[tilespmem:s9+$0x0] =	vst.add.f32.msk $0xffff, v4  }
0x203: {  	s15 =	sor.u32 $0x60, s0;
	v4 =	vadd.f32 v11, v36;
	[tilespmem:s14+$0x0] =	vst.add.f32.msk $0xffff, v2  }
0x204: {  	s0 =	sor.u32 $0x70, s0;
	[tilespmem:s15+$0x0] =	vst.add.f32.msk $0xffff, v3;
	v2 =	vadd.f32 v38, v37  }
0x205: {  	[tilespmem:s0+$0x0] =	vst.add.f32.msk $0xffff, v4;
	s0 =	sadd.s32 $0x19400, s8;
	v3 =	vadd.f32 v39, v34  }
0x206: {  	v4 =	vadd.f32 v40, v35;
	s16 =	sor.u32 $0x10, s0;
	[tilespmem:s8+$0x19400] =	vst.add.f32.msk $0xffff, v2  }
0x207: {  	s28 =	sor.u32 $0x20, s0;
	v2 =	vadd.f32 v41, v31;
	[tilespmem:s16+$0x0] =	vst.add.f32.msk $0xffff, v3  }
0x208: {  	s9 =	sor.u32 $0x30, s0;
	v3 =	vadd.f32 v42, v32;
	[tilespmem:s28+$0x0] =	vst.add.f32.msk $0xffff, v4  }
0x209: {  	s14 =	sor.u32 $0x40, s0;
	v4 =	vadd.f32 v43, v29;
	[tilespmem:s9+$0x0] =	vst.add.f32.msk $0xffff, v2  }
0x20a: {  	s15 =	sor.u32 $0x50, s0;
	v2 =	vadd.f32 v44, v28;
	[tilespmem:s14+$0x0] =	vst.add.f32.msk $0xffff, v3  }
0x20b: {  	s16 =	sor.u32 $0x60, s0;
	v3 =	vadd.f32 v45, v26;
	[tilespmem:s15+$0x0] =	vst.add.f32.msk $0xffff, v4  }
0x20c: {  	s0 =	sor.u32 $0x70, s0;
	v4 =	vadd.f32 v46, v25;
	[tilespmem:s16+$0x0] =	vst.add.f32.msk $0xffff, v2  }
0x20d: {  	v2 =	vadd.f32 v47, v23;
	[tilespmem:s0+$0x0] =	vst.add.f32.msk $0xffff, v3;
	s0 =	sadd.s32 $0x19800, s8  }
0x20e: {  	v3 =	vadd.f32 v48, v24;
	[tilespmem:s8+$0x19800] =	vst.add.f32.msk $0xffff, v4;
	s28 =	sor.u32 $0x10, s0  }
0x20f: {  	v5 =	vadd.f32 v49, v33;
	s9 =	sor.u32 $0x20, s0;
	[tilespmem:s28+$0x0] =	vst.add.f32.msk $0xffff, v2  }
0x210: {  	v4 =	vadd.f32 @p1 v62, v22;
	s14 =	sor.u32 $0x30, s0;
	v2 =	vadd.f32 v50, v30;
	[tilespmem:s9+$0x0] =	vst.add.f32.msk $0xffff, v3  }
0x211: {  	s15 =	sor.u32 $0x40, s0;
	v3 =	vadd.f32 @p1 v61, v18;
	[tilespmem:s14+$0x0] =	vst.add.f32.msk $0xffff, v5  }
0x212: {  	v1 =	vadd.f32 @p1 v1, v19;
	v6 =	vadd.f32 v51, v27;
	v4 =	vpsel p1, v4, v12;
	[tilespmem:s15+$0x0] =	vst.add.f32.msk $0xffff, v2  }
0x213: {  	s16 =	sor.u32 $0x50, s0;
	v4 =	vadd.f32 v52, v4;
	v53 =	vpsel p1, v3, v12;
	v3 =	vld [tilespmem:$0x1FBD0]  }
0x214: {  	v1 =	vpsel p1, v1, v12;
	s28 =	sor.u32 $0x60, s0;
	[tilespmem:s16+$0x0] =	vst.add.f32.msk $0xffff, v6  }
0x215: {  	v1 =	vadd.f32 v54, v1;
	[tilespmem:s28+$0x0] =	vst.add.f32.msk $0xffff, v4  }
0x216: {  	s0 =	sor.u32 $0x70, s0;
	v4 =	vld [tilespmem:$0x1FBF0]  }
0x217: {  	v2 =	vadd.f32 v55, v53;
	[tilespmem:s0+$0x0] =	vst.add.f32.msk $0xffff, v1  }
0x218: {  	v1 =	vld [tilespmem:$0x1FC10]  }
0x219: {  	v5 =	vadd.f32 @p1 v63, v20;
	[tilespmem:s8+$0x19C00] =	vst.add.f32.msk $0xffff, v2  }
0x21a: {  	v0 =	vadd.f32 @p1 v0, v16;
	v2 =	vld [tilespmem:$0x1FC30]  }
0x21b: {  	v61 =	vld [tilespmem:$0x1FC50];
	v5 =	vpsel p1, v5, v12;
	v3 =	vadd.f32 @p1 v3, v14  }
0x21c: {  	v0 =	vpsel p1, v0, v12;
	v5 =	vadd.f32 v56, v5;
	s0 =	sadd.s32 $0x19C00, s8  }
0x21d: {  	v0 =	vadd.f32 v57, v0;
	v63 =	vld [tilespmem:$0x1FC60];
	s8 =	sor.u32 $0x10, s0;
	v4 =	vadd.f32 @p1 v4, v21;
	v3 =	vpsel p1, v3, v12  }
0x21e: {  	s9 =	sor.u32 $0x20, s0;
	[tilespmem:s8+$0x0] =	vst.add.f32.msk $0xffff, v5;
	v1 =	vadd.f32 @p1 v1, v17;
	v3 =	vadd.f32 v59, v3  }
0x21f: {  	s14 =	sor.u32 $0x30, s0;
	[tilespmem:s9+$0x0] =	vst.add.f32.msk $0xffff, v0;
	v2 =	vadd.f32 @p1 v2, v15;
	v4 =	vpsel p1, v4, v12  }
0x220: {  	v1 =	vpsel p1, v1, v12;
	v4 =	vadd.f32 v61, v4;
	[tilespmem:s14+$0x0] =	vst.add.f32.msk $0xffff, v3  }
0x221: {  	s15 =	sor.u32 $0x40, s0;
	v61 =	vld [tilespmem:$0x1FCF0];
	v62 =	vpsel p1, v2, v12;
	v1 =	vadd.f32 v60, v1  }
0x222: {  	s16 =	sor.u32 $0x50, s0;
	v0 =	vadd.f32 v58, v62;
	[tilespmem:s15+$0x0] =	vst.add.f32.msk $0xffff, v4  }
0x223: {  	s28 =	sor.u32 $0x60, s0;
	v2 =	vadd.f32 v63, v13;
	[tilespmem:s16+$0x0] =	vst.add.f32.msk $0xffff, v1  }
0x224: {  	s0 =	sor.u32 $0x70, s0;
	[tilespmem:s28+$0x0] =	vst.add.f32.msk $0xffff, v0  }
0x225: {  	v60 =	vlaneseq.u32;
	[tilespmem:s0+$0x0] =	vst.add.f32.msk $0xffff, v2  }
.LBB2_12:
0x226: {  	p1 =	sne.s32 s6, $0x9  }
.Ltmp6:
0x227: {  	_ = 	snop;
	(pc) =	sbr.rel @!p1 .LBB2_13-.Ltmp6, $2  }
0x228: {  	_ =	sdelay $0x2  }
0x229: {  	s1 =	smov.u32 s6  }
.LBB2_5:
0x22a: {  	v0 =	vmov s1;
	s6 =	sadd.s32 $0x1, s1  }
0x22b: {  	vm0 =	veq.s32 v0, v60;
	v59 =	vmov s6  }
0x22c: {  	v1 =	vnsel vm0, $0x80000000, v61;
	vm15 =	veq.s32 v59, v60  }
0x22d: {  	(xrf0) =	vmax.scan.msk.u32 $0xffff, v1;
	v0 =	vnsel vm15, $0x80000000, v61  }
0x22e: {  	(xrf0) =	vmax.scan.msk.u32 $0xffff, v0;
	_ =	sdelay $0x4  }
0x22f: {  	v62, _, _ =	vpop (xrf0)  }
0x230: {  	(v2sf) =	vpush v62, $0xF;
	v63, _, _ =	vpop (xrf0)  }
0x231: {  	(v2sf) =	vpush v63, $0xF;
	_ =	sdelay $0xd  }
0x232: {  	s8 =	spop (v2sf)  }
0x233: {  	s9 =	spop (v2sf)  }
0x234: {  	p1 =	seq.s32 s1, $0x0;
	s8 =	sxor.u32 $0x80000000, s8;
	s14 =	sxor.u32 $0x80000000, s9  }
0x235: {  	p2 =	sgt.s32 s8, s21;
	s9 =	smov.u32 s21;
	s14 =	simm.s32 @p1 $0x64  }
0x236: {  	s9 =	smov.u32 @p2 s8;
	s8 =	smov.u32 s13;
	p2 =	slt.s32 s14, s13  }
0x237: {  	s9 =	smov.u32 @p1 s21;
	s8 =	smov.u32 @p2 s14  }
0x238: {  	p2 =	sge.s32 s9, s8  }
.Ltmp7:
0x239: {  	_ = 	snop;
	(pc) =	sbr.rel @p2 .LBB2_12-.Ltmp7, $1  }
0x23a: {  	_ =	sdelay $0x3  }
0x23b: {  	p2 =	slt.s32 s14, s11;
	s15 =	smov.u32 s11  }
0x23c: {  	s15 =	smov.u32 @p2 s14  }
0x23d: {  	s14 =	ssub.s32 s15, s9  }
0x23e: {  	p2 =	sne.s32 s14, $0x1  }
.Ltmp8:
0x23f: {  	_ = 	snop;
	(pc) =	sbr.rel @!p2 .LBB2_7-.Ltmp8, $4  }
0x240: {  	_ = 	snop  }
0x241: {  	s8 =	sadd.s32 $0xFFFFFFFF, s1;
	s16 =	sadd.s32 s9, s17  }
0x242: {  	s8 =	simm.s32 @p1 $0x8;
	s1 =	sshrl.u32 s16, $0x3  }
0x243: {  	v12 =	vimm.f32 $0.0e+00;
	p1 =	por $0x0, $0x0;
	s15 =	sshll.u32 s9, $0x7;
	s9 =	sadd.s32 $0xFFFFFFFF, s14  }
0x244: {  	s1 =	smul.u32 $0x6000, s1;
	_ =	sdelay $0x1  }
0x245: {  	s14 =	sand.u32 $0x380, s15;
	s1 =	sshra.s32 s1, $0x2  }
0x246: {  	s14 =	sor.u32 s14, s1  }
0x247: {  	v0 =	vld [tilespmem:s14+$0x1470]  }
0x248: {  	v1 =	vld [tilespmem:s14+$0x0]  }
0x249: {  	v2 =	vld [tilespmem:s14+$0x10]  }
0x24a: {  	v3 =	vld [tilespmem:s14+$0x20]  }
0x24b: {  	v4 =	vld [tilespmem:s14+$0x30]  }
0x24c: {  	v5 =	vld [tilespmem:s14+$0x40]  }
0x24d: {  	v6 =	vld [tilespmem:s14+$0x50]  }
0x24e: {  	v7 =	vld [tilespmem:s14+$0x60]  }
0x24f: {  	v8 =	vld [tilespmem:s14+$0x70]  }
0x250: {  	v9 =	vld [tilespmem:s14+$0x400]  }
0x251: {  	v10 =	vld [tilespmem:s14+$0x410]  }
0x252: {  	v11 =	vld [tilespmem:s14+$0x420]  }
0x253: {  	v14 =	vld [tilespmem:s14+$0x430]  }
0x254: {  	v15 =	vld [tilespmem:s14+$0x440]  }
0x255: {  	v16 =	vld [tilespmem:s14+$0x450]  }
0x256: {  	v17 =	vld [tilespmem:s14+$0x460]  }
0x257: {  	v18 =	vld [tilespmem:s14+$0x470]  }
0x258: {  	v19 =	vld [tilespmem:s14+$0x800]  }
0x259: {  	v20 =	vld [tilespmem:s14+$0x810]  }
0x25a: {  	v21 =	vld [tilespmem:s14+$0x820]  }
0x25b: {  	v22 =	vld [tilespmem:s14+$0x830]  }
0x25c: {  	v23 =	vld [tilespmem:s14+$0x840]  }
0x25d: {  	v24 =	vld [tilespmem:s14+$0x850]  }
0x25e: {  	v25 =	vld [tilespmem:s14+$0x860];
	v13 =	vadd.f32 v0, v12  }
0x25f: {  	v61 =	vld [tilespmem:s14+$0xC70];
	v60 =	vadd.f32 v1, v12;
	v58 =	vadd.f32 v2, v12  }
0x260: {  	v62 =	vld [tilespmem:s14+$0x1000];
	v59 =	vadd.f32 v3, v12;
	v56 =	vadd.f32 v4, v12  }
0x261: {  	v63 =	vld [tilespmem:s14+$0x1010];
	v57 =	vadd.f32 v5, v12;
	v54 =	vadd.f32 v6, v12  }
0x262: {  	v0 =	vld [tilespmem:s14+$0x870];
	v55 =	vadd.f32 v7, v12;
	v52 =	vadd.f32 v8, v12  }
0x263: {  	v1 =	vld [tilespmem:s14+$0xC00];
	v53 =	vadd.f32 v9, v12;
	v50 =	vadd.f32 v10, v12  }
0x264: {  	v2 =	vld [tilespmem:s14+$0xC10];
	v51 =	vadd.f32 v11, v12;
	v48 =	vadd.f32 v14, v12  }
0x265: {  	v3 =	vld [tilespmem:s14+$0xC20];
	v49 =	vadd.f32 v15, v12;
	v46 =	vadd.f32 v16, v12  }
0x266: {  	v4 =	vld [tilespmem:s14+$0xC30];
	v47 =	vadd.f32 v17, v12;
	v44 =	vadd.f32 v18, v12  }
0x267: {  	v5 =	vld [tilespmem:s14+$0xC40];
	v45 =	vadd.f32 v19, v12;
	v42 =	vadd.f32 v20, v12  }
0x268: {  	v6 =	vld [tilespmem:s14+$0xC50];
	v43 =	vadd.f32 v21, v12;
	v40 =	vadd.f32 v22, v12  }
0x269: {  	v7 =	vld [tilespmem:s14+$0xC60];
	v41 =	vadd.f32 v23, v12;
	v38 =	vadd.f32 v24, v12  }
0x26a: {  	v11 =	vld [tilespmem:s14+$0x1020];
	v39 =	vadd.f32 v25, v12;
	v26 =	vadd.f32 v61, v12  }
0x26b: {  	v25 =	vadd.f32 v62, v12;
	v36 =	vadd.f32 v0, v12;
	v0 =	vld [tilespmem:s14+$0x1030]  }
0x26c: {  	v23 =	vadd.f32 v63, v12;
	v22 =	vimm.f32 $0.0e+00;
	v34 =	vadd.f32 v2, v12;
	v2 =	vld [tilespmem:s14+$0x1040]  }
0x26d: {  	p2 =	sne.s32 s9, $0x1;
	v19 =	vimm.f32 $0.0e+00;
	v18 =	vimm.f32 $0.0e+00;
	v35 =	vadd.f32 v3, v12;
	v3 =	vld [tilespmem:s14+$0x1050]  }
.Ltmp9:
0x26e: {  	v62 =	vld [tilespmem:s14+$0x1060];
	v20 =	vimm.f32 $0.0e+00;
	v16 =	vimm.f32 $0.0e+00;
	v37 =	vadd.f32 v1, v12;
	(pc) =	sbr.rel @!p2 .LBB2_9-.Ltmp9, $4  }
0x26f: {  	v14 =	vimm.f32 $0.0e+00;
	v31 =	vadd.f32 v4, v12;
	v32 =	vadd.f32 v5, v12;
	v1 =	vld [tilespmem:s14+$0x1070]  }
0x270: {  	v61 =	vld [tilespmem:s14+$0x1400];
	v21 =	vimm.f32 $0.0e+00;
	v29 =	vadd.f32 v6, v12;
	v28 =	vadd.f32 v7, v12  }
0x271: {  	s16 =	sadd.s32 $0x1, s16;
	s28 =	sadd.s32 $0xFFFFFFFF, s9;
	v63 =	vld [tilespmem:s14+$0x1410];
	v17 =	vimm.f32 $0.0e+00;
	v24 =	vadd.f32 v11, v12;
	v33 =	vadd.f32 v0, v12  }
0x272: {  	p1 =	por $0x1, $0x1;
	s9 =	smov.u32 s15;
	s1 =	sshrl.u32 s16, $0x3;
	v15 =	vimm.f32 $0.0e+00;
	v30 =	vadd.f32 v2, v12;
	v27 =	vadd.f32 v3, v12;
	v0 =	vld [tilespmem:s14+$0x1420]  }
.LBB2_10:
0x273: {  	p2 =	sne.s32 s28, $0x1;
	s1 =	smul.u32 $0x6000, s1;
	v22 =	vadd.f32 v62, v22;
	v2 =	vld [tilespmem:s14+$0x1430]  }
0x274: {  	v19 =	vadd.f32 v1, v19;
	s9 =	sadd.s32 $0x80, s9;
	v1 =	vld [tilespmem:s14+$0x1440]  }
0x275: {  	v18 =	vadd.f32 v61, v18;
	s0 =	sand.u32 $0x380, s9;
	s1 =	sshra.s32 s1, $0x2;
	v3 =	vld [tilespmem:s14+$0x1450]  }
0x276: {  	v20 =	vadd.f32 v63, v20;
	v4 =	vld [tilespmem:s14+$0x1460];
	s14 =	sor.u32 s0, s1  }
0x277: {  	v16 =	vadd.f32 v0, v16;
	v5 =	vld [tilespmem:s14+$0x1470]  }
0x278: {  	v0 =	vld [tilespmem:s14+$0x0];
	v14 =	vadd.f32 v2, v14  }
0x279: {  	v2 =	vld [tilespmem:s14+$0x10];
	v21 =	vadd.f32 v1, v21  }
0x27a: {  	v1 =	vld [tilespmem:s14+$0x20];
	v17 =	vadd.f32 v3, v17  }
0x27b: {  	v3 =	vld [tilespmem:s14+$0x30];
	v15 =	vadd.f32 v4, v15  }
0x27c: {  	v4 =	vld [tilespmem:s14+$0x40];
	v13 =	vadd.f32 v5, v13  }
0x27d: {  	v60 =	vadd.f32 v0, v60;
	v0 =	vld [tilespmem:s14+$0x50]  }
0x27e: {  	v58 =	vadd.f32 v2, v58;
	v2 =	vld [tilespmem:s14+$0x60]  }
0x27f: {  	v59 =	vadd.f32 v1, v59;
	v1 =	vld [tilespmem:s14+$0x70]  }
0x280: {  	v56 =	vadd.f32 v3, v56;
	v3 =	vld [tilespmem:s14+$0x400]  }
0x281: {  	v57 =	vadd.f32 v4, v57;
	v4 =	vld [tilespmem:s14+$0x410]  }
0x282: {  	v54 =	vadd.f32 v0, v54;
	v0 =	vld [tilespmem:s14+$0x420]  }
0x283: {  	v55 =	vadd.f32 v2, v55;
	v2 =	vld [tilespmem:s14+$0x430]  }
0x284: {  	v52 =	vadd.f32 v1, v52;
	v1 =	vld [tilespmem:s14+$0x440]  }
0x285: {  	v53 =	vadd.f32 v3, v53;
	v3 =	vld [tilespmem:s14+$0x450]  }
0x286: {  	v50 =	vadd.f32 v4, v50;
	v4 =	vld [tilespmem:s14+$0x460]  }
0x287: {  	v51 =	vadd.f32 v0, v51;
	v0 =	vld [tilespmem:s14+$0x470]  }
0x288: {  	v48 =	vadd.f32 v2, v48;
	v2 =	vld [tilespmem:s14+$0x800]  }
0x289: {  	v49 =	vadd.f32 v1, v49;
	v1 =	vld [tilespmem:s14+$0x810]  }
0x28a: {  	v46 =	vadd.f32 v3, v46;
	v3 =	vld [tilespmem:s14+$0x820]  }
0x28b: {  	v47 =	vadd.f32 v4, v47;
	v4 =	vld [tilespmem:s14+$0x830]  }
0x28c: {  	v44 =	vadd.f32 v0, v44;
	v0 =	vld [tilespmem:s14+$0x840]  }
0x28d: {  	v45 =	vadd.f32 v2, v45;
	v2 =	vld [tilespmem:s14+$0x850]  }
0x28e: {  	v42 =	vadd.f32 v1, v42;
	v1 =	vld [tilespmem:s14+$0x860]  }
0x28f: {  	v43 =	vadd.f32 v3, v43;
	v3 =	vld [tilespmem:s14+$0x870]  }
0x290: {  	v40 =	vadd.f32 v4, v40;
	v4 =	vld [tilespmem:s14+$0xC00]  }
0x291: {  	v41 =	vadd.f32 v0, v41;
	v0 =	vld [tilespmem:s14+$0xC10]  }
0x292: {  	v38 =	vadd.f32 v2, v38;
	v2 =	vld [tilespmem:s14+$0xC20]  }
0x293: {  	v39 =	vadd.f32 v1, v39;
	v1 =	vld [tilespmem:s14+$0xC30]  }
0x294: {  	v36 =	vadd.f32 v3, v36;
	v3 =	vld [tilespmem:s14+$0xC40]  }
0x295: {  	v37 =	vadd.f32 v4, v37;
	v4 =	vld [tilespmem:s14+$0xC50]  }
0x296: {  	v34 =	vadd.f32 v0, v34;
	v0 =	vld [tilespmem:s14+$0xC60]  }
0x297: {  	v35 =	vadd.f32 v2, v35;
	v2 =	vld [tilespmem:s14+$0xC70]  }
0x298: {  	v31 =	vadd.f32 v1, v31;
	v1 =	vld [tilespmem:s14+$0x1000]  }
0x299: {  	v32 =	vadd.f32 v3, v32;
	v3 =	vld [tilespmem:s14+$0x1010]  }
0x29a: {  	v29 =	vadd.f32 v4, v29;
	v4 =	vld [tilespmem:s14+$0x1020]  }
0x29b: {  	v28 =	vadd.f32 v0, v28;
	v0 =	vld [tilespmem:s14+$0x1030]  }
0x29c: {  	v26 =	vadd.f32 v2, v26;
	v2 =	vld [tilespmem:s14+$0x1040]  }
0x29d: {  	v25 =	vadd.f32 v1, v25;
	v5 =	vld [tilespmem:s14+$0x1050]  }
.Ltmp10:
0x29e: {  	v23 =	vadd.f32 v3, v23;
	v62 =	vld [tilespmem:s14+$0x1060];
	(pc) =	sbr.rel @p2 .LBB2_10-.Ltmp10, $4  }
0x29f: {  	v24 =	vadd.f32 v4, v24;
	v1 =	vld [tilespmem:s14+$0x1070]  }
0x2a0: {  	v33 =	vadd.f32 v0, v33;
	v61 =	vld [tilespmem:s14+$0x1400]  }
0x2a1: {  	s16 =	sadd.s32 $0x1, s16;
	v30 =	vadd.f32 v2, v30;
	v63 =	vld [tilespmem:s14+$0x1410]  }
0x2a2: {  	s28 =	sadd.s32 $0xFFFFFFFF, s28;
	s1 =	sshrl.u32 s16, $0x3;
	v27 =	vadd.f32 v5, v27;
	v0 =	vld [tilespmem:s14+$0x1420]  }
.Ltmp11:
0x2a3: {  	_ = 	snop;
	(pc) =	sbr.rel .LBB2_11-.Ltmp11, $1  }
0x2a4: {  	_ =	sdelay $0x3  }
.LBB2_9:
.Ltmp12:
0x2a5: {  	(pc) =	sbr.rel .LBB2_11-.Ltmp12, $4  }
0x2a6: {  	_ = 	snop  }
0x2a7: {  	v22 =	vimm.f32 $0.0e+00;
	v19 =	vimm.f32 $0.0e+00;
	v18 =	vimm.f32 $0.0e+00  }
0x2a8: {  	v20 =	vimm.f32 $0.0e+00;
	v16 =	vimm.f32 $0.0e+00;
	v14 =	vimm.f32 $0.0e+00  }
0x2a9: {  	s9 =	smov.u32 s15;
	v21 =	vimm.f32 $0.0e+00;
	v17 =	vimm.f32 $0.0e+00;
	v15 =	vimm.f32 $0.0e+00  }
.LBB2_13:
0x2aa: {  	s0 =	sshll.u32 s29, $0x1  }
0x2ab: {  	p1 =	seq.s32 s29, $0x7;
	s0 =	sadd.s32 $0x2, s0  }
0x2ac: {  	s1 =	sshll.u32 @!p1 s0, $0x6  }
0x2ad: {  	s1 =	sadd.s32 @!p1 s4, s1  }
0x2ae: {  	s1 =	sshrl.u32 @!p1 s1, $0x3  }
0x2af: {  	s1 =	smul.u32 @!p1 $0x1800, s1;
	_ =	sdelay $0x1  }
0x2b0: {  	_ =	swait.ge [sflag:s26], $0xC000;
	s1 =	sadd.s32 @!p1 s7, s1  }
0x2b1: {  	[sflag:s26] =	ssyncset.done $0x0;
	s1 =	sshrl.u32 @!p1 s1, $0x3  }
0x2b2: {  	s6 =	simm.s32 @!p1 $0x0;
	[sflag:s26] =	ssyncadd.s32 $0xFFFF4000;
	s1 =	sadd.s32 @!p1 s5, s1  }
0x2b3: {  	[tilespmem:s6], [sflag:$0x1] =	stream.linear.gather @!p1 [hbm4b:s1+s6], $0xC000, $0x38;
	[tilespmem:$0x1BC00] =	vst v63  }
0x2b4: {  	p1 =	sne.s32 s0, $0x10  }
.Ltmp13:
0x2b5: {  	p2 =	sne.s32 @!p1 s3, $0x0;
	(pc) =	sbr.rel .LBB2_14-.Ltmp13, $4  }
0x2b6: {  	s0 =	smov.u32 s10;
	p2 =	por !p2, p1  }
0x2b7: {  	s1 =	simm.s32 @!p1 $0x0;
	s0 =	smov.u32 @p2 s12  }
0x2b8: {  	[tilespmem:s1], [sflag:$0x1] =	stream.linear.gather @!p1 [hbm4b:s0+s1], $0xC000, $0x38;
	[tilespmem:$0x1BC00] =	vst v63  }
0x2b9: {  	s21 =	sadd.s32 $0x80, s21;
	s1 =	simm.s32 $0x0  }
.LBB2_16:
0x2ba: {  	v22 =	vimm.f32 $0.0e+00;
	v19 =	vimm.f32 $0.0e+00;
	v18 =	vimm.f32 $0.0e+00  }
0x2bb: {  	v20 =	vimm.f32 $0.0e+00;
	v16 =	vimm.f32 $0.0e+00;
	v14 =	vimm.f32 $0.0e+00  }
0x2bc: {  	v21 =	vimm.f32 $0.0e+00;
	v17 =	vimm.f32 $0.0e+00;
	v15 =	vimm.f32 $0.0e+00  }
0x2bd: {  	v13 =	vimm.f32 $0.0e+00;
	v60 =	vimm.f32 $0.0e+00;
	v58 =	vimm.f32 $0.0e+00  }
0x2be: {  	v59 =	vimm.f32 $0.0e+00;
	v56 =	vimm.f32 $0.0e+00;
	v57 =	vimm.f32 $0.0e+00  }
0x2bf: {  	v54 =	vimm.f32 $0.0e+00;
	v55 =	vimm.f32 $0.0e+00;
	v52 =	vimm.f32 $0.0e+00  }
0x2c0: {  	v53 =	vimm.f32 $0.0e+00;
	v50 =	vimm.f32 $0.0e+00;
	v51 =	vimm.f32 $0.0e+00  }
0x2c1: {  	v48 =	vimm.f32 $0.0e+00;
	v49 =	vimm.f32 $0.0e+00;
	v46 =	vimm.f32 $0.0e+00  }
0x2c2: {  	v47 =	vimm.f32 $0.0e+00;
	v44 =	vimm.f32 $0.0e+00;
	v45 =	vimm.f32 $0.0e+00  }
0x2c3: {  	v42 =	vimm.f32 $0.0e+00;
	v43 =	vimm.f32 $0.0e+00;
	v40 =	vimm.f32 $0.0e+00  }
0x2c4: {  	v41 =	vimm.f32 $0.0e+00;
	v38 =	vimm.f32 $0.0e+00;
	v39 =	vimm.f32 $0.0e+00  }
0x2c5: {  	v36 =	vimm.f32 $0.0e+00;
	v37 =	vimm.f32 $0.0e+00;
	v34 =	vimm.f32 $0.0e+00  }
0x2c6: {  	v35 =	vimm.f32 $0.0e+00;
	v31 =	vimm.f32 $0.0e+00;
	v32 =	vimm.f32 $0.0e+00  }
0x2c7: {  	v29 =	vimm.f32 $0.0e+00;
	v28 =	vimm.f32 $0.0e+00;
	v26 =	vimm.f32 $0.0e+00  }
0x2c8: {  	v25 =	vimm.f32 $0.0e+00;
	v23 =	vimm.f32 $0.0e+00;
	v24 =	vimm.f32 $0.0e+00  }
0x2c9: {  	s15 =	smov.u32 s9;
	v33 =	vimm.f32 $0.0e+00;
	v30 =	vimm.f32 $0.0e+00;
	v27 =	vimm.f32 $0.0e+00  }
.LBB2_20:
0x2ca: {  	s0 =	smul.u32 $0x6000, s1;
	s1 =	sadd.s32 @p1 $0x80, s15  }
0x2cb: {  	s9 =	smov.u32 @p1 s1  }
0x2cc: {  	s1 =	sand.u32 $0x380, s9;
	s0 =	sshra.s32 s0, $0x2  }
0x2cd: {  	s0 =	sor.u32 s1, s0  }
0x2ce: {  	v11 =	vld [tilespmem:s0+$0xD470];
	_ =	sdelay $0x4  }
0x2cf: {  	[tilespmem:$0x1F9D0] =	vst v11;
	v11 =	vld [tilespmem:s0+$0xC410];
	_ =	sdelay $0x4  }
0x2d0: {  	[tilespmem:$0x1F750] =	vst v11;
	v11 =	vld [tilespmem:s0+$0xC420];
	_ =	sdelay $0x4  }
0x2d1: {  	[tilespmem:$0x1F760] =	vst v11;
	v11 =	vld [tilespmem:s0+$0xC430];
	_ =	sdelay $0x4  }
0x2d2: {  	[tilespmem:$0x1F770] =	vst v11;
	v11 =	vld [tilespmem:s0+$0xC440];
	_ =	sdelay $0x4  }
0x2d3: {  	[tilespmem:$0x1F780] =	vst v11;
	v11 =	vld [tilespmem:s0+$0xC450];
	_ =	sdelay $0x4  }
0x2d4: {  	[tilespmem:$0x1F790] =	vst v11;
	v11 =	vld [tilespmem:s0+$0xC460];
	_ =	sdelay $0x4  }
0x2d5: {  	[tilespmem:$0x1F7A0] =	vst v11;
	v11 =	vld [tilespmem:s0+$0xC470];
	_ =	sdelay $0x4  }
0x2d6: {  	[tilespmem:$0x1F7B0] =	vst v11;
	v11 =	vld [tilespmem:s0+$0xC800];
	_ =	sdelay $0x4  }
0x2d7: {  	[tilespmem:$0x1F7C0] =	vst v11;
	v11 =	vld [tilespmem:s0+$0xC810];
	_ =	sdelay $0x4  }
0x2d8: {  	[tilespmem:$0x1F7D0] =	vst v11;
	v11 =	vld [tilespmem:s0+$0xC820];
	_ =	sdelay $0x4  }
0x2d9: {  	[tilespmem:$0x1F7E0] =	vst v11;
	v11 =	vld [tilespmem:s0+$0xC830];
	_ =	sdelay $0x4  }
0x2da: {  	[tilespmem:$0x1F7F0] =	vst v11;
	v11 =	vld [tilespmem:s0+$0xC840];
	_ =	sdelay $0x4  }
0x2db: {  	[tilespmem:$0x1F800] =	vst v11;
	v11 =	vld [tilespmem:s0+$0xC850];
	_ =	sdelay $0x4  }
0x2dc: {  	[tilespmem:$0x1F810] =	vst v11;
	v11 =	vld [tilespmem:s0+$0xC860];
	_ =	sdelay $0x4  }
0x2dd: {  	[tilespmem:$0x1F820] =	vst v11;
	v11 =	vld [tilespmem:s0+$0xC870];
	_ =	sdelay $0x4  }
0x2de: {  	[tilespmem:$0x1F830] =	vst v11;
	v11 =	vld [tilespmem:s0+$0xCC00];
	_ =	sdelay $0x4  }
0x2df: {  	[tilespmem:$0x1F840] =	vst v11;
	v11 =	vld [tilespmem:s0+$0xCC10];
	_ =	sdelay $0x4  }
0x2e0: {  	[tilespmem:$0x1F850] =	vst v11;
	v11 =	vld [tilespmem:s0+$0xCC20];
	_ =	sdelay $0x4  }
0x2e1: {  	[tilespmem:$0x1F860] =	vst v11;
	v11 =	vld [tilespmem:s0+$0xCC30];
	_ =	sdelay $0x4  }
0x2e2: {  	[tilespmem:$0x1F870] =	vst v11;
	v11 =	vld [tilespmem:s0+$0xCC40];
	_ =	sdelay $0x4  }
0x2e3: {  	[tilespmem:$0x1F880] =	vst v11;
	v11 =	vld [tilespmem:s0+$0xCC50];
	_ =	sdelay $0x4  }
0x2e4: {  	[tilespmem:$0x1F890] =	vst v11;
	v11 =	vld [tilespmem:s0+$0xCC60];
	_ =	sdelay $0x4  }
0x2e5: {  	[tilespmem:$0x1F8A0] =	vst v11;
	v11 =	vld [tilespmem:s0+$0xCC70];
	_ =	sdelay $0x4  }
0x2e6: {  	[tilespmem:$0x1F8B0] =	vst v11;
	v11 =	vld [tilespmem:s0+$0xD000];
	_ =	sdelay $0x4  }
0x2e7: {  	[tilespmem:$0x1F8C0] =	vst v11;
	v11 =	vld [tilespmem:s0+$0xD010];
	_ =	sdelay $0x4  }
0x2e8: {  	[tilespmem:$0x1F8D0] =	vst v11;
	v11 =	vld [tilespmem:s0+$0xD020];
	_ =	sdelay $0x4  }
0x2e9: {  	[tilespmem:$0x1F8E0] =	vst v11;
	v11 =	vld [tilespmem:s0+$0xD030];
	_ =	sdelay $0x4  }
0x2ea: {  	[tilespmem:$0x1F8F0] =	vst v11;
	v11 =	vld [tilespmem:s0+$0xD040];
	_ =	sdelay $0x4  }
0x2eb: {  	[tilespmem:$0x1F900] =	vst v11;
	v11 =	vld [tilespmem:s0+$0xD050];
	_ =	sdelay $0x1  }
0x2ec: {  	v2 =	vld @p1 [tilespmem:s14+$0xD430];
	_ =	sdelay $0x2  }
0x2ed: {  	[tilespmem:$0x1F910] =	vst v11;
	v11 =	vld [tilespmem:s0+$0xD060];
	_ =	sdelay $0x1  }
0x2ee: {  	[tilespmem:$0x1F940] =	vst v2;
	v2 =	vld @p1 [tilespmem:s14+$0xD440];
	_ =	sdelay $0x2  }
0x2ef: {  	[tilespmem:$0x1F920] =	vst v11;
	v11 =	vld [tilespmem:s0+$0xD070];
	_ =	sdelay $0x1  }
0x2f0: {  	[tilespmem:$0x1F960] =	vst v2;
	v2 =	vld @p1 [tilespmem:s14+$0xD450]  }
0x2f1: {  	v3 =	vld [tilespmem:s0+$0xC010]  }
0x2f2: {  	v4 =	vld [tilespmem:s0+$0xC020]  }
0x2f3: {  	[tilespmem:$0x1F930] =	vst v11;
	v11 =	vld [tilespmem:s0+$0xD400]  }
0x2f4: {  	v5 =	vld [tilespmem:s0+$0xC030]  }
0x2f5: {  	[tilespmem:$0x1F980] =	vst v2;
	v2 =	vld @p1 [tilespmem:s14+$0xD460]  }
0x2f6: {  	v6 =	vld [tilespmem:s0+$0xC040]  }
0x2f7: {  	v7 =	vld [tilespmem:s0+$0xC050]  }
0x2f8: {  	[tilespmem:$0x1F950] =	vst v11;
	v11 =	vld [tilespmem:s0+$0xD410]  }
0x2f9: {  	v8 =	vld [tilespmem:s0+$0xC060]  }
0x2fa: {  	[tilespmem:$0x1F9A0] =	vst v2;
	v2 =	vld [tilespmem:s0+$0xC000]  }
0x2fb: {  	v9 =	vld [tilespmem:s0+$0xC070]  }
0x2fc: {  	v10 =	vld [tilespmem:s0+$0xC400]  }
0x2fd: {  	[tilespmem:$0x1F970] =	vst v11;
	v11 =	vld [tilespmem:s0+$0xD420]  }
0x2fe: {  	v3 =	vadd.f32 v3, v58;
	v58 =	vld [tilespmem:s0+$0xD460]  }
0x2ff: {  	v2 =	vadd.f32 v2, v60;
	v60 =	vld [tilespmem:s0+$0xD450]  }
0x300: {  	v9 =	vadd.f32 v9, v52;
	v52 =	vld [tilespmem:$0x1F770]  }
0x301: {  	v10 =	vadd.f32 v10, v53;
	v53 =	vld [tilespmem:$0x1F780]  }
0x302: {  	s9 =	sshrl.u32 s8, $0x3;
	[tilespmem:$0x1F990] =	vst v11;
	v11 =	vld [tilespmem:s0+$0xD430]  }
0x303: {  	s1 =	smul.u32 $0x6000, s9;
	v4 =	vadd.f32 v4, v59;
	v59 =	vadd.f32 v7, v54;
	v54 =	vld [tilespmem:$0x1F790]  }
0x304: {  	v8 =	vadd.f32 v8, v55;
	s14 =	sshll.u32 s8, $0x7;
	v55 =	vld [tilespmem:$0x1F7A0]  }
0x305: {  	s1 =	sshra.s32 s1, $0x2;
	v57 =	vadd.f32 v6, v57;
	s8 =	sand.u32 $0x380, s14;
	v6 =	vld [tilespmem:$0x1F7E0]  }
0x306: {  	s8 =	sor.u32 s8, s1;
	v7 =	vld [tilespmem:$0x1F7F0]  }
0x307: {  	s1 =	sadd.s32 $0x18800, s8;
	[tilespmem:$0x1F9B0] =	vst v11;
	v11 =	vld [tilespmem:s0+$0xD440]  }
0x308: {  	s15 =	sor.u32 $0x10, s1;
	[tilespmem:s8+$0x18800] =	vst.add.f32.msk $0xffff, v2  }
0x309: {  	s16 =	sor.u32 $0x20, s1;
	[tilespmem:s15+$0x0] =	vst.add.f32.msk $0xffff, v3  }
0x30a: {  	[tilespmem:s16+$0x0] =	vst.add.f32.msk $0xffff, v4  }
0x30b: {  	v56 =	vadd.f32 v5, v56;
	v4 =	vadd.f32 v52, v48;
	v48 =	vld [tilespmem:$0x1F8E0]  }
0x30c: {  	s28 =	sor.u32 $0x30, s1;
	v52 =	vld [tilespmem:$0x1F920]  }
0x30d: {  	[tilespmem:s28+$0x0] =	vst.add.f32.msk $0xffff, v56  }
0x30e: {  	s9 =	sor.u32 $0x40, s1;
	v56 =	vld [tilespmem:$0x1F7B0]  }
0x30f: {  	[tilespmem:s9+$0x0] =	vst.add.f32.msk $0xffff, v57  }
0x310: {  	s14 =	sor.u32 $0x50, s1;
	v57 =	vld [tilespmem:$0x1F7C0]  }
0x311: {  	[tilespmem:s14+$0x0] =	vst.add.f32.msk $0xffff, v59  }
0x312: {  	[tilespmem:$0x1F9C0] =	vst v11;
	v11 =	vld [tilespmem:$0x1F750]  }
0x313: {  	s15 =	sor.u32 $0x60, s1;
	v59 =	vld [tilespmem:$0x1F7D0]  }
0x314: {  	[tilespmem:s15+$0x0] =	vst.add.f32.msk $0xffff, v8  }
0x315: {  	s16 =	sor.u32 $0x70, s1;
	v8 =	vld [tilespmem:$0x1F800]  }
0x316: {  	[tilespmem:s16+$0x0] =	vst.add.f32.msk $0xffff, v9  }
0x317: {  	s28 =	sor.u32 $0x400, s1;
	v9 =	vld [tilespmem:$0x1F810]  }
0x318: {  	[tilespmem:s28+$0x0] =	vst.add.f32.msk $0xffff, v10  }
0x319: {  	v2 =	vadd.f32 v11, v50;
	v50 =	vld [tilespmem:$0x1F760]  }
0x31a: {  	v10 =	vld [tilespmem:$0x1F820]  }
0x31b: {  	s9 =	sor.u32 $0x410, s1;
	v11 =	vld [tilespmem:$0x1F830]  }
0x31c: {  	[tilespmem:s9+$0x0] =	vst.add.f32.msk $0xffff, v2  }
0x31d: {  	v2 =	vadd.f32 v53, v49;
	v49 =	vld [tilespmem:$0x1F8F0]  }
0x31e: {  	v3 =	vadd.f32 v50, v51;
	v50 =	vld [tilespmem:$0x1F900]  }
0x31f: {  	s14 =	sor.u32 $0x420, s1;
	v51 =	vld [tilespmem:$0x1F910]  }
0x320: {  	[tilespmem:s14+$0x0] =	vst.add.f32.msk $0xffff, v3  }
0x321: {  	v3 =	vadd.f32 v54, v46;
	v46 =	vld [tilespmem:$0x1F8C0]  }
0x322: {  	s15 =	sor.u32 $0x430, s1;
	v54 =	vld [tilespmem:$0x1F930]  }
0x323: {  	[tilespmem:s15+$0x0] =	vst.add.f32.msk $0xffff, v4  }
0x324: {  	v4 =	vadd.f32 v55, v47;
	v47 =	vld [tilespmem:$0x1F8D0]  }
0x325: {  	s16 =	sor.u32 $0x440, s1;
	v55 =	vld [tilespmem:$0x1F950]  }
0x326: {  	[tilespmem:s16+$0x0] =	vst.add.f32.msk $0xffff, v2  }
0x327: {  	v2 =	vadd.f32 v56, v44;
	v44 =	vld [tilespmem:$0x1F8A0]  }
0x328: {  	s28 =	sor.u32 $0x450, s1;
	v56 =	vld [tilespmem:$0x1F970]  }
0x329: {  	[tilespmem:s28+$0x0] =	vst.add.f32.msk $0xffff, v3  }
0x32a: {  	v3 =	vadd.f32 v57, v45;
	v45 =	vld [tilespmem:$0x1F8B0]  }
0x32b: {  	s9 =	sor.u32 $0x460, s1;
	v57 =	vld [tilespmem:$0x1F990]  }
0x32c: {  	[tilespmem:s9+$0x0] =	vst.add.f32.msk $0xffff, v4  }
0x32d: {  	v4 =	vadd.f32 v59, v42;
	v42 =	vld [tilespmem:$0x1F880]  }
0x32e: {  	s14 =	sor.u32 $0x470, s1;
	v59 =	vld [tilespmem:$0x1F9B0]  }
0x32f: {  	[tilespmem:s14+$0x0] =	vst.add.f32.msk $0xffff, v2  }
0x330: {  	v2 =	vadd.f32 v6, v43;
	v43 =	vld [tilespmem:$0x1F890]  }
0x331: {  	s0 =	sadd.s32 $0x19000, s8;
	[tilespmem:s8+$0x19000] =	vst.add.f32.msk $0xffff, v3  }
0x332: {  	s15 =	sor.u32 $0x10, s0;
	v3 =	vadd.f32 v7, v40;
	v40 =	vld [tilespmem:$0x1F860]  }
0x333: {  	s16 =	sor.u32 $0x20, s0;
	[tilespmem:s15+$0x0] =	vst.add.f32.msk $0xffff, v4  }
0x334: {  	[tilespmem:s16+$0x0] =	vst.add.f32.msk $0xffff, v2  }
0x335: {  	s28 =	sor.u32 $0x30, s0;
	v2 =	vadd.f32 v9, v38;
	v38 =	vld [tilespmem:$0x1F840]  }
0x336: {  	[tilespmem:s28+$0x0] =	vst.add.f32.msk $0xffff, v3  }
0x337: {  	v4 =	vadd.f32 v8, v41;
	v3 =	vadd.f32 v10, v39;
	v39 =	vld [tilespmem:$0x1F850]  }
0x338: {  	s9 =	sor.u32 $0x40, s0;
	v41 =	vld [tilespmem:$0x1F870]  }
0x339: {  	s14 =	sor.u32 $0x50, s0;
	[tilespmem:s9+$0x0] =	vst.add.f32.msk $0xffff, v4  }
0x33a: {  	s15 =	sor.u32 $0x60, s0;
	v4 =	vadd.f32 v11, v36;
	[tilespmem:s14+$0x0] =	vst.add.f32.msk $0xffff, v2  }
0x33b: {  	s0 =	sor.u32 $0x70, s0;
	[tilespmem:s15+$0x0] =	vst.add.f32.msk $0xffff, v3;
	v2 =	vadd.f32 v38, v37  }
0x33c: {  	[tilespmem:s0+$0x0] =	vst.add.f32.msk $0xffff, v4;
	s0 =	sadd.s32 $0x19400, s8;
	v3 =	vadd.f32 v39, v34  }
0x33d: {  	v4 =	vadd.f32 v40, v35;
	s16 =	sor.u32 $0x10, s0;
	[tilespmem:s8+$0x19400] =	vst.add.f32.msk $0xffff, v2  }
0x33e: {  	s28 =	sor.u32 $0x20, s0;
	v2 =	vadd.f32 v41, v31;
	[tilespmem:s16+$0x0] =	vst.add.f32.msk $0xffff, v3  }
0x33f: {  	s9 =	sor.u32 $0x30, s0;
	v3 =	vadd.f32 v42, v32;
	[tilespmem:s28+$0x0] =	vst.add.f32.msk $0xffff, v4  }
0x340: {  	s14 =	sor.u32 $0x40, s0;
	v4 =	vadd.f32 v43, v29;
	[tilespmem:s9+$0x0] =	vst.add.f32.msk $0xffff, v2  }
0x341: {  	s15 =	sor.u32 $0x50, s0;
	v2 =	vadd.f32 v44, v28;
	[tilespmem:s14+$0x0] =	vst.add.f32.msk $0xffff, v3  }
0x342: {  	s16 =	sor.u32 $0x60, s0;
	v3 =	vadd.f32 v45, v26;
	[tilespmem:s15+$0x0] =	vst.add.f32.msk $0xffff, v4  }
0x343: {  	s0 =	sor.u32 $0x70, s0;
	v4 =	vadd.f32 v46, v25;
	[tilespmem:s16+$0x0] =	vst.add.f32.msk $0xffff, v2  }
0x344: {  	v2 =	vadd.f32 v47, v23;
	[tilespmem:s0+$0x0] =	vst.add.f32.msk $0xffff, v3;
	s0 =	sadd.s32 $0x19800, s8  }
0x345: {  	v3 =	vadd.f32 v48, v24;
	[tilespmem:s8+$0x19800] =	vst.add.f32.msk $0xffff, v4;
	s28 =	sor.u32 $0x10, s0  }
0x346: {  	v5 =	vadd.f32 v49, v33;
	s9 =	sor.u32 $0x20, s0;
	[tilespmem:s28+$0x0] =	vst.add.f32.msk $0xffff, v2  }
0x347: {  	v4 =	vadd.f32 @p1 v62, v22;
	s14 =	sor.u32 $0x30, s0;
	v2 =	vadd.f32 v50, v30;
	[tilespmem:s9+$0x0] =	vst.add.f32.msk $0xffff, v3  }
0x348: {  	s15 =	sor.u32 $0x40, s0;
	v3 =	vadd.f32 @p1 v61, v18;
	[tilespmem:s14+$0x0] =	vst.add.f32.msk $0xffff, v5  }
0x349: {  	v1 =	vadd.f32 @p1 v1, v19;
	v6 =	vadd.f32 v51, v27;
	v4 =	vpsel p1, v4, v12;
	[tilespmem:s15+$0x0] =	vst.add.f32.msk $0xffff, v2  }
0x34a: {  	s16 =	sor.u32 $0x50, s0;
	v4 =	vadd.f32 v52, v4;
	v53 =	vpsel p1, v3, v12;
	v3 =	vld [tilespmem:$0x1F940]  }
0x34b: {  	v1 =	vpsel p1, v1, v12;
	s28 =	sor.u32 $0x60, s0;
	[tilespmem:s16+$0x0] =	vst.add.f32.msk $0xffff, v6  }
0x34c: {  	v1 =	vadd.f32 v54, v1;
	[tilespmem:s28+$0x0] =	vst.add.f32.msk $0xffff, v4  }
0x34d: {  	s0 =	sor.u32 $0x70, s0;
	v4 =	vld [tilespmem:$0x1F960]  }
0x34e: {  	v2 =	vadd.f32 v55, v53;
	[tilespmem:s0+$0x0] =	vst.add.f32.msk $0xffff, v1  }
0x34f: {  	v1 =	vld [tilespmem:$0x1F980]  }
0x350: {  	v5 =	vadd.f32 @p1 v63, v20;
	[tilespmem:s8+$0x19C00] =	vst.add.f32.msk $0xffff, v2  }
0x351: {  	v0 =	vadd.f32 @p1 v0, v16;
	v2 =	vld [tilespmem:$0x1F9A0]  }
0x352: {  	v61 =	vld [tilespmem:$0x1F9C0];
	v5 =	vpsel p1, v5, v12;
	v3 =	vadd.f32 @p1 v3, v14  }
0x353: {  	v0 =	vpsel p1, v0, v12;
	v5 =	vadd.f32 v56, v5;
	s0 =	sadd.s32 $0x19C00, s8  }
0x354: {  	v0 =	vadd.f32 v57, v0;
	v63 =	vld [tilespmem:$0x1F9D0];
	s8 =	sor.u32 $0x10, s0;
	v4 =	vadd.f32 @p1 v4, v21;
	v3 =	vpsel p1, v3, v12  }
0x355: {  	s9 =	sor.u32 $0x20, s0;
	[tilespmem:s8+$0x0] =	vst.add.f32.msk $0xffff, v5;
	v1 =	vadd.f32 @p1 v1, v17;
	v3 =	vadd.f32 v59, v3  }
0x356: {  	s14 =	sor.u32 $0x30, s0;
	[tilespmem:s9+$0x0] =	vst.add.f32.msk $0xffff, v0;
	v2 =	vadd.f32 @p1 v2, v15;
	v4 =	vpsel p1, v4, v12  }
0x357: {  	v1 =	vpsel p1, v1, v12;
	v4 =	vadd.f32 v61, v4;
	[tilespmem:s14+$0x0] =	vst.add.f32.msk $0xffff, v3  }
0x358: {  	s15 =	sor.u32 $0x40, s0;
	v61 =	vld [tilespmem:$0x1FCF0];
	v62 =	vpsel p1, v2, v12;
	v1 =	vadd.f32 v60, v1  }
0x359: {  	s16 =	sor.u32 $0x50, s0;
	v0 =	vadd.f32 v58, v62;
	[tilespmem:s15+$0x0] =	vst.add.f32.msk $0xffff, v4  }
0x35a: {  	s28 =	sor.u32 $0x60, s0;
	v2 =	vadd.f32 v63, v13;
	[tilespmem:s16+$0x0] =	vst.add.f32.msk $0xffff, v1  }
0x35b: {  	s0 =	sor.u32 $0x70, s0;
	[tilespmem:s28+$0x0] =	vst.add.f32.msk $0xffff, v0  }
0x35c: {  	v60 =	vlaneseq.u32;
	[tilespmem:s0+$0x0] =	vst.add.f32.msk $0xffff, v2  }
.LBB2_21:
0x35d: {  	p1 =	sne.s32 s6, $0x9  }
.Ltmp14:
0x35e: {  	_ = 	snop;
	(pc) =	sbr.rel @!p1 .LBB2_22-.Ltmp14, $2  }
0x35f: {  	_ =	sdelay $0x2  }
0x360: {  	s1 =	smov.u32 s6  }
.LBB2_14:
0x361: {  	v0 =	vmov s1;
	s6 =	sadd.s32 $0x1, s1  }
0x362: {  	vm0 =	veq.s32 v0, v60;
	v59 =	vmov s6  }
0x363: {  	v1 =	vnsel vm0, $0x80000000, v61;
	vm15 =	veq.s32 v59, v60  }
0x364: {  	(xrf0) =	vmax.scan.msk.u32 $0xffff, v1;
	v0 =	vnsel vm15, $0x80000000, v61  }
0x365: {  	(xrf0) =	vmax.scan.msk.u32 $0xffff, v0;
	_ =	sdelay $0x4  }
0x366: {  	v62, _, _ =	vpop (xrf0)  }
0x367: {  	(v2sf) =	vpush v62, $0xF;
	v63, _, _ =	vpop (xrf0)  }
0x368: {  	(v2sf) =	vpush v63, $0xF;
	_ =	sdelay $0xd  }
0x369: {  	s0 =	spop (v2sf)  }
0x36a: {  	s8 =	spop (v2sf)  }
0x36b: {  	p1 =	seq.s32 s1, $0x0;
	s0 =	sxor.u32 $0x80000000, s0;
	s9 =	sxor.u32 $0x80000000, s8  }
0x36c: {  	s14 =	smov.u32 s13;
	p2 =	sgt.s32 s0, s13;
	s9 =	simm.s32 @p1 $0x64  }
0x36d: {  	s14 =	smov.u32 @p2 s0;
	s0 =	smov.u32 s21;
	p2 =	slt.s32 s9, s21  }
0x36e: {  	s14 =	smov.u32 @p1 s13;
	s0 =	smov.u32 @p2 s9  }
0x36f: {  	p2 =	sge.s32 s14, s0  }
.Ltmp15:
0x370: {  	_ = 	snop;
	(pc) =	sbr.rel @p2 .LBB2_21-.Ltmp15, $1  }
0x371: {  	_ =	sdelay $0x3  }
0x372: {  	p2 =	slt.s32 s9, s18;
	s0 =	smov.u32 s18  }
0x373: {  	s0 =	smov.u32 @p2 s9  }
0x374: {  	s0 =	ssub.s32 s0, s14  }
0x375: {  	p2 =	sne.s32 s0, $0x1  }
.Ltmp16:
0x376: {  	_ = 	snop;
	(pc) =	sbr.rel @!p2 .LBB2_16-.Ltmp16, $4  }
0x377: {  	_ = 	snop  }
0x378: {  	s8 =	sadd.s32 $0xFFFFFFFF, s1  }
0x379: {  	s16 =	sadd.s32 s14, s19;
	s8 =	simm.s32 @p1 $0x8;
	s9 =	sshll.u32 s14, $0x7  }
0x37a: {  	v12 =	vimm.f32 $0.0e+00;
	s1 =	sshrl.u32 s16, $0x3;
	p1 =	por $0x0, $0x0;
	s15 =	sadd.s32 $0xFFFFFFFF, s0  }
0x37b: {  	s0 =	smul.u32 $0x6000, s1;
	_ =	sdelay $0x1  }
0x37c: {  	s14 =	sand.u32 $0x380, s9;
	s0 =	sshra.s32 s0, $0x2  }
0x37d: {  	s14 =	sor.u32 s14, s0  }
0x37e: {  	v0 =	vld [tilespmem:s14+$0xD470]  }
0x37f: {  	v1 =	vld [tilespmem:s14+$0xC000]  }
0x380: {  	v2 =	vld [tilespmem:s14+$0xC010]  }
0x381: {  	v3 =	vld [tilespmem:s14+$0xC020]  }
0x382: {  	v4 =	vld [tilespmem:s14+$0xC030]  }
0x383: {  	v5 =	vld [tilespmem:s14+$0xC040]  }
0x384: {  	v6 =	vld [tilespmem:s14+$0xC050]  }
0x385: {  	v7 =	vld [tilespmem:s14+$0xC060]  }
0x386: {  	v8 =	vld [tilespmem:s14+$0xC070]  }
0x387: {  	v9 =	vld [tilespmem:s14+$0xC400]  }
0x388: {  	v10 =	vld [tilespmem:s14+$0xC410]  }
0x389: {  	v11 =	vld [tilespmem:s14+$0xC420]  }
0x38a: {  	v14 =	vld [tilespmem:s14+$0xC430]  }
0x38b: {  	v15 =	vld [tilespmem:s14+$0xC440]  }
0x38c: {  	v16 =	vld [tilespmem:s14+$0xC450]  }
0x38d: {  	v17 =	vld [tilespmem:s14+$0xC460]  }
0x38e: {  	v18 =	vld [tilespmem:s14+$0xC470]  }
0x38f: {  	v19 =	vld [tilespmem:s14+$0xC800]  }
0x390: {  	v20 =	vld [tilespmem:s14+$0xC810]  }
0x391: {  	v21 =	vld [tilespmem:s14+$0xC820]  }
0x392: {  	v22 =	vld [tilespmem:s14+$0xC830]  }
0x393: {  	v23 =	vld [tilespmem:s14+$0xC840]  }
0x394: {  	v24 =	vld [tilespmem:s14+$0xC850]  }
0x395: {  	v25 =	vld [tilespmem:s14+$0xC860];
	v13 =	vadd.f32 v0, v12  }
0x396: {  	v61 =	vld [tilespmem:s14+$0xCC70];
	v60 =	vadd.f32 v1, v12;
	v58 =	vadd.f32 v2, v12  }
0x397: {  	v62 =	vld [tilespmem:s14+$0xD000];
	v59 =	vadd.f32 v3, v12;
	v56 =	vadd.f32 v4, v12  }
0x398: {  	v63 =	vld [tilespmem:s14+$0xD010];
	v57 =	vadd.f32 v5, v12;
	v54 =	vadd.f32 v6, v12  }
0x399: {  	v0 =	vld [tilespmem:s14+$0xC870];
	v55 =	vadd.f32 v7, v12;
	v52 =	vadd.f32 v8, v12  }
0x39a: {  	v1 =	vld [tilespmem:s14+$0xCC00];
	v53 =	vadd.f32 v9, v12;
	v50 =	vadd.f32 v10, v12  }
0x39b: {  	v2 =	vld [tilespmem:s14+$0xCC10];
	v51 =	vadd.f32 v11, v12;
	v48 =	vadd.f32 v14, v12  }
0x39c: {  	v3 =	vld [tilespmem:s14+$0xCC20];
	v49 =	vadd.f32 v15, v12;
	v46 =	vadd.f32 v16, v12  }
0x39d: {  	v4 =	vld [tilespmem:s14+$0xCC30];
	v47 =	vadd.f32 v17, v12;
	v44 =	vadd.f32 v18, v12  }
0x39e: {  	v5 =	vld [tilespmem:s14+$0xCC40];
	v45 =	vadd.f32 v19, v12;
	v42 =	vadd.f32 v20, v12  }
0x39f: {  	v6 =	vld [tilespmem:s14+$0xCC50];
	v43 =	vadd.f32 v21, v12;
	v40 =	vadd.f32 v22, v12  }
0x3a0: {  	v7 =	vld [tilespmem:s14+$0xCC60];
	v41 =	vadd.f32 v23, v12;
	v38 =	vadd.f32 v24, v12  }
0x3a1: {  	v11 =	vld [tilespmem:s14+$0xD020];
	v39 =	vadd.f32 v25, v12;
	v26 =	vadd.f32 v61, v12  }
0x3a2: {  	v25 =	vadd.f32 v62, v12;
	v36 =	vadd.f32 v0, v12;
	v0 =	vld [tilespmem:s14+$0xD030]  }
0x3a3: {  	v23 =	vadd.f32 v63, v12;
	v22 =	vimm.f32 $0.0e+00;
	v34 =	vadd.f32 v2, v12;
	v2 =	vld [tilespmem:s14+$0xD040]  }
0x3a4: {  	p2 =	sne.s32 s15, $0x1;
	v19 =	vimm.f32 $0.0e+00;
	v18 =	vimm.f32 $0.0e+00;
	v35 =	vadd.f32 v3, v12;
	v3 =	vld [tilespmem:s14+$0xD050]  }
.Ltmp17:
0x3a5: {  	v62 =	vld [tilespmem:s14+$0xD060];
	v20 =	vimm.f32 $0.0e+00;
	v16 =	vimm.f32 $0.0e+00;
	v37 =	vadd.f32 v1, v12;
	(pc) =	sbr.rel @!p2 .LBB2_18-.Ltmp17, $4  }
0x3a6: {  	v14 =	vimm.f32 $0.0e+00;
	v31 =	vadd.f32 v4, v12;
	v32 =	vadd.f32 v5, v12;
	v1 =	vld [tilespmem:s14+$0xD070]  }
0x3a7: {  	v61 =	vld [tilespmem:s14+$0xD400];
	v21 =	vimm.f32 $0.0e+00;
	v29 =	vadd.f32 v6, v12;
	v28 =	vadd.f32 v7, v12  }
0x3a8: {  	s16 =	sadd.s32 $0x1, s16;
	s28 =	sadd.s32 $0xFFFFFFFF, s15;
	v63 =	vld [tilespmem:s14+$0xD410];
	v17 =	vimm.f32 $0.0e+00;
	v24 =	vadd.f32 v11, v12;
	v33 =	vadd.f32 v0, v12  }
0x3a9: {  	p1 =	por $0x1, $0x1;
	s15 =	smov.u32 s9;
	s1 =	sshrl.u32 s16, $0x3;
	v15 =	vimm.f32 $0.0e+00;
	v30 =	vadd.f32 v2, v12;
	v27 =	vadd.f32 v3, v12;
	v0 =	vld [tilespmem:s14+$0xD420]  }
.LBB2_19:
0x3aa: {  	p2 =	sne.s32 s28, $0x1;
	s0 =	smul.u32 $0x6000, s1;
	v22 =	vadd.f32 v62, v22;
	v2 =	vld [tilespmem:s14+$0xD430]  }
0x3ab: {  	v19 =	vadd.f32 v1, v19;
	s15 =	sadd.s32 $0x80, s15;
	v1 =	vld [tilespmem:s14+$0xD440]  }
0x3ac: {  	v18 =	vadd.f32 v61, v18;
	s1 =	sand.u32 $0x380, s15;
	s0 =	sshra.s32 s0, $0x2;
	v3 =	vld [tilespmem:s14+$0xD450]  }
0x3ad: {  	v20 =	vadd.f32 v63, v20;
	v4 =	vld [tilespmem:s14+$0xD460];
	s14 =	sor.u32 s1, s0  }
0x3ae: {  	v16 =	vadd.f32 v0, v16;
	v5 =	vld [tilespmem:s14+$0xD470]  }
0x3af: {  	v0 =	vld [tilespmem:s14+$0xC000];
	v14 =	vadd.f32 v2, v14  }
0x3b0: {  	v2 =	vld [tilespmem:s14+$0xC010];
	v21 =	vadd.f32 v1, v21  }
0x3b1: {  	v1 =	vld [tilespmem:s14+$0xC020];
	v17 =	vadd.f32 v3, v17  }
0x3b2: {  	v3 =	vld [tilespmem:s14+$0xC030];
	v15 =	vadd.f32 v4, v15  }
0x3b3: {  	v4 =	vld [tilespmem:s14+$0xC040];
	v13 =	vadd.f32 v5, v13  }
0x3b4: {  	v60 =	vadd.f32 v0, v60;
	v0 =	vld [tilespmem:s14+$0xC050]  }
0x3b5: {  	v58 =	vadd.f32 v2, v58;
	v2 =	vld [tilespmem:s14+$0xC060]  }
0x3b6: {  	v59 =	vadd.f32 v1, v59;
	v1 =	vld [tilespmem:s14+$0xC070]  }
0x3b7: {  	v56 =	vadd.f32 v3, v56;
	v3 =	vld [tilespmem:s14+$0xC400]  }
0x3b8: {  	v57 =	vadd.f32 v4, v57;
	v4 =	vld [tilespmem:s14+$0xC410]  }
0x3b9: {  	v54 =	vadd.f32 v0, v54;
	v0 =	vld [tilespmem:s14+$0xC420]  }
0x3ba: {  	v55 =	vadd.f32 v2, v55;
	v2 =	vld [tilespmem:s14+$0xC430]  }
0x3bb: {  	v52 =	vadd.f32 v1, v52;
	v1 =	vld [tilespmem:s14+$0xC440]  }
0x3bc: {  	v53 =	vadd.f32 v3, v53;
	v3 =	vld [tilespmem:s14+$0xC450]  }
0x3bd: {  	v50 =	vadd.f32 v4, v50;
	v4 =	vld [tilespmem:s14+$0xC460]  }
0x3be: {  	v51 =	vadd.f32 v0, v51;
	v0 =	vld [tilespmem:s14+$0xC470]  }
0x3bf: {  	v48 =	vadd.f32 v2, v48;
	v2 =	vld [tilespmem:s14+$0xC800]  }
0x3c0: {  	v49 =	vadd.f32 v1, v49;
	v1 =	vld [tilespmem:s14+$0xC810]  }
0x3c1: {  	v46 =	vadd.f32 v3, v46;
	v3 =	vld [tilespmem:s14+$0xC820]  }
0x3c2: {  	v47 =	vadd.f32 v4, v47;
	v4 =	vld [tilespmem:s14+$0xC830]  }
0x3c3: {  	v44 =	vadd.f32 v0, v44;
	v0 =	vld [tilespmem:s14+$0xC840]  }
0x3c4: {  	v45 =	vadd.f32 v2, v45;
	v2 =	vld [tilespmem:s14+$0xC850]  }
0x3c5: {  	v42 =	vadd.f32 v1, v42;
	v1 =	vld [tilespmem:s14+$0xC860]  }
0x3c6: {  	v43 =	vadd.f32 v3, v43;
	v3 =	vld [tilespmem:s14+$0xC870]  }
0x3c7: {  	v40 =	vadd.f32 v4, v40;
	v4 =	vld [tilespmem:s14+$0xCC00]  }
0x3c8: {  	v41 =	vadd.f32 v0, v41;
	v0 =	vld [tilespmem:s14+$0xCC10]  }
0x3c9: {  	v38 =	vadd.f32 v2, v38;
	v2 =	vld [tilespmem:s14+$0xCC20]  }
0x3ca: {  	v39 =	vadd.f32 v1, v39;
	v1 =	vld [tilespmem:s14+$0xCC30]  }
0x3cb: {  	v36 =	vadd.f32 v3, v36;
	v3 =	vld [tilespmem:s14+$0xCC40]  }
0x3cc: {  	v37 =	vadd.f32 v4, v37;
	v4 =	vld [tilespmem:s14+$0xCC50]  }
0x3cd: {  	v34 =	vadd.f32 v0, v34;
	v0 =	vld [tilespmem:s14+$0xCC60]  }
0x3ce: {  	v35 =	vadd.f32 v2, v35;
	v2 =	vld [tilespmem:s14+$0xCC70]  }
0x3cf: {  	v31 =	vadd.f32 v1, v31;
	v1 =	vld [tilespmem:s14+$0xD000]  }
0x3d0: {  	v32 =	vadd.f32 v3, v32;
	v3 =	vld [tilespmem:s14+$0xD010]  }
0x3d1: {  	v29 =	vadd.f32 v4, v29;
	v4 =	vld [tilespmem:s14+$0xD020]  }
0x3d2: {  	v28 =	vadd.f32 v0, v28;
	v0 =	vld [tilespmem:s14+$0xD030]  }
0x3d3: {  	v26 =	vadd.f32 v2, v26;
	v2 =	vld [tilespmem:s14+$0xD040]  }
0x3d4: {  	v25 =	vadd.f32 v1, v25;
	v5 =	vld [tilespmem:s14+$0xD050]  }
.Ltmp18:
0x3d5: {  	v23 =	vadd.f32 v3, v23;
	v62 =	vld [tilespmem:s14+$0xD060];
	(pc) =	sbr.rel @p2 .LBB2_19-.Ltmp18, $4  }
0x3d6: {  	v24 =	vadd.f32 v4, v24;
	v1 =	vld [tilespmem:s14+$0xD070]  }
0x3d7: {  	v33 =	vadd.f32 v0, v33;
	v61 =	vld [tilespmem:s14+$0xD400]  }
0x3d8: {  	s16 =	sadd.s32 $0x1, s16;
	v30 =	vadd.f32 v2, v30;
	v63 =	vld [tilespmem:s14+$0xD410]  }
0x3d9: {  	s28 =	sadd.s32 $0xFFFFFFFF, s28;
	s1 =	sshrl.u32 s16, $0x3;
	v27 =	vadd.f32 v5, v27;
	v0 =	vld [tilespmem:s14+$0xD420]  }
.Ltmp19:
0x3da: {  	_ = 	snop;
	(pc) =	sbr.rel .LBB2_20-.Ltmp19, $1  }
0x3db: {  	_ =	sdelay $0x3  }
.LBB2_18:
.Ltmp20:
0x3dc: {  	(pc) =	sbr.rel .LBB2_20-.Ltmp20, $4  }
0x3dd: {  	_ = 	snop  }
0x3de: {  	v22 =	vimm.f32 $0.0e+00;
	v19 =	vimm.f32 $0.0e+00;
	v18 =	vimm.f32 $0.0e+00  }
0x3df: {  	v20 =	vimm.f32 $0.0e+00;
	v16 =	vimm.f32 $0.0e+00;
	v14 =	vimm.f32 $0.0e+00  }
0x3e0: {  	s15 =	smov.u32 s9;
	v21 =	vimm.f32 $0.0e+00;
	v17 =	vimm.f32 $0.0e+00;
	v15 =	vimm.f32 $0.0e+00  }
.LBB2_23:
.Ltmp21:
0x3e1: {  	_ =	swait.ge [sflag:s24], $0xC000;
	(pc) =	sbr.rel @p0 .LBB2_30-.Ltmp21, $4  }
.Ltmp22:
0x3e2: {  	v3 =	vld [tilespmem:$0x1FC70];
	(pc) =	sbr.rel @!p0 .LBB2_24-.Ltmp22, $4  }
0x3e3: {  	_ = 	snop  }
0x3e4: {  	[sflag:s24] =	ssyncset.done $0x0  }
0x3e5: {  	s13 =	simm.s32 $0x0;
	v2 =	vld [tilespmem:$0x1FC80];
	[sflag:s24] =	ssyncadd.s32 $0xFFFF4000  }
0x3e6: {  	_ = 	snop  }
.LBB2_27:
0x3e7: {  	v5 =	vld [tilespmem:s9+$0x1410];
	s0 =	sshrl.u32 s13, $0x3  }
0x3e8: {  	v6 =	vld [tilespmem:s9+$0x1420];
	s0 =	smul.u32 $0x6000, s0  }
0x3e9: {  	v7 =	vld [tilespmem:s9+$0x1430];
	s1 =	sshll.u32 s13, $0x7  }
0x3ea: {  	v8 =	vld [tilespmem:s9+$0x1440];
	s1 =	sand.u32 $0x380, s1;
	s0 =	sshra.s32 s0, $0x2  }
0x3eb: {  	v9 =	vld [tilespmem:s9+$0x1450];
	s1 =	sor.u32 s1, s0  }
0x3ec: {  	v10 =	vld [tilespmem:s9+$0x1460];
	s0 =	sadd.s32 $0x18800, s1  }
0x3ed: {  	[tilespmem:s1+$0x18800] =	vst.add.f32.msk $0xffff, v59;
	s8 =	sor.u32 $0x10, s0  }
0x3ee: {  	s18 =	sor.u32 $0x20, s0;
	[tilespmem:s8+$0x0] =	vst.add.f32.msk $0xffff, v57  }
0x3ef: {  	s19 =	sor.u32 $0x30, s0;
	[tilespmem:s18+$0x0] =	vst.add.f32.msk $0xffff, v58  }
0x3f0: {  	s21 =	sor.u32 $0x40, s0;
	[tilespmem:s19+$0x0] =	vst.add.f32.msk $0xffff, v55  }
0x3f1: {  	s28 =	sor.u32 $0x50, s0;
	[tilespmem:s21+$0x0] =	vst.add.f32.msk $0xffff, v56  }
0x3f2: {  	s29 =	sor.u32 $0x60, s0;
	[tilespmem:s28+$0x0] =	vst.add.f32.msk $0xffff, v53  }
0x3f3: {  	s9 =	sor.u32 $0x70, s0;
	[tilespmem:s29+$0x0] =	vst.add.f32.msk $0xffff, v54  }
0x3f4: {  	s11 =	sor.u32 $0x400, s0;
	[tilespmem:s9+$0x0] =	vst.add.f32.msk $0xffff, v51  }
0x3f5: {  	s13 =	sor.u32 $0x410, s0;
	[tilespmem:s11+$0x0] =	vst.add.f32.msk $0xffff, v52  }
0x3f6: {  	s14 =	sor.u32 $0x420, s0;
	[tilespmem:s13+$0x0] =	vst.add.f32.msk $0xffff, v49  }
0x3f7: {  	s15 =	sor.u32 $0x430, s0;
	[tilespmem:s14+$0x0] =	vst.add.f32.msk $0xffff, v50  }
0x3f8: {  	s16 =	sor.u32 $0x440, s0;
	[tilespmem:s15+$0x0] =	vst.add.f32.msk $0xffff, v47  }
0x3f9: {  	s17 =	sor.u32 $0x450, s0;
	[tilespmem:s16+$0x0] =	vst.add.f32.msk $0xffff, v48  }
0x3fa: {  	s18 =	sor.u32 $0x460, s0;
	[tilespmem:s17+$0x0] =	vst.add.f32.msk $0xffff, v45  }
0x3fb: {  	s0 =	sor.u32 $0x470, s0;
	[tilespmem:s18+$0x0] =	vst.add.f32.msk $0xffff, v46  }
0x3fc: {  	s19 =	sadd.s32 $0x19000, s1;
	[tilespmem:s0+$0x0] =	vst.add.f32.msk $0xffff, v43  }
0x3fd: {  	s21 =	sor.u32 $0x10, s19;
	[tilespmem:s1+$0x19000] =	vst.add.f32.msk $0xffff, v44  }
0x3fe: {  	s28 =	sor.u32 $0x20, s19;
	[tilespmem:s21+$0x0] =	vst.add.f32.msk $0xffff, v41  }
0x3ff: {  	s29 =	sor.u32 $0x30, s19;
	[tilespmem:s28+$0x0] =	vst.add.f32.msk $0xffff, v42  }
0x400: {  	s9 =	sor.u32 $0x40, s19;
	[tilespmem:s29+$0x0] =	vst.add.f32.msk $0xffff, v39  }
0x401: {  	s11 =	sor.u32 $0x50, s19;
	[tilespmem:s9+$0x0] =	vst.add.f32.msk $0xffff, v40  }
0x402: {  	s13 =	sor.u32 $0x60, s19;
	[tilespmem:s11+$0x0] =	vst.add.f32.msk $0xffff, v37  }
0x403: {  	s0 =	sor.u32 $0x70, s19;
	[tilespmem:s13+$0x0] =	vst.add.f32.msk $0xffff, v38  }
0x404: {  	s14 =	sadd.s32 $0x19400, s1;
	[tilespmem:s0+$0x0] =	vst.add.f32.msk $0xffff, v35  }
0x405: {  	s15 =	sor.u32 $0x10, s14;
	[tilespmem:s1+$0x19400] =	vst.add.f32.msk $0xffff, v36  }
0x406: {  	s16 =	sor.u32 $0x20, s14;
	[tilespmem:s15+$0x0] =	vst.add.f32.msk $0xffff, v33  }
0x407: {  	s17 =	sor.u32 $0x30, s14;
	[tilespmem:s16+$0x0] =	vst.add.f32.msk $0xffff, v34  }
0x408: {  	s18 =	sor.u32 $0x40, s14;
	[tilespmem:s17+$0x0] =	vst.add.f32.msk $0xffff, v32  }
0x409: {  	s19 =	sor.u32 $0x50, s14;
	[tilespmem:s18+$0x0] =	vst.add.f32.msk $0xffff, v31  }
0x40a: {  	s21 =	sor.u32 $0x60, s14;
	[tilespmem:s19+$0x0] =	vst.add.f32.msk $0xffff, v30  }
0x40b: {  	s0 =	sor.u32 $0x70, s14;
	[tilespmem:s21+$0x0] =	vst.add.f32.msk $0xffff, v29  }
0x40c: {  	s28 =	sadd.s32 $0x19800, s1;
	[tilespmem:s0+$0x0] =	vst.add.f32.msk $0xffff, v27  }
0x40d: {  	s29 =	sor.u32 $0x10, s28;
	[tilespmem:s1+$0x19800] =	vst.add.f32.msk $0xffff, v28  }
0x40e: {  	s9 =	sor.u32 $0x20, s28;
	[tilespmem:s29+$0x0] =	vst.add.f32.msk $0xffff, v26  }
0x40f: {  	v2 =	vadd.f32 v2, v13;
	s11 =	sor.u32 $0x30, s28;
	[tilespmem:s9+$0x0] =	vst.add.f32.msk $0xffff, v25  }
0x410: {  	v0 =	vadd.f32 v0, v23;
	s13 =	sor.u32 $0x40, s28;
	[tilespmem:s11+$0x0] =	vst.add.f32.msk $0xffff, v22  }
0x411: {  	s14 =	sor.u32 $0x50, s28;
	[tilespmem:s13+$0x0] =	vst.add.f32.msk $0xffff, v2  }
0x412: {  	v1 =	vadd.f32 v1, v24;
	[tilespmem:s14+$0x0] =	vst.add.f32.msk $0xffff, v0  }
0x413: {  	s15 =	sor.u32 $0x60, s28;
	v2 =	vadd.f32 v4, v21;
	v0 =	vadd.f32 v3, v19;
	v3 =	vld [tilespmem:$0x1FC70]  }
0x414: {  	s0 =	sor.u32 $0x70, s28;
	[tilespmem:s15+$0x0] =	vst.add.f32.msk $0xffff, v1  }
0x415: {  	s16 =	sadd.s32 $0x19C00, s1;
	v1 =	vadd.f32 v5, v20;
	[tilespmem:s0+$0x0] =	vst.add.f32.msk $0xffff, v2  }
0x416: {  	s17 =	sor.u32 $0x10, s16;
	v2 =	vadd.f32 v6, v18;
	[tilespmem:s1+$0x19C00] =	vst.add.f32.msk $0xffff, v0  }
0x417: {  	s18 =	sor.u32 $0x20, s16;
	v0 =	vadd.f32 v7, v16;
	[tilespmem:s17+$0x0] =	vst.add.f32.msk $0xffff, v1  }
0x418: {  	s19 =	sor.u32 $0x30, s16;
	v1 =	vadd.f32 v8, v17;
	[tilespmem:s18+$0x0] =	vst.add.f32.msk $0xffff, v2  }
0x419: {  	s21 =	sor.u32 $0x40, s16;
	v2 =	vadd.f32 v9, v15;
	[tilespmem:s19+$0x0] =	vst.add.f32.msk $0xffff, v0  }
0x41a: {  	s28 =	sor.u32 $0x50, s16;
	[tilespmem:s21+$0x0] =	vst.add.f32.msk $0xffff, v1  }
0x41b: {  	v0 =	vadd.f32 v10, v14;
	[tilespmem:s28+$0x0] =	vst.add.f32.msk $0xffff, v2  }
0x41c: {  	s29 =	sor.u32 $0x60, s16;
	v2 =	vld [tilespmem:$0x1FC80]  }
0x41d: {  	s0 =	sor.u32 $0x70, s16;
	[tilespmem:s29+$0x0] =	vst.add.f32.msk $0xffff, v0  }
0x41e: {  	[tilespmem:s0+$0x0] =	vst.add.f32.msk $0xffff, v12  }
.LBB2_28:
0x41f: {  	p1 =	seq.s32 s6, $0x9  }
.Ltmp23:
0x420: {  	_ = 	snop;
	(pc) =	sbr.rel @p1 .LBB2_29-.Ltmp23, $2  }
0x421: {  	_ =	sdelay $0x2  }
0x422: {  	s13 =	smov.u32 s6  }
.LBB2_24:
0x423: {  	v0 =	vmov s13;
	s6 =	sadd.s32 $0x1, s13  }
0x424: {  	vm0 =	veq.s32 v0, v60;
	v0 =	vmov s6  }
0x425: {  	v1 =	vnsel vm0, $0x80000000, v61;
	vm15 =	veq.s32 v0, v60  }
0x426: {  	(xrf0) =	vmax.scan.msk.u32 $0xffff, v1;
	v0 =	vnsel vm15, $0x80000000, v61  }
0x427: {  	(xrf0) =	vmax.scan.msk.u32 $0xffff, v0;
	_ =	sdelay $0x4  }
0x428: {  	v0, _, _ =	vpop (xrf0)  }
0x429: {  	(v2sf) =	vpush v0, $0xF;
	v0, _, _ =	vpop (xrf0)  }
0x42a: {  	(v2sf) =	vpush v0, $0xF;
	_ =	sdelay $0xd  }
0x42b: {  	s0 =	spop (v2sf)  }
0x42c: {  	s1 =	spop (v2sf)  }
0x42d: {  	s14 =	sxor.u32 $0x80000000, s0;
	s8 =	sxor.u32 $0x80000000, s1  }
0x42e: {  	p1 =	sgt.s32 s14, $0x400;
	p2 =	slt.s32 s8, $0x440  }
0x42f: {  	s14 =	simm.s32 @!p1 $0x400;
	p1 =	seq.s32 s13, $0x0;
	s8 =	simm.s32 @!p2 $0x440  }
0x430: {  	s14 =	simm.s32 @p1 $0x400;
	s8 =	simm.s32 @p1 $0x64  }
0x431: {  	p2 =	sge.s32 s14, s8  }
.Ltmp24:
0x432: {  	_ = 	snop;
	(pc) =	sbr.rel @p2 .LBB2_28-.Ltmp24, $1  }
0x433: {  	_ =	sdelay $0x3  }
0x434: {  	s0 =	sadd.s32 $0xFFFFFC00, s14  }
0x435: {  	s0 =	sshrl.u32 s0, $0x3  }
0x436: {  	s0 =	smul.u32 $0x6000, s0  }
0x437: {  	s11 =	sshll.u32 s14, $0x7  }
0x438: {  	s1 =	sand.u32 $0x380, s11;
	s0 =	sshra.s32 s0, $0x2  }
0x439: {  	s9 =	sor.u32 s1, s0  }
0x43a: {  	v0 =	vld [tilespmem:s9+$0x1470]  }
0x43b: {  	v1 =	vld [tilespmem:s9+$0x0]  }
0x43c: {  	v2 =	vld [tilespmem:s9+$0x10]  }
0x43d: {  	v3 =	vld [tilespmem:s9+$0x20]  }
0x43e: {  	v4 =	vld [tilespmem:s9+$0x30]  }
0x43f: {  	v5 =	vld [tilespmem:s9+$0x40]  }
0x440: {  	v6 =	vld [tilespmem:s9+$0x50]  }
0x441: {  	v7 =	vld [tilespmem:s9+$0x60]  }
0x442: {  	v8 =	vld [tilespmem:s9+$0x70]  }
0x443: {  	v9 =	vld [tilespmem:s9+$0x400]  }
0x444: {  	v10 =	vld [tilespmem:s9+$0x410]  }
0x445: {  	v11 =	vld [tilespmem:s9+$0x420]  }
0x446: {  	v14 =	vld [tilespmem:s9+$0x430]  }
0x447: {  	v15 =	vld [tilespmem:s9+$0x440]  }
0x448: {  	v16 =	vld [tilespmem:s9+$0x450]  }
0x449: {  	v17 =	vld [tilespmem:s9+$0x460]  }
0x44a: {  	v18 =	vld [tilespmem:s9+$0x470]  }
0x44b: {  	v19 =	vld [tilespmem:s9+$0x800]  }
0x44c: {  	v20 =	vld [tilespmem:s9+$0x810]  }
0x44d: {  	v21 =	vld [tilespmem:s9+$0x820]  }
0x44e: {  	v22 =	vld [tilespmem:s9+$0x830]  }
0x44f: {  	v13 =	vimm.f32 $0.0e+00;
	v23 =	vld [tilespmem:s9+$0x840]  }
0x450: {  	v24 =	vld [tilespmem:s9+$0x850];
	v12 =	vadd.f32 v0, v13;
	v59 =	vadd.f32 v1, v13  }
0x451: {  	v62 =	vld [tilespmem:s9+$0x1000];
	v57 =	vadd.f32 v2, v13;
	v58 =	vadd.f32 v3, v13  }
0x452: {  	v63 =	vld [tilespmem:s9+$0x1010];
	v55 =	vadd.f32 v4, v13;
	v56 =	vadd.f32 v5, v13  }
0x453: {  	v0 =	vld [tilespmem:s9+$0x860];
	v53 =	vadd.f32 v6, v13;
	v54 =	vadd.f32 v7, v13  }
0x454: {  	v1 =	vld [tilespmem:s9+$0x870];
	v51 =	vadd.f32 v8, v13;
	v52 =	vadd.f32 v9, v13  }
0x455: {  	v2 =	vld [tilespmem:s9+$0xC00];
	v49 =	vadd.f32 v10, v13;
	v50 =	vadd.f32 v11, v13  }
0x456: {  	v3 =	vld [tilespmem:s9+$0xC10];
	v47 =	vadd.f32 v14, v13;
	v48 =	vadd.f32 v15, v13  }
0x457: {  	v4 =	vld [tilespmem:s9+$0xC20];
	v45 =	vadd.f32 v16, v13;
	v46 =	vadd.f32 v17, v13  }
0x458: {  	v5 =	vld [tilespmem:s9+$0xC30];
	v43 =	vadd.f32 v18, v13;
	v44 =	vadd.f32 v19, v13  }
0x459: {  	v6 =	vld [tilespmem:s9+$0xC40];
	v41 =	vadd.f32 v20, v13;
	v42 =	vadd.f32 v21, v13  }
0x45a: {  	v7 =	vld [tilespmem:s9+$0xC50];
	v39 =	vadd.f32 v22, v13;
	v40 =	vadd.f32 v23, v13  }
0x45b: {  	v8 =	vld [tilespmem:s9+$0xC60];
	v37 =	vadd.f32 v24, v13;
	v28 =	vadd.f32 v62, v13  }
0x45c: {  	v26 =	vadd.f32 v63, v13;
	v35 =	vadd.f32 v1, v13;
	v1 =	vld [tilespmem:s9+$0x1020]  }
0x45d: {  	s14 =	sadd.s32 $0x1, s14;
	v9 =	vld [tilespmem:s9+$0xC70];
	v23 =	vimm.f32 $0.0e+00;
	v24 =	vimm.f32 $0.0e+00;
	v21 =	vimm.f32 $0.0e+00  }
0x45e: {  	p2 =	sne.s32 s8, s14;
	v19 =	vimm.f32 $0.0e+00;
	v20 =	vimm.f32 $0.0e+00;
	v33 =	vadd.f32 v3, v13;
	v3 =	vld [tilespmem:s9+$0x1030]  }
.Ltmp25:
0x45f: {  	v18 =	vimm.f32 $0.0e+00;
	v38 =	vadd.f32 v0, v13;
	v36 =	vadd.f32 v2, v13;
	v2 =	vld [tilespmem:s9+$0x1040];
	(pc) =	sbr.rel @!p2 .LBB2_27-.Ltmp25, $4  }
0x460: {  	v16 =	vimm.f32 $0.0e+00;
	v34 =	vadd.f32 v4, v13;
	v32 =	vadd.f32 v5, v13;
	v0 =	vld [tilespmem:s9+$0x1050]  }
0x461: {  	v17 =	vimm.f32 $0.0e+00;
	v31 =	vadd.f32 v6, v13;
	v25 =	vadd.f32 v1, v13;
	v1 =	vld [tilespmem:s9+$0x1060]  }
0x462: {  	s13 =	sadd.s32 $0xFFFFFFFF, s13;
	v15 =	vimm.f32 $0.0e+00;
	v30 =	vadd.f32 v7, v13;
	v29 =	vadd.f32 v8, v13;
	v4 =	vld [tilespmem:s9+$0x1070]  }
0x463: {  	s13 =	simm.s32 @p1 $0x8;
	v14 =	vimm.f32 $0.0e+00;
	v27 =	vadd.f32 v9, v13;
	v22 =	vadd.f32 v3, v13;
	v3 =	vld [tilespmem:s9+$0x1400]  }
.LBB2_26:
0x464: {  	s0 =	sadd.s32 $0xFFFFFC00, s14;
	s14 =	sadd.s32 $0x1, s14;
	v13 =	vadd.f32 v2, v13;
	v2 =	vld [tilespmem:s9+$0x1410]  }
0x465: {  	v23 =	vadd.f32 v0, v23;
	s0 =	sshrl.u32 s0, $0x3;
	p1 =	sne.s32 s8, s14;
	v0 =	vld [tilespmem:s9+$0x1420]  }
0x466: {  	v24 =	vadd.f32 v1, v24;
	s0 =	smul.u32 $0x6000, s0;
	v1 =	vld [tilespmem:s9+$0x1430]  }
0x467: {  	v21 =	vadd.f32 v4, v21;
	s11 =	sadd.s32 $0x80, s11;
	v4 =	vld [tilespmem:s9+$0x1440]  }
0x468: {  	v19 =	vadd.f32 v3, v19;
	s1 =	sand.u32 $0x380, s11;
	s0 =	sshra.s32 s0, $0x2;
	v3 =	vld [tilespmem:s9+$0x1450]  }
0x469: {  	v20 =	vadd.f32 v2, v20;
	v2 =	vld [tilespmem:s9+$0x1460];
	s9 =	sor.u32 s1, s0  }
0x46a: {  	v5 =	vld [tilespmem:s9+$0x1470];
	v18 =	vadd.f32 v0, v18  }
0x46b: {  	v0 =	vld [tilespmem:s9+$0x0];
	v16 =	vadd.f32 v1, v16  }
0x46c: {  	v1 =	vld [tilespmem:s9+$0x10];
	v17 =	vadd.f32 v4, v17  }
0x46d: {  	v4 =	vld [tilespmem:s9+$0x20];
	v15 =	vadd.f32 v3, v15  }
0x46e: {  	v3 =	vld [tilespmem:s9+$0x30];
	v14 =	vadd.f32 v2, v14  }
0x46f: {  	v2 =	vld [tilespmem:s9+$0x40];
	v12 =	vadd.f32 v5, v12  }
0x470: {  	v59 =	vadd.f32 v0, v59;
	v0 =	vld [tilespmem:s9+$0x50]  }
0x471: {  	v57 =	vadd.f32 v1, v57;
	v1 =	vld [tilespmem:s9+$0x60]  }
0x472: {  	v58 =	vadd.f32 v4, v58;
	v4 =	vld [tilespmem:s9+$0x70]  }
0x473: {  	v55 =	vadd.f32 v3, v55;
	v3 =	vld [tilespmem:s9+$0x400]  }
0x474: {  	v56 =	vadd.f32 v2, v56;
	v2 =	vld [tilespmem:s9+$0x410]  }
0x475: {  	v53 =	vadd.f32 v0, v53;
	v0 =	vld [tilespmem:s9+$0x420]  }
0x476: {  	v54 =	vadd.f32 v1, v54;
	v1 =	vld [tilespmem:s9+$0x430]  }
0x477: {  	v51 =	vadd.f32 v4, v51;
	v4 =	vld [tilespmem:s9+$0x440]  }
0x478: {  	v52 =	vadd.f32 v3, v52;
	v3 =	vld [tilespmem:s9+$0x450]  }
0x479: {  	v49 =	vadd.f32 v2, v49;
	v2 =	vld [tilespmem:s9+$0x460]  }
0x47a: {  	v50 =	vadd.f32 v0, v50;
	v0 =	vld [tilespmem:s9+$0x470]  }
0x47b: {  	v47 =	vadd.f32 v1, v47;
	v1 =	vld [tilespmem:s9+$0x800]  }
0x47c: {  	v48 =	vadd.f32 v4, v48;
	v4 =	vld [tilespmem:s9+$0x810]  }
0x47d: {  	v45 =	vadd.f32 v3, v45;
	v3 =	vld [tilespmem:s9+$0x820]  }
0x47e: {  	v46 =	vadd.f32 v2, v46;
	v2 =	vld [tilespmem:s9+$0x830]  }
0x47f: {  	v43 =	vadd.f32 v0, v43;
	v0 =	vld [tilespmem:s9+$0x840]  }
0x480: {  	v44 =	vadd.f32 v1, v44;
	v1 =	vld [tilespmem:s9+$0x850]  }
0x481: {  	v41 =	vadd.f32 v4, v41;
	v4 =	vld [tilespmem:s9+$0x860]  }
0x482: {  	v42 =	vadd.f32 v3, v42;
	v3 =	vld [tilespmem:s9+$0x870]  }
0x483: {  	v39 =	vadd.f32 v2, v39;
	v2 =	vld [tilespmem:s9+$0xC00]  }
0x484: {  	v40 =	vadd.f32 v0, v40;
	v0 =	vld [tilespmem:s9+$0xC10]  }
0x485: {  	v37 =	vadd.f32 v1, v37;
	v1 =	vld [tilespmem:s9+$0xC20]  }
0x486: {  	v38 =	vadd.f32 v4, v38;
	v4 =	vld [tilespmem:s9+$0xC30]  }
0x487: {  	v35 =	vadd.f32 v3, v35;
	v3 =	vld [tilespmem:s9+$0xC40]  }
0x488: {  	v36 =	vadd.f32 v2, v36;
	v2 =	vld [tilespmem:s9+$0xC50]  }
0x489: {  	v33 =	vadd.f32 v0, v33;
	v0 =	vld [tilespmem:s9+$0xC60]  }
0x48a: {  	v34 =	vadd.f32 v1, v34;
	v1 =	vld [tilespmem:s9+$0xC70]  }
0x48b: {  	v32 =	vadd.f32 v4, v32;
	v4 =	vld [tilespmem:s9+$0x1000]  }
0x48c: {  	v31 =	vadd.f32 v3, v31;
	v3 =	vld [tilespmem:s9+$0x1010]  }
0x48d: {  	v30 =	vadd.f32 v2, v30;
	v5 =	vld [tilespmem:s9+$0x1020]  }
0x48e: {  	v29 =	vadd.f32 v0, v29;
	v6 =	vld [tilespmem:s9+$0x1030]  }
.Ltmp26:
0x48f: {  	v27 =	vadd.f32 v1, v27;
	v2 =	vld [tilespmem:s9+$0x1040];
	(pc) =	sbr.rel @p1 .LBB2_26-.Ltmp26, $4  }
0x490: {  	v28 =	vadd.f32 v4, v28;
	v0 =	vld [tilespmem:s9+$0x1050]  }
0x491: {  	v26 =	vadd.f32 v3, v26;
	v1 =	vld [tilespmem:s9+$0x1060]  }
0x492: {  	v25 =	vadd.f32 v5, v25;
	v4 =	vld [tilespmem:s9+$0x1070]  }
0x493: {  	v22 =	vadd.f32 v6, v22;
	v3 =	vld [tilespmem:s9+$0x1400]  }
.Ltmp27:
0x494: {  	_ = 	snop;
	(pc) =	sbr.rel .LBB2_27-.Ltmp27, $1  }
0x495: {  	_ =	sdelay $0x3  }
.LBB2_33:
0x496: {  	v53 =	vld [tilespmem:s9+$0x1410];
	s0 =	sshrl.u32 s13, $0x3  }
0x497: {  	v54 =	vld [tilespmem:s9+$0x1420];
	s0 =	smul.u32 $0x6000, s0  }
0x498: {  	v55 =	vld [tilespmem:s9+$0x1430];
	s1 =	sshll.u32 s13, $0x7  }
0x499: {  	v56 =	vld [tilespmem:s9+$0x1440];
	s1 =	sand.u32 $0x380, s1;
	s0 =	sshra.s32 s0, $0x2  }
0x49a: {  	v57 =	vld [tilespmem:s9+$0x1450];
	s1 =	sor.u32 s1, s0  }
0x49b: {  	v58 =	vld [tilespmem:s9+$0x1460];
	s0 =	sadd.s32 $0x18800, s1  }
0x49c: {  	[tilespmem:s1+$0x18800] =	vst.add.f32.msk $0xffff, v51;
	s8 =	sor.u32 $0x10, s0  }
0x49d: {  	s18 =	sor.u32 $0x20, s0;
	[tilespmem:s8+$0x0] =	vst.add.f32.msk $0xffff, v49  }
0x49e: {  	s19 =	sor.u32 $0x30, s0;
	[tilespmem:s18+$0x0] =	vst.add.f32.msk $0xffff, v50  }
0x49f: {  	s21 =	sor.u32 $0x40, s0;
	[tilespmem:s19+$0x0] =	vst.add.f32.msk $0xffff, v47  }
0x4a0: {  	s28 =	sor.u32 $0x50, s0;
	[tilespmem:s21+$0x0] =	vst.add.f32.msk $0xffff, v48  }
0x4a1: {  	s29 =	sor.u32 $0x60, s0;
	[tilespmem:s28+$0x0] =	vst.add.f32.msk $0xffff, v45  }
0x4a2: {  	s9 =	sor.u32 $0x70, s0;
	[tilespmem:s29+$0x0] =	vst.add.f32.msk $0xffff, v46  }
0x4a3: {  	s11 =	sor.u32 $0x400, s0;
	[tilespmem:s9+$0x0] =	vst.add.f32.msk $0xffff, v43  }
0x4a4: {  	s13 =	sor.u32 $0x410, s0;
	[tilespmem:s11+$0x0] =	vst.add.f32.msk $0xffff, v44  }
0x4a5: {  	s14 =	sor.u32 $0x420, s0;
	[tilespmem:s13+$0x0] =	vst.add.f32.msk $0xffff, v41  }
0x4a6: {  	s15 =	sor.u32 $0x430, s0;
	[tilespmem:s14+$0x0] =	vst.add.f32.msk $0xffff, v42  }
0x4a7: {  	s16 =	sor.u32 $0x440, s0;
	[tilespmem:s15+$0x0] =	vst.add.f32.msk $0xffff, v39  }
0x4a8: {  	s17 =	sor.u32 $0x450, s0;
	[tilespmem:s16+$0x0] =	vst.add.f32.msk $0xffff, v40  }
0x4a9: {  	s18 =	sor.u32 $0x460, s0;
	[tilespmem:s17+$0x0] =	vst.add.f32.msk $0xffff, v37  }
0x4aa: {  	s0 =	sor.u32 $0x470, s0;
	[tilespmem:s18+$0x0] =	vst.add.f32.msk $0xffff, v38  }
0x4ab: {  	s19 =	sadd.s32 $0x19000, s1;
	[tilespmem:s0+$0x0] =	vst.add.f32.msk $0xffff, v35  }
0x4ac: {  	s21 =	sor.u32 $0x10, s19;
	[tilespmem:s1+$0x19000] =	vst.add.f32.msk $0xffff, v36  }
0x4ad: {  	s28 =	sor.u32 $0x20, s19;
	[tilespmem:s21+$0x0] =	vst.add.f32.msk $0xffff, v33  }
0x4ae: {  	s29 =	sor.u32 $0x30, s19;
	[tilespmem:s28+$0x0] =	vst.add.f32.msk $0xffff, v34  }
0x4af: {  	s9 =	sor.u32 $0x40, s19;
	[tilespmem:s29+$0x0] =	vst.add.f32.msk $0xffff, v31  }
0x4b0: {  	s11 =	sor.u32 $0x50, s19;
	[tilespmem:s9+$0x0] =	vst.add.f32.msk $0xffff, v32  }
0x4b1: {  	s13 =	sor.u32 $0x60, s19;
	[tilespmem:s11+$0x0] =	vst.add.f32.msk $0xffff, v29  }
0x4b2: {  	s0 =	sor.u32 $0x70, s19;
	[tilespmem:s13+$0x0] =	vst.add.f32.msk $0xffff, v30  }
0x4b3: {  	s14 =	sadd.s32 $0x19400, s1;
	[tilespmem:s0+$0x0] =	vst.add.f32.msk $0xffff, v27  }
0x4b4: {  	s15 =	sor.u32 $0x10, s14;
	[tilespmem:s1+$0x19400] =	vst.add.f32.msk $0xffff, v28  }
0x4b5: {  	s16 =	sor.u32 $0x20, s14;
	[tilespmem:s15+$0x0] =	vst.add.f32.msk $0xffff, v25  }
0x4b6: {  	s17 =	sor.u32 $0x30, s14;
	[tilespmem:s16+$0x0] =	vst.add.f32.msk $0xffff, v26  }
0x4b7: {  	s18 =	sor.u32 $0x40, s14;
	[tilespmem:s17+$0x0] =	vst.add.f32.msk $0xffff, v24  }
0x4b8: {  	s19 =	sor.u32 $0x50, s14;
	[tilespmem:s18+$0x0] =	vst.add.f32.msk $0xffff, v23  }
0x4b9: {  	s21 =	sor.u32 $0x60, s14;
	[tilespmem:s19+$0x0] =	vst.add.f32.msk $0xffff, v22  }
0x4ba: {  	s0 =	sor.u32 $0x70, s14;
	[tilespmem:s21+$0x0] =	vst.add.f32.msk $0xffff, v21  }
0x4bb: {  	s28 =	sadd.s32 $0x19800, s1;
	[tilespmem:s0+$0x0] =	vst.add.f32.msk $0xffff, v19  }
0x4bc: {  	s29 =	sor.u32 $0x10, s28;
	[tilespmem:s1+$0x19800] =	vst.add.f32.msk $0xffff, v20  }
0x4bd: {  	s9 =	sor.u32 $0x20, s28;
	[tilespmem:s29+$0x0] =	vst.add.f32.msk $0xffff, v18  }
0x4be: {  	v2 =	vadd.f32 v2, v5;
	s11 =	sor.u32 $0x30, s28;
	[tilespmem:s9+$0x0] =	vst.add.f32.msk $0xffff, v17  }
0x4bf: {  	v0 =	vadd.f32 v0, v15;
	s13 =	sor.u32 $0x40, s28;
	[tilespmem:s11+$0x0] =	vst.add.f32.msk $0xffff, v14  }
0x4c0: {  	v1 =	vadd.f32 v1, v16;
	s14 =	sor.u32 $0x50, s28;
	[tilespmem:s13+$0x0] =	vst.add.f32.msk $0xffff, v2  }
0x4c1: {  	v51 =	vadd.f32 v52, v13;
	s15 =	sor.u32 $0x60, s28;
	[tilespmem:s14+$0x0] =	vst.add.f32.msk $0xffff, v0  }
0x4c2: {  	v52 =	vadd.f32 v3, v11;
	s0 =	sor.u32 $0x70, s28;
	[tilespmem:s15+$0x0] =	vst.add.f32.msk $0xffff, v1  }
0x4c3: {  	v53 =	vadd.f32 v53, v12;
	s16 =	sadd.s32 $0x19C00, s1;
	[tilespmem:s0+$0x0] =	vst.add.f32.msk $0xffff, v51  }
0x4c4: {  	v54 =	vadd.f32 v54, v10;
	s17 =	sor.u32 $0x10, s16;
	[tilespmem:s1+$0x19C00] =	vst.add.f32.msk $0xffff, v52  }
0x4c5: {  	v55 =	vadd.f32 v55, v8;
	s18 =	sor.u32 $0x20, s16;
	[tilespmem:s17+$0x0] =	vst.add.f32.msk $0xffff, v53  }
0x4c6: {  	v59 =	vadd.f32 v56, v9;
	s19 =	sor.u32 $0x30, s16;
	[tilespmem:s18+$0x0] =	vst.add.f32.msk $0xffff, v54  }
0x4c7: {  	v62 =	vadd.f32 v57, v7;
	s21 =	sor.u32 $0x40, s16;
	[tilespmem:s19+$0x0] =	vst.add.f32.msk $0xffff, v55  }
0x4c8: {  	v63 =	vadd.f32 v58, v6;
	s28 =	sor.u32 $0x50, s16;
	[tilespmem:s21+$0x0] =	vst.add.f32.msk $0xffff, v59  }
0x4c9: {  	s29 =	sor.u32 $0x60, s16;
	[tilespmem:s28+$0x0] =	vst.add.f32.msk $0xffff, v62  }
0x4ca: {  	s0 =	sor.u32 $0x70, s16;
	[tilespmem:s29+$0x0] =	vst.add.f32.msk $0xffff, v63  }
0x4cb: {  	[tilespmem:s0+$0x0] =	vst.add.f32.msk $0xffff, v4  }
.LBB2_34:
0x4cc: {  	p1 =	seq.s32 s6, $0x9  }
.Ltmp28:
0x4cd: {  	_ = 	snop;
	(pc) =	sbr.rel @p1 .LBB2_35-.Ltmp28, $2  }
0x4ce: {  	_ =	sdelay $0x2  }
0x4cf: {  	s13 =	smov.u32 s6  }
.LBB2_30:
0x4d0: {  	v0 =	vmov s13;
	s6 =	sadd.s32 $0x1, s13  }
0x4d1: {  	vm0 =	veq.s32 v0, v60;
	v59 =	vmov s6  }
0x4d2: {  	v1 =	vnsel vm0, $0x80000000, v61;
	vm15 =	veq.s32 v59, v60  }
0x4d3: {  	(xrf0) =	vmax.scan.msk.u32 $0xffff, v1;
	v0 =	vnsel vm15, $0x80000000, v61  }
0x4d4: {  	(xrf0) =	vmax.scan.msk.u32 $0xffff, v0;
	_ =	sdelay $0x4  }
0x4d5: {  	v62, _, _ =	vpop (xrf0)  }
0x4d6: {  	(v2sf) =	vpush v62, $0xF;
	v63, _, _ =	vpop (xrf0)  }
0x4d7: {  	(v2sf) =	vpush v63, $0xF;
	_ =	sdelay $0xd  }
0x4d8: {  	s0 =	spop (v2sf)  }
0x4d9: {  	s1 =	spop (v2sf)  }
0x4da: {  	s14 =	sxor.u32 $0x80000000, s0;
	s8 =	sxor.u32 $0x80000000, s1  }
0x4db: {  	p1 =	sgt.s32 s14, $0x840;
	p2 =	slt.s32 s8, $0x864  }
0x4dc: {  	s14 =	simm.s32 @!p1 $0x840;
	p1 =	seq.s32 s13, $0x0;
	s8 =	simm.s32 @!p2 $0x864  }
0x4dd: {  	s14 =	simm.s32 @p1 $0x840;
	s8 =	simm.s32 @p1 $0x64  }
0x4de: {  	p2 =	sge.s32 s14, s8  }
.Ltmp29:
0x4df: {  	_ = 	snop;
	(pc) =	sbr.rel @p2 .LBB2_34-.Ltmp29, $1  }
0x4e0: {  	_ =	sdelay $0x3  }
0x4e1: {  	s0 =	sadd.s32 $0xFFFFF7DC, s14  }
0x4e2: {  	s0 =	sshrl.u32 s0, $0x3  }
0x4e3: {  	s1 =	sshll.u32 s14, $0x7;
	s0 =	smul.u32 $0x6000, s0  }
0x4e4: {  	s11 =	sadd.s32 $0xFFFBEE00, s1  }
0x4e5: {  	s1 =	sand.u32 $0x380, s11;
	s0 =	sshra.s32 s0, $0x2  }
0x4e6: {  	s9 =	sor.u32 s1, s0  }
0x4e7: {  	v0 =	vld [tilespmem:s9+$0x1470]  }
0x4e8: {  	v1 =	vld [tilespmem:s9+$0x0]  }
0x4e9: {  	v2 =	vld [tilespmem:s9+$0x10]  }
0x4ea: {  	v3 =	vld [tilespmem:s9+$0x20]  }
0x4eb: {  	v6 =	vld [tilespmem:s9+$0x30]  }
0x4ec: {  	v7 =	vld [tilespmem:s9+$0x40]  }
0x4ed: {  	v8 =	vld [tilespmem:s9+$0x50]  }
0x4ee: {  	v9 =	vld [tilespmem:s9+$0x60]  }
0x4ef: {  	v10 =	vld [tilespmem:s9+$0x70]  }
0x4f0: {  	v11 =	vld [tilespmem:s9+$0x400]  }
0x4f1: {  	v12 =	vld [tilespmem:s9+$0x410]  }
0x4f2: {  	v13 =	vld [tilespmem:s9+$0x420]  }
0x4f3: {  	v14 =	vld [tilespmem:s9+$0x430]  }
0x4f4: {  	v15 =	vld [tilespmem:s9+$0x440]  }
0x4f5: {  	v16 =	vld [tilespmem:s9+$0x450]  }
0x4f6: {  	v17 =	vld [tilespmem:s9+$0x460]  }
0x4f7: {  	v18 =	vld [tilespmem:s9+$0x470]  }
0x4f8: {  	v19 =	vld [tilespmem:s9+$0x800]  }
0x4f9: {  	v20 =	vld [tilespmem:s9+$0x810]  }
0x4fa: {  	v21 =	vld [tilespmem:s9+$0x820]  }
0x4fb: {  	v22 =	vld [tilespmem:s9+$0x830]  }
0x4fc: {  	v5 =	vimm.f32 $0.0e+00;
	v23 =	vld [tilespmem:s9+$0x840]  }
0x4fd: {  	v24 =	vld [tilespmem:s9+$0x850];
	v4 =	vadd.f32 v0, v5  }
0x4fe: {  	v0 =	vld [tilespmem:s9+$0x860];
	v51 =	vadd.f32 v1, v5;
	v49 =	vadd.f32 v2, v5  }
0x4ff: {  	v1 =	vld [tilespmem:s9+$0x870];
	v50 =	vadd.f32 v3, v5;
	v47 =	vadd.f32 v6, v5  }
0x500: {  	v2 =	vld [tilespmem:s9+$0xC00];
	v48 =	vadd.f32 v7, v5;
	v45 =	vadd.f32 v8, v5  }
0x501: {  	v3 =	vld [tilespmem:s9+$0xC10];
	v46 =	vadd.f32 v9, v5;
	v43 =	vadd.f32 v10, v5  }
0x502: {  	v6 =	vld [tilespmem:s9+$0xC20];
	v44 =	vadd.f32 v11, v5;
	v41 =	vadd.f32 v12, v5  }
0x503: {  	v7 =	vld [tilespmem:s9+$0xC30];
	v42 =	vadd.f32 v13, v5;
	v39 =	vadd.f32 v14, v5  }
0x504: {  	v8 =	vld [tilespmem:s9+$0xC40];
	v40 =	vadd.f32 v15, v5;
	v37 =	vadd.f32 v16, v5  }
0x505: {  	v9 =	vld [tilespmem:s9+$0xC50];
	v38 =	vadd.f32 v17, v5;
	v35 =	vadd.f32 v18, v5  }
0x506: {  	v10 =	vld [tilespmem:s9+$0xC60];
	v36 =	vadd.f32 v19, v5;
	v33 =	vadd.f32 v20, v5  }
0x507: {  	v11 =	vld [tilespmem:s9+$0xC70];
	v34 =	vadd.f32 v21, v5;
	v31 =	vadd.f32 v22, v5  }
0x508: {  	v12 =	vld [tilespmem:s9+$0x1000];
	v32 =	vadd.f32 v23, v5;
	v29 =	vadd.f32 v24, v5  }
0x509: {  	v13 =	vld [tilespmem:s9+$0x1010];
	v30 =	vadd.f32 v0, v5;
	v27 =	vadd.f32 v1, v5  }
0x50a: {  	v1 =	vld [tilespmem:s9+$0x1020];
	v28 =	vadd.f32 v2, v5;
	v25 =	vadd.f32 v3, v5  }
0x50b: {  	s14 =	sadd.s32 $0x1, s14;
	v26 =	vadd.f32 v6, v5;
	v24 =	vadd.f32 v7, v5  }
0x50c: {  	p2 =	sne.s32 s8, s14;
	v15 =	vimm.f32 $0.0e+00;
	v3 =	vld [tilespmem:s9+$0x1030];
	v23 =	vadd.f32 v8, v5;
	v22 =	vadd.f32 v9, v5  }
.Ltmp30:
0x50d: {  	v16 =	vimm.f32 $0.0e+00;
	v21 =	vadd.f32 v10, v5;
	v19 =	vadd.f32 v11, v5;
	v2 =	vld [tilespmem:s9+$0x1040];
	(pc) =	sbr.rel @!p2 .LBB2_33-.Ltmp30, $4  }
0x50e: {  	v20 =	vadd.f32 v12, v5;
	v18 =	vadd.f32 v13, v5;
	v0 =	vld [tilespmem:s9+$0x1050];
	v13 =	vimm.f32 $0.0e+00  }
0x50f: {  	v11 =	vimm.f32 $0.0e+00;
	v12 =	vimm.f32 $0.0e+00;
	v17 =	vadd.f32 v1, v5;
	v1 =	vld [tilespmem:s9+$0x1060]  }
0x510: {  	s13 =	sadd.s32 $0xFFFFFFFF, s13;
	v52 =	vld [tilespmem:s9+$0x1070];
	v10 =	vimm.f32 $0.0e+00;
	v8 =	vimm.f32 $0.0e+00;
	v9 =	vimm.f32 $0.0e+00  }
0x511: {  	s13 =	simm.s32 @p1 $0x8;
	v7 =	vimm.f32 $0.0e+00;
	v6 =	vimm.f32 $0.0e+00;
	v14 =	vadd.f32 v3, v5;
	v3 =	vld [tilespmem:s9+$0x1400]  }
.LBB2_32:
0x512: {  	s0 =	sadd.s32 $0xFFFFF7DC, s14;
	s14 =	sadd.s32 $0x1, s14;
	v5 =	vadd.f32 v2, v5;
	v2 =	vld [tilespmem:s9+$0x1410]  }
0x513: {  	v15 =	vadd.f32 v0, v15;
	s0 =	sshrl.u32 s0, $0x3;
	p1 =	sne.s32 s8, s14;
	v0 =	vld [tilespmem:s9+$0x1420]  }
0x514: {  	v16 =	vadd.f32 v1, v16;
	s0 =	smul.u32 $0x6000, s0;
	v1 =	vld [tilespmem:s9+$0x1430]  }
0x515: {  	v13 =	vadd.f32 v52, v13;
	s11 =	sadd.s32 $0x80, s11;
	v52 =	vld [tilespmem:s9+$0x1440]  }
0x516: {  	v11 =	vadd.f32 v3, v11;
	s1 =	sand.u32 $0x380, s11;
	s0 =	sshra.s32 s0, $0x2;
	v3 =	vld [tilespmem:s9+$0x1450]  }
0x517: {  	v12 =	vadd.f32 v2, v12;
	v2 =	vld [tilespmem:s9+$0x1460];
	s9 =	sor.u32 s1, s0  }
0x518: {  	v53 =	vld [tilespmem:s9+$0x1470];
	v10 =	vadd.f32 v0, v10  }
0x519: {  	v0 =	vld [tilespmem:s9+$0x0];
	v8 =	vadd.f32 v1, v8  }
0x51a: {  	v1 =	vld [tilespmem:s9+$0x10];
	v9 =	vadd.f32 v52, v9  }
0x51b: {  	v52 =	vld [tilespmem:s9+$0x20];
	v7 =	vadd.f32 v3, v7  }
0x51c: {  	v3 =	vld [tilespmem:s9+$0x30];
	v6 =	vadd.f32 v2, v6  }
0x51d: {  	v2 =	vld [tilespmem:s9+$0x40];
	v4 =	vadd.f32 v53, v4  }
0x51e: {  	v51 =	vadd.f32 v0, v51;
	v0 =	vld [tilespmem:s9+$0x50]  }
0x51f: {  	v49 =	vadd.f32 v1, v49;
	v1 =	vld [tilespmem:s9+$0x60]  }
0x520: {  	v50 =	vadd.f32 v52, v50;
	v52 =	vld [tilespmem:s9+$0x70]  }
0x521: {  	v47 =	vadd.f32 v3, v47;
	v3 =	vld [tilespmem:s9+$0x400]  }
0x522: {  	v48 =	vadd.f32 v2, v48;
	v2 =	vld [tilespmem:s9+$0x410]  }
0x523: {  	v45 =	vadd.f32 v0, v45;
	v0 =	vld [tilespmem:s9+$0x420]  }
0x524: {  	v46 =	vadd.f32 v1, v46;
	v1 =	vld [tilespmem:s9+$0x430]  }
0x525: {  	v43 =	vadd.f32 v52, v43;
	v52 =	vld [tilespmem:s9+$0x440]  }
0x526: {  	v44 =	vadd.f32 v3, v44;
	v3 =	vld [tilespmem:s9+$0x450]  }
0x527: {  	v41 =	vadd.f32 v2, v41;
	v2 =	vld [tilespmem:s9+$0x460]  }
0x528: {  	v42 =	vadd.f32 v0, v42;
	v0 =	vld [tilespmem:s9+$0x470]  }
0x529: {  	v39 =	vadd.f32 v1, v39;
	v1 =	vld [tilespmem:s9+$0x800]  }
0x52a: {  	v40 =	vadd.f32 v52, v40;
	v52 =	vld [tilespmem:s9+$0x810]  }
0x52b: {  	v37 =	vadd.f32 v3, v37;
	v3 =	vld [tilespmem:s9+$0x820]  }
0x52c: {  	v38 =	vadd.f32 v2, v38;
	v2 =	vld [tilespmem:s9+$0x830]  }
0x52d: {  	v35 =	vadd.f32 v0, v35;
	v0 =	vld [tilespmem:s9+$0x840]  }
0x52e: {  	v36 =	vadd.f32 v1, v36;
	v1 =	vld [tilespmem:s9+$0x850]  }
0x52f: {  	v33 =	vadd.f32 v52, v33;
	v52 =	vld [tilespmem:s9+$0x860]  }
0x530: {  	v34 =	vadd.f32 v3, v34;
	v3 =	vld [tilespmem:s9+$0x870]  }
0x531: {  	v31 =	vadd.f32 v2, v31;
	v2 =	vld [tilespmem:s9+$0xC00]  }
0x532: {  	v32 =	vadd.f32 v0, v32;
	v0 =	vld [tilespmem:s9+$0xC10]  }
0x533: {  	v29 =	vadd.f32 v1, v29;
	v1 =	vld [tilespmem:s9+$0xC20]  }
0x534: {  	v30 =	vadd.f32 v52, v30;
	v52 =	vld [tilespmem:s9+$0xC30]  }
0x535: {  	v27 =	vadd.f32 v3, v27;
	v3 =	vld [tilespmem:s9+$0xC40]  }
0x536: {  	v28 =	vadd.f32 v2, v28;
	v2 =	vld [tilespmem:s9+$0xC50]  }
0x537: {  	v25 =	vadd.f32 v0, v25;
	v0 =	vld [tilespmem:s9+$0xC60]  }
0x538: {  	v26 =	vadd.f32 v1, v26;
	v1 =	vld [tilespmem:s9+$0xC70]  }
0x539: {  	v24 =	vadd.f32 v52, v24;
	v52 =	vld [tilespmem:s9+$0x1000]  }
0x53a: {  	v23 =	vadd.f32 v3, v23;
	v3 =	vld [tilespmem:s9+$0x1010]  }
0x53b: {  	v22 =	vadd.f32 v2, v22;
	v53 =	vld [tilespmem:s9+$0x1020]  }
0x53c: {  	v21 =	vadd.f32 v0, v21;
	v54 =	vld [tilespmem:s9+$0x1030]  }
.Ltmp31:
0x53d: {  	v19 =	vadd.f32 v1, v19;
	v2 =	vld [tilespmem:s9+$0x1040];
	(pc) =	sbr.rel @p1 .LBB2_32-.Ltmp31, $4  }
0x53e: {  	v20 =	vadd.f32 v52, v20;
	v0 =	vld [tilespmem:s9+$0x1050]  }
0x53f: {  	v18 =	vadd.f32 v3, v18;
	v1 =	vld [tilespmem:s9+$0x1060]  }
0x540: {  	v17 =	vadd.f32 v53, v17;
	v52 =	vld [tilespmem:s9+$0x1070]  }
0x541: {  	v14 =	vadd.f32 v54, v14;
	v3 =	vld [tilespmem:s9+$0x1400]  }
.Ltmp32:
0x542: {  	_ = 	snop;
	(pc) =	sbr.rel .LBB2_33-.Ltmp32, $1  }
0x543: {  	_ =	sdelay $0x3  }
.LBB2_36:
0x544: {  	_ =	sfence.sel $0x180000  }
0x545: {  	[bflag:$0x0] =	sbarrier.arrive $0xFFFF  }
0x546: {  	_ =	strace $0x90000047  }
0x547: {  	s0 =	stileid.u32;
	[bflag:$0x2] =	sbarrier.arrive $0xFFFF  }
0x548: {  	p0 =	sne.s32 s0, $0x0;
	s0 =	rddreg [dreg:$0x2]  }
0x549: {  	s0 =	sadd.s32 @!p0 $0x100000, s0  }
0x54a: {  	[sflag:s0] =	ssyncadd.tile.s32 @!p0 $0x1;
	_ =	shalt  }
.Lfunc_end2:
_tile_overlayer_lowered:
.L_overlay_start_2:
0x54b: {  	(tag) =	ssettag $0x2  }
0x54c: {  	s0 =	rddreg [dreg:$0x0];
	s2 =	stileid.u32  }
0x54d: {  	s1 =	rddreg [dreg:$0x1];
	p0 =	sne.s32 s2, $0x0  }
0x54e: {  	s3 =	rddreg [dreg:$0x2];
	[bflag:$0x3] =	sbarrier.arrive $0xFFFF;
	s2 =	simm.s32 @!p0 $0x1C04  }
0x54f: {  	[timem:s3], [sflag:s2] =	dma.local @!p0 [hbm:s0], s1  }
0x550: {  	s0 =	simm.s32 @!p0 $0x4  }
0x551: {  	_ =	swait.ge @!p0 [sflag:s0], s1  }
0x552: {  	s1 =	ssub.s32 @!p0 $0x0, s1;
	[sflag:s0] =	ssyncset.done @!p0 $0x0  }
0x553: {  	[sflag:s0] =	ssyncadd.s32 @!p0 s1  }
0x554: {  	[bflag:$0x3] =	sbarrier.arrive $0xFFFF  }
0x555: {  	_ =	shalt  }

</sc_bundles>
